<compile_context>
chip_gen: v7x
topology: tpu7x:2x2x1
jax: 0.10.2.dev20260603
libtpu: 0.0.44.dev20260713+nightly
codegen_flags: <defaults>
</compile_context>

<pallas_src>
import jax
import jax.numpy as jnp
from jax import lax
from jax.experimental import pallas as pl
from jax.experimental.pallas import tpu as pltpu
from jax.experimental.pallas import tpu_sc as plsc

N = 10000
E = 320000
F_IN = 128
HID = 64
HEADS = 8
NCLS = 40
SLOPE = 0.2

W1 = 96
W2 = 48
NC = 2
NS = 16
BN = 1000
SPAN = 640
TAIL = N - 15 * SPAN

NBLK = N // BN
C1 = 400
ET1 = E // NS
C2 = 400
ET2 = E // (NC * NS)

_MESH = plsc.VectorSubcoreMesh(core_axis_name="c", subcore_axis_name="s")
_SC_PARAMS = pltpu.CompilerParams(
    needs_layout_passes=False, use_tc_tiling_on_sc=False)


def _elu(v):
    return jnp.where(v > 0, v, jnp.exp(jnp.minimum(v, 0.0)) - 1.0)


def _densef_body(x_ref, wh_ref, ah_ref, f_ref):
    xb = x_ref[...]
    vs = []
    for h in range(HEADS):
        vs.append(jnp.dot(wh_ref[h], ah_ref[h, 0:HID]))
    for h in range(HEADS):
        vs.append(jnp.dot(wh_ref[h], ah_ref[h, HID:2 * HID]))
    v = jnp.stack(vs, axis=0)
    f_ref[0, :, :] = lax.dot_general(
        v, xb, (((1,), (1,)), ((), ())),
        preferred_element_type=jnp.float32)


def _densef(x, Wh, ah):
    return pl.pallas_call(
        _densef_body,
        grid=(N // BN,),
        in_specs=[
            pl.BlockSpec((BN, F_IN), lambda i: (i, 0)),
            pl.BlockSpec((HEADS, F_IN, HID), lambda i: (0, 0, 0)),
            pl.BlockSpec((HEADS, 2 * HID), lambda i: (0, 0)),
        ],
        out_specs=pl.BlockSpec((1, 2 * HEADS, BN), lambda i: (i, 0, 0)),
        out_shape=jax.ShapeDtypeStruct((NBLK, 2 * HEADS, BN), jnp.float32),
    )(x, Wh, ah)


BN1 = 2000


def _dense1_body(x_ref, wh_ref, h_ref):
    xb = x_ref[...]
    for h in range(HEADS):
        hm = jnp.dot(xb, wh_ref[h], preferred_element_type=jnp.float32)
        h_ref[h, :, 0:HID] = hm.astype(jnp.bfloat16)
        h_ref[h, :, HID:HID + 1] = jnp.ones((BN1, 1), jnp.bfloat16)
        h_ref[h, :, HID + 1:W1] = jnp.zeros((BN1, W1 - HID - 1), jnp.bfloat16)


def _dense1(x, Wh):
    return pl.pallas_call(
        _dense1_body,
        grid=(N // BN1,),
        in_specs=[
            pl.BlockSpec((BN1, F_IN), lambda i: (i, 0)),
            pl.BlockSpec((HEADS, F_IN, HID), lambda i: (0, 0, 0)),
        ],
        out_specs=pl.BlockSpec((HEADS, BN1, W1), lambda i: (0, i, 0)),
        out_shape=jax.ShapeDtypeStruct((HEADS, N, W1), jnp.bfloat16),
    )(x, Wh)


def _wpre_body(ff_hbm, src_hbm, dst_hbm, w_hbm,
               f1_vm, f2_vm, srcA, dstA, wb0, wb1, semw0, semw1):
    c = lax.axis_index("c")
    s = lax.axis_index("s")
    NCH = ET1 // C1
    wb = (wb0, wb1)
    semw = (semw0, semw1)

    pltpu.sync_copy(src_hbm.at[pl.ds(s * NCH, NCH)], srcA)
    pltpu.sync_copy(dst_hbm.at[pl.ds(s * NCH, NCH)], dstA)

    def per_head(i, carry):
        h = c * (HEADS // NC) + i
        for k in range(NBLK):
            pltpu.sync_copy(
                ff_hbm.at[pl.ds((k * 2 * HEADS + h) * BN, BN)],
                f1_vm.at[pl.ds(k * BN, BN)])
            pltpu.sync_copy(
                ff_hbm.at[pl.ds((k * 2 * HEADS + HEADS + h) * BN, BN)],
                f2_vm.at[pl.ds(k * BN, BN)])
        wbase = h * E + s * ET1

        def pair_loop(k, carry2):
            for b in range(2):
                kk = 2 * k + b

                @pl.when(k > 0)
                def _():
                    pltpu.make_async_copy(
                        wb[b], w_hbm.at[pl.ds(wbase, C1)], semw[b]).wait()

                def wloop(j, carry3):
                    sv = srcA[kk, pl.ds(j * 16, 16)]
                    dv = dstA[kk, pl.ds(j * 16, 16)]
                    z = (plsc.load_gather(f1_vm, [sv])
                         + plsc.load_gather(f2_vm, [dv]))
                    wb[b][pl.ds(j * 16, 16)] = jnp.exp(
                        jnp.minimum(-z, -SLOPE * z))
                    return carry3
                lax.fori_loop(0, C1 // 16, wloop, 0, unroll=2)
                pltpu.async_copy(
                    wb[b], w_hbm.at[pl.ds(wbase + kk * C1, C1)], semw[b])
            return carry2
        lax.fori_loop(0, NCH // 2, pair_loop, 0)
        for b in range(2):
            pltpu.make_async_copy(
                wb[b], w_hbm.at[pl.ds(wbase, C1)], semw[b]).wait()
        return carry
    lax.fori_loop(0, HEADS // NC, per_head, 0)


def _wpre(ff_flat, src2d, dst2d):
    return pl.kernel(
        _wpre_body,
        mesh=_MESH,
        compiler_params=_SC_PARAMS,
        out_type=jax.ShapeDtypeStruct((HEADS * E,), jnp.float32),
        scratch_types=[
            pltpu.VMEM((N,), jnp.float32),
            pltpu.VMEM((N,), jnp.float32),
            pltpu.VMEM((ET1 // C1, C1), jnp.int32),
            pltpu.VMEM((ET1 // C1, C1), jnp.int32),
            pltpu.VMEM((C1,), jnp.float32),
            pltpu.VMEM((C1,), jnp.float32),
            pltpu.SemaphoreType.DMA,
            pltpu.SemaphoreType.DMA,
        ],
    )(ff_flat, src2d, dst2d)


def _edges1_body(h_hbm, w_hbm, src_hbm, dst_hbm, out_hbm,
                 srcA, dstA, wq0, wq1, didx0, didx1,
                 rows0, rows1, seml0, seml1, semg0, semg1, sems0, sems1,
                 agg_sh):
    c = lax.axis_index("c")
    s = lax.axis_index("s")
    rbase = s * SPAN
    NCH = ET1 // C1
    wq = (wq0, wq1)
    didx = (didx0, didx1)
    rows = (rows0, rows1)
    seml = (seml0, seml1)
    semg = (semg0, semg1)
    sems = (sems0, sems1)
    ebase = s * NCH

    pltpu.sync_copy(src_hbm.at[pl.ds(ebase, NCH)], srcA)
    pltpu.sync_copy(dst_hbm.at[pl.ds(ebase, NCH)], dstA)

    def issue_wq(kk, h, b):
        pltpu.async_copy(
            w_hbm.at[pl.ds(h * E + (ebase + kk) * C1, C1)], wq[b], seml[b])

    def wait_wq(b):
        pltpu.make_async_copy(w_hbm.at[pl.ds(0, C1)], wq[b], seml[b]).wait()

    def didx_gather(kk, h, b):
        def dloop(j, carry3):
            dv = dstA[kk, pl.ds(j * 16, 16)]
            didx[b][pl.ds(j * 16, 16)] = dv + h * N
            return carry3
        lax.fori_loop(0, C1 // 16, dloop, 0, unroll=2)
        pltpu.async_copy(h_hbm.at[didx[b]], rows[b], semg[b])

    def scale(b):
        def eloop(e2, carry3):
            for u in range(4):
                e = e2 * 4 + u
                wv = plsc.load_gather(wq[b], [jnp.full((16,), e, jnp.int32)])
                wb16 = plsc.pack(wv, wv, format=plsc.PackFormat.INTERLEAVED)
                for k2 in range(W1 // 32):
                    rows[b][e, pl.ds(k2 * 32, 32)] = (
                        rows[b][e, pl.ds(k2 * 32, 32)] * wb16)
            return carry3
        lax.fori_loop(0, C1 // 4, eloop, 0, unroll=2)

    def per_head(i, carry):
        h = c * (HEADS // NC) + i

        def zr(e, carry2):
            for k in range(W1 // 32):
                rows0[e, pl.ds(k * 32, 32)] = jnp.zeros((32,), jnp.bfloat16)
            return carry2
        lax.fori_loop(0, C1, zr, 0)

        @pl.when(s < NS - 1)
        def _():
            pltpu.sync_copy(rows0, agg_sh.at[pl.ds(rbase, C1)])
            pltpu.sync_copy(rows0.at[pl.ds(0, SPAN - C1)],
                            agg_sh.at[pl.ds(rbase + C1, SPAN - C1)])

        @pl.when(s == NS - 1)
        def _():
            pltpu.sync_copy(rows0, agg_sh.at[pl.ds(15 * SPAN, TAIL)])
        plsc.subcore_barrier()

        for b in range(2):
            issue_wq(b, h, b)
            didx_gather(b, h, b)

        def pair_loop(k, carry2):
            for b in range(2):
                kk = 2 * k + b
                pltpu.make_async_copy(h_hbm.at[didx[b]], rows[b],
                                      semg[b]).wait()
                wait_wq(b)
                scale(b)
                pltpu.async_copy(rows[b], agg_sh.at[srcA.at[kk]], sems[b],
                                 add=True)

            @pl.when(k + 1 < NCH // 2)
            def _():
                for b in range(2):
                    kk2 = 2 * (k + 1) + b
                    pltpu.make_async_copy(rows[b], agg_sh.at[srcA.at[0]],
                                          sems[b]).wait()
                    issue_wq(kk2, h, b)
                    didx_gather(kk2, h, b)
            return carry2
        lax.fori_loop(0, NCH // 2, pair_loop, 0)
        for b in range(2):
            pltpu.make_async_copy(rows[b], agg_sh.at[srcA.at[0]],
                                  sems[b]).wait()
        plsc.subcore_barrier()

        @pl.when(s < NS - 1)
        def _():
            pltpu.sync_copy(agg_sh.at[pl.ds(rbase, SPAN)],
                            out_hbm.at[pl.ds(h * N + rbase, SPAN)])

        @pl.when(s == NS - 1)
        def _():
            pltpu.sync_copy(agg_sh.at[pl.ds(15 * SPAN, TAIL)],
                            out_hbm.at[pl.ds(h * N + 15 * SPAN, TAIL)])
        plsc.subcore_barrier()
        return carry
    lax.fori_loop(0, HEADS // NC, per_head, 0)


def _edges1(h_flat, w_flat, src2d, dst2d):
    return pl.kernel(
        _edges1_body,
        mesh=_MESH,
        compiler_params=_SC_PARAMS,
        out_type=jax.ShapeDtypeStruct((HEADS * N, W1), jnp.bfloat16),
        scratch_types=[
            pltpu.VMEM((ET1 // C1, C1), jnp.int32),
            pltpu.VMEM((ET1 // C1, C1), jnp.int32),
            pltpu.VMEM((C1,), jnp.float32),
            pltpu.VMEM((C1,), jnp.float32),
            pltpu.VMEM((C1,), jnp.int32),
            pltpu.VMEM((C1,), jnp.int32),
            pltpu.VMEM((C1, W1), jnp.bfloat16),
            pltpu.VMEM((C1, W1), jnp.bfloat16),
            pltpu.SemaphoreType.DMA,
            pltpu.SemaphoreType.DMA,
            pltpu.SemaphoreType.DMA,
            pltpu.SemaphoreType.DMA,
            pltpu.SemaphoreType.DMA,
            pltpu.SemaphoreType.DMA,
            pltpu.VMEM_SHARED((N, W1), jnp.bfloat16),
        ],
    )(h_flat, w_flat, src2d, dst2d)


def _dense2_body(agg_ref, wo_ref, ao_ref, h2_ref, fo_ref):
    parts = []
    for h in range(HEADS):
        a = agg_ref[h, :, 0:HID].astype(jnp.float32)
        rs = agg_ref[h, :, HID:HID + 1].astype(jnp.float32)
        parts.append(_elu(a / (rs + 1e-16)))
    h1 = jnp.concatenate(parts, axis=1)
    h2 = jnp.dot(h1, wo_ref[...], preferred_element_type=jnp.float32)
    h2_ref[:, 0:NCLS] = h2
    h2_ref[:, NCLS:NCLS + 1] = jnp.ones((BN, 1), jnp.float32)
    h2_ref[:, NCLS + 1:W2] = jnp.zeros((BN, W2 - NCLS - 1), jnp.float32)
    fo_ref[0, 0, :] = jnp.dot(h2, ao_ref[0, 0:NCLS])
    fo_ref[0, 1, :] = jnp.dot(h2, ao_ref[0, NCLS:2 * NCLS])


def _dense2(agg1, W_out, a_out2d):
    return pl.pallas_call(
        _dense2_body,
        grid=(N // BN,),
        in_specs=[
            pl.BlockSpec((HEADS, BN, W1), lambda i: (0, i, 0)),
            pl.BlockSpec((HEADS * HID, NCLS), lambda i: (0, 0)),
            pl.BlockSpec((1, 2 * NCLS), lambda i: (0, 0)),
        ],
        out_specs=[
            pl.BlockSpec((BN, W2), lambda i: (i, 0)),
            pl.BlockSpec((1, 2, BN), lambda i: (i, 0, 0)),
        ],
        out_shape=[
            jax.ShapeDtypeStruct((N, W2), jnp.float32),
            jax.ShapeDtypeStruct((NBLK, 2, BN), jnp.float32),
        ],
    )(agg1, W_out, a_out2d)


def _edges2_body(h_hbm, fo_hbm, src_hbm, dst_hbm, out_hbm,
                 f1_vm, f2_vm, srcA, dstA, rows0, rows1,
                 wbuf0, wbuf1, semg0, semg1, sems0, sems1, agg_sh):
    c = lax.axis_index("c")
    s = lax.axis_index("s")
    rbase = s * SPAN
    NCH = ET2 // C2
    rows = (rows0, rows1)
    wbuf = (wbuf0, wbuf1)
    semg = (semg0, semg1)
    sems = (sems0, sems1)

    wid = c * NS + s
    pltpu.sync_copy(src_hbm.at[pl.ds(wid * NCH, NCH)], srcA)
    pltpu.sync_copy(dst_hbm.at[pl.ds(wid * NCH, NCH)], dstA)
    for k in range(NBLK):
        pltpu.sync_copy(fo_hbm.at[pl.ds(k * 2 * BN, BN)],
                        f1_vm.at[pl.ds(k * BN, BN)])
        pltpu.sync_copy(fo_hbm.at[pl.ds((k * 2 + 1) * BN, BN)],
                        f2_vm.at[pl.ds(k * BN, BN)])

    def w_only(kk, b):
        def wloop(j, carry3):
            sv = srcA[kk, pl.ds(j * 16, 16)]
            dv = dstA[kk, pl.ds(j * 16, 16)]
            z = plsc.load_gather(f1_vm, [sv]) + plsc.load_gather(f2_vm, [dv])
            wbuf[b][pl.ds(j * 16, 16)] = jnp.exp(jnp.minimum(-z, -SLOPE * z))
            return carry3
        lax.fori_loop(0, C2 // 16, wloop, 0, unroll=2)

    def scale(b):
        def eloop(e2, carry3):
            for u in range(2):
                e = e2 * 2 + u
                wv = plsc.load_gather(wbuf[b], [jnp.full((16,), e, jnp.int32)])
                for k2 in range(W2 // 16):
                    rows[b][e, pl.ds(k2 * 16, 16)] = (
                        rows[b][e, pl.ds(k2 * 16, 16)] * wv)
            return carry3
        lax.fori_loop(0, C2 // 2, eloop, 0, unroll=2)

    def zr(e, carry):
        for k in range(W2 // 16):
            rows0[e, pl.ds(k * 16, 16)] = jnp.zeros((16,), jnp.float32)
        return carry
    lax.fori_loop(0, C2, zr, 0)

    @pl.when(s < NS - 1)
    def _():
        pltpu.sync_copy(rows0, agg_sh.at[pl.ds(rbase, C2)])
        pltpu.sync_copy(rows0.at[pl.ds(0, SPAN - C2)],
                        agg_sh.at[pl.ds(rbase + C2, SPAN - C2)])

    @pl.when(s == NS - 1)
    def _():
        pltpu.sync_copy(rows0, agg_sh.at[pl.ds(15 * SPAN, TAIL)])
    plsc.subcore_barrier()

    for b in range(2):
        w_only(b, b)
        pltpu.async_copy(h_hbm.at[dstA.at[b]], rows[b], semg[b])

    def pair_loop(k, carry2):
        for b in range(2):
            kk = 2 * k + b
            pltpu.make_async_copy(h_hbm.at[dstA.at[0]], rows[b],
                                  semg[b]).wait()
            scale(b)
            pltpu.async_copy(rows[b], agg_sh.at[srcA.at[kk]], sems[b],
                             add=True)

        @pl.when(k + 1 < NCH // 2)
        def _():
            for b in range(2):
                kk2 = 2 * (k + 1) + b
                w_only(kk2, b)
                pltpu.make_async_copy(rows[b], agg_sh.at[srcA.at[0]],
                                      sems[b]).wait()
                pltpu.async_copy(h_hbm.at[dstA.at[kk2]], rows[b], semg[b])
        return carry2
    lax.fori_loop(0, NCH // 2, pair_loop, 0)
    for b in range(2):
        pltpu.make_async_copy(rows[b], agg_sh.at[srcA.at[0]], sems[b]).wait()
    plsc.subcore_barrier()

    @pl.when(s < NS - 1)
    def _():
        pltpu.sync_copy(agg_sh.at[pl.ds(rbase, SPAN)],
                        out_hbm.at[pl.ds(c * N + rbase, SPAN)])

    @pl.when(s == NS - 1)
    def _():
        pltpu.sync_copy(agg_sh.at[pl.ds(15 * SPAN, TAIL)],
                        out_hbm.at[pl.ds(c * N + 15 * SPAN, TAIL)])


def _edges2(h2aug, fo_flat, src2d, dst2d):
    return pl.kernel(
        _edges2_body,
        mesh=_MESH,
        compiler_params=_SC_PARAMS,
        out_type=jax.ShapeDtypeStruct((NC * N, W2), jnp.float32),
        scratch_types=[
            pltpu.VMEM((N,), jnp.float32),
            pltpu.VMEM((N,), jnp.float32),
            pltpu.VMEM((ET2 // C2, C2), jnp.int32),
            pltpu.VMEM((ET2 // C2, C2), jnp.int32),
            pltpu.VMEM((C2, W2), jnp.float32),
            pltpu.VMEM((C2, W2), jnp.float32),
            pltpu.VMEM((C2,), jnp.float32),
            pltpu.VMEM((C2,), jnp.float32),
            pltpu.SemaphoreType.DMA,
            pltpu.SemaphoreType.DMA,
            pltpu.SemaphoreType.DMA,
            pltpu.SemaphoreType.DMA,
            pltpu.VMEM_SHARED((N, W2), jnp.float32),
        ],
    )(h2aug, fo_flat, src2d, dst2d)


def _final_body(p0_ref, p1_ref, o_ref):
    t = p0_ref[...] + p1_ref[...]
    agg = t[:, 0:NCLS]
    rs = t[:, NCLS:NCLS + 1]
    o = _elu(agg / (rs + 1e-16))
    o_ref[...] = jax.nn.log_softmax(o, axis=-1)


def _final(p):
    nblk = N // BN
    return pl.pallas_call(
        _final_body,
        grid=(nblk,),
        in_specs=[
            pl.BlockSpec((BN, W2), lambda i: (i, 0)),
            pl.BlockSpec((BN, W2), lambda i: (i + nblk, 0)),
        ],
        out_specs=pl.BlockSpec((BN, NCLS), lambda i: (i, 0)),
        out_shape=jax.ShapeDtypeStruct((N, NCLS), jnp.float32),
    )(p, p)


def kernel(x, adj, Wh, ah, W_out, a_out):
    src = adj[0]
    dst = adj[1]
    src2d = src.reshape(E // C1, C1)
    dst2d = dst.reshape(E // C1, C1)
    ff = _densef(x, Wh, ah)
    wall = _wpre(ff.reshape(NBLK * 2 * HEADS * BN), src2d, dst2d)
    h1aug = _dense1(x, Wh)
    agg1 = _edges1(h1aug.reshape(HEADS * N, W1), wall, src2d, dst2d)
    h2aug, fo = _dense2(agg1.reshape(HEADS, N, W1), W_out,
                        a_out.reshape(1, 2 * NCLS))
    p = _edges2(h2aug, fo.reshape(NBLK * 2 * BN), src2d, dst2d)
    return _final(p)

# --- scband reference (transcript-rebuilt; emitter-appended) ---
"""Pipeline reference for scband-sp-gatclassification-79706003079272 (READ-ONLY COPY).

The authoritative reference and input builder live on the scoring server;
editing this copy changes nothing except your own understanding.
"""

import jax, jax.numpy as jnp
import numpy as np

N = 10000
E = 320000
NFEAT = 128
NHID = 64
NHEADS = 8
NCLASS = 40
ALPHA = 0.2


def sp_gat_layer(x, W, a, src, dst, concat):
    # h = x @ W
    h = x @ W
    # attention coefficient per edge: exp(-leakyrelu(a . [h_src ; h_dst]))
    edge_h = jnp.concatenate([h[src], h[dst]], axis=1)  # [E, 2*out]
    e = jnp.exp(-jax.nn.leaky_relu(edge_h @ a, negative_slope=ALPHA))  # [E]
    # rowsum normalizer via scatter-add over destination (edge[0]) nodes
    rowsum = jax.ops.segment_sum(e, src, num_segments=x.shape[0])  # [N]
    # weighted aggregation: out[src] += e * h[dst]
    agg = jax.ops.segment_sum(e[:, None] * h[dst], src, num_segments=x.shape[0])  # [N, out]
    h_prime = agg / (rowsum[:, None] + 1e-16)
    if concat:
        return jax.nn.elu(h_prime)
    return h_prime


def setup_inputs(seed: int = 0):
    key = jax.random.key(seed)
    ks = jax.random.split(key, 6)
    x = jax.random.normal(ks[0], (N, NFEAT), dtype=jnp.float32)
    adj = jax.random.randint(ks[1], (2, E), 0, N, dtype=jnp.int32)
    Wh = jax.random.normal(ks[2], (NHEADS, NFEAT, NHID), dtype=jnp.float32) * (1.0 / np.sqrt(NFEAT))
    ah = jax.random.normal(ks[3], (NHEADS, 2 * NHID), dtype=jnp.float32) * 0.1
    W_out = jax.random.normal(ks[4], (NHEADS * NHID, NCLASS), dtype=jnp.float32) * (1.0 / np.sqrt(NHEADS * NHID))
    a_out = jax.random.normal(ks[5], (2 * NCLASS,), dtype=jnp.float32) * 0.1
    return {"x": x, "adj": adj, "Wh": Wh, "ah": ah, "W_out": W_out, "a_out": a_out}


def reference(x, adj, Wh, ah, W_out, a_out):
    # eval mode: dropout layers are identity
    src = adj[0]
    dst = adj[1]
    heads = [sp_gat_layer(x, Wh[i], ah[i], src, dst, True) for i in range(NHEADS)]
    h = jnp.concatenate(heads, axis=1)  # [N, NHEADS*NHID]
    out = jax.nn.elu(sp_gat_layer(h, W_out, a_out, src, dst, False))
    return jax.nn.log_softmax(out, axis=1)

if __name__ == "__main__":
    import jax
    _d = setup_inputs()
    print(jax.jit(kernel)(*tuple(_d.values())))

</pallas_src>

<mosaic_0001>
#map = affine_map<(d0, d1) -> (0, 0)>
#map1 = affine_map<(d0, d1) -> (0)>
module attributes {stable_mosaic.version = 14 : i64} {
  func.func @_edges1_body(%arg0: i32, %arg1: i32, %arg2: memref<80000x96xbf16, #tpu.memory_space<hbm>>, %arg3: memref<2560000xf32, #tpu.memory_space<hbm>>, %arg4: memref<800x400xi32, #tpu.memory_space<hbm>>, %arg5: memref<800x400xi32, #tpu.memory_space<hbm>>, %arg6: memref<80000x96xbf16, #tpu.memory_space<hbm>>, %arg7: memref<50x400xi32, #tpu.memory_space<vmem>>, %arg8: memref<50x400xi32, #tpu.memory_space<vmem>>, %arg9: memref<400xf32, #tpu.memory_space<vmem>>, %arg10: memref<400xf32, #tpu.memory_space<vmem>>, %arg11: memref<400xi32, #tpu.memory_space<vmem>>, %arg12: memref<400xi32, #tpu.memory_space<vmem>>, %arg13: memref<400x96xbf16, #tpu.memory_space<vmem>>, %arg14: memref<400x96xbf16, #tpu.memory_space<vmem>>, %arg15: memref<!tpu.dma_semaphore, #tpu.memory_space<semaphore_mem>>, %arg16: memref<!tpu.dma_semaphore, #tpu.memory_space<semaphore_mem>>, %arg17: memref<!tpu.dma_semaphore, #tpu.memory_space<semaphore_mem>>, %arg18: memref<!tpu.dma_semaphore, #tpu.memory_space<semaphore_mem>>, %arg19: memref<!tpu.dma_semaphore, #tpu.memory_space<semaphore_mem>>, %arg20: memref<!tpu.dma_semaphore, #tpu.memory_space<semaphore_mem>>, %arg21: memref<10000x96xbf16, #tpu.memory_space<vmem_shared>>) attributes {dimension_semantics = [#tpu.dimension_semantics<core_parallel>, #tpu.dimension_semantics<subcore_parallel>], iteration_bounds = array<i64: 2, 16>, scalar_prefetch = 0 : i64, scratch_operands = 15 : i64, tpu.core_type = #tpu.core_type<sc_vector_subcore>, window_params = [{transform_indices = #map}, {transform_indices = #map1}, {transform_indices = #map}, {transform_indices = #map}, {transform_indices = #map}]} {
    %mul3A = arith.constant 640 : i32
    %mul3A_0 = arith.muli %arg1, %mul3A : i32
    %mul3A_1 = arith.constant 50 : i32
    %mul3A_2 = arith.muli %arg1, %mul3A_1 : i32
    "tpu.region"() ({
      %run_scoped3A = tpu.sem_alloc : memref<!tpu.dma_semaphore, #tpu.memory_space<semaphore_mem>>
      %dma_start3A = arith.constant 0 : i32
      %dma_start3A_8 = tpu.memref_slice %arg4[%mul3A_2, %dma_start3A] : memref<800x400xi32, #tpu.memory_space<hbm>> -> memref<50x400xi32, #tpu.memory_space<hbm>>
      %dma_start3A_9 = arith.constant 0 : i32
      %dma_start3A_10 = tpu.memref_slice %arg4[%mul3A_2, %dma_start3A_9] : memref<800x400xi32, #tpu.memory_space<hbm>> -> memref<50x400xi32, #tpu.memory_space<hbm>>
      tpu.enqueue_dma source(%dma_start3A_10 : memref<50x400xi32, #tpu.memory_space<hbm>>) target(%arg7 : memref<50x400xi32, #tpu.memory_space<vmem>>) target_semaphore(%run_scoped3A : memref<!tpu.dma_semaphore, #tpu.memory_space<semaphore_mem>>)
      %dma_wait3A = arith.constant 0 : i32
      %dma_wait3A_11 = tpu.memref_slice %arg4[%mul3A_2, %dma_wait3A] : memref<800x400xi32, #tpu.memory_space<hbm>> -> memref<50x400xi32, #tpu.memory_space<hbm>>
      %dma_wait3A_12 = arith.constant 0 : i32
      %dma_wait3A_13 = tpu.memref_slice %arg4[%mul3A_2, %dma_wait3A_12] : memref<800x400xi32, #tpu.memory_space<hbm>> -> memref<50x400xi32, #tpu.memory_space<hbm>>
      tpu.wait_dma2 semaphore(%run_scoped3A : memref<!tpu.dma_semaphore, #tpu.memory_space<semaphore_mem>>) src(%dma_wait3A_13 : memref<50x400xi32, #tpu.memory_space<hbm>>) dst(%arg7 : memref<50x400xi32, #tpu.memory_space<vmem>>)
      tpu.yield
    }) : () -> ()
    "tpu.region"() ({
      %run_scoped3A = tpu.sem_alloc : memref<!tpu.dma_semaphore, #tpu.memory_space<semaphore_mem>>
      %dma_start3A = arith.constant 0 : i32
      %dma_start3A_8 = tpu.memref_slice %arg5[%mul3A_2, %dma_start3A] : memref<800x400xi32, #tpu.memory_space<hbm>> -> memref<50x400xi32, #tpu.memory_space<hbm>>
      %dma_start3A_9 = arith.constant 0 : i32
      %dma_start3A_10 = tpu.memref_slice %arg5[%mul3A_2, %dma_start3A_9] : memref<800x400xi32, #tpu.memory_space<hbm>> -> memref<50x400xi32, #tpu.memory_space<hbm>>
      tpu.enqueue_dma source(%dma_start3A_10 : memref<50x400xi32, #tpu.memory_space<hbm>>) target(%arg8 : memref<50x400xi32, #tpu.memory_space<vmem>>) target_semaphore(%run_scoped3A : memref<!tpu.dma_semaphore, #tpu.memory_space<semaphore_mem>>)
      %dma_wait3A = arith.constant 0 : i32
      %dma_wait3A_11 = tpu.memref_slice %arg5[%mul3A_2, %dma_wait3A] : memref<800x400xi32, #tpu.memory_space<hbm>> -> memref<50x400xi32, #tpu.memory_space<hbm>>
      %dma_wait3A_12 = arith.constant 0 : i32
      %dma_wait3A_13 = tpu.memref_slice %arg5[%mul3A_2, %dma_wait3A_12] : memref<800x400xi32, #tpu.memory_space<hbm>> -> memref<50x400xi32, #tpu.memory_space<hbm>>
      tpu.wait_dma2 semaphore(%run_scoped3A : memref<!tpu.dma_semaphore, #tpu.memory_space<semaphore_mem>>) src(%dma_wait3A_13 : memref<50x400xi32, #tpu.memory_space<hbm>>) dst(%arg8 : memref<50x400xi32, #tpu.memory_space<vmem>>)
      tpu.yield
    }) : () -> ()
    %scan3A = arith.constant 0 : i32
    %scan3A_3 = arith.constant 0 : i32
    %scan3A_4 = arith.constant 4 : i32
    %scan3A_5 = arith.addi %scan3A_3, %scan3A_4 : i32
    %scan3A_6 = arith.constant 1 : i32
    scf.for %scan3A_8 = %scan3A_3 to %scan3A_5 step %scan3A_6  : i32 {
      %mul3A_9 = arith.constant 4 : i32
      %mul3A_10 = arith.muli %arg0, %mul3A_9 : i32
      %add3A = arith.addi %mul3A_10, %scan3A_8 : i32
      %scan3A_11 = arith.constant 0 : i32
      %scan3A_12 = arith.constant 0 : i32
      %scan3A_13 = arith.constant 400 : i32
      %scan3A_14 = arith.addi %scan3A_12, %scan3A_13 : i32
      %scan3A_15 = arith.constant 1 : i32
      scf.for %scan3A_119 = %scan3A_12 to %scan3A_14 step %scan3A_15  : i32 {
        %broadcast_in_dim3A = arith.constant 0.000000e+00 : bf16
        %broadcast_in_dim3A_120 = vector.broadcast %broadcast_in_dim3A : bf16 to vector<32xbf16>
        %swap3A_121 = arith.index_cast %scan3A_119 : i32 to index
        %swap3A_122 = arith.constant 0 : index
        %swap3A_123 = tpu.vector_load %arg13[%swap3A_121, %swap3A_122] {strides = array<i32>} : memref<400x96xbf16, #tpu.memory_space<vmem>>, vector<32xbf16>,
        tpu.vector_store %arg13[%swap3A_121, %swap3A_122], %broadcast_in_dim3A_120 {strides = array<i32>} : memref<400x96xbf16, #tpu.memory_space<vmem>>, vector<32xbf16>,
        %broadcast_in_dim3A_124 = arith.constant 0.000000e+00 : bf16
        %broadcast_in_dim3A_125 = vector.broadcast %broadcast_in_dim3A_124 : bf16 to vector<32xbf16>
        %swap3A_126 = arith.index_cast %scan3A_119 : i32 to index
        %swap3A_127 = arith.constant 32 : index
        %swap3A_128 = tpu.vector_load %arg13[%swap3A_126, %swap3A_127] {strides = array<i32>} : memref<400x96xbf16, #tpu.memory_space<vmem>>, vector<32xbf16>,
        tpu.vector_store %arg13[%swap3A_126, %swap3A_127], %broadcast_in_dim3A_125 {strides = array<i32>} : memref<400x96xbf16, #tpu.memory_space<vmem>>, vector<32xbf16>,
        %broadcast_in_dim3A_129 = arith.constant 0.000000e+00 : bf16
        %broadcast_in_dim3A_130 = vector.broadcast %broadcast_in_dim3A_129 : bf16 to vector<32xbf16>
        %swap3A_131 = arith.index_cast %scan3A_119 : i32 to index
        %swap3A_132 = arith.constant 64 : index
        %swap3A_133 = tpu.vector_load %arg13[%swap3A_131, %swap3A_132] {strides = array<i32>} : memref<400x96xbf16, #tpu.memory_space<vmem>>, vector<32xbf16>,
        tpu.vector_store %arg13[%swap3A_131, %swap3A_132], %broadcast_in_dim3A_130 {strides = array<i32>} : memref<400x96xbf16, #tpu.memory_space<vmem>>, vector<32xbf16>,
      }
      %scan3A_16 = arith.constant 400 : i32
      %lt3A = arith.constant 15 : i32
      %lt3A_17 = arith.cmpi slt, %arg1, %lt3A : i32
      %convert_element_type3A = arith.extui %lt3A_17 : i1 to i32
      %cond3A = arith.constant 0 : i32
      %cond3A_18 = arith.cmpi ne, %convert_element_type3A, %cond3A : i32
      scf.if %cond3A_18 {
        "tpu.region"() ({
          %run_scoped3A = tpu.sem_alloc : memref<!tpu.dma_semaphore, #tpu.memory_space<semaphore_mem>>
          %dma_start3A_121 = arith.constant 0 : i32
          %dma_start3A_122 = tpu.memref_slice %arg21[%mul3A_0, %dma_start3A_121] : memref<10000x96xbf16, #tpu.memory_space<vmem_shared>> -> memref<400x96xbf16, #tpu.memory_space<vmem_shared>>
          %dma_start3A_123 = arith.constant 0 : i32
          %dma_start3A_124 = tpu.memref_slice %arg21[%mul3A_0, %dma_start3A_123] : memref<10000x96xbf16, #tpu.memory_space<vmem_shared>> -> memref<400x96xbf16, #tpu.memory_space<vmem_shared>>
          tpu.enqueue_dma source(%arg13 : memref<400x96xbf16, #tpu.memory_space<vmem>>) target(%dma_start3A_124 : memref<400x96xbf16, #tpu.memory_space<vmem_shared>>) target_semaphore(%run_scoped3A : memref<!tpu.dma_semaphore, #tpu.memory_space<semaphore_mem>>)
          %dma_wait3A_125 = arith.constant 0 : i32
          %dma_wait3A_126 = tpu.memref_slice %arg21[%mul3A_0, %dma_wait3A_125] : memref<10000x96xbf16, #tpu.memory_space<vmem_shared>> -> memref<400x96xbf16, #tpu.memory_space<vmem_shared>>
          %dma_wait3A_127 = arith.constant 0 : i32
          %dma_wait3A_128 = tpu.memref_slice %arg21[%mul3A_0, %dma_wait3A_127] : memref<10000x96xbf16, #tpu.memory_space<vmem_shared>> -> memref<400x96xbf16, #tpu.memory_space<vmem_shared>>
          tpu.wait_dma2 semaphore(%run_scoped3A : memref<!tpu.dma_semaphore, #tpu.memory_space<semaphore_mem>>) src(%arg13 : memref<400x96xbf16, #tpu.memory_space<vmem>>) dst(%dma_wait3A_128 : memref<400x96xbf16, #tpu.memory_space<vmem_shared>>)
          tpu.yield
        }) : () -> ()
        %add3A_119 = arith.constant 400 : i32
        %add3A_120 = arith.addi %mul3A_0, %add3A_119 : i32
        "tpu.region"() ({
          %run_scoped3A = tpu.sem_alloc : memref<!tpu.dma_semaphore, #tpu.memory_space<semaphore_mem>>
          %dma_start3A_121 = arith.constant 0 : i32
          %dma_start3A_122 = arith.constant 0 : i32
          %dma_start3A_123 = tpu.memref_slice %arg13[%dma_start3A_121, %dma_start3A_122] : memref<400x96xbf16, #tpu.memory_space<vmem>> -> memref<240x96xbf16, #tpu.memory_space<vmem>>
          %dma_start3A_124 = arith.constant 0 : i32
          %dma_start3A_125 = tpu.memref_slice %arg21[%add3A_120, %dma_start3A_124] : memref<10000x96xbf16, #tpu.memory_space<vmem_shared>> -> memref<240x96xbf16, #tpu.memory_space<vmem_shared>>
          %dma_start3A_126 = arith.constant 0 : i32
          %dma_start3A_127 = tpu.memref_slice %arg21[%add3A_120, %dma_start3A_126] : memref<10000x96xbf16, #tpu.memory_space<vmem_shared>> -> memref<240x96xbf16, #tpu.memory_space<vmem_shared>>
          %dma_start3A_128 = arith.constant 0 : i32
          %dma_start3A_129 = arith.constant 0 : i32
          %dma_start3A_130 = tpu.memref_slice %arg13[%dma_start3A_128, %dma_start3A_129] : memref<400x96xbf16, #tpu.memory_space<vmem>> -> memref<240x96xbf16, #tpu.memory_space<vmem>>
          tpu.enqueue_dma source(%dma_start3A_130 : memref<240x96xbf16, #tpu.memory_space<vmem>>) target(%dma_start3A_127 : memref<240x96xbf16, #tpu.memory_space<vmem_shared>>) target_semaphore(%run_scoped3A : memref<!tpu.dma_semaphore, #tpu.memory_space<semaphore_mem>>)
          %dma_wait3A_131 = arith.constant 0 : i32
          %dma_wait3A_132 = arith.constant 0 : i32
          %dma_wait3A_133 = tpu.memref_slice %arg13[%dma_wait3A_131, %dma_wait3A_132] : memref<400x96xbf16, #tpu.memory_space<vmem>> -> memref<240x96xbf16, #tpu.memory_space<vmem>>
          %dma_wait3A_134 = arith.constant 0 : i32
          %dma_wait3A_135 = tpu.memref_slice %arg21[%add3A_120, %dma_wait3A_134] : memref<10000x96xbf16, #tpu.memory_space<vmem_shared>> -> memref<240x96xbf16, #tpu.memory_space<vmem_shared>>
          %dma_wait3A_136 = arith.constant 0 : i32
          %dma_wait3A_137 = tpu.memref_slice %arg21[%add3A_120, %dma_wait3A_136] : memref<10000x96xbf16, #tpu.memory_space<vmem_shared>> -> memref<240x96xbf16, #tpu.memory_space<vmem_shared>>
          %dma_wait3A_138 = arith.constant 0 : i32
          %dma_wait3A_139 = arith.constant 0 : i32
          %dma_wait3A_140 = tpu.memref_slice %arg13[%dma_wait3A_138, %dma_wait3A_139] : memref<400x96xbf16, #tpu.memory_space<vmem>> -> memref<240x96xbf16, #tpu.memory_space<vmem>>
          tpu.wait_dma2 semaphore(%run_scoped3A : memref<!tpu.dma_semaphore, #tpu.memory_space<semaphore_mem>>) src(%dma_wait3A_140 : memref<240x96xbf16, #tpu.memory_space<vmem>>) dst(%dma_wait3A_137 : memref<240x96xbf16, #tpu.memory_space<vmem_shared>>)
          tpu.yield
        }) : () -> ()
      } else {
      }
      %eq3A = arith.constant 15 : i32
      %eq3A_19 = arith.cmpi eq, %arg1, %eq3A : i32
      %convert_element_type3A_20 = arith.extui %eq3A_19 : i1 to i32
      %cond3A_21 = arith.constant 0 : i32
      %cond3A_22 = arith.cmpi ne, %convert_element_type3A_20, %cond3A_21 : i32
      scf.if %cond3A_22 {
        "tpu.region"() ({
          %run_scoped3A = tpu.sem_alloc : memref<!tpu.dma_semaphore, #tpu.memory_space<semaphore_mem>>
          %dma_start3A_119 = arith.constant 9600 : i32
          %dma_start3A_120 = arith.constant 0 : i32
          %dma_start3A_121 = tpu.memref_slice %arg21[%dma_start3A_119, %dma_start3A_120] : memref<10000x96xbf16, #tpu.memory_space<vmem_shared>> -> memref<400x96xbf16, #tpu.memory_space<vmem_shared>>
          %dma_start3A_122 = arith.constant 9600 : i32
          %dma_start3A_123 = arith.constant 0 : i32
          %dma_start3A_124 = tpu.memref_slice %arg21[%dma_start3A_122, %dma_start3A_123] : memref<10000x96xbf16, #tpu.memory_space<vmem_shared>> -> memref<400x96xbf16, #tpu.memory_space<vmem_shared>>
          tpu.enqueue_dma source(%arg13 : memref<400x96xbf16, #tpu.memory_space<vmem>>) target(%dma_start3A_124 : memref<400x96xbf16, #tpu.memory_space<vmem_shared>>) target_semaphore(%run_scoped3A : memref<!tpu.dma_semaphore, #tpu.memory_space<semaphore_mem>>)
          %dma_wait3A_125 = arith.constant 9600 : i32
          %dma_wait3A_126 = arith.constant 0 : i32
          %dma_wait3A_127 = tpu.memref_slice %arg21[%dma_wait3A_125, %dma_wait3A_126] : memref<10000x96xbf16, #tpu.memory_space<vmem_shared>> -> memref<400x96xbf16, #tpu.memory_space<vmem_shared>>
          %dma_wait3A_128 = arith.constant 9600 : i32
          %dma_wait3A_129 = arith.constant 0 : i32
          %dma_wait3A_130 = tpu.memref_slice %arg21[%dma_wait3A_128, %dma_wait3A_129] : memref<10000x96xbf16, #tpu.memory_space<vmem_shared>> -> memref<400x96xbf16, #tpu.memory_space<vmem_shared>>
          tpu.wait_dma2 semaphore(%run_scoped3A : memref<!tpu.dma_semaphore, #tpu.memory_space<semaphore_mem>>) src(%arg13 : memref<400x96xbf16, #tpu.memory_space<vmem>>) dst(%dma_wait3A_130 : memref<400x96xbf16, #tpu.memory_space<vmem_shared>>)
          tpu.yield
        }) : () -> ()
      } else {
      }
      %barrier3A = arith.constant 0 : index
      tpu.barrier barrier_id(%barrier3A)
      %mul3A_23 = arith.constant 320000 : i32
      %mul3A_24 = arith.muli %add3A, %mul3A_23 : i32
      %add3A_25 = arith.constant 0 : i32
      %add3A_26 = arith.addi %mul3A_2, %add3A_25 : i32
      %mul3A_27 = arith.constant 400 : i32
      %mul3A_28 = arith.muli %add3A_26, %mul3A_27 : i32
      %add3A_29 = arith.addi %mul3A_24, %mul3A_28 : i32
      %dma_start3A = tpu.memref_slice %arg3[%add3A_29] : memref<2560000xf32, #tpu.memory_space<hbm>> -> memref<400xf32, #tpu.memory_space<hbm>>
      %dma_start3A_30 = tpu.memref_slice %arg3[%add3A_29] : memref<2560000xf32, #tpu.memory_space<hbm>> -> memref<400xf32, #tpu.memory_space<hbm>>
      tpu.enqueue_dma source(%dma_start3A_30 : memref<400xf32, #tpu.memory_space<hbm>>) target(%arg9 : memref<400xf32, #tpu.memory_space<vmem>>) target_semaphore(%arg15 : memref<!tpu.dma_semaphore, #tpu.memory_space<semaphore_mem>>)
      %scan3A_31 = arith.constant 0 : i32
      %scan3A_32 = arith.constant 0 : i32
      %scan3A_33 = arith.constant 24 : i32
      %scan3A_34 = arith.addi %scan3A_32, %scan3A_33 : i32
      %scan3A_35 = arith.constant 2 : i32
      scf.for %scan3A_119 = %scan3A_32 to %scan3A_34 step %scan3A_35  : i32 {
        %mul3A_120 = arith.constant 16 : i32
        %mul3A_121 = arith.muli %scan3A_119, %mul3A_120 : i32
        %get3A_122 = arith.constant 0 : i32
        %get3A_123 = arith.index_cast %get3A_122 : i32 to index
        %get3A_124 = arith.index_cast %mul3A_121 : i32 to index
        %get3A_125 = tpu.vector_load %arg8[%get3A_123, %get3A_124] {strides = array<i32>} : memref<50x400xi32, #tpu.memory_space<vmem>>, vector<16xi32>,
        %mul3A_126 = arith.constant 10000 : i32
        %mul3A_127 = arith.muli %add3A, %mul3A_126 : i32
        %add3A_128 = vector.broadcast %mul3A_127 : i32 to vector<16xi32>
        %add3A_129 = arith.addi %get3A_125, %add3A_128 : vector<16xi32>
        %mul3A_130 = arith.constant 16 : i32
        %mul3A_131 = arith.muli %scan3A_119, %mul3A_130 : i32
        %swap3A_132 = arith.index_cast %mul3A_131 : i32 to index
        %swap3A_133 = tpu.vector_load %arg11[%swap3A_132] {strides = array<i32>} : memref<400xi32, #tpu.memory_space<vmem>>, vector<16xi32>,
        tpu.vector_store %arg11[%swap3A_132], %add3A_129 {strides = array<i32>} : memref<400xi32, #tpu.memory_space<vmem>>, vector<16xi32>,
        %scan3A_134 = arith.constant 1 : i32
        %scan3A_135 = arith.addi %scan3A_119, %scan3A_134 : i32
        %mul3A_136 = arith.constant 16 : i32
        %mul3A_137 = arith.muli %scan3A_135, %mul3A_136 : i32
        %get3A_138 = arith.constant 0 : i32
        %get3A_139 = arith.index_cast %get3A_138 : i32 to index
        %get3A_140 = arith.index_cast %mul3A_137 : i32 to index
        %get3A_141 = tpu.vector_load %arg8[%get3A_139, %get3A_140] {strides = array<i32>} : memref<50x400xi32, #tpu.memory_space<vmem>>, vector<16xi32>,
        %mul3A_142 = arith.constant 10000 : i32
        %mul3A_143 = arith.muli %add3A, %mul3A_142 : i32
        %add3A_144 = vector.broadcast %mul3A_143 : i32 to vector<16xi32>
        %add3A_145 = arith.addi %get3A_141, %add3A_144 : vector<16xi32>
        %mul3A_146 = arith.constant 16 : i32
        %mul3A_147 = arith.muli %scan3A_135, %mul3A_146 : i32
        %swap3A_148 = arith.index_cast %mul3A_147 : i32 to index
        %swap3A_149 = tpu.vector_load %arg11[%swap3A_148] {strides = array<i32>} : memref<400xi32, #tpu.memory_space<vmem>>, vector<16xi32>,
        tpu.vector_store %arg11[%swap3A_148], %add3A_145 {strides = array<i32>} : memref<400xi32, #tpu.memory_space<vmem>>, vector<16xi32>,
      }
      %scan3A_36 = arith.constant 24 : i32
      %scan3A_37 = arith.addi %scan3A_32, %scan3A_36 : i32
      %mul3A_38 = arith.constant 16 : i32
      %mul3A_39 = arith.muli %scan3A_37, %mul3A_38 : i32
      %get3A = arith.constant 0 : i32
      %get3A_40 = arith.index_cast %get3A : i32 to index
      %get3A_41 = arith.index_cast %mul3A_39 : i32 to index
      %get3A_42 = tpu.vector_load %arg8[%get3A_40, %get3A_41] {strides = array<i32>} : memref<50x400xi32, #tpu.memory_space<vmem>>, vector<16xi32>,
      %mul3A_43 = arith.constant 10000 : i32
      %mul3A_44 = arith.muli %add3A, %mul3A_43 : i32
      %add3A_45 = vector.broadcast %mul3A_44 : i32 to vector<16xi32>
      %add3A_46 = arith.addi %get3A_42, %add3A_45 : vector<16xi32>
      %mul3A_47 = arith.constant 16 : i32
      %mul3A_48 = arith.muli %scan3A_37, %mul3A_47 : i32
      %swap3A = arith.index_cast %mul3A_48 : i32 to index
      %swap3A_49 = tpu.vector_load %arg11[%swap3A] {strides = array<i32>} : memref<400xi32, #tpu.memory_space<vmem>>, vector<16xi32>,
      tpu.vector_store %arg11[%swap3A], %add3A_46 {strides = array<i32>} : memref<400xi32, #tpu.memory_space<vmem>>, vector<16xi32>,
      %scan3A_50 = arith.constant 25 : i32
      %dma_start3A_51 = arith.constant 0 : i32
      %dma_start3A_52 = arith.constant 0 : i32
      %dma_start3A_53 = tpu.memref_slice %arg2[%dma_start3A_51, %dma_start3A_52] : memref<80000x96xbf16, #tpu.memory_space<hbm>> -> memref<80000x96xbf16, #tpu.memory_space<hbm>>
      tpu.enqueue_indirect_dma source(%dma_start3A_53 : memref<80000x96xbf16, #tpu.memory_space<hbm>>) target(%arg13 : memref<400x96xbf16, #tpu.memory_space<vmem>>) offsets(%arg11 : memref<400xi32, #tpu.memory_space<vmem>>) semaphore(%arg17 : memref<!tpu.dma_semaphore, #tpu.memory_space<semaphore_mem>>)
      %mul3A_54 = arith.constant 320000 : i32
      %mul3A_55 = arith.muli %add3A, %mul3A_54 : i32
      %add3A_56 = arith.constant 1 : i32
      %add3A_57 = arith.addi %mul3A_2, %add3A_56 : i32
      %mul3A_58 = arith.constant 400 : i32
      %mul3A_59 = arith.muli %add3A_57, %mul3A_58 : i32
      %add3A_60 = arith.addi %mul3A_55, %mul3A_59 : i32
      %dma_start3A_61 = tpu.memref_slice %arg3[%add3A_60] : memref<2560000xf32, #tpu.memory_space<hbm>> -> memref<400xf32, #tpu.memory_space<hbm>>
      %dma_start3A_62 = tpu.memref_slice %arg3[%add3A_60] : memref<2560000xf32, #tpu.memory_space<hbm>> -> memref<400xf32, #tpu.memory_space<hbm>>
      tpu.enqueue_dma source(%dma_start3A_62 : memref<400xf32, #tpu.memory_space<hbm>>) target(%arg10 : memref<400xf32, #tpu.memory_space<vmem>>) target_semaphore(%arg16 : memref<!tpu.dma_semaphore, #tpu.memory_space<semaphore_mem>>)
      %scan3A_63 = arith.constant 0 : i32
      %scan3A_64 = arith.constant 0 : i32
      %scan3A_65 = arith.constant 24 : i32
      %scan3A_66 = arith.addi %scan3A_64, %scan3A_65 : i32
      %scan3A_67 = arith.constant 2 : i32
      scf.for %scan3A_119 = %scan3A_64 to %scan3A_66 step %scan3A_67  : i32 {
        %mul3A_120 = arith.constant 16 : i32
        %mul3A_121 = arith.muli %scan3A_119, %mul3A_120 : i32
        %get3A_122 = arith.constant 1 : i32
        %get3A_123 = arith.index_cast %get3A_122 : i32 to index
        %get3A_124 = arith.index_cast %mul3A_121 : i32 to index
        %get3A_125 = tpu.vector_load %arg8[%get3A_123, %get3A_124] {strides = array<i32>} : memref<50x400xi32, #tpu.memory_space<vmem>>, vector<16xi32>,
        %mul3A_126 = arith.constant 10000 : i32
        %mul3A_127 = arith.muli %add3A, %mul3A_126 : i32
        %add3A_128 = vector.broadcast %mul3A_127 : i32 to vector<16xi32>
        %add3A_129 = arith.addi %get3A_125, %add3A_128 : vector<16xi32>
        %mul3A_130 = arith.constant 16 : i32
        %mul3A_131 = arith.muli %scan3A_119, %mul3A_130 : i32
        %swap3A_132 = arith.index_cast %mul3A_131 : i32 to index
        %swap3A_133 = tpu.vector_load %arg12[%swap3A_132] {strides = array<i32>} : memref<400xi32, #tpu.memory_space<vmem>>, vector<16xi32>,
        tpu.vector_store %arg12[%swap3A_132], %add3A_129 {strides = array<i32>} : memref<400xi32, #tpu.memory_space<vmem>>, vector<16xi32>,
        %scan3A_134 = arith.constant 1 : i32
        %scan3A_135 = arith.addi %scan3A_119, %scan3A_134 : i32
        %mul3A_136 = arith.constant 16 : i32
        %mul3A_137 = arith.muli %scan3A_135, %mul3A_136 : i32
        %get3A_138 = arith.constant 1 : i32
        %get3A_139 = arith.index_cast %get3A_138 : i32 to index
        %get3A_140 = arith.index_cast %mul3A_137 : i32 to index
        %get3A_141 = tpu.vector_load %arg8[%get3A_139, %get3A_140] {strides = array<i32>} : memref<50x400xi32, #tpu.memory_space<vmem>>, vector<16xi32>,
        %mul3A_142 = arith.constant 10000 : i32
        %mul3A_143 = arith.muli %add3A, %mul3A_142 : i32
        %add3A_144 = vector.broadcast %mul3A_143 : i32 to vector<16xi32>
        %add3A_145 = arith.addi %get3A_141, %add3A_144 : vector<16xi32>
        %mul3A_146 = arith.constant 16 : i32
        %mul3A_147 = arith.muli %scan3A_135, %mul3A_146 : i32
        %swap3A_148 = arith.index_cast %mul3A_147 : i32 to index
        %swap3A_149 = tpu.vector_load %arg12[%swap3A_148] {strides = array<i32>} : memref<400xi32, #tpu.memory_space<vmem>>, vector<16xi32>,
        tpu.vector_store %arg12[%swap3A_148], %add3A_145 {strides = array<i32>} : memref<400xi32, #tpu.memory_space<vmem>>, vector<16xi32>,
      }
      %scan3A_68 = arith.constant 24 : i32
      %scan3A_69 = arith.addi %scan3A_64, %scan3A_68 : i32
      %mul3A_70 = arith.constant 16 : i32
      %mul3A_71 = arith.muli %scan3A_69, %mul3A_70 : i32
      %get3A_72 = arith.constant 1 : i32
      %get3A_73 = arith.index_cast %get3A_72 : i32 to index
      %get3A_74 = arith.index_cast %mul3A_71 : i32 to index
      %get3A_75 = tpu.vector_load %arg8[%get3A_73, %get3A_74] {strides = array<i32>} : memref<50x400xi32, #tpu.memory_space<vmem>>, vector<16xi32>,
      %mul3A_76 = arith.constant 10000 : i32
      %mul3A_77 = arith.muli %add3A, %mul3A_76 : i32
      %add3A_78 = vector.broadcast %mul3A_77 : i32 to vector<16xi32>
      %add3A_79 = arith.addi %get3A_75, %add3A_78 : vector<16xi32>
      %mul3A_80 = arith.constant 16 : i32
      %mul3A_81 = arith.muli %scan3A_69, %mul3A_80 : i32
      %swap3A_82 = arith.index_cast %mul3A_81 : i32 to index
      %swap3A_83 = tpu.vector_load %arg12[%swap3A_82] {strides = array<i32>} : memref<400xi32, #tpu.memory_space<vmem>>, vector<16xi32>,
      tpu.vector_store %arg12[%swap3A_82], %add3A_79 {strides = array<i32>} : memref<400xi32, #tpu.memory_space<vmem>>, vector<16xi32>,
      %scan3A_84 = arith.constant 25 : i32
      %dma_start3A_85 = arith.constant 0 : i32
      %dma_start3A_86 = arith.constant 0 : i32
      %dma_start3A_87 = tpu.memref_slice %arg2[%dma_start3A_85, %dma_start3A_86] : memref<80000x96xbf16, #tpu.memory_space<hbm>> -> memref<80000x96xbf16, #tpu.memory_space<hbm>>
      tpu.enqueue_indirect_dma source(%dma_start3A_87 : memref<80000x96xbf16, #tpu.memory_space<hbm>>) target(%arg14 : memref<400x96xbf16, #tpu.memory_space<vmem>>) offsets(%arg12 : memref<400xi32, #tpu.memory_space<vmem>>) semaphore(%arg18 : memref<!tpu.dma_semaphore, #tpu.memory_space<semaphore_mem>>)
      %scan3A_88 = arith.constant 0 : i32
      %scan3A_89 = arith.constant 0 : i32
      %scan3A_90 = arith.constant 25 : i32
      %scan3A_91 = arith.addi %scan3A_89, %scan3A_90 : i32
      %scan3A_92 = arith.constant 1 : i32
      scf.for %scan3A_119 = %scan3A_89 to %scan3A_91 step %scan3A_92  : i32 {
        %mul3A_120 = arith.constant 2 : i32
        %mul3A_121 = arith.muli %mul3A_120, %scan3A_119 : i32
        %add3A_122 = arith.constant 0 : i32
        %add3A_123 = arith.addi %mul3A_121, %add3A_122 : i32
        %dma_wait3A_124 = arith.constant 0 : i32
        %dma_wait3A_125 = arith.constant 0 : i32
        %dma_wait3A_126 = tpu.memref_slice %arg2[%dma_wait3A_124, %dma_wait3A_125] : memref<80000x96xbf16, #tpu.memory_space<hbm>> -> memref<80000x96xbf16, #tpu.memory_space<hbm>>
        tpu.wait_indirect_dma semaphore(%arg17 : memref<!tpu.dma_semaphore, #tpu.memory_space<semaphore_mem>>) src(%dma_wait3A_126 : memref<80000x96xbf16, #tpu.memory_space<hbm>>) dst(%arg13 : memref<400x96xbf16, #tpu.memory_space<vmem>>)
        %dma_wait3A_127 = arith.constant 0 : i32
        %dma_wait3A_128 = tpu.memref_slice %arg3[%dma_wait3A_127] : memref<2560000xf32, #tpu.memory_space<hbm>> -> memref<400xf32, #tpu.memory_space<hbm>>
        %dma_wait3A_129 = arith.constant 0 : i32
        %dma_wait3A_130 = tpu.memref_slice %arg3[%dma_wait3A_129] : memref<2560000xf32, #tpu.memory_space<hbm>> -> memref<400xf32, #tpu.memory_space<hbm>>
        tpu.wait_dma2 semaphore(%arg15 : memref<!tpu.dma_semaphore, #tpu.memory_space<semaphore_mem>>) src(%dma_wait3A_130 : memref<400xf32, #tpu.memory_space<hbm>>) dst(%arg9 : memref<400xf32, #tpu.memory_space<vmem>>)
        %scan3A_131 = arith.constant 0 : i32
        %scan3A_132 = arith.constant 0 : i32
        %scan3A_133 = arith.constant 100 : i32
        %scan3A_134 = arith.addi %scan3A_132, %scan3A_133 : i32
        %scan3A_135 = arith.constant 2 : i32
        scf.for %scan3A_173 = %scan3A_132 to %scan3A_134 step %scan3A_135  : i32 {
          %mul3A_174 = arith.constant 4 : i32
          %mul3A_175 = arith.muli %scan3A_173, %mul3A_174 : i32
          %add3A_176 = arith.constant 0 : i32
          %add3A_177 = arith.addi %mul3A_175, %add3A_176 : i32
          %broadcast_in_dim3A = vector.broadcast %add3A_177 : i32 to vector<16xi32>
          %gather3A = tpu.vector_load_idx %arg9[%broadcast_in_dim3A] : memref<400xf32, #tpu.memory_space<vmem>>[vector<16xi32>], vector<16xf32>,
          %pack3A = tpu.pack_subelements %gather3A, %gather3A {pack_format = #tpu.pack_format<interleaved>, positions = array<i32: 0, 1>} : vector<16xf32>, vector<16xf32> -> vector<32xbf16>
          %get3A_178 = arith.index_cast %add3A_177 : i32 to index
          %get3A_179 = arith.constant 0 : index
          %get3A_180 = tpu.vector_load %arg13[%get3A_178, %get3A_179] {strides = array<i32>} : memref<400x96xbf16, #tpu.memory_space<vmem>>, vector<32xbf16>,
          %mul3A_181 = arith.mulf %get3A_180, %pack3A : vector<32xbf16>
          %swap3A_182 = arith.index_cast %add3A_177 : i32 to index
          %swap3A_183 = arith.constant 0 : index
          %swap3A_184 = tpu.vector_load %arg13[%swap3A_182, %swap3A_183] {strides = array<i32>} : memref<400x96xbf16, #tpu.memory_space<vmem>>, vector<32xbf16>,
          tpu.vector_store %arg13[%swap3A_182, %swap3A_183], %mul3A_181 {strides = array<i32>} : memref<400x96xbf16, #tpu.memory_space<vmem>>, vector<32xbf16>,
          %get3A_185 = arith.index_cast %add3A_177 : i32 to index
          %get3A_186 = arith.constant 32 : index
          %get3A_187 = tpu.vector_load %arg13[%get3A_185, %get3A_186] {strides = array<i32>} : memref<400x96xbf16, #tpu.memory_space<vmem>>, vector<32xbf16>,
          %mul3A_188 = arith.mulf %get3A_187, %pack3A : vector<32xbf16>
          %swap3A_189 = arith.index_cast %add3A_177 : i32 to index
          %swap3A_190 = arith.constant 32 : index
          %swap3A_191 = tpu.vector_load %arg13[%swap3A_189, %swap3A_190] {strides = array<i32>} : memref<400x96xbf16, #tpu.memory_space<vmem>>, vector<32xbf16>,
          tpu.vector_store %arg13[%swap3A_189, %swap3A_190], %mul3A_188 {strides = array<i32>} : memref<400x96xbf16, #tpu.memory_space<vmem>>, vector<32xbf16>,
          %get3A_192 = arith.index_cast %add3A_177 : i32 to index
          %get3A_193 = arith.constant 64 : index
          %get3A_194 = tpu.vector_load %arg13[%get3A_192, %get3A_193] {strides = array<i32>} : memref<400x96xbf16, #tpu.memory_space<vmem>>, vector<32xbf16>,
          %mul3A_195 = arith.mulf %get3A_194, %pack3A : vector<32xbf16>
          %swap3A_196 = arith.index_cast %add3A_177 : i32 to index
          %swap3A_197 = arith.constant 64 : index
          %swap3A_198 = tpu.vector_load %arg13[%swap3A_196, %swap3A_197] {strides = array<i32>} : memref<400x96xbf16, #tpu.memory_space<vmem>>, vector<32xbf16>,
          tpu.vector_store %arg13[%swap3A_196, %swap3A_197], %mul3A_195 {strides = array<i32>} : memref<400x96xbf16, #tpu.memory_space<vmem>>, vector<32xbf16>,
          %mul3A_199 = arith.constant 4 : i32
          %mul3A_200 = arith.muli %scan3A_173, %mul3A_199 : i32
          %add3A_201 = arith.constant 1 : i32
          %add3A_202 = arith.addi %mul3A_200, %add3A_201 : i32
          %broadcast_in_dim3A_203 = vector.broadcast %add3A_202 : i32 to vector<16xi32>
          %gather3A_204 = tpu.vector_load_idx %arg9[%broadcast_in_dim3A_203] : memref<400xf32, #tpu.memory_space<vmem>>[vector<16xi32>], vector<16xf32>,
          %pack3A_205 = tpu.pack_subelements %gather3A_204, %gather3A_204 {pack_format = #tpu.pack_format<interleaved>, positions = array<i32: 0, 1>} : vector<16xf32>, vector<16xf32> -> vector<32xbf16>
          %get3A_206 = arith.index_cast %add3A_202 : i32 to index
          %get3A_207 = arith.constant 0 : index
          %get3A_208 = tpu.vector_load %arg13[%get3A_206, %get3A_207] {strides = array<i32>} : memref<400x96xbf16, #tpu.memory_space<vmem>>, vector<32xbf16>,
          %mul3A_209 = arith.mulf %get3A_208, %pack3A_205 : vector<32xbf16>
          %swap3A_210 = arith.index_cast %add3A_202 : i32 to index
          %swap3A_211 = arith.constant 0 : index
          %swap3A_212 = tpu.vector_load %arg13[%swap3A_210, %swap3A_211] {strides = array<i32>} : memref<400x96xbf16, #tpu.memory_space<vmem>>, vector<32xbf16>,
          tpu.vector_store %arg13[%swap3A_210, %swap3A_211], %mul3A_209 {strides = array<i32>} : memref<400x96xbf16, #tpu.memory_space<vmem>>, vector<32xbf16>,
          %get3A_213 = arith.index_cast %add3A_202 : i32 to index
          %get3A_214 = arith.constant 32 : index
          %get3A_215 = tpu.vector_load %arg13[%get3A_213, %get3A_214] {strides = array<i32>} : memref<400x96xbf16, #tpu.memory_space<vmem>>, vector<32xbf16>,
          %mul3A_216 = arith.mulf %get3A_215, %pack3A_205 : vector<32xbf16>
          %swap3A_217 = arith.index_cast %add3A_202 : i32 to index
          %swap3A_218 = arith.constant 32 : index
          %swap3A_219 = tpu.vector_load %arg13[%swap3A_217, %swap3A_218] {strides = array<i32>} : memref<400x96xbf16, #tpu.memory_space<vmem>>, vector<32xbf16>,
          tpu.vector_store %arg13[%swap3A_217, %swap3A_218], %mul3A_216 {strides = array<i32>} : memref<400x96xbf16, #tpu.memory_space<vmem>>, vector<32xbf16>,
          %get3A_220 = arith.index_cast %add3A_202 : i32 to index
          %get3A_221 = arith.constant 64 : index
          %get3A_222 = tpu.vector_load %arg13[%get3A_220, %get3A_221] {strides = array<i32>} : memref<400x96xbf16, #tpu.memory_space<vmem>>, vector<32xbf16>,
          %mul3A_223 = arith.mulf %get3A_222, %pack3A_205 : vector<32xbf16>
          %swap3A_224 = arith.index_cast %add3A_202 : i32 to index
          %swap3A_225 = arith.constant 64 : index
          %swap3A_226 = tpu.vector_load %arg13[%swap3A_224, %swap3A_225] {strides = array<i32>} : memref<400x96xbf16, #tpu.memory_space<vmem>>, vector<32xbf16>,
          tpu.vector_store %arg13[%swap3A_224, %swap3A_225], %mul3A_223 {strides = array<i32>} : memref<400x96xbf16, #tpu.memory_space<vmem>>, vector<32xbf16>,
          %mul3A_227 = arith.constant 4 : i32
          %mul3A_228 = arith.muli %scan3A_173, %mul3A_227 : i32
          %add3A_229 = arith.constant 2 : i32
          %add3A_230 = arith.addi %mul3A_228, %add3A_229 : i32
          %broadcast_in_dim3A_231 = vector.broadcast %add3A_230 : i32 to vector<16xi32>
          %gather3A_232 = tpu.vector_load_idx %arg9[%broadcast_in_dim3A_231] : memref<400xf32, #tpu.memory_space<vmem>>[vector<16xi32>], vector<16xf32>,
          %pack3A_233 = tpu.pack_subelements %gather3A_232, %gather3A_232 {pack_format = #tpu.pack_format<interleaved>, positions = array<i32: 0, 1>} : vector<16xf32>, vector<16xf32> -> vector<32xbf16>
          %get3A_234 = arith.index_cast %add3A_230 : i32 to index
          %get3A_235 = arith.constant 0 : index
          %get3A_236 = tpu.vector_load %arg13[%get3A_234, %get3A_235] {strides = array<i32>} : memref<400x96xbf16, #tpu.memory_space<vmem>>, vector<32xbf16>,
          %mul3A_237 = arith.mulf %get3A_236, %pack3A_233 : vector<32xbf16>
          %swap3A_238 = arith.index_cast %add3A_230 : i32 to index
          %swap3A_239 = arith.constant 0 : index
          %swap3A_240 = tpu.vector_load %arg13[%swap3A_238, %swap3A_239] {strides = array<i32>} : memref<400x96xbf16, #tpu.memory_space<vmem>>, vector<32xbf16>,
          tpu.vector_store %arg13[%swap3A_238, %swap3A_239], %mul3A_237 {strides = array<i32>} : memref<400x96xbf16, #tpu.memory_space<vmem>>, vector<32xbf16>,
          %get3A_241 = arith.index_cast %add3A_230 : i32 to index
          %get3A_242 = arith.constant 32 : index
          %get3A_243 = tpu.vector_load %arg13[%get3A_241, %get3A_242] {strides = array<i32>} : memref<400x96xbf16, #tpu.memory_space<vmem>>, vector<32xbf16>,
          %mul3A_244 = arith.mulf %get3A_243, %pack3A_233 : vector<32xbf16>
          %swap3A_245 = arith.index_cast %add3A_230 : i32 to index
          %swap3A_246 = arith.constant 32 : index
          %swap3A_247 = tpu.vector_load %arg13[%swap3A_245, %swap3A_246] {strides = array<i32>} : memref<400x96xbf16, #tpu.memory_space<vmem>>, vector<32xbf16>,
          tpu.vector_store %arg13[%swap3A_245, %swap3A_246], %mul3A_244 {strides = array<i32>} : memref<400x96xbf16, #tpu.memory_space<vmem>>, vector<32xbf16>,
          %get3A_248 = arith.index_cast %add3A_230 : i32 to index
          %get3A_249 = arith.constant 64 : index
          %get3A_250 = tpu.vector_load %arg13[%get3A_248, %get3A_249] {strides = array<i32>} : memref<400x96xbf16, #tpu.memory_space<vmem>>, vector<32xbf16>,
          %mul3A_251 = arith.mulf %get3A_250, %pack3A_233 : vector<32xbf16>
          %swap3A_252 = arith.index_cast %add3A_230 : i32 to index
          %swap3A_253 = arith.constant 64 : index
          %swap3A_254 = tpu.vector_load %arg13[%swap3A_252, %swap3A_253] {strides = array<i32>} : memref<400x96xbf16, #tpu.memory_space<vmem>>, vector<32xbf16>,
          tpu.vector_store %arg13[%swap3A_252, %swap3A_253], %mul3A_251 {strides = array<i32>} : memref<400x96xbf16, #tpu.memory_space<vmem>>, vector<32xbf16>,
          %mul3A_255 = arith.constant 4 : i32
          %mul3A_256 = arith.muli %scan3A_173, %mul3A_255 : i32
          %add3A_257 = arith.constant 3 : i32
          %add3A_258 = arith.addi %mul3A_256, %add3A_257 : i32
          %broadcast_in_dim3A_259 = vector.broadcast %add3A_258 : i32 to vector<16xi32>
          %gather3A_260 = tpu.vector_load_idx %arg9[%broadcast_in_dim3A_259] : memref<400xf32, #tpu.memory_space<vmem>>[vector<16xi32>], vector<16xf32>,
          %pack3A_261 = tpu.pack_subelements %gather3A_260, %gather3A_260 {pack_format = #tpu.pack_format<interleaved>, positions = array<i32: 0, 1>} : vector<16xf32>, vector<16xf32> -> vector<32xbf16>
          %get3A_262 = arith.index_cast %add3A_258 : i32 to index
          %get3A_263 = arith.constant 0 : index
          %get3A_264 = tpu.vector_load %arg13[%get3A_262, %get3A_263] {strides = array<i32>} : memref<400x96xbf16, #tpu.memory_space<vmem>>, vector<32xbf16>,
          %mul3A_265 = arith.mulf %get3A_264, %pack3A_261 : vector<32xbf16>
          %swap3A_266 = arith.index_cast %add3A_258 : i32 to index
          %swap3A_267 = arith.constant 0 : index
          %swap3A_268 = tpu.vector_load %arg13[%swap3A_266, %swap3A_267] {strides = array<i32>} : memref<400x96xbf16, #tpu.memory_space<vmem>>, vector<32xbf16>,
          tpu.vector_store %arg13[%swap3A_266, %swap3A_267], %mul3A_265 {strides = array<i32>} : memref<400x96xbf16, #tpu.memory_space<vmem>>, vector<32xbf16>,
          %get3A_269 = arith.index_cast %add3A_258 : i32 to index
          %get3A_270 = arith.constant 32 : index
          %get3A_271 = tpu.vector_load %arg13[%get3A_269, %get3A_270] {strides = array<i32>} : memref<400x96xbf16, #tpu.memory_space<vmem>>, vector<32xbf16>,
          %mul3A_272 = arith.mulf %get3A_271, %pack3A_261 : vector<32xbf16>
          %swap3A_273 = arith.index_cast %add3A_258 : i32 to index
          %swap3A_274 = arith.constant 32 : index
          %swap3A_275 = tpu.vector_load %arg13[%swap3A_273, %swap3A_274] {strides = array<i32>} : memref<400x96xbf16, #tpu.memory_space<vmem>>, vector<32xbf16>,
          tpu.vector_store %arg13[%swap3A_273, %swap3A_274], %mul3A_272 {strides = array<i32>} : memref<400x96xbf16, #tpu.memory_space<vmem>>, vector<32xbf16>,
          %get3A_276 = arith.index_cast %add3A_258 : i32 to index
          %get3A_277 = arith.constant 64 : index
          %get3A_278 = tpu.vector_load %arg13[%get3A_276, %get3A_277] {strides = array<i32>} : memref<400x96xbf16, #tpu.memory_space<vmem>>, vector<32xbf16>,
          %mul3A_279 = arith.mulf %get3A_278, %pack3A_261 : vector<32xbf16>
          %swap3A_280 = arith.index_cast %add3A_258 : i32 to index
          %swap3A_281 = arith.constant 64 : index
          %swap3A_282 = tpu.vector_load %arg13[%swap3A_280, %swap3A_281] {strides = array<i32>} : memref<400x96xbf16, #tpu.memory_space<vmem>>, vector<32xbf16>,
          tpu.vector_store %arg13[%swap3A_280, %swap3A_281], %mul3A_279 {strides = array<i32>} : memref<400x96xbf16, #tpu.memory_space<vmem>>, vector<32xbf16>,
          %scan3A_283 = arith.constant 1 : i32
          %scan3A_284 = arith.addi %scan3A_173, %scan3A_283 : i32
          %mul3A_285 = arith.constant 4 : i32
          %mul3A_286 = arith.muli %scan3A_284, %mul3A_285 : i32
          %add3A_287 = arith.constant 0 : i32
          %add3A_288 = arith.addi %mul3A_286, %add3A_287 : i32
          %broadcast_in_dim3A_289 = vector.broadcast %add3A_288 : i32 to vector<16xi32>
          %gather3A_290 = tpu.vector_load_idx %arg9[%broadcast_in_dim3A_289] : memref<400xf32, #tpu.memory_space<vmem>>[vector<16xi32>], vector<16xf32>,
          %pack3A_291 = tpu.pack_subelements %gather3A_290, %gather3A_290 {pack_format = #tpu.pack_format<interleaved>, positions = array<i32: 0, 1>} : vector<16xf32>, vector<16xf32> -> vector<32xbf16>
          %get3A_292 = arith.index_cast %add3A_288 : i32 to index
          %get3A_293 = arith.constant 0 : index
          %get3A_294 = tpu.vector_load %arg13[%get3A_292, %get3A_293] {strides = array<i32>} : memref<400x96xbf16, #tpu.memory_space<vmem>>, vector<32xbf16>,
          %mul3A_295 = arith.mulf %get3A_294, %pack3A_291 : vector<32xbf16>
          %swap3A_296 = arith.index_cast %add3A_288 : i32 to index
          %swap3A_297 = arith.constant 0 : index
          %swap3A_298 = tpu.vector_load %arg13[%swap3A_296, %swap3A_297] {strides = array<i32>} : memref<400x96xbf16, #tpu.memory_space<vmem>>, vector<32xbf16>,
          tpu.vector_store %arg13[%swap3A_296, %swap3A_297], %mul3A_295 {strides = array<i32>} : memref<400x96xbf16, #tpu.memory_space<vmem>>, vector<32xbf16>,
          %get3A_299 = arith.index_cast %add3A_288 : i32 to index
          %get3A_300 = arith.constant 32 : index
          %get3A_301 = tpu.vector_load %arg13[%get3A_299, %get3A_300] {strides = array<i32>} : memref<400x96xbf16, #tpu.memory_space<vmem>>, vector<32xbf16>,
          %mul3A_302 = arith.mulf %get3A_301, %pack3A_291 : vector<32xbf16>
          %swap3A_303 = arith.index_cast %add3A_288 : i32 to index
          %swap3A_304 = arith.constant 32 : index
          %swap3A_305 = tpu.vector_load %arg13[%swap3A_303, %swap3A_304] {strides = array<i32>} : memref<400x96xbf16, #tpu.memory_space<vmem>>, vector<32xbf16>,
          tpu.vector_store %arg13[%swap3A_303, %swap3A_304], %mul3A_302 {strides = array<i32>} : memref<400x96xbf16, #tpu.memory_space<vmem>>, vector<32xbf16>,
          %get3A_306 = arith.index_cast %add3A_288 : i32 to index
          %get3A_307 = arith.constant 64 : index
          %get3A_308 = tpu.vector_load %arg13[%get3A_306, %get3A_307] {strides = array<i32>} : memref<400x96xbf16, #tpu.memory_space<vmem>>, vector<32xbf16>,
          %mul3A_309 = arith.mulf %get3A_308, %pack3A_291 : vector<32xbf16>
          %swap3A_310 = arith.index_cast %add3A_288 : i32 to index
          %swap3A_311 = arith.constant 64 : index
          %swap3A_312 = tpu.vector_load %arg13[%swap3A_310, %swap3A_311] {strides = array<i32>} : memref<400x96xbf16, #tpu.memory_space<vmem>>, vector<32xbf16>,
          tpu.vector_store %arg13[%swap3A_310, %swap3A_311], %mul3A_309 {strides = array<i32>} : memref<400x96xbf16, #tpu.memory_space<vmem>>, vector<32xbf16>,
          %mul3A_313 = arith.constant 4 : i32
          %mul3A_314 = arith.muli %scan3A_284, %mul3A_313 : i32
          %add3A_315 = arith.constant 1 : i32
          %add3A_316 = arith.addi %mul3A_314, %add3A_315 : i32
          %broadcast_in_dim3A_317 = vector.broadcast %add3A_316 : i32 to vector<16xi32>
          %gather3A_318 = tpu.vector_load_idx %arg9[%broadcast_in_dim3A_317] : memref<400xf32, #tpu.memory_space<vmem>>[vector<16xi32>], vector<16xf32>,
          %pack3A_319 = tpu.pack_subelements %gather3A_318, %gather3A_318 {pack_format = #tpu.pack_format<interleaved>, positions = array<i32: 0, 1>} : vector<16xf32>, vector<16xf32> -> vector<32xbf16>
          %get3A_320 = arith.index_cast %add3A_316 : i32 to index
          %get3A_321 = arith.constant 0 : index
          %get3A_322 = tpu.vector_load %arg13[%get3A_320, %get3A_321] {strides = array<i32>} : memref<400x96xbf16, #tpu.memory_space<vmem>>, vector<32xbf16>,
          %mul3A_323 = arith.mulf %get3A_322, %pack3A_319 : vector<32xbf16>
          %swap3A_324 = arith.index_cast %add3A_316 : i32 to index
          %swap3A_325 = arith.constant 0 : index
          %swap3A_326 = tpu.vector_load %arg13[%swap3A_324, %swap3A_325] {strides = array<i32>} : memref<400x96xbf16, #tpu.memory_space<vmem>>, vector<32xbf16>,
          tpu.vector_store %arg13[%swap3A_324, %swap3A_325], %mul3A_323 {strides = array<i32>} : memref<400x96xbf16, #tpu.memory_space<vmem>>, vector<32xbf16>,
          %get3A_327 = arith.index_cast %add3A_316 : i32 to index
          %get3A_328 = arith.constant 32 : index
          %get3A_329 = tpu.vector_load %arg13[%get3A_327, %get3A_328] {strides = array<i32>} : memref<400x96xbf16, #tpu.memory_space<vmem>>, vector<32xbf16>,
          %mul3A_330 = arith.mulf %get3A_329, %pack3A_319 : vector<32xbf16>
          %swap3A_331 = arith.index_cast %add3A_316 : i32 to index
          %swap3A_332 = arith.constant 32 : index
          %swap3A_333 = tpu.vector_load %arg13[%swap3A_331, %swap3A_332] {strides = array<i32>} : memref<400x96xbf16, #tpu.memory_space<vmem>>, vector<32xbf16>,
          tpu.vector_store %arg13[%swap3A_331, %swap3A_332], %mul3A_330 {strides = array<i32>} : memref<400x96xbf16, #tpu.memory_space<vmem>>, vector<32xbf16>,
          %get3A_334 = arith.index_cast %add3A_316 : i32 to index
          %get3A_335 = arith.constant 64 : index
          %get3A_336 = tpu.vector_load %arg13[%get3A_334, %get3A_335] {strides = array<i32>} : memref<400x96xbf16, #tpu.memory_space<vmem>>, vector<32xbf16>,
          %mul3A_337 = arith.mulf %get3A_336, %pack3A_319 : vector<32xbf16>
          %swap3A_338 = arith.index_cast %add3A_316 : i32 to index
          %swap3A_339 = arith.constant 64 : index
          %swap3A_340 = tpu.vector_load %arg13[%swap3A_338, %swap3A_339] {strides = array<i32>} : memref<400x96xbf16, #tpu.memory_space<vmem>>, vector<32xbf16>,
          tpu.vector_store %arg13[%swap3A_338, %swap3A_339], %mul3A_337 {strides = array<i32>} : memref<400x96xbf16, #tpu.memory_space<vmem>>, vector<32xbf16>,
          %mul3A_341 = arith.constant 4 : i32
          %mul3A_342 = arith.muli %scan3A_284, %mul3A_341 : i32
          %add3A_343 = arith.constant 2 : i32
          %add3A_344 = arith.addi %mul3A_342, %add3A_343 : i32
          %broadcast_in_dim3A_345 = vector.broadcast %add3A_344 : i32 to vector<16xi32>
          %gather3A_346 = tpu.vector_load_idx %arg9[%broadcast_in_dim3A_345] : memref<400xf32, #tpu.memory_space<vmem>>[vector<16xi32>], vector<16xf32>,
          %pack3A_347 = tpu.pack_subelements %gather3A_346, %gather3A_346 {pack_format = #tpu.pack_format<interleaved>, positions = array<i32: 0, 1>} : vector<16xf32>, vector<16xf32> -> vector<32xbf16>
          %get3A_348 = arith.index_cast %add3A_344 : i32 to index
          %get3A_349 = arith.constant 0 : index
          %get3A_350 = tpu.vector_load %arg13[%get3A_348, %get3A_349] {strides = array<i32>} : memref<400x96xbf16, #tpu.memory_space<vmem>>, vector<32xbf16>,
          %mul3A_351 = arith.mulf %get3A_350, %pack3A_347 : vector<32xbf16>
          %swap3A_352 = arith.index_cast %add3A_344 : i32 to index
          %swap3A_353 = arith.constant 0 : index
          %swap3A_354 = tpu.vector_load %arg13[%swap3A_352, %swap3A_353] {strides = array<i32>} : memref<400x96xbf16, #tpu.memory_space<vmem>>, vector<32xbf16>,
          tpu.vector_store %arg13[%swap3A_352, %swap3A_353], %mul3A_351 {strides = array<i32>} : memref<400x96xbf16, #tpu.memory_space<vmem>>, vector<32xbf16>,
          %get3A_355 = arith.index_cast %add3A_344 : i32 to index
          %get3A_356 = arith.constant 32 : index
          %get3A_357 = tpu.vector_load %arg13[%get3A_355, %get3A_356] {strides = array<i32>} : memref<400x96xbf16, #tpu.memory_space<vmem>>, vector<32xbf16>,
          %mul3A_358 = arith.mulf %get3A_357, %pack3A_347 : vector<32xbf16>
          %swap3A_359 = arith.index_cast %add3A_344 : i32 to index
          %swap3A_360 = arith.constant 32 : index
          %swap3A_361 = tpu.vector_load %arg13[%swap3A_359, %swap3A_360] {strides = array<i32>} : memref<400x96xbf16, #tpu.memory_space<vmem>>, vector<32xbf16>,
          tpu.vector_store %arg13[%swap3A_359, %swap3A_360], %mul3A_358 {strides = array<i32>} : memref<400x96xbf16, #tpu.memory_space<vmem>>, vector<32xbf16>,
          %get3A_362 = arith.index_cast %add3A_344 : i32 to index
          %get3A_363 = arith.constant 64 : index
          %get3A_364 = tpu.vector_load %arg13[%get3A_362, %get3A_363] {strides = array<i32>} : memref<400x96xbf16, #tpu.memory_space<vmem>>, vector<32xbf16>,
          %mul3A_365 = arith.mulf %get3A_364, %pack3A_347 : vector<32xbf16>
          %swap3A_366 = arith.index_cast %add3A_344 : i32 to index
          %swap3A_367 = arith.constant 64 : index
          %swap3A_368 = tpu.vector_load %arg13[%swap3A_366, %swap3A_367] {strides = array<i32>} : memref<400x96xbf16, #tpu.memory_space<vmem>>, vector<32xbf16>,
          tpu.vector_store %arg13[%swap3A_366, %swap3A_367], %mul3A_365 {strides = array<i32>} : memref<400x96xbf16, #tpu.memory_space<vmem>>, vector<32xbf16>,
          %mul3A_369 = arith.constant 4 : i32
          %mul3A_370 = arith.muli %scan3A_284, %mul3A_369 : i32
          %add3A_371 = arith.constant 3 : i32
          %add3A_372 = arith.addi %mul3A_370, %add3A_371 : i32
          %broadcast_in_dim3A_373 = vector.broadcast %add3A_372 : i32 to vector<16xi32>
          %gather3A_374 = tpu.vector_load_idx %arg9[%broadcast_in_dim3A_373] : memref<400xf32, #tpu.memory_space<vmem>>[vector<16xi32>], vector<16xf32>,
          %pack3A_375 = tpu.pack_subelements %gather3A_374, %gather3A_374 {pack_format = #tpu.pack_format<interleaved>, positions = array<i32: 0, 1>} : vector<16xf32>, vector<16xf32> -> vector<32xbf16>
          %get3A_376 = arith.index_cast %add3A_372 : i32 to index
          %get3A_377 = arith.constant 0 : index
          %get3A_378 = tpu.vector_load %arg13[%get3A_376, %get3A_377] {strides = array<i32>} : memref<400x96xbf16, #tpu.memory_space<vmem>>, vector<32xbf16>,
          %mul3A_379 = arith.mulf %get3A_378, %pack3A_375 : vector<32xbf16>
          %swap3A_380 = arith.index_cast %add3A_372 : i32 to index
          %swap3A_381 = arith.constant 0 : index
          %swap3A_382 = tpu.vector_load %arg13[%swap3A_380, %swap3A_381] {strides = array<i32>} : memref<400x96xbf16, #tpu.memory_space<vmem>>, vector<32xbf16>,
          tpu.vector_store %arg13[%swap3A_380, %swap3A_381], %mul3A_379 {strides = array<i32>} : memref<400x96xbf16, #tpu.memory_space<vmem>>, vector<32xbf16>,
          %get3A_383 = arith.index_cast %add3A_372 : i32 to index
          %get3A_384 = arith.constant 32 : index
          %get3A_385 = tpu.vector_load %arg13[%get3A_383, %get3A_384] {strides = array<i32>} : memref<400x96xbf16, #tpu.memory_space<vmem>>, vector<32xbf16>,
          %mul3A_386 = arith.mulf %get3A_385, %pack3A_375 : vector<32xbf16>
          %swap3A_387 = arith.index_cast %add3A_372 : i32 to index
          %swap3A_388 = arith.constant 32 : index
          %swap3A_389 = tpu.vector_load %arg13[%swap3A_387, %swap3A_388] {strides = array<i32>} : memref<400x96xbf16, #tpu.memory_space<vmem>>, vector<32xbf16>,
          tpu.vector_store %arg13[%swap3A_387, %swap3A_388], %mul3A_386 {strides = array<i32>} : memref<400x96xbf16, #tpu.memory_space<vmem>>, vector<32xbf16>,
          %get3A_390 = arith.index_cast %add3A_372 : i32 to index
          %get3A_391 = arith.constant 64 : index
          %get3A_392 = tpu.vector_load %arg13[%get3A_390, %get3A_391] {strides = array<i32>} : memref<400x96xbf16, #tpu.memory_space<vmem>>, vector<32xbf16>,
          %mul3A_393 = arith.mulf %get3A_392, %pack3A_375 : vector<32xbf16>
          %swap3A_394 = arith.index_cast %add3A_372 : i32 to index
          %swap3A_395 = arith.constant 64 : index
          %swap3A_396 = tpu.vector_load %arg13[%swap3A_394, %swap3A_395] {strides = array<i32>} : memref<400x96xbf16, #tpu.memory_space<vmem>>, vector<32xbf16>,
          tpu.vector_store %arg13[%swap3A_394, %swap3A_395], %mul3A_393 {strides = array<i32>} : memref<400x96xbf16, #tpu.memory_space<vmem>>, vector<32xbf16>,
        }
        %scan3A_136 = arith.constant 100 : i32
        %dma_start3A_137 = arith.constant 0 : i32
        %dma_start3A_138 = tpu.memref_slice %arg7[%add3A_123, %dma_start3A_137] : memref<50x400xi32, #tpu.memory_space<vmem>> -> memref<1x400xi32, #tpu.memory_space<vmem>>
        %dma_start3A_139 = tpu.memref_squeeze %dma_start3A_138 : memref<1x400xi32, #tpu.memory_space<vmem>> -> memref<400xi32, #tpu.memory_space<vmem>>
        %dma_start3A_140 = arith.constant 0 : i32
        %dma_start3A_141 = arith.constant 0 : i32
        %dma_start3A_142 = tpu.memref_slice %arg21[%dma_start3A_140, %dma_start3A_141] : memref<10000x96xbf16, #tpu.memory_space<vmem_shared>> -> memref<10000x96xbf16, #tpu.memory_space<vmem_shared>>
        tpu.enqueue_indirect_dma source(%arg13 : memref<400x96xbf16, #tpu.memory_space<vmem>>) target(%dma_start3A_142 : memref<10000x96xbf16, #tpu.memory_space<vmem_shared>>) offsets(%dma_start3A_139 : memref<400xi32, #tpu.memory_space<vmem>>) semaphore(%arg19 : memref<!tpu.dma_semaphore, #tpu.memory_space<semaphore_mem>>) {add = true}
        %mul3A_143 = arith.constant 2 : i32
        %mul3A_144 = arith.muli %mul3A_143, %scan3A_119 : i32
        %add3A_145 = arith.constant 1 : i32
        %add3A_146 = arith.addi %mul3A_144, %add3A_145 : i32
        %dma_wait3A_147 = arith.constant 0 : i32
        %dma_wait3A_148 = arith.constant 0 : i32
        %dma_wait3A_149 = tpu.memref_slice %arg2[%dma_wait3A_147, %dma_wait3A_148] : memref<80000x96xbf16, #tpu.memory_space<hbm>> -> memref<80000x96xbf16, #tpu.memory_space<hbm>>
        tpu.wait_indirect_dma semaphore(%arg18 : memref<!tpu.dma_semaphore, #tpu.memory_space<semaphore_mem>>) src(%dma_wait3A_149 : memref<80000x96xbf16, #tpu.memory_space<hbm>>) dst(%arg14 : memref<400x96xbf16, #tpu.memory_space<vmem>>)
        %dma_wait3A_150 = arith.constant 0 : i32
        %dma_wait3A_151 = tpu.memref_slice %arg3[%dma_wait3A_150] : memref<2560000xf32, #tpu.memory_space<hbm>> -> memref<400xf32, #tpu.memory_space<hbm>>
        %dma_wait3A_152 = arith.constant 0 : i32
        %dma_wait3A_153 = tpu.memref_slice %arg3[%dma_wait3A_152] : memref<2560000xf32, #tpu.memory_space<hbm>> -> memref<400xf32, #tpu.memory_space<hbm>>
        tpu.wait_dma2 semaphore(%arg16 : memref<!tpu.dma_semaphore, #tpu.memory_space<semaphore_mem>>) src(%dma_wait3A_153 : memref<400xf32, #tpu.memory_space<hbm>>) dst(%arg10 : memref<400xf32, #tpu.memory_space<vmem>>)
        %scan3A_154 = arith.constant 0 : i32
        %scan3A_155 = arith.constant 0 : i32
        %scan3A_156 = arith.constant 100 : i32
        %scan3A_157 = arith.addi %scan3A_155, %scan3A_156 : i32
        %scan3A_158 = arith.constant 2 : i32
        scf.for %scan3A_173 = %scan3A_155 to %scan3A_157 step %scan3A_158  : i32 {
          %mul3A_174 = arith.constant 4 : i32
          %mul3A_175 = arith.muli %scan3A_173, %mul3A_174 : i32
          %add3A_176 = arith.constant 0 : i32
          %add3A_177 = arith.addi %mul3A_175, %add3A_176 : i32
          %broadcast_in_dim3A = vector.broadcast %add3A_177 : i32 to vector<16xi32>
          %gather3A = tpu.vector_load_idx %arg10[%broadcast_in_dim3A] : memref<400xf32, #tpu.memory_space<vmem>>[vector<16xi32>], vector<16xf32>,
          %pack3A = tpu.pack_subelements %gather3A, %gather3A {pack_format = #tpu.pack_format<interleaved>, positions = array<i32: 0, 1>} : vector<16xf32>, vector<16xf32> -> vector<32xbf16>
          %get3A_178 = arith.index_cast %add3A_177 : i32 to index
          %get3A_179 = arith.constant 0 : index
          %get3A_180 = tpu.vector_load %arg14[%get3A_178, %get3A_179] {strides = array<i32>} : memref<400x96xbf16, #tpu.memory_space<vmem>>, vector<32xbf16>,
          %mul3A_181 = arith.mulf %get3A_180, %pack3A : vector<32xbf16>
          %swap3A_182 = arith.index_cast %add3A_177 : i32 to index
          %swap3A_183 = arith.constant 0 : index
          %swap3A_184 = tpu.vector_load %arg14[%swap3A_182, %swap3A_183] {strides = array<i32>} : memref<400x96xbf16, #tpu.memory_space<vmem>>, vector<32xbf16>,
          tpu.vector_store %arg14[%swap3A_182, %swap3A_183], %mul3A_181 {strides = array<i32>} : memref<400x96xbf16, #tpu.memory_space<vmem>>, vector<32xbf16>,
          %get3A_185 = arith.index_cast %add3A_177 : i32 to index
          %get3A_186 = arith.constant 32 : index
          %get3A_187 = tpu.vector_load %arg14[%get3A_185, %get3A_186] {strides = array<i32>} : memref<400x96xbf16, #tpu.memory_space<vmem>>, vector<32xbf16>,
          %mul3A_188 = arith.mulf %get3A_187, %pack3A : vector<32xbf16>
          %swap3A_189 = arith.index_cast %add3A_177 : i32 to index
          %swap3A_190 = arith.constant 32 : index
          %swap3A_191 = tpu.vector_load %arg14[%swap3A_189, %swap3A_190] {strides = array<i32>} : memref<400x96xbf16, #tpu.memory_space<vmem>>, vector<32xbf16>,
          tpu.vector_store %arg14[%swap3A_189, %swap3A_190], %mul3A_188 {strides = array<i32>} : memref<400x96xbf16, #tpu.memory_space<vmem>>, vector<32xbf16>,
          %get3A_192 = arith.index_cast %add3A_177 : i32 to index
          %get3A_193 = arith.constant 64 : index
          %get3A_194 = tpu.vector_load %arg14[%get3A_192, %get3A_193] {strides = array<i32>} : memref<400x96xbf16, #tpu.memory_space<vmem>>, vector<32xbf16>,
          %mul3A_195 = arith.mulf %get3A_194, %pack3A : vector<32xbf16>
          %swap3A_196 = arith.index_cast %add3A_177 : i32 to index
          %swap3A_197 = arith.constant 64 : index
          %swap3A_198 = tpu.vector_load %arg14[%swap3A_196, %swap3A_197] {strides = array<i32>} : memref<400x96xbf16, #tpu.memory_space<vmem>>, vector<32xbf16>,
          tpu.vector_store %arg14[%swap3A_196, %swap3A_197], %mul3A_195 {strides = array<i32>} : memref<400x96xbf16, #tpu.memory_space<vmem>>, vector<32xbf16>,
          %mul3A_199 = arith.constant 4 : i32
          %mul3A_200 = arith.muli %scan3A_173, %mul3A_199 : i32
          %add3A_201 = arith.constant 1 : i32
          %add3A_202 = arith.addi %mul3A_200, %add3A_201 : i32
          %broadcast_in_dim3A_203 = vector.broadcast %add3A_202 : i32 to vector<16xi32>
          %gather3A_204 = tpu.vector_load_idx %arg10[%broadcast_in_dim3A_203] : memref<400xf32, #tpu.memory_space<vmem>>[vector<16xi32>], vector<16xf32>,
          %pack3A_205 = tpu.pack_subelements %gather3A_204, %gather3A_204 {pack_format = #tpu.pack_format<interleaved>, positions = array<i32: 0, 1>} : vector<16xf32>, vector<16xf32> -> vector<32xbf16>
          %get3A_206 = arith.index_cast %add3A_202 : i32 to index
          %get3A_207 = arith.constant 0 : index
          %get3A_208 = tpu.vector_load %arg14[%get3A_206, %get3A_207] {strides = array<i32>} : memref<400x96xbf16, #tpu.memory_space<vmem>>, vector<32xbf16>,
          %mul3A_209 = arith.mulf %get3A_208, %pack3A_205 : vector<32xbf16>
          %swap3A_210 = arith.index_cast %add3A_202 : i32 to index
          %swap3A_211 = arith.constant 0 : index
          %swap3A_212 = tpu.vector_load %arg14[%swap3A_210, %swap3A_211] {strides = array<i32>} : memref<400x96xbf16, #tpu.memory_space<vmem>>, vector<32xbf16>,
          tpu.vector_store %arg14[%swap3A_210, %swap3A_211], %mul3A_209 {strides = array<i32>} : memref<400x96xbf16, #tpu.memory_space<vmem>>, vector<32xbf16>,
          %get3A_213 = arith.index_cast %add3A_202 : i32 to index
          %get3A_214 = arith.constant 32 : index
          %get3A_215 = tpu.vector_load %arg14[%get3A_213, %get3A_214] {strides = array<i32>} : memref<400x96xbf16, #tpu.memory_space<vmem>>, vector<32xbf16>,
          %mul3A_216 = arith.mulf %get3A_215, %pack3A_205 : vector<32xbf16>
          %swap3A_217 = arith.index_cast %add3A_202 : i32 to index
          %swap3A_218 = arith.constant 32 : index
          %swap3A_219 = tpu.vector_load %arg14[%swap3A_217, %swap3A_218] {strides = array<i32>} : memref<400x96xbf16, #tpu.memory_space<vmem>>, vector<32xbf16>,
          tpu.vector_store %arg14[%swap3A_217, %swap3A_218], %mul3A_216 {strides = array<i32>} : memref<400x96xbf16, #tpu.memory_space<vmem>>, vector<32xbf16>,
          %get3A_220 = arith.index_cast %add3A_202 : i32 to index
          %get3A_221 = arith.constant 64 : index
          %get3A_222 = tpu.vector_load %arg14[%get3A_220, %get3A_221] {strides = array<i32>} : memref<400x96xbf16, #tpu.memory_space<vmem>>, vector<32xbf16>,
          %mul3A_223 = arith.mulf %get3A_222, %pack3A_205 : vector<32xbf16>
          %swap3A_224 = arith.index_cast %add3A_202 : i32 to index
          %swap3A_225 = arith.constant 64 : index
          %swap3A_226 = tpu.vector_load %arg14[%swap3A_224, %swap3A_225] {strides = array<i32>} : memref<400x96xbf16, #tpu.memory_space<vmem>>, vector<32xbf16>,
          tpu.vector_store %arg14[%swap3A_224, %swap3A_225], %mul3A_223 {strides = array<i32>} : memref<400x96xbf16, #tpu.memory_space<vmem>>, vector<32xbf16>,
          %mul3A_227 = arith.constant 4 : i32
          %mul3A_228 = arith.muli %scan3A_173, %mul3A_227 : i32
          %add3A_229 = arith.constant 2 : i32
          %add3A_230 = arith.addi %mul3A_228, %add3A_229 : i32
          %broadcast_in_dim3A_231 = vector.broadcast %add3A_230 : i32 to vector<16xi32>
          %gather3A_232 = tpu.vector_load_idx %arg10[%broadcast_in_dim3A_231] : memref<400xf32, #tpu.memory_space<vmem>>[vector<16xi32>], vector<16xf32>,
          %pack3A_233 = tpu.pack_subelements %gather3A_232, %gather3A_232 {pack_format = #tpu.pack_format<interleaved>, positions = array<i32: 0, 1>} : vector<16xf32>, vector<16xf32> -> vector<32xbf16>
          %get3A_234 = arith.index_cast %add3A_230 : i32 to index
          %get3A_235 = arith.constant 0 : index
          %get3A_236 = tpu.vector_load %arg14[%get3A_234, %get3A_235] {strides = array<i32>} : memref<400x96xbf16, #tpu.memory_space<vmem>>, vector<32xbf16>,
          %mul3A_237 = arith.mulf %get3A_236, %pack3A_233 : vector<32xbf16>
          %swap3A_238 = arith.index_cast %add3A_230 : i32 to index
          %swap3A_239 = arith.constant 0 : index
          %swap3A_240 = tpu.vector_load %arg14[%swap3A_238, %swap3A_239] {strides = array<i32>} : memref<400x96xbf16, #tpu.memory_space<vmem>>, vector<32xbf16>,
          tpu.vector_store %arg14[%swap3A_238, %swap3A_239], %mul3A_237 {strides = array<i32>} : memref<400x96xbf16, #tpu.memory_space<vmem>>, vector<32xbf16>,
          %get3A_241 = arith.index_cast %add3A_230 : i32 to index
          %get3A_242 = arith.constant 32 : index
          %get3A_243 = tpu.vector_load %arg14[%get3A_241, %get3A_242] {strides = array<i32>} : memref<400x96xbf16, #tpu.memory_space<vmem>>, vector<32xbf16>,
          %mul3A_244 = arith.mulf %get3A_243, %pack3A_233 : vector<32xbf16>
          %swap3A_245 = arith.index_cast %add3A_230 : i32 to index
          %swap3A_246 = arith.constant 32 : index
          %swap3A_247 = tpu.vector_load %arg14[%swap3A_245, %swap3A_246] {strides = array<i32>} : memref<400x96xbf16, #tpu.memory_space<vmem>>, vector<32xbf16>,
          tpu.vector_store %arg14[%swap3A_245, %swap3A_246], %mul3A_244 {strides = array<i32>} : memref<400x96xbf16, #tpu.memory_space<vmem>>, vector<32xbf16>,
          %get3A_248 = arith.index_cast %add3A_230 : i32 to index
          %get3A_249 = arith.constant 64 : index
          %get3A_250 = tpu.vector_load %arg14[%get3A_248, %get3A_249] {strides = array<i32>} : memref<400x96xbf16, #tpu.memory_space<vmem>>, vector<32xbf16>,
          %mul3A_251 = arith.mulf %get3A_250, %pack3A_233 : vector<32xbf16>
          %swap3A_252 = arith.index_cast %add3A_230 : i32 to index
          %swap3A_253 = arith.constant 64 : index
          %swap3A_254 = tpu.vector_load %arg14[%swap3A_252, %swap3A_253] {strides = array<i32>} : memref<400x96xbf16, #tpu.memory_space<vmem>>, vector<32xbf16>,
          tpu.vector_store %arg14[%swap3A_252, %swap3A_253], %mul3A_251 {strides = array<i32>} : memref<400x96xbf16, #tpu.memory_space<vmem>>, vector<32xbf16>,
          %mul3A_255 = arith.constant 4 : i32
          %mul3A_256 = arith.muli %scan3A_173, %mul3A_255 : i32
          %add3A_257 = arith.constant 3 : i32
          %add3A_258 = arith.addi %mul3A_256, %add3A_257 : i32
          %broadcast_in_dim3A_259 = vector.broadcast %add3A_258 : i32 to vector<16xi32>
          %gather3A_260 = tpu.vector_load_idx %arg10[%broadcast_in_dim3A_259] : memref<400xf32, #tpu.memory_space<vmem>>[vector<16xi32>], vector<16xf32>,
          %pack3A_261 = tpu.pack_subelements %gather3A_260, %gather3A_260 {pack_format = #tpu.pack_format<interleaved>, positions = array<i32: 0, 1>} : vector<16xf32>, vector<16xf32> -> vector<32xbf16>
          %get3A_262 = arith.index_cast %add3A_258 : i32 to index
          %get3A_263 = arith.constant 0 : index
          %get3A_264 = tpu.vector_load %arg14[%get3A_262, %get3A_263] {strides = array<i32>} : memref<400x96xbf16, #tpu.memory_space<vmem>>, vector<32xbf16>,
          %mul3A_265 = arith.mulf %get3A_264, %pack3A_261 : vector<32xbf16>
          %swap3A_266 = arith.index_cast %add3A_258 : i32 to index
          %swap3A_267 = arith.constant 0 : index
          %swap3A_268 = tpu.vector_load %arg14[%swap3A_266, %swap3A_267] {strides = array<i32>} : memref<400x96xbf16, #tpu.memory_space<vmem>>, vector<32xbf16>,
          tpu.vector_store %arg14[%swap3A_266, %swap3A_267], %mul3A_265 {strides = array<i32>} : memref<400x96xbf16, #tpu.memory_space<vmem>>, vector<32xbf16>,
          %get3A_269 = arith.index_cast %add3A_258 : i32 to index
          %get3A_270 = arith.constant 32 : index
          %get3A_271 = tpu.vector_load %arg14[%get3A_269, %get3A_270] {strides = array<i32>} : memref<400x96xbf16, #tpu.memory_space<vmem>>, vector<32xbf16>,
          %mul3A_272 = arith.mulf %get3A_271, %pack3A_261 : vector<32xbf16>
          %swap3A_273 = arith.index_cast %add3A_258 : i32 to index
          %swap3A_274 = arith.constant 32 : index
          %swap3A_275 = tpu.vector_load %arg14[%swap3A_273, %swap3A_274] {strides = array<i32>} : memref<400x96xbf16, #tpu.memory_space<vmem>>, vector<32xbf16>,
          tpu.vector_store %arg14[%swap3A_273, %swap3A_274], %mul3A_272 {strides = array<i32>} : memref<400x96xbf16, #tpu.memory_space<vmem>>, vector<32xbf16>,
          %get3A_276 = arith.index_cast %add3A_258 : i32 to index
          %get3A_277 = arith.constant 64 : index
          %get3A_278 = tpu.vector_load %arg14[%get3A_276, %get3A_277] {strides = array<i32>} : memref<400x96xbf16, #tpu.memory_space<vmem>>, vector<32xbf16>,
          %mul3A_279 = arith.mulf %get3A_278, %pack3A_261 : vector<32xbf16>
          %swap3A_280 = arith.index_cast %add3A_258 : i32 to index
          %swap3A_281 = arith.constant 64 : index
          %swap3A_282 = tpu.vector_load %arg14[%swap3A_280, %swap3A_281] {strides = array<i32>} : memref<400x96xbf16, #tpu.memory_space<vmem>>, vector<32xbf16>,
          tpu.vector_store %arg14[%swap3A_280, %swap3A_281], %mul3A_279 {strides = array<i32>} : memref<400x96xbf16, #tpu.memory_space<vmem>>, vector<32xbf16>,
          %scan3A_283 = arith.constant 1 : i32
          %scan3A_284 = arith.addi %scan3A_173, %scan3A_283 : i32
          %mul3A_285 = arith.constant 4 : i32
          %mul3A_286 = arith.muli %scan3A_284, %mul3A_285 : i32
          %add3A_287 = arith.constant 0 : i32
          %add3A_288 = arith.addi %mul3A_286, %add3A_287 : i32
          %broadcast_in_dim3A_289 = vector.broadcast %add3A_288 : i32 to vector<16xi32>
          %gather3A_290 = tpu.vector_load_idx %arg10[%broadcast_in_dim3A_289] : memref<400xf32, #tpu.memory_space<vmem>>[vector<16xi32>], vector<16xf32>,
          %pack3A_291 = tpu.pack_subelements %gather3A_290, %gather3A_290 {pack_format = #tpu.pack_format<interleaved>, positions = array<i32: 0, 1>} : vector<16xf32>, vector<16xf32> -> vector<32xbf16>
          %get3A_292 = arith.index_cast %add3A_288 : i32 to index
          %get3A_293 = arith.constant 0 : index
          %get3A_294 = tpu.vector_load %arg14[%get3A_292, %get3A_293] {strides = array<i32>} : memref<400x96xbf16, #tpu.memory_space<vmem>>, vector<32xbf16>,
          %mul3A_295 = arith.mulf %get3A_294, %pack3A_291 : vector<32xbf16>
          %swap3A_296 = arith.index_cast %add3A_288 : i32 to index
          %swap3A_297 = arith.constant 0 : index
          %swap3A_298 = tpu.vector_load %arg14[%swap3A_296, %swap3A_297] {strides = array<i32>} : memref<400x96xbf16, #tpu.memory_space<vmem>>, vector<32xbf16>,
          tpu.vector_store %arg14[%swap3A_296, %swap3A_297], %mul3A_295 {strides = array<i32>} : memref<400x96xbf16, #tpu.memory_space<vmem>>, vector<32xbf16>,
          %get3A_299 = arith.index_cast %add3A_288 : i32 to index
          %get3A_300 = arith.constant 32 : index
          %get3A_301 = tpu.vector_load %arg14[%get3A_299, %get3A_300] {strides = array<i32>} : memref<400x96xbf16, #tpu.memory_space<vmem>>, vector<32xbf16>,
          %mul3A_302 = arith.mulf %get3A_301, %pack3A_291 : vector<32xbf16>
          %swap3A_303 = arith.index_cast %add3A_288 : i32 to index
          %swap3A_304 = arith.constant 32 : index
          %swap3A_305 = tpu.vector_load %arg14[%swap3A_303, %swap3A_304] {strides = array<i32>} : memref<400x96xbf16, #tpu.memory_space<vmem>>, vector<32xbf16>,
          tpu.vector_store %arg14[%swap3A_303, %swap3A_304], %mul3A_302 {strides = array<i32>} : memref<400x96xbf16, #tpu.memory_space<vmem>>, vector<32xbf16>,
          %get3A_306 = arith.index_cast %add3A_288 : i32 to index
          %get3A_307 = arith.constant 64 : index
          %get3A_308 = tpu.vector_load %arg14[%get3A_306, %get3A_307] {strides = array<i32>} : memref<400x96xbf16, #tpu.memory_space<vmem>>, vector<32xbf16>,
          %mul3A_309 = arith.mulf %get3A_308, %pack3A_291 : vector<32xbf16>
          %swap3A_310 = arith.index_cast %add3A_288 : i32 to index
          %swap3A_311 = arith.constant 64 : index
          %swap3A_312 = tpu.vector_load %arg14[%swap3A_310, %swap3A_311] {strides = array<i32>} : memref<400x96xbf16, #tpu.memory_space<vmem>>, vector<32xbf16>,
          tpu.vector_store %arg14[%swap3A_310, %swap3A_311], %mul3A_309 {strides = array<i32>} : memref<400x96xbf16, #tpu.memory_space<vmem>>, vector<32xbf16>,
          %mul3A_313 = arith.constant 4 : i32
          %mul3A_314 = arith.muli %scan3A_284, %mul3A_313 : i32
          %add3A_315 = arith.constant 1 : i32
          %add3A_316 = arith.addi %mul3A_314, %add3A_315 : i32
          %broadcast_in_dim3A_317 = vector.broadcast %add3A_316 : i32 to vector<16xi32>
          %gather3A_318 = tpu.vector_load_idx %arg10[%broadcast_in_dim3A_317] : memref<400xf32, #tpu.memory_space<vmem>>[vector<16xi32>], vector<16xf32>,
          %pack3A_319 = tpu.pack_subelements %gather3A_318, %gather3A_318 {pack_format = #tpu.pack_format<interleaved>, positions = array<i32: 0, 1>} : vector<16xf32>, vector<16xf32> -> vector<32xbf16>
          %get3A_320 = arith.index_cast %add3A_316 : i32 to index
          %get3A_321 = arith.constant 0 : index
          %get3A_322 = tpu.vector_load %arg14[%get3A_320, %get3A_321] {strides = array<i32>} : memref<400x96xbf16, #tpu.memory_space<vmem>>, vector<32xbf16>,
          %mul3A_323 = arith.mulf %get3A_322, %pack3A_319 : vector<32xbf16>
          %swap3A_324 = arith.index_cast %add3A_316 : i32 to index
          %swap3A_325 = arith.constant 0 : index
          %swap3A_326 = tpu.vector_load %arg14[%swap3A_324, %swap3A_325] {strides = array<i32>} : memref<400x96xbf16, #tpu.memory_space<vmem>>, vector<32xbf16>,
          tpu.vector_store %arg14[%swap3A_324, %swap3A_325], %mul3A_323 {strides = array<i32>} : memref<400x96xbf16, #tpu.memory_space<vmem>>, vector<32xbf16>,
          %get3A_327 = arith.index_cast %add3A_316 : i32 to index
          %get3A_328 = arith.constant 32 : index
          %get3A_329 = tpu.vector_load %arg14[%get3A_327, %get3A_328] {strides = array<i32>} : memref<400x96xbf16, #tpu.memory_space<vmem>>, vector<32xbf16>,
          %mul3A_330 = arith.mulf %get3A_329, %pack3A_319 : vector<32xbf16>
          %swap3A_331 = arith.index_cast %add3A_316 : i32 to index
          %swap3A_332 = arith.constant 32 : index
          %swap3A_333 = tpu.vector_load %arg14[%swap3A_331, %swap3A_332] {strides = array<i32>} : memref<400x96xbf16, #tpu.memory_space<vmem>>, vector<32xbf16>,
          tpu.vector_store %arg14[%swap3A_331, %swap3A_332], %mul3A_330 {strides = array<i32>} : memref<400x96xbf16, #tpu.memory_space<vmem>>, vector<32xbf16>,
          %get3A_334 = arith.index_cast %add3A_316 : i32 to index
          %get3A_335 = arith.constant 64 : index
          %get3A_336 = tpu.vector_load %arg14[%get3A_334, %get3A_335] {strides = array<i32>} : memref<400x96xbf16, #tpu.memory_space<vmem>>, vector<32xbf16>,
          %mul3A_337 = arith.mulf %get3A_336, %pack3A_319 : vector<32xbf16>
          %swap3A_338 = arith.index_cast %add3A_316 : i32 to index
          %swap3A_339 = arith.constant 64 : index
          %swap3A_340 = tpu.vector_load %arg14[%swap3A_338, %swap3A_339] {strides = array<i32>} : memref<400x96xbf16, #tpu.memory_space<vmem>>, vector<32xbf16>,
          tpu.vector_store %arg14[%swap3A_338, %swap3A_339], %mul3A_337 {strides = array<i32>} : memref<400x96xbf16, #tpu.memory_space<vmem>>, vector<32xbf16>,
          %mul3A_341 = arith.constant 4 : i32
          %mul3A_342 = arith.muli %scan3A_284, %mul3A_341 : i32
          %add3A_343 = arith.constant 2 : i32
          %add3A_344 = arith.addi %mul3A_342, %add3A_343 : i32
          %broadcast_in_dim3A_345 = vector.broadcast %add3A_344 : i32 to vector<16xi32>
          %gather3A_346 = tpu.vector_load_idx %arg10[%broadcast_in_dim3A_345] : memref<400xf32, #tpu.memory_space<vmem>>[vector<16xi32>], vector<16xf32>,
          %pack3A_347 = tpu.pack_subelements %gather3A_346, %gather3A_346 {pack_format = #tpu.pack_format<interleaved>, positions = array<i32: 0, 1>} : vector<16xf32>, vector<16xf32> -> vector<32xbf16>
          %get3A_348 = arith.index_cast %add3A_344 : i32 to index
          %get3A_349 = arith.constant 0 : index
          %get3A_350 = tpu.vector_load %arg14[%get3A_348, %get3A_349] {strides = array<i32>} : memref<400x96xbf16, #tpu.memory_space<vmem>>, vector<32xbf16>,
          %mul3A_351 = arith.mulf %get3A_350, %pack3A_347 : vector<32xbf16>
          %swap3A_352 = arith.index_cast %add3A_344 : i32 to index
          %swap3A_353 = arith.constant 0 : index
          %swap3A_354 = tpu.vector_load %arg14[%swap3A_352, %swap3A_353] {strides = array<i32>} : memref<400x96xbf16, #tpu.memory_space<vmem>>, vector<32xbf16>,
          tpu.vector_store %arg14[%swap3A_352, %swap3A_353], %mul3A_351 {strides = array<i32>} : memref<400x96xbf16, #tpu.memory_space<vmem>>, vector<32xbf16>,
          %get3A_355 = arith.index_cast %add3A_344 : i32 to index
          %get3A_356 = arith.constant 32 : index
          %get3A_357 = tpu.vector_load %arg14[%get3A_355, %get3A_356] {strides = array<i32>} : memref<400x96xbf16, #tpu.memory_space<vmem>>, vector<32xbf16>,
          %mul3A_358 = arith.mulf %get3A_357, %pack3A_347 : vector<32xbf16>
          %swap3A_359 = arith.index_cast %add3A_344 : i32 to index
          %swap3A_360 = arith.constant 32 : index
          %swap3A_361 = tpu.vector_load %arg14[%swap3A_359, %swap3A_360] {strides = array<i32>} : memref<400x96xbf16, #tpu.memory_space<vmem>>, vector<32xbf16>,
          tpu.vector_store %arg14[%swap3A_359, %swap3A_360], %mul3A_358 {strides = array<i32>} : memref<400x96xbf16, #tpu.memory_space<vmem>>, vector<32xbf16>,
          %get3A_362 = arith.index_cast %add3A_344 : i32 to index
          %get3A_363 = arith.constant 64 : index
          %get3A_364 = tpu.vector_load %arg14[%get3A_362, %get3A_363] {strides = array<i32>} : memref<400x96xbf16, #tpu.memory_space<vmem>>, vector<32xbf16>,
          %mul3A_365 = arith.mulf %get3A_364, %pack3A_347 : vector<32xbf16>
          %swap3A_366 = arith.index_cast %add3A_344 : i32 to index
          %swap3A_367 = arith.constant 64 : index
          %swap3A_368 = tpu.vector_load %arg14[%swap3A_366, %swap3A_367] {strides = array<i32>} : memref<400x96xbf16, #tpu.memory_space<vmem>>, vector<32xbf16>,
          tpu.vector_store %arg14[%swap3A_366, %swap3A_367], %mul3A_365 {strides = array<i32>} : memref<400x96xbf16, #tpu.memory_space<vmem>>, vector<32xbf16>,
          %mul3A_369 = arith.constant 4 : i32
          %mul3A_370 = arith.muli %scan3A_284, %mul3A_369 : i32
          %add3A_371 = arith.constant 3 : i32
          %add3A_372 = arith.addi %mul3A_370, %add3A_371 : i32
          %broadcast_in_dim3A_373 = vector.broadcast %add3A_372 : i32 to vector<16xi32>
          %gather3A_374 = tpu.vector_load_idx %arg10[%broadcast_in_dim3A_373] : memref<400xf32, #tpu.memory_space<vmem>>[vector<16xi32>], vector<16xf32>,
          %pack3A_375 = tpu.pack_subelements %gather3A_374, %gather3A_374 {pack_format = #tpu.pack_format<interleaved>, positions = array<i32: 0, 1>} : vector<16xf32>, vector<16xf32> -> vector<32xbf16>
          %get3A_376 = arith.index_cast %add3A_372 : i32 to index
          %get3A_377 = arith.constant 0 : index
          %get3A_378 = tpu.vector_load %arg14[%get3A_376, %get3A_377] {strides = array<i32>} : memref<400x96xbf16, #tpu.memory_space<vmem>>, vector<32xbf16>,
          %mul3A_379 = arith.mulf %get3A_378, %pack3A_375 : vector<32xbf16>
          %swap3A_380 = arith.index_cast %add3A_372 : i32 to index
          %swap3A_381 = arith.constant 0 : index
          %swap3A_382 = tpu.vector_load %arg14[%swap3A_380, %swap3A_381] {strides = array<i32>} : memref<400x96xbf16, #tpu.memory_space<vmem>>, vector<32xbf16>,
          tpu.vector_store %arg14[%swap3A_380, %swap3A_381], %mul3A_379 {strides = array<i32>} : memref<400x96xbf16, #tpu.memory_space<vmem>>, vector<32xbf16>,
          %get3A_383 = arith.index_cast %add3A_372 : i32 to index
          %get3A_384 = arith.constant 32 : index
          %get3A_385 = tpu.vector_load %arg14[%get3A_383, %get3A_384] {strides = array<i32>} : memref<400x96xbf16, #tpu.memory_space<vmem>>, vector<32xbf16>,
          %mul3A_386 = arith.mulf %get3A_385, %pack3A_375 : vector<32xbf16>
          %swap3A_387 = arith.index_cast %add3A_372 : i32 to index
          %swap3A_388 = arith.constant 32 : index
          %swap3A_389 = tpu.vector_load %arg14[%swap3A_387, %swap3A_388] {strides = array<i32>} : memref<400x96xbf16, #tpu.memory_space<vmem>>, vector<32xbf16>,
          tpu.vector_store %arg14[%swap3A_387, %swap3A_388], %mul3A_386 {strides = array<i32>} : memref<400x96xbf16, #tpu.memory_space<vmem>>, vector<32xbf16>,
          %get3A_390 = arith.index_cast %add3A_372 : i32 to index
          %get3A_391 = arith.constant 64 : index
          %get3A_392 = tpu.vector_load %arg14[%get3A_390, %get3A_391] {strides = array<i32>} : memref<400x96xbf16, #tpu.memory_space<vmem>>, vector<32xbf16>,
          %mul3A_393 = arith.mulf %get3A_392, %pack3A_375 : vector<32xbf16>
          %swap3A_394 = arith.index_cast %add3A_372 : i32 to index
          %swap3A_395 = arith.constant 64 : index
          %swap3A_396 = tpu.vector_load %arg14[%swap3A_394, %swap3A_395] {strides = array<i32>} : memref<400x96xbf16, #tpu.memory_space<vmem>>, vector<32xbf16>,
          tpu.vector_store %arg14[%swap3A_394, %swap3A_395], %mul3A_393 {strides = array<i32>} : memref<400x96xbf16, #tpu.memory_space<vmem>>, vector<32xbf16>,
        }
        %scan3A_159 = arith.constant 100 : i32
        %dma_start3A_160 = arith.constant 0 : i32
        %dma_start3A_161 = tpu.memref_slice %arg7[%add3A_146, %dma_start3A_160] : memref<50x400xi32, #tpu.memory_space<vmem>> -> memref<1x400xi32, #tpu.memory_space<vmem>>
        %dma_start3A_162 = tpu.memref_squeeze %dma_start3A_161 : memref<1x400xi32, #tpu.memory_space<vmem>> -> memref<400xi32, #tpu.memory_space<vmem>>
        %dma_start3A_163 = arith.constant 0 : i32
        %dma_start3A_164 = arith.constant 0 : i32
        %dma_start3A_165 = tpu.memref_slice %arg21[%dma_start3A_163, %dma_start3A_164] : memref<10000x96xbf16, #tpu.memory_space<vmem_shared>> -> memref<10000x96xbf16, #tpu.memory_space<vmem_shared>>
        tpu.enqueue_indirect_dma source(%arg14 : memref<400x96xbf16, #tpu.memory_space<vmem>>) target(%dma_start3A_165 : memref<10000x96xbf16, #tpu.memory_space<vmem_shared>>) offsets(%dma_start3A_162 : memref<400xi32, #tpu.memory_space<vmem>>) semaphore(%arg20 : memref<!tpu.dma_semaphore, #tpu.memory_space<semaphore_mem>>) {add = true}
        %add3A_166 = arith.constant 1 : i32
        %add3A_167 = arith.addi %scan3A_119, %add3A_166 : i32
        %lt3A_168 = arith.constant 25 : i32
        %lt3A_169 = arith.cmpi slt, %add3A_167, %lt3A_168 : i32
        %convert_element_type3A_170 = arith.extui %lt3A_169 : i1 to i32
        %cond3A_171 = arith.constant 0 : i32
        %cond3A_172 = arith.cmpi ne, %convert_element_type3A_170, %cond3A_171 : i32
        scf.if %cond3A_172 {
          %add3A_173 = arith.constant 1 : i32
          %add3A_174 = arith.addi %scan3A_119, %add3A_173 : i32
          %mul3A_175 = arith.constant 2 : i32
          %mul3A_176 = arith.muli %mul3A_175, %add3A_174 : i32
          %add3A_177 = arith.constant 0 : i32
          %add3A_178 = arith.addi %mul3A_176, %add3A_177 : i32
          %dma_wait3A_179 = arith.constant 0 : i32
          %dma_wait3A_180 = arith.constant 0 : i32
          %dma_wait3A_181 = tpu.memref_slice %arg7[%dma_wait3A_179, %dma_wait3A_180] : memref<50x400xi32, #tpu.memory_space<vmem>> -> memref<1x400xi32, #tpu.memory_space<vmem>>
          %dma_wait3A_182 = tpu.memref_squeeze %dma_wait3A_181 : memref<1x400xi32, #tpu.memory_space<vmem>> -> memref<400xi32, #tpu.memory_space<vmem>>
          %dma_wait3A_183 = arith.constant 0 : i32
          %dma_wait3A_184 = arith.constant 0 : i32
          %dma_wait3A_185 = tpu.memref_slice %arg21[%dma_wait3A_183, %dma_wait3A_184] : memref<10000x96xbf16, #tpu.memory_space<vmem_shared>> -> memref<10000x96xbf16, #tpu.memory_space<vmem_shared>>
          tpu.wait_indirect_dma semaphore(%arg19 : memref<!tpu.dma_semaphore, #tpu.memory_space<semaphore_mem>>) src(%arg13 : memref<400x96xbf16, #tpu.memory_space<vmem>>) dst(%dma_wait3A_185 : memref<10000x96xbf16, #tpu.memory_space<vmem_shared>>)
          %mul3A_186 = arith.constant 320000 : i32
          %mul3A_187 = arith.muli %add3A, %mul3A_186 : i32
          %add3A_188 = arith.addi %mul3A_2, %add3A_178 : i32
          %mul3A_189 = arith.constant 400 : i32
          %mul3A_190 = arith.muli %add3A_188, %mul3A_189 : i32
          %add3A_191 = arith.addi %mul3A_187, %mul3A_190 : i32
          %dma_start3A_192 = tpu.memref_slice %arg3[%add3A_191] : memref<2560000xf32, #tpu.memory_space<hbm>> -> memref<400xf32, #tpu.memory_space<hbm>>
          %dma_start3A_193 = tpu.memref_slice %arg3[%add3A_191] : memref<2560000xf32, #tpu.memory_space<hbm>> -> memref<400xf32, #tpu.memory_space<hbm>>
          tpu.enqueue_dma source(%dma_start3A_193 : memref<400xf32, #tpu.memory_space<hbm>>) target(%arg9 : memref<400xf32, #tpu.memory_space<vmem>>) target_semaphore(%arg15 : memref<!tpu.dma_semaphore, #tpu.memory_space<semaphore_mem>>)
          %scan3A_194 = arith.constant 0 : i32
          %scan3A_195 = arith.constant 0 : i32
          %scan3A_196 = arith.constant 24 : i32
          %scan3A_197 = arith.addi %scan3A_195, %scan3A_196 : i32
          %scan3A_198 = arith.constant 2 : i32
          scf.for %scan3A_263 = %scan3A_195 to %scan3A_197 step %scan3A_198  : i32 {
            %mul3A_264 = arith.constant 16 : i32
            %mul3A_265 = arith.muli %scan3A_263, %mul3A_264 : i32
            %get3A_266 = arith.index_cast %add3A_178 : i32 to index
            %get3A_267 = arith.index_cast %mul3A_265 : i32 to index
            %get3A_268 = tpu.vector_load %arg8[%get3A_266, %get3A_267] {strides = array<i32>} : memref<50x400xi32, #tpu.memory_space<vmem>>, vector<16xi32>,
            %mul3A_269 = arith.constant 10000 : i32
            %mul3A_270 = arith.muli %add3A, %mul3A_269 : i32
            %add3A_271 = vector.broadcast %mul3A_270 : i32 to vector<16xi32>
            %add3A_272 = arith.addi %get3A_268, %add3A_271 : vector<16xi32>
            %mul3A_273 = arith.constant 16 : i32
            %mul3A_274 = arith.muli %scan3A_263, %mul3A_273 : i32
            %swap3A_275 = arith.index_cast %mul3A_274 : i32 to index
            %swap3A_276 = tpu.vector_load %arg11[%swap3A_275] {strides = array<i32>} : memref<400xi32, #tpu.memory_space<vmem>>, vector<16xi32>,
            tpu.vector_store %arg11[%swap3A_275], %add3A_272 {strides = array<i32>} : memref<400xi32, #tpu.memory_space<vmem>>, vector<16xi32>,
            %scan3A_277 = arith.constant 1 : i32
            %scan3A_278 = arith.addi %scan3A_263, %scan3A_277 : i32
            %mul3A_279 = arith.constant 16 : i32
            %mul3A_280 = arith.muli %scan3A_278, %mul3A_279 : i32
            %get3A_281 = arith.index_cast %add3A_178 : i32 to index
            %get3A_282 = arith.index_cast %mul3A_280 : i32 to index
            %get3A_283 = tpu.vector_load %arg8[%get3A_281, %get3A_282] {strides = array<i32>} : memref<50x400xi32, #tpu.memory_space<vmem>>, vector<16xi32>,
            %mul3A_284 = arith.constant 10000 : i32
            %mul3A_285 = arith.muli %add3A, %mul3A_284 : i32
            %add3A_286 = vector.broadcast %mul3A_285 : i32 to vector<16xi32>
            %add3A_287 = arith.addi %get3A_283, %add3A_286 : vector<16xi32>
            %mul3A_288 = arith.constant 16 : i32
            %mul3A_289 = arith.muli %scan3A_278, %mul3A_288 : i32
            %swap3A_290 = arith.index_cast %mul3A_289 : i32 to index
            %swap3A_291 = tpu.vector_load %arg11[%swap3A_290] {strides = array<i32>} : memref<400xi32, #tpu.memory_space<vmem>>, vector<16xi32>,
            tpu.vector_store %arg11[%swap3A_290], %add3A_287 {strides = array<i32>} : memref<400xi32, #tpu.memory_space<vmem>>, vector<16xi32>,
          }
          %scan3A_199 = arith.constant 24 : i32
          %scan3A_200 = arith.addi %scan3A_195, %scan3A_199 : i32
          %mul3A_201 = arith.constant 16 : i32
          %mul3A_202 = arith.muli %scan3A_200, %mul3A_201 : i32
          %get3A_203 = arith.index_cast %add3A_178 : i32 to index
          %get3A_204 = arith.index_cast %mul3A_202 : i32 to index
          %get3A_205 = tpu.vector_load %arg8[%get3A_203, %get3A_204] {strides = array<i32>} : memref<50x400xi32, #tpu.memory_space<vmem>>, vector<16xi32>,
          %mul3A_206 = arith.constant 10000 : i32
          %mul3A_207 = arith.muli %add3A, %mul3A_206 : i32
          %add3A_208 = vector.broadcast %mul3A_207 : i32 to vector<16xi32>
          %add3A_209 = arith.addi %get3A_205, %add3A_208 : vector<16xi32>
          %mul3A_210 = arith.constant 16 : i32
          %mul3A_211 = arith.muli %scan3A_200, %mul3A_210 : i32
          %swap3A_212 = arith.index_cast %mul3A_211 : i32 to index
          %swap3A_213 = tpu.vector_load %arg11[%swap3A_212] {strides = array<i32>} : memref<400xi32, #tpu.memory_space<vmem>>, vector<16xi32>,
          tpu.vector_store %arg11[%swap3A_212], %add3A_209 {strides = array<i32>} : memref<400xi32, #tpu.memory_space<vmem>>, vector<16xi32>,
          %scan3A_214 = arith.constant 25 : i32
          %dma_start3A_215 = arith.constant 0 : i32
          %dma_start3A_216 = arith.constant 0 : i32
          %dma_start3A_217 = tpu.memref_slice %arg2[%dma_start3A_215, %dma_start3A_216] : memref<80000x96xbf16, #tpu.memory_space<hbm>> -> memref<80000x96xbf16, #tpu.memory_space<hbm>>
          tpu.enqueue_indirect_dma source(%dma_start3A_217 : memref<80000x96xbf16, #tpu.memory_space<hbm>>) target(%arg13 : memref<400x96xbf16, #tpu.memory_space<vmem>>) offsets(%arg11 : memref<400xi32, #tpu.memory_space<vmem>>) semaphore(%arg17 : memref<!tpu.dma_semaphore, #tpu.memory_space<semaphore_mem>>)
          %add3A_218 = arith.constant 1 : i32
          %add3A_219 = arith.addi %scan3A_119, %add3A_218 : i32
          %mul3A_220 = arith.constant 2 : i32
          %mul3A_221 = arith.muli %mul3A_220, %add3A_219 : i32
          %add3A_222 = arith.constant 1 : i32
          %add3A_223 = arith.addi %mul3A_221, %add3A_222 : i32
          %dma_wait3A_224 = arith.constant 0 : i32
          %dma_wait3A_225 = arith.constant 0 : i32
          %dma_wait3A_226 = tpu.memref_slice %arg7[%dma_wait3A_224, %dma_wait3A_225] : memref<50x400xi32, #tpu.memory_space<vmem>> -> memref<1x400xi32, #tpu.memory_space<vmem>>
          %dma_wait3A_227 = tpu.memref_squeeze %dma_wait3A_226 : memref<1x400xi32, #tpu.memory_space<vmem>> -> memref<400xi32, #tpu.memory_space<vmem>>
          %dma_wait3A_228 = arith.constant 0 : i32
          %dma_wait3A_229 = arith.constant 0 : i32
          %dma_wait3A_230 = tpu.memref_slice %arg21[%dma_wait3A_228, %dma_wait3A_229] : memref<10000x96xbf16, #tpu.memory_space<vmem_shared>> -> memref<10000x96xbf16, #tpu.memory_space<vmem_shared>>
          tpu.wait_indirect_dma semaphore(%arg20 : memref<!tpu.dma_semaphore, #tpu.memory_space<semaphore_mem>>) src(%arg14 : memref<400x96xbf16, #tpu.memory_space<vmem>>) dst(%dma_wait3A_230 : memref<10000x96xbf16, #tpu.memory_space<vmem_shared>>)
          %mul3A_231 = arith.constant 320000 : i32
          %mul3A_232 = arith.muli %add3A, %mul3A_231 : i32
          %add3A_233 = arith.addi %mul3A_2, %add3A_223 : i32
          %mul3A_234 = arith.constant 400 : i32
          %mul3A_235 = arith.muli %add3A_233, %mul3A_234 : i32
          %add3A_236 = arith.addi %mul3A_232, %mul3A_235 : i32
          %dma_start3A_237 = tpu.memref_slice %arg3[%add3A_236] : memref<2560000xf32, #tpu.memory_space<hbm>> -> memref<400xf32, #tpu.memory_space<hbm>>
          %dma_start3A_238 = tpu.memref_slice %arg3[%add3A_236] : memref<2560000xf32, #tpu.memory_space<hbm>> -> memref<400xf32, #tpu.memory_space<hbm>>
          tpu.enqueue_dma source(%dma_start3A_238 : memref<400xf32, #tpu.memory_space<hbm>>) target(%arg10 : memref<400xf32, #tpu.memory_space<vmem>>) target_semaphore(%arg16 : memref<!tpu.dma_semaphore, #tpu.memory_space<semaphore_mem>>)
          %scan3A_239 = arith.constant 0 : i32
          %scan3A_240 = arith.constant 0 : i32
          %scan3A_241 = arith.constant 24 : i32
          %scan3A_242 = arith.addi %scan3A_240, %scan3A_241 : i32
          %scan3A_243 = arith.constant 2 : i32
          scf.for %scan3A_263 = %scan3A_240 to %scan3A_242 step %scan3A_243  : i32 {
            %mul3A_264 = arith.constant 16 : i32
            %mul3A_265 = arith.muli %scan3A_263, %mul3A_264 : i32
            %get3A_266 = arith.index_cast %add3A_223 : i32 to index
            %get3A_267 = arith.index_cast %mul3A_265 : i32 to index
            %get3A_268 = tpu.vector_load %arg8[%get3A_266, %get3A_267] {strides = array<i32>} : memref<50x400xi32, #tpu.memory_space<vmem>>, vector<16xi32>,
            %mul3A_269 = arith.constant 10000 : i32
            %mul3A_270 = arith.muli %add3A, %mul3A_269 : i32
            %add3A_271 = vector.broadcast %mul3A_270 : i32 to vector<16xi32>
            %add3A_272 = arith.addi %get3A_268, %add3A_271 : vector<16xi32>
            %mul3A_273 = arith.constant 16 : i32
            %mul3A_274 = arith.muli %scan3A_263, %mul3A_273 : i32
            %swap3A_275 = arith.index_cast %mul3A_274 : i32 to index
            %swap3A_276 = tpu.vector_load %arg12[%swap3A_275] {strides = array<i32>} : memref<400xi32, #tpu.memory_space<vmem>>, vector<16xi32>,
            tpu.vector_store %arg12[%swap3A_275], %add3A_272 {strides = array<i32>} : memref<400xi32, #tpu.memory_space<vmem>>, vector<16xi32>,
            %scan3A_277 = arith.constant 1 : i32
            %scan3A_278 = arith.addi %scan3A_263, %scan3A_277 : i32
            %mul3A_279 = arith.constant 16 : i32
            %mul3A_280 = arith.muli %scan3A_278, %mul3A_279 : i32
            %get3A_281 = arith.index_cast %add3A_223 : i32 to index
            %get3A_282 = arith.index_cast %mul3A_280 : i32 to index
            %get3A_283 = tpu.vector_load %arg8[%get3A_281, %get3A_282] {strides = array<i32>} : memref<50x400xi32, #tpu.memory_space<vmem>>, vector<16xi32>,
            %mul3A_284 = arith.constant 10000 : i32
            %mul3A_285 = arith.muli %add3A, %mul3A_284 : i32
            %add3A_286 = vector.broadcast %mul3A_285 : i32 to vector<16xi32>
            %add3A_287 = arith.addi %get3A_283, %add3A_286 : vector<16xi32>
            %mul3A_288 = arith.constant 16 : i32
            %mul3A_289 = arith.muli %scan3A_278, %mul3A_288 : i32
            %swap3A_290 = arith.index_cast %mul3A_289 : i32 to index
            %swap3A_291 = tpu.vector_load %arg12[%swap3A_290] {strides = array<i32>} : memref<400xi32, #tpu.memory_space<vmem>>, vector<16xi32>,
            tpu.vector_store %arg12[%swap3A_290], %add3A_287 {strides = array<i32>} : memref<400xi32, #tpu.memory_space<vmem>>, vector<16xi32>,
          }
          %scan3A_244 = arith.constant 24 : i32
          %scan3A_245 = arith.addi %scan3A_240, %scan3A_244 : i32
          %mul3A_246 = arith.constant 16 : i32
          %mul3A_247 = arith.muli %scan3A_245, %mul3A_246 : i32
          %get3A_248 = arith.index_cast %add3A_223 : i32 to index
          %get3A_249 = arith.index_cast %mul3A_247 : i32 to index
          %get3A_250 = tpu.vector_load %arg8[%get3A_248, %get3A_249] {strides = array<i32>} : memref<50x400xi32, #tpu.memory_space<vmem>>, vector<16xi32>,
          %mul3A_251 = arith.constant 10000 : i32
          %mul3A_252 = arith.muli %add3A, %mul3A_251 : i32
          %add3A_253 = vector.broadcast %mul3A_252 : i32 to vector<16xi32>
          %add3A_254 = arith.addi %get3A_250, %add3A_253 : vector<16xi32>
          %mul3A_255 = arith.constant 16 : i32
          %mul3A_256 = arith.muli %scan3A_245, %mul3A_255 : i32
          %swap3A_257 = arith.index_cast %mul3A_256 : i32 to index
          %swap3A_258 = tpu.vector_load %arg12[%swap3A_257] {strides = array<i32>} : memref<400xi32, #tpu.memory_space<vmem>>, vector<16xi32>,
          tpu.vector_store %arg12[%swap3A_257], %add3A_254 {strides = array<i32>} : memref<400xi32, #tpu.memory_space<vmem>>, vector<16xi32>,
          %scan3A_259 = arith.constant 25 : i32
          %dma_start3A_260 = arith.constant 0 : i32
          %dma_start3A_261 = arith.constant 0 : i32
          %dma_start3A_262 = tpu.memref_slice %arg2[%dma_start3A_260, %dma_start3A_261] : memref<80000x96xbf16, #tpu.memory_space<hbm>> -> memref<80000x96xbf16, #tpu.memory_space<hbm>>
          tpu.enqueue_indirect_dma source(%dma_start3A_262 : memref<80000x96xbf16, #tpu.memory_space<hbm>>) target(%arg14 : memref<400x96xbf16, #tpu.memory_space<vmem>>) offsets(%arg12 : memref<400xi32, #tpu.memory_space<vmem>>) semaphore(%arg18 : memref<!tpu.dma_semaphore, #tpu.memory_space<semaphore_mem>>)
        } else {
        }
      }
      %scan3A_93 = arith.constant 25 : i32
      %dma_wait3A = arith.constant 0 : i32
      %dma_wait3A_94 = arith.constant 0 : i32
      %dma_wait3A_95 = tpu.memref_slice %arg7[%dma_wait3A, %dma_wait3A_94] : memref<50x400xi32, #tpu.memory_space<vmem>> -> memref<1x400xi32, #tpu.memory_space<vmem>>
      %dma_wait3A_96 = tpu.memref_squeeze %dma_wait3A_95 : memref<1x400xi32, #tpu.memory_space<vmem>> -> memref<400xi32, #tpu.memory_space<vmem>>
      %dma_wait3A_97 = arith.constant 0 : i32
      %dma_wait3A_98 = arith.constant 0 : i32
      %dma_wait3A_99 = tpu.memref_slice %arg21[%dma_wait3A_97, %dma_wait3A_98] : memref<10000x96xbf16, #tpu.memory_space<vmem_shared>> -> memref<10000x96xbf16, #tpu.memory_space<vmem_shared>>
      tpu.wait_indirect_dma semaphore(%arg19 : memref<!tpu.dma_semaphore, #tpu.memory_space<semaphore_mem>>) src(%arg13 : memref<400x96xbf16, #tpu.memory_space<vmem>>) dst(%dma_wait3A_99 : memref<10000x96xbf16, #tpu.memory_space<vmem_shared>>)
      %dma_wait3A_100 = arith.constant 0 : i32
      %dma_wait3A_101 = arith.constant 0 : i32
      %dma_wait3A_102 = tpu.memref_slice %arg7[%dma_wait3A_100, %dma_wait3A_101] : memref<50x400xi32, #tpu.memory_space<vmem>> -> memref<1x400xi32, #tpu.memory_space<vmem>>
      %dma_wait3A_103 = tpu.memref_squeeze %dma_wait3A_102 : memref<1x400xi32, #tpu.memory_space<vmem>> -> memref<400xi32, #tpu.memory_space<vmem>>
      %dma_wait3A_104 = arith.constant 0 : i32
      %dma_wait3A_105 = arith.constant 0 : i32
      %dma_wait3A_106 = tpu.memref_slice %arg21[%dma_wait3A_104, %dma_wait3A_105] : memref<10000x96xbf16, #tpu.memory_space<vmem_shared>> -> memref<10000x96xbf16, #tpu.memory_space<vmem_shared>>
      tpu.wait_indirect_dma semaphore(%arg20 : memref<!tpu.dma_semaphore, #tpu.memory_space<semaphore_mem>>) src(%arg14 : memref<400x96xbf16, #tpu.memory_space<vmem>>) dst(%dma_wait3A_106 : memref<10000x96xbf16, #tpu.memory_space<vmem_shared>>)
      %barrier3A_107 = arith.constant 0 : index
      tpu.barrier barrier_id(%barrier3A_107)
      %lt3A_108 = arith.constant 15 : i32
      %lt3A_109 = arith.cmpi slt, %arg1, %lt3A_108 : i32
      %convert_element_type3A_110 = arith.extui %lt3A_109 : i1 to i32
      %cond3A_111 = arith.constant 0 : i32
      %cond3A_112 = arith.cmpi ne, %convert_element_type3A_110, %cond3A_111 : i32
      scf.if %cond3A_112 {
        %mul3A_119 = arith.constant 10000 : i32
        %mul3A_120 = arith.muli %add3A, %mul3A_119 : i32
        %add3A_121 = arith.addi %mul3A_120, %mul3A_0 : i32
        "tpu.region"() ({
          %run_scoped3A = tpu.sem_alloc : memref<!tpu.dma_semaphore, #tpu.memory_space<semaphore_mem>>
          %dma_start3A_122 = arith.constant 0 : i32
          %dma_start3A_123 = tpu.memref_slice %arg6[%add3A_121, %dma_start3A_122] : memref<80000x96xbf16, #tpu.memory_space<hbm>> -> memref<640x96xbf16, #tpu.memory_space<hbm>>
          %dma_start3A_124 = arith.constant 0 : i32
          %dma_start3A_125 = tpu.memref_slice %arg21[%mul3A_0, %dma_start3A_124] : memref<10000x96xbf16, #tpu.memory_space<vmem_shared>> -> memref<640x96xbf16, #tpu.memory_space<vmem_shared>>
          tpu.enqueue_dma source(%dma_start3A_125 : memref<640x96xbf16, #tpu.memory_space<vmem_shared>>) target(%dma_start3A_123 : memref<640x96xbf16, #tpu.memory_space<hbm>>) target_semaphore(%run_scoped3A : memref<!tpu.dma_semaphore, #tpu.memory_space<semaphore_mem>>)
          %dma_wait3A_126 = arith.constant 0 : i32
          %dma_wait3A_127 = tpu.memref_slice %arg6[%add3A_121, %dma_wait3A_126] : memref<80000x96xbf16, #tpu.memory_space<hbm>> -> memref<640x96xbf16, #tpu.memory_space<hbm>>
          %dma_wait3A_128 = arith.constant 0 : i32
          %dma_wait3A_129 = tpu.memref_slice %arg21[%mul3A_0, %dma_wait3A_128] : memref<10000x96xbf16, #tpu.memory_space<vmem_shared>> -> memref<640x96xbf16, #tpu.memory_space<vmem_shared>>
          tpu.wait_dma2 semaphore(%run_scoped3A : memref<!tpu.dma_semaphore, #tpu.memory_space<semaphore_mem>>) src(%dma_wait3A_129 : memref<640x96xbf16, #tpu.memory_space<vmem_shared>>) dst(%dma_wait3A_127 : memref<640x96xbf16, #tpu.memory_space<hbm>>)
          tpu.yield
        }) : () -> ()
      } else {
      }
      %eq3A_113 = arith.constant 15 : i32
      %eq3A_114 = arith.cmpi eq, %arg1, %eq3A_113 : i32
      %convert_element_type3A_115 = arith.extui %eq3A_114 : i1 to i32
      %cond3A_116 = arith.constant 0 : i32
      %cond3A_117 = arith.cmpi ne, %convert_element_type3A_115, %cond3A_116 : i32
      scf.if %cond3A_117 {
        %mul3A_119 = arith.constant 10000 : i32
        %mul3A_120 = arith.muli %add3A, %mul3A_119 : i32
        %add3A_121 = arith.constant 9600 : i32
        %add3A_122 = arith.addi %mul3A_120, %add3A_121 : i32
        "tpu.region"() ({
          %run_scoped3A = tpu.sem_alloc : memref<!tpu.dma_semaphore, #tpu.memory_space<semaphore_mem>>
          %dma_start3A_123 = arith.constant 0 : i32
          %dma_start3A_124 = tpu.memref_slice %arg6[%add3A_122, %dma_start3A_123] : memref<80000x96xbf16, #tpu.memory_space<hbm>> -> memref<400x96xbf16, #tpu.memory_space<hbm>>
          %dma_start3A_125 = arith.constant 9600 : i32
          %dma_start3A_126 = arith.constant 0 : i32
          %dma_start3A_127 = tpu.memref_slice %arg21[%dma_start3A_125, %dma_start3A_126] : memref<10000x96xbf16, #tpu.memory_space<vmem_shared>> -> memref<400x96xbf16, #tpu.memory_space<vmem_shared>>
          tpu.enqueue_dma source(%dma_start3A_127 : memref<400x96xbf16, #tpu.memory_space<vmem_shared>>) target(%dma_start3A_124 : memref<400x96xbf16, #tpu.memory_space<hbm>>) target_semaphore(%run_scoped3A : memref<!tpu.dma_semaphore, #tpu.memory_space<semaphore_mem>>)
          %dma_wait3A_128 = arith.constant 0 : i32
          %dma_wait3A_129 = tpu.memref_slice %arg6[%add3A_122, %dma_wait3A_128] : memref<80000x96xbf16, #tpu.memory_space<hbm>> -> memref<400x96xbf16, #tpu.memory_space<hbm>>
          %dma_wait3A_130 = arith.constant 9600 : i32
          %dma_wait3A_131 = arith.constant 0 : i32
          %dma_wait3A_132 = tpu.memref_slice %arg21[%dma_wait3A_130, %dma_wait3A_131] : memref<10000x96xbf16, #tpu.memory_space<vmem_shared>> -> memref<400x96xbf16, #tpu.memory_space<vmem_shared>>
          tpu.wait_dma2 semaphore(%run_scoped3A : memref<!tpu.dma_semaphore, #tpu.memory_space<semaphore_mem>>) src(%dma_wait3A_132 : memref<400x96xbf16, #tpu.memory_space<vmem_shared>>) dst(%dma_wait3A_129 : memref<400x96xbf16, #tpu.memory_space<hbm>>)
          tpu.yield
        }) : () -> ()
      } else {
      }
      %barrier3A_118 = arith.constant 0 : index
      tpu.barrier barrier_id(%barrier3A_118)
    }
    %scan3A_7 = arith.constant 4 : i32
    return
  }
}

#map = affine_map<(d0, d1) -> (0)>
#map1 = affine_map<(d0, d1) -> (0, 0)>
module attributes {stable_mosaic.version = 14 : i64} {
  func.func @_wpre_body(%arg0: i32, %arg1: i32, %arg2: memref<160000xf32, #tpu.memory_space<hbm>>, %arg3: memref<800x400xi32, #tpu.memory_space<hbm>>, %arg4: memref<800x400xi32, #tpu.memory_space<hbm>>, %arg5: memref<2560000xf32, #tpu.memory_space<hbm>>, %arg6: memref<10000xf32, #tpu.memory_space<vmem>>, %arg7: memref<10000xf32, #tpu.memory_space<vmem>>, %arg8: memref<50x400xi32, #tpu.memory_space<vmem>>, %arg9: memref<50x400xi32, #tpu.memory_space<vmem>>, %arg10: memref<400xf32, #tpu.memory_space<vmem>>, %arg11: memref<400xf32, #tpu.memory_space<vmem>>, %arg12: memref<!tpu.dma_semaphore, #tpu.memory_space<semaphore_mem>>, %arg13: memref<!tpu.dma_semaphore, #tpu.memory_space<semaphore_mem>>) attributes {dimension_semantics = [#tpu.dimension_semantics<core_parallel>, #tpu.dimension_semantics<subcore_parallel>], iteration_bounds = array<i64: 2, 16>, scalar_prefetch = 0 : i64, scratch_operands = 8 : i64, tpu.core_type = #tpu.core_type<sc_vector_subcore>, window_params = [{transform_indices = #map}, {transform_indices = #map1}, {transform_indices = #map1}, {transform_indices = #map}]} {
    %mul3A = arith.constant 50 : i32
    %mul3A_0 = arith.muli %arg1, %mul3A : i32
    "tpu.region"() ({
      %run_scoped3A = tpu.sem_alloc : memref<!tpu.dma_semaphore, #tpu.memory_space<semaphore_mem>>
      %dma_start3A = arith.constant 0 : i32
      %dma_start3A_8 = tpu.memref_slice %arg3[%mul3A_0, %dma_start3A] : memref<800x400xi32, #tpu.memory_space<hbm>> -> memref<50x400xi32, #tpu.memory_space<hbm>>
      %dma_start3A_9 = arith.constant 0 : i32
      %dma_start3A_10 = tpu.memref_slice %arg3[%mul3A_0, %dma_start3A_9] : memref<800x400xi32, #tpu.memory_space<hbm>> -> memref<50x400xi32, #tpu.memory_space<hbm>>
      tpu.enqueue_dma source(%dma_start3A_10 : memref<50x400xi32, #tpu.memory_space<hbm>>) target(%arg8 : memref<50x400xi32, #tpu.memory_space<vmem>>) target_semaphore(%run_scoped3A : memref<!tpu.dma_semaphore, #tpu.memory_space<semaphore_mem>>)
      %dma_wait3A = arith.constant 0 : i32
      %dma_wait3A_11 = tpu.memref_slice %arg3[%mul3A_0, %dma_wait3A] : memref<800x400xi32, #tpu.memory_space<hbm>> -> memref<50x400xi32, #tpu.memory_space<hbm>>
      %dma_wait3A_12 = arith.constant 0 : i32
      %dma_wait3A_13 = tpu.memref_slice %arg3[%mul3A_0, %dma_wait3A_12] : memref<800x400xi32, #tpu.memory_space<hbm>> -> memref<50x400xi32, #tpu.memory_space<hbm>>
      tpu.wait_dma2 semaphore(%run_scoped3A : memref<!tpu.dma_semaphore, #tpu.memory_space<semaphore_mem>>) src(%dma_wait3A_13 : memref<50x400xi32, #tpu.memory_space<hbm>>) dst(%arg8 : memref<50x400xi32, #tpu.memory_space<vmem>>)
      tpu.yield
    }) : () -> ()
    %mul3A_1 = arith.constant 50 : i32
    %mul3A_2 = arith.muli %arg1, %mul3A_1 : i32
    "tpu.region"() ({
      %run_scoped3A = tpu.sem_alloc : memref<!tpu.dma_semaphore, #tpu.memory_space<semaphore_mem>>
      %dma_start3A = arith.constant 0 : i32
      %dma_start3A_8 = tpu.memref_slice %arg4[%mul3A_2, %dma_start3A] : memref<800x400xi32, #tpu.memory_space<hbm>> -> memref<50x400xi32, #tpu.memory_space<hbm>>
      %dma_start3A_9 = arith.constant 0 : i32
      %dma_start3A_10 = tpu.memref_slice %arg4[%mul3A_2, %dma_start3A_9] : memref<800x400xi32, #tpu.memory_space<hbm>> -> memref<50x400xi32, #tpu.memory_space<hbm>>
      tpu.enqueue_dma source(%dma_start3A_10 : memref<50x400xi32, #tpu.memory_space<hbm>>) target(%arg9 : memref<50x400xi32, #tpu.memory_space<vmem>>) target_semaphore(%run_scoped3A : memref<!tpu.dma_semaphore, #tpu.memory_space<semaphore_mem>>)
      %dma_wait3A = arith.constant 0 : i32
      %dma_wait3A_11 = tpu.memref_slice %arg4[%mul3A_2, %dma_wait3A] : memref<800x400xi32, #tpu.memory_space<hbm>> -> memref<50x400xi32, #tpu.memory_space<hbm>>
      %dma_wait3A_12 = arith.constant 0 : i32
      %dma_wait3A_13 = tpu.memref_slice %arg4[%mul3A_2, %dma_wait3A_12] : memref<800x400xi32, #tpu.memory_space<hbm>> -> memref<50x400xi32, #tpu.memory_space<hbm>>
      tpu.wait_dma2 semaphore(%run_scoped3A : memref<!tpu.dma_semaphore, #tpu.memory_space<semaphore_mem>>) src(%dma_wait3A_13 : memref<50x400xi32, #tpu.memory_space<hbm>>) dst(%arg9 : memref<50x400xi32, #tpu.memory_space<vmem>>)
      tpu.yield
    }) : () -> ()
    %scan3A = arith.constant 0 : i32
    %scan3A_3 = arith.constant 0 : i32
    %scan3A_4 = arith.constant 4 : i32
    %scan3A_5 = arith.addi %scan3A_3, %scan3A_4 : i32
    %scan3A_6 = arith.constant 1 : i32
    scf.for %scan3A_8 = %scan3A_3 to %scan3A_5 step %scan3A_6  : i32 {
      %mul3A_9 = arith.constant 4 : i32
      %mul3A_10 = arith.muli %arg0, %mul3A_9 : i32
      %add3A = arith.addi %mul3A_10, %scan3A_8 : i32
      %add3A_11 = arith.constant 0 : i32
      %add3A_12 = arith.addi %add3A_11, %add3A : i32
      %mul3A_13 = arith.constant 1000 : i32
      %mul3A_14 = arith.muli %add3A_12, %mul3A_13 : i32
      "tpu.region"() ({
        %run_scoped3A = tpu.sem_alloc : memref<!tpu.dma_semaphore, #tpu.memory_space<semaphore_mem>>
        %dma_start3A = arith.constant 0 : i32
        %dma_start3A_105 = tpu.memref_slice %arg6[%dma_start3A] : memref<10000xf32, #tpu.memory_space<vmem>> -> memref<1000xf32, #tpu.memory_space<vmem>>
        %dma_start3A_106 = tpu.memref_slice %arg2[%mul3A_14] : memref<160000xf32, #tpu.memory_space<hbm>> -> memref<1000xf32, #tpu.memory_space<hbm>>
        %dma_start3A_107 = arith.constant 0 : i32
        %dma_start3A_108 = tpu.memref_slice %arg6[%dma_start3A_107] : memref<10000xf32, #tpu.memory_space<vmem>> -> memref<1000xf32, #tpu.memory_space<vmem>>
        %dma_start3A_109 = tpu.memref_slice %arg2[%mul3A_14] : memref<160000xf32, #tpu.memory_space<hbm>> -> memref<1000xf32, #tpu.memory_space<hbm>>
        tpu.enqueue_dma source(%dma_start3A_109 : memref<1000xf32, #tpu.memory_space<hbm>>) target(%dma_start3A_108 : memref<1000xf32, #tpu.memory_space<vmem>>) target_semaphore(%run_scoped3A : memref<!tpu.dma_semaphore, #tpu.memory_space<semaphore_mem>>)
        %dma_wait3A_110 = arith.constant 0 : i32
        %dma_wait3A_111 = tpu.memref_slice %arg6[%dma_wait3A_110] : memref<10000xf32, #tpu.memory_space<vmem>> -> memref<1000xf32, #tpu.memory_space<vmem>>
        %dma_wait3A_112 = tpu.memref_slice %arg2[%mul3A_14] : memref<160000xf32, #tpu.memory_space<hbm>> -> memref<1000xf32, #tpu.memory_space<hbm>>
        %dma_wait3A_113 = arith.constant 0 : i32
        %dma_wait3A_114 = tpu.memref_slice %arg6[%dma_wait3A_113] : memref<10000xf32, #tpu.memory_space<vmem>> -> memref<1000xf32, #tpu.memory_space<vmem>>
        %dma_wait3A_115 = tpu.memref_slice %arg2[%mul3A_14] : memref<160000xf32, #tpu.memory_space<hbm>> -> memref<1000xf32, #tpu.memory_space<hbm>>
        tpu.wait_dma2 semaphore(%run_scoped3A : memref<!tpu.dma_semaphore, #tpu.memory_space<semaphore_mem>>) src(%dma_wait3A_115 : memref<1000xf32, #tpu.memory_space<hbm>>) dst(%dma_wait3A_114 : memref<1000xf32, #tpu.memory_space<vmem>>)
        tpu.yield
      }) : () -> ()
      %add3A_15 = arith.constant 8 : i32
      %add3A_16 = arith.addi %add3A_15, %add3A : i32
      %mul3A_17 = arith.constant 1000 : i32
      %mul3A_18 = arith.muli %add3A_16, %mul3A_17 : i32
      "tpu.region"() ({
        %run_scoped3A = tpu.sem_alloc : memref<!tpu.dma_semaphore, #tpu.memory_space<semaphore_mem>>
        %dma_start3A = arith.constant 0 : i32
        %dma_start3A_105 = tpu.memref_slice %arg7[%dma_start3A] : memref<10000xf32, #tpu.memory_space<vmem>> -> memref<1000xf32, #tpu.memory_space<vmem>>
        %dma_start3A_106 = tpu.memref_slice %arg2[%mul3A_18] : memref<160000xf32, #tpu.memory_space<hbm>> -> memref<1000xf32, #tpu.memory_space<hbm>>
        %dma_start3A_107 = arith.constant 0 : i32
        %dma_start3A_108 = tpu.memref_slice %arg7[%dma_start3A_107] : memref<10000xf32, #tpu.memory_space<vmem>> -> memref<1000xf32, #tpu.memory_space<vmem>>
        %dma_start3A_109 = tpu.memref_slice %arg2[%mul3A_18] : memref<160000xf32, #tpu.memory_space<hbm>> -> memref<1000xf32, #tpu.memory_space<hbm>>
        tpu.enqueue_dma source(%dma_start3A_109 : memref<1000xf32, #tpu.memory_space<hbm>>) target(%dma_start3A_108 : memref<1000xf32, #tpu.memory_space<vmem>>) target_semaphore(%run_scoped3A : memref<!tpu.dma_semaphore, #tpu.memory_space<semaphore_mem>>)
        %dma_wait3A_110 = arith.constant 0 : i32
        %dma_wait3A_111 = tpu.memref_slice %arg7[%dma_wait3A_110] : memref<10000xf32, #tpu.memory_space<vmem>> -> memref<1000xf32, #tpu.memory_space<vmem>>
        %dma_wait3A_112 = tpu.memref_slice %arg2[%mul3A_18] : memref<160000xf32, #tpu.memory_space<hbm>> -> memref<1000xf32, #tpu.memory_space<hbm>>
        %dma_wait3A_113 = arith.constant 0 : i32
        %dma_wait3A_114 = tpu.memref_slice %arg7[%dma_wait3A_113] : memref<10000xf32, #tpu.memory_space<vmem>> -> memref<1000xf32, #tpu.memory_space<vmem>>
        %dma_wait3A_115 = tpu.memref_slice %arg2[%mul3A_18] : memref<160000xf32, #tpu.memory_space<hbm>> -> memref<1000xf32, #tpu.memory_space<hbm>>
        tpu.wait_dma2 semaphore(%run_scoped3A : memref<!tpu.dma_semaphore, #tpu.memory_space<semaphore_mem>>) src(%dma_wait3A_115 : memref<1000xf32, #tpu.memory_space<hbm>>) dst(%dma_wait3A_114 : memref<1000xf32, #tpu.memory_space<vmem>>)
        tpu.yield
      }) : () -> ()
      %add3A_19 = arith.constant 16 : i32
      %add3A_20 = arith.addi %add3A_19, %add3A : i32
      %mul3A_21 = arith.constant 1000 : i32
      %mul3A_22 = arith.muli %add3A_20, %mul3A_21 : i32
      "tpu.region"() ({
        %run_scoped3A = tpu.sem_alloc : memref<!tpu.dma_semaphore, #tpu.memory_space<semaphore_mem>>
        %dma_start3A = arith.constant 1000 : i32
        %dma_start3A_105 = tpu.memref_slice %arg6[%dma_start3A] : memref<10000xf32, #tpu.memory_space<vmem>> -> memref<1000xf32, #tpu.memory_space<vmem>>
        %dma_start3A_106 = tpu.memref_slice %arg2[%mul3A_22] : memref<160000xf32, #tpu.memory_space<hbm>> -> memref<1000xf32, #tpu.memory_space<hbm>>
        %dma_start3A_107 = arith.constant 1000 : i32
        %dma_start3A_108 = tpu.memref_slice %arg6[%dma_start3A_107] : memref<10000xf32, #tpu.memory_space<vmem>> -> memref<1000xf32, #tpu.memory_space<vmem>>
        %dma_start3A_109 = tpu.memref_slice %arg2[%mul3A_22] : memref<160000xf32, #tpu.memory_space<hbm>> -> memref<1000xf32, #tpu.memory_space<hbm>>
        tpu.enqueue_dma source(%dma_start3A_109 : memref<1000xf32, #tpu.memory_space<hbm>>) target(%dma_start3A_108 : memref<1000xf32, #tpu.memory_space<vmem>>) target_semaphore(%run_scoped3A : memref<!tpu.dma_semaphore, #tpu.memory_space<semaphore_mem>>)
        %dma_wait3A_110 = arith.constant 1000 : i32
        %dma_wait3A_111 = tpu.memref_slice %arg6[%dma_wait3A_110] : memref<10000xf32, #tpu.memory_space<vmem>> -> memref<1000xf32, #tpu.memory_space<vmem>>
        %dma_wait3A_112 = tpu.memref_slice %arg2[%mul3A_22] : memref<160000xf32, #tpu.memory_space<hbm>> -> memref<1000xf32, #tpu.memory_space<hbm>>
        %dma_wait3A_113 = arith.constant 1000 : i32
        %dma_wait3A_114 = tpu.memref_slice %arg6[%dma_wait3A_113] : memref<10000xf32, #tpu.memory_space<vmem>> -> memref<1000xf32, #tpu.memory_space<vmem>>
        %dma_wait3A_115 = tpu.memref_slice %arg2[%mul3A_22] : memref<160000xf32, #tpu.memory_space<hbm>> -> memref<1000xf32, #tpu.memory_space<hbm>>
        tpu.wait_dma2 semaphore(%run_scoped3A : memref<!tpu.dma_semaphore, #tpu.memory_space<semaphore_mem>>) src(%dma_wait3A_115 : memref<1000xf32, #tpu.memory_space<hbm>>) dst(%dma_wait3A_114 : memref<1000xf32, #tpu.memory_space<vmem>>)
        tpu.yield
      }) : () -> ()
      %add3A_23 = arith.constant 24 : i32
      %add3A_24 = arith.addi %add3A_23, %add3A : i32
      %mul3A_25 = arith.constant 1000 : i32
      %mul3A_26 = arith.muli %add3A_24, %mul3A_25 : i32
      "tpu.region"() ({
        %run_scoped3A = tpu.sem_alloc : memref<!tpu.dma_semaphore, #tpu.memory_space<semaphore_mem>>
        %dma_start3A = arith.constant 1000 : i32
        %dma_start3A_105 = tpu.memref_slice %arg7[%dma_start3A] : memref<10000xf32, #tpu.memory_space<vmem>> -> memref<1000xf32, #tpu.memory_space<vmem>>
        %dma_start3A_106 = tpu.memref_slice %arg2[%mul3A_26] : memref<160000xf32, #tpu.memory_space<hbm>> -> memref<1000xf32, #tpu.memory_space<hbm>>
        %dma_start3A_107 = arith.constant 1000 : i32
        %dma_start3A_108 = tpu.memref_slice %arg7[%dma_start3A_107] : memref<10000xf32, #tpu.memory_space<vmem>> -> memref<1000xf32, #tpu.memory_space<vmem>>
        %dma_start3A_109 = tpu.memref_slice %arg2[%mul3A_26] : memref<160000xf32, #tpu.memory_space<hbm>> -> memref<1000xf32, #tpu.memory_space<hbm>>
        tpu.enqueue_dma source(%dma_start3A_109 : memref<1000xf32, #tpu.memory_space<hbm>>) target(%dma_start3A_108 : memref<1000xf32, #tpu.memory_space<vmem>>) target_semaphore(%run_scoped3A : memref<!tpu.dma_semaphore, #tpu.memory_space<semaphore_mem>>)
        %dma_wait3A_110 = arith.constant 1000 : i32
        %dma_wait3A_111 = tpu.memref_slice %arg7[%dma_wait3A_110] : memref<10000xf32, #tpu.memory_space<vmem>> -> memref<1000xf32, #tpu.memory_space<vmem>>
        %dma_wait3A_112 = tpu.memref_slice %arg2[%mul3A_26] : memref<160000xf32, #tpu.memory_space<hbm>> -> memref<1000xf32, #tpu.memory_space<hbm>>
        %dma_wait3A_113 = arith.constant 1000 : i32
        %dma_wait3A_114 = tpu.memref_slice %arg7[%dma_wait3A_113] : memref<10000xf32, #tpu.memory_space<vmem>> -> memref<1000xf32, #tpu.memory_space<vmem>>
        %dma_wait3A_115 = tpu.memref_slice %arg2[%mul3A_26] : memref<160000xf32, #tpu.memory_space<hbm>> -> memref<1000xf32, #tpu.memory_space<hbm>>
        tpu.wait_dma2 semaphore(%run_scoped3A : memref<!tpu.dma_semaphore, #tpu.memory_space<semaphore_mem>>) src(%dma_wait3A_115 : memref<1000xf32, #tpu.memory_space<hbm>>) dst(%dma_wait3A_114 : memref<1000xf32, #tpu.memory_space<vmem>>)
        tpu.yield
      }) : () -> ()
      %add3A_27 = arith.constant 32 : i32
      %add3A_28 = arith.addi %add3A_27, %add3A : i32
      %mul3A_29 = arith.constant 1000 : i32
      %mul3A_30 = arith.muli %add3A_28, %mul3A_29 : i32
      "tpu.region"() ({
        %run_scoped3A = tpu.sem_alloc : memref<!tpu.dma_semaphore, #tpu.memory_space<semaphore_mem>>
        %dma_start3A = arith.constant 2000 : i32
        %dma_start3A_105 = tpu.memref_slice %arg6[%dma_start3A] : memref<10000xf32, #tpu.memory_space<vmem>> -> memref<1000xf32, #tpu.memory_space<vmem>>
        %dma_start3A_106 = tpu.memref_slice %arg2[%mul3A_30] : memref<160000xf32, #tpu.memory_space<hbm>> -> memref<1000xf32, #tpu.memory_space<hbm>>
        %dma_start3A_107 = arith.constant 2000 : i32
        %dma_start3A_108 = tpu.memref_slice %arg6[%dma_start3A_107] : memref<10000xf32, #tpu.memory_space<vmem>> -> memref<1000xf32, #tpu.memory_space<vmem>>
        %dma_start3A_109 = tpu.memref_slice %arg2[%mul3A_30] : memref<160000xf32, #tpu.memory_space<hbm>> -> memref<1000xf32, #tpu.memory_space<hbm>>
        tpu.enqueue_dma source(%dma_start3A_109 : memref<1000xf32, #tpu.memory_space<hbm>>) target(%dma_start3A_108 : memref<1000xf32, #tpu.memory_space<vmem>>) target_semaphore(%run_scoped3A : memref<!tpu.dma_semaphore, #tpu.memory_space<semaphore_mem>>)
        %dma_wait3A_110 = arith.constant 2000 : i32
        %dma_wait3A_111 = tpu.memref_slice %arg6[%dma_wait3A_110] : memref<10000xf32, #tpu.memory_space<vmem>> -> memref<1000xf32, #tpu.memory_space<vmem>>
        %dma_wait3A_112 = tpu.memref_slice %arg2[%mul3A_30] : memref<160000xf32, #tpu.memory_space<hbm>> -> memref<1000xf32, #tpu.memory_space<hbm>>
        %dma_wait3A_113 = arith.constant 2000 : i32
        %dma_wait3A_114 = tpu.memref_slice %arg6[%dma_wait3A_113] : memref<10000xf32, #tpu.memory_space<vmem>> -> memref<1000xf32, #tpu.memory_space<vmem>>
        %dma_wait3A_115 = tpu.memref_slice %arg2[%mul3A_30] : memref<160000xf32, #tpu.memory_space<hbm>> -> memref<1000xf32, #tpu.memory_space<hbm>>
        tpu.wait_dma2 semaphore(%run_scoped3A : memref<!tpu.dma_semaphore, #tpu.memory_space<semaphore_mem>>) src(%dma_wait3A_115 : memref<1000xf32, #tpu.memory_space<hbm>>) dst(%dma_wait3A_114 : memref<1000xf32, #tpu.memory_space<vmem>>)
        tpu.yield
      }) : () -> ()
      %add3A_31 = arith.constant 40 : i32
      %add3A_32 = arith.addi %add3A_31, %add3A : i32
      %mul3A_33 = arith.constant 1000 : i32
      %mul3A_34 = arith.muli %add3A_32, %mul3A_33 : i32
      "tpu.region"() ({
        %run_scoped3A = tpu.sem_alloc : memref<!tpu.dma_semaphore, #tpu.memory_space<semaphore_mem>>
        %dma_start3A = arith.constant 2000 : i32
        %dma_start3A_105 = tpu.memref_slice %arg7[%dma_start3A] : memref<10000xf32, #tpu.memory_space<vmem>> -> memref<1000xf32, #tpu.memory_space<vmem>>
        %dma_start3A_106 = tpu.memref_slice %arg2[%mul3A_34] : memref<160000xf32, #tpu.memory_space<hbm>> -> memref<1000xf32, #tpu.memory_space<hbm>>
        %dma_start3A_107 = arith.constant 2000 : i32
        %dma_start3A_108 = tpu.memref_slice %arg7[%dma_start3A_107] : memref<10000xf32, #tpu.memory_space<vmem>> -> memref<1000xf32, #tpu.memory_space<vmem>>
        %dma_start3A_109 = tpu.memref_slice %arg2[%mul3A_34] : memref<160000xf32, #tpu.memory_space<hbm>> -> memref<1000xf32, #tpu.memory_space<hbm>>
        tpu.enqueue_dma source(%dma_start3A_109 : memref<1000xf32, #tpu.memory_space<hbm>>) target(%dma_start3A_108 : memref<1000xf32, #tpu.memory_space<vmem>>) target_semaphore(%run_scoped3A : memref<!tpu.dma_semaphore, #tpu.memory_space<semaphore_mem>>)
        %dma_wait3A_110 = arith.constant 2000 : i32
        %dma_wait3A_111 = tpu.memref_slice %arg7[%dma_wait3A_110] : memref<10000xf32, #tpu.memory_space<vmem>> -> memref<1000xf32, #tpu.memory_space<vmem>>
        %dma_wait3A_112 = tpu.memref_slice %arg2[%mul3A_34] : memref<160000xf32, #tpu.memory_space<hbm>> -> memref<1000xf32, #tpu.memory_space<hbm>>
        %dma_wait3A_113 = arith.constant 2000 : i32
        %dma_wait3A_114 = tpu.memref_slice %arg7[%dma_wait3A_113] : memref<10000xf32, #tpu.memory_space<vmem>> -> memref<1000xf32, #tpu.memory_space<vmem>>
        %dma_wait3A_115 = tpu.memref_slice %arg2[%mul3A_34] : memref<160000xf32, #tpu.memory_space<hbm>> -> memref<1000xf32, #tpu.memory_space<hbm>>
        tpu.wait_dma2 semaphore(%run_scoped3A : memref<!tpu.dma_semaphore, #tpu.memory_space<semaphore_mem>>) src(%dma_wait3A_115 : memref<1000xf32, #tpu.memory_space<hbm>>) dst(%dma_wait3A_114 : memref<1000xf32, #tpu.memory_space<vmem>>)
        tpu.yield
      }) : () -> ()
      %add3A_35 = arith.constant 48 : i32
      %add3A_36 = arith.addi %add3A_35, %add3A : i32
      %mul3A_37 = arith.constant 1000 : i32
      %mul3A_38 = arith.muli %add3A_36, %mul3A_37 : i32
      "tpu.region"() ({
        %run_scoped3A = tpu.sem_alloc : memref<!tpu.dma_semaphore, #tpu.memory_space<semaphore_mem>>
        %dma_start3A = arith.constant 3000 : i32
        %dma_start3A_105 = tpu.memref_slice %arg6[%dma_start3A] : memref<10000xf32, #tpu.memory_space<vmem>> -> memref<1000xf32, #tpu.memory_space<vmem>>
        %dma_start3A_106 = tpu.memref_slice %arg2[%mul3A_38] : memref<160000xf32, #tpu.memory_space<hbm>> -> memref<1000xf32, #tpu.memory_space<hbm>>
        %dma_start3A_107 = arith.constant 3000 : i32
        %dma_start3A_108 = tpu.memref_slice %arg6[%dma_start3A_107] : memref<10000xf32, #tpu.memory_space<vmem>> -> memref<1000xf32, #tpu.memory_space<vmem>>
        %dma_start3A_109 = tpu.memref_slice %arg2[%mul3A_38] : memref<160000xf32, #tpu.memory_space<hbm>> -> memref<1000xf32, #tpu.memory_space<hbm>>
        tpu.enqueue_dma source(%dma_start3A_109 : memref<1000xf32, #tpu.memory_space<hbm>>) target(%dma_start3A_108 : memref<1000xf32, #tpu.memory_space<vmem>>) target_semaphore(%run_scoped3A : memref<!tpu.dma_semaphore, #tpu.memory_space<semaphore_mem>>)
        %dma_wait3A_110 = arith.constant 3000 : i32
        %dma_wait3A_111 = tpu.memref_slice %arg6[%dma_wait3A_110] : memref<10000xf32, #tpu.memory_space<vmem>> -> memref<1000xf32, #tpu.memory_space<vmem>>
        %dma_wait3A_112 = tpu.memref_slice %arg2[%mul3A_38] : memref<160000xf32, #tpu.memory_space<hbm>> -> memref<1000xf32, #tpu.memory_space<hbm>>
        %dma_wait3A_113 = arith.constant 3000 : i32
        %dma_wait3A_114 = tpu.memref_slice %arg6[%dma_wait3A_113] : memref<10000xf32, #tpu.memory_space<vmem>> -> memref<1000xf32, #tpu.memory_space<vmem>>
        %dma_wait3A_115 = tpu.memref_slice %arg2[%mul3A_38] : memref<160000xf32, #tpu.memory_space<hbm>> -> memref<1000xf32, #tpu.memory_space<hbm>>
        tpu.wait_dma2 semaphore(%run_scoped3A : memref<!tpu.dma_semaphore, #tpu.memory_space<semaphore_mem>>) src(%dma_wait3A_115 : memref<1000xf32, #tpu.memory_space<hbm>>) dst(%dma_wait3A_114 : memref<1000xf32, #tpu.memory_space<vmem>>)
        tpu.yield
      }) : () -> ()
      %add3A_39 = arith.constant 56 : i32
      %add3A_40 = arith.addi %add3A_39, %add3A : i32
      %mul3A_41 = arith.constant 1000 : i32
      %mul3A_42 = arith.muli %add3A_40, %mul3A_41 : i32
      "tpu.region"() ({
        %run_scoped3A = tpu.sem_alloc : memref<!tpu.dma_semaphore, #tpu.memory_space<semaphore_mem>>
        %dma_start3A = arith.constant 3000 : i32
        %dma_start3A_105 = tpu.memref_slice %arg7[%dma_start3A] : memref<10000xf32, #tpu.memory_space<vmem>> -> memref<1000xf32, #tpu.memory_space<vmem>>
        %dma_start3A_106 = tpu.memref_slice %arg2[%mul3A_42] : memref<160000xf32, #tpu.memory_space<hbm>> -> memref<1000xf32, #tpu.memory_space<hbm>>
        %dma_start3A_107 = arith.constant 3000 : i32
        %dma_start3A_108 = tpu.memref_slice %arg7[%dma_start3A_107] : memref<10000xf32, #tpu.memory_space<vmem>> -> memref<1000xf32, #tpu.memory_space<vmem>>
        %dma_start3A_109 = tpu.memref_slice %arg2[%mul3A_42] : memref<160000xf32, #tpu.memory_space<hbm>> -> memref<1000xf32, #tpu.memory_space<hbm>>
        tpu.enqueue_dma source(%dma_start3A_109 : memref<1000xf32, #tpu.memory_space<hbm>>) target(%dma_start3A_108 : memref<1000xf32, #tpu.memory_space<vmem>>) target_semaphore(%run_scoped3A : memref<!tpu.dma_semaphore, #tpu.memory_space<semaphore_mem>>)
        %dma_wait3A_110 = arith.constant 3000 : i32
        %dma_wait3A_111 = tpu.memref_slice %arg7[%dma_wait3A_110] : memref<10000xf32, #tpu.memory_space<vmem>> -> memref<1000xf32, #tpu.memory_space<vmem>>
        %dma_wait3A_112 = tpu.memref_slice %arg2[%mul3A_42] : memref<160000xf32, #tpu.memory_space<hbm>> -> memref<1000xf32, #tpu.memory_space<hbm>>
        %dma_wait3A_113 = arith.constant 3000 : i32
        %dma_wait3A_114 = tpu.memref_slice %arg7[%dma_wait3A_113] : memref<10000xf32, #tpu.memory_space<vmem>> -> memref<1000xf32, #tpu.memory_space<vmem>>
        %dma_wait3A_115 = tpu.memref_slice %arg2[%mul3A_42] : memref<160000xf32, #tpu.memory_space<hbm>> -> memref<1000xf32, #tpu.memory_space<hbm>>
        tpu.wait_dma2 semaphore(%run_scoped3A : memref<!tpu.dma_semaphore, #tpu.memory_space<semaphore_mem>>) src(%dma_wait3A_115 : memref<1000xf32, #tpu.memory_space<hbm>>) dst(%dma_wait3A_114 : memref<1000xf32, #tpu.memory_space<vmem>>)
        tpu.yield
      }) : () -> ()
      %add3A_43 = arith.constant 64 : i32
      %add3A_44 = arith.addi %add3A_43, %add3A : i32
      %mul3A_45 = arith.constant 1000 : i32
      %mul3A_46 = arith.muli %add3A_44, %mul3A_45 : i32
      "tpu.region"() ({
        %run_scoped3A = tpu.sem_alloc : memref<!tpu.dma_semaphore, #tpu.memory_space<semaphore_mem>>
        %dma_start3A = arith.constant 4000 : i32
        %dma_start3A_105 = tpu.memref_slice %arg6[%dma_start3A] : memref<10000xf32, #tpu.memory_space<vmem>> -> memref<1000xf32, #tpu.memory_space<vmem>>
        %dma_start3A_106 = tpu.memref_slice %arg2[%mul3A_46] : memref<160000xf32, #tpu.memory_space<hbm>> -> memref<1000xf32, #tpu.memory_space<hbm>>
        %dma_start3A_107 = arith.constant 4000 : i32
        %dma_start3A_108 = tpu.memref_slice %arg6[%dma_start3A_107] : memref<10000xf32, #tpu.memory_space<vmem>> -> memref<1000xf32, #tpu.memory_space<vmem>>
        %dma_start3A_109 = tpu.memref_slice %arg2[%mul3A_46] : memref<160000xf32, #tpu.memory_space<hbm>> -> memref<1000xf32, #tpu.memory_space<hbm>>
        tpu.enqueue_dma source(%dma_start3A_109 : memref<1000xf32, #tpu.memory_space<hbm>>) target(%dma_start3A_108 : memref<1000xf32, #tpu.memory_space<vmem>>) target_semaphore(%run_scoped3A : memref<!tpu.dma_semaphore, #tpu.memory_space<semaphore_mem>>)
        %dma_wait3A_110 = arith.constant 4000 : i32
        %dma_wait3A_111 = tpu.memref_slice %arg6[%dma_wait3A_110] : memref<10000xf32, #tpu.memory_space<vmem>> -> memref<1000xf32, #tpu.memory_space<vmem>>
        %dma_wait3A_112 = tpu.memref_slice %arg2[%mul3A_46] : memref<160000xf32, #tpu.memory_space<hbm>> -> memref<1000xf32, #tpu.memory_space<hbm>>
        %dma_wait3A_113 = arith.constant 4000 : i32
        %dma_wait3A_114 = tpu.memref_slice %arg6[%dma_wait3A_113] : memref<10000xf32, #tpu.memory_space<vmem>> -> memref<1000xf32, #tpu.memory_space<vmem>>
        %dma_wait3A_115 = tpu.memref_slice %arg2[%mul3A_46] : memref<160000xf32, #tpu.memory_space<hbm>> -> memref<1000xf32, #tpu.memory_space<hbm>>
        tpu.wait_dma2 semaphore(%run_scoped3A : memref<!tpu.dma_semaphore, #tpu.memory_space<semaphore_mem>>) src(%dma_wait3A_115 : memref<1000xf32, #tpu.memory_space<hbm>>) dst(%dma_wait3A_114 : memref<1000xf32, #tpu.memory_space<vmem>>)
        tpu.yield
      }) : () -> ()
      %add3A_47 = arith.constant 72 : i32
      %add3A_48 = arith.addi %add3A_47, %add3A : i32
      %mul3A_49 = arith.constant 1000 : i32
      %mul3A_50 = arith.muli %add3A_48, %mul3A_49 : i32
      "tpu.region"() ({
        %run_scoped3A = tpu.sem_alloc : memref<!tpu.dma_semaphore, #tpu.memory_space<semaphore_mem>>
        %dma_start3A = arith.constant 4000 : i32
        %dma_start3A_105 = tpu.memref_slice %arg7[%dma_start3A] : memref<10000xf32, #tpu.memory_space<vmem>> -> memref<1000xf32, #tpu.memory_space<vmem>>
        %dma_start3A_106 = tpu.memref_slice %arg2[%mul3A_50] : memref<160000xf32, #tpu.memory_space<hbm>> -> memref<1000xf32, #tpu.memory_space<hbm>>
        %dma_start3A_107 = arith.constant 4000 : i32
        %dma_start3A_108 = tpu.memref_slice %arg7[%dma_start3A_107] : memref<10000xf32, #tpu.memory_space<vmem>> -> memref<1000xf32, #tpu.memory_space<vmem>>
        %dma_start3A_109 = tpu.memref_slice %arg2[%mul3A_50] : memref<160000xf32, #tpu.memory_space<hbm>> -> memref<1000xf32, #tpu.memory_space<hbm>>
        tpu.enqueue_dma source(%dma_start3A_109 : memref<1000xf32, #tpu.memory_space<hbm>>) target(%dma_start3A_108 : memref<1000xf32, #tpu.memory_space<vmem>>) target_semaphore(%run_scoped3A : memref<!tpu.dma_semaphore, #tpu.memory_space<semaphore_mem>>)
        %dma_wait3A_110 = arith.constant 4000 : i32
        %dma_wait3A_111 = tpu.memref_slice %arg7[%dma_wait3A_110] : memref<10000xf32, #tpu.memory_space<vmem>> -> memref<1000xf32, #tpu.memory_space<vmem>>
        %dma_wait3A_112 = tpu.memref_slice %arg2[%mul3A_50] : memref<160000xf32, #tpu.memory_space<hbm>> -> memref<1000xf32, #tpu.memory_space<hbm>>
        %dma_wait3A_113 = arith.constant 4000 : i32
        %dma_wait3A_114 = tpu.memref_slice %arg7[%dma_wait3A_113] : memref<10000xf32, #tpu.memory_space<vmem>> -> memref<1000xf32, #tpu.memory_space<vmem>>
        %dma_wait3A_115 = tpu.memref_slice %arg2[%mul3A_50] : memref<160000xf32, #tpu.memory_space<hbm>> -> memref<1000xf32, #tpu.memory_space<hbm>>
        tpu.wait_dma2 semaphore(%run_scoped3A : memref<!tpu.dma_semaphore, #tpu.memory_space<semaphore_mem>>) src(%dma_wait3A_115 : memref<1000xf32, #tpu.memory_space<hbm>>) dst(%dma_wait3A_114 : memref<1000xf32, #tpu.memory_space<vmem>>)
        tpu.yield
      }) : () -> ()
      %add3A_51 = arith.constant 80 : i32
      %add3A_52 = arith.addi %add3A_51, %add3A : i32
      %mul3A_53 = arith.constant 1000 : i32
      %mul3A_54 = arith.muli %add3A_52, %mul3A_53 : i32
      "tpu.region"() ({
        %run_scoped3A = tpu.sem_alloc : memref<!tpu.dma_semaphore, #tpu.memory_space<semaphore_mem>>
        %dma_start3A = arith.constant 5000 : i32
        %dma_start3A_105 = tpu.memref_slice %arg6[%dma_start3A] : memref<10000xf32, #tpu.memory_space<vmem>> -> memref<1000xf32, #tpu.memory_space<vmem>>
        %dma_start3A_106 = tpu.memref_slice %arg2[%mul3A_54] : memref<160000xf32, #tpu.memory_space<hbm>> -> memref<1000xf32, #tpu.memory_space<hbm>>
        %dma_start3A_107 = arith.constant 5000 : i32
        %dma_start3A_108 = tpu.memref_slice %arg6[%dma_start3A_107] : memref<10000xf32, #tpu.memory_space<vmem>> -> memref<1000xf32, #tpu.memory_space<vmem>>
        %dma_start3A_109 = tpu.memref_slice %arg2[%mul3A_54] : memref<160000xf32, #tpu.memory_space<hbm>> -> memref<1000xf32, #tpu.memory_space<hbm>>
        tpu.enqueue_dma source(%dma_start3A_109 : memref<1000xf32, #tpu.memory_space<hbm>>) target(%dma_start3A_108 : memref<1000xf32, #tpu.memory_space<vmem>>) target_semaphore(%run_scoped3A : memref<!tpu.dma_semaphore, #tpu.memory_space<semaphore_mem>>)
        %dma_wait3A_110 = arith.constant 5000 : i32
        %dma_wait3A_111 = tpu.memref_slice %arg6[%dma_wait3A_110] : memref<10000xf32, #tpu.memory_space<vmem>> -> memref<1000xf32, #tpu.memory_space<vmem>>
        %dma_wait3A_112 = tpu.memref_slice %arg2[%mul3A_54] : memref<160000xf32, #tpu.memory_space<hbm>> -> memref<1000xf32, #tpu.memory_space<hbm>>
        %dma_wait3A_113 = arith.constant 5000 : i32
        %dma_wait3A_114 = tpu.memref_slice %arg6[%dma_wait3A_113] : memref<10000xf32, #tpu.memory_space<vmem>> -> memref<1000xf32, #tpu.memory_space<vmem>>
        %dma_wait3A_115 = tpu.memref_slice %arg2[%mul3A_54] : memref<160000xf32, #tpu.memory_space<hbm>> -> memref<1000xf32, #tpu.memory_space<hbm>>
        tpu.wait_dma2 semaphore(%run_scoped3A : memref<!tpu.dma_semaphore, #tpu.memory_space<semaphore_mem>>) src(%dma_wait3A_115 : memref<1000xf32, #tpu.memory_space<hbm>>) dst(%dma_wait3A_114 : memref<1000xf32, #tpu.memory_space<vmem>>)
        tpu.yield
      }) : () -> ()
      %add3A_55 = arith.constant 88 : i32
      %add3A_56 = arith.addi %add3A_55, %add3A : i32
      %mul3A_57 = arith.constant 1000 : i32
      %mul3A_58 = arith.muli %add3A_56, %mul3A_57 : i32
      "tpu.region"() ({
        %run_scoped3A = tpu.sem_alloc : memref<!tpu.dma_semaphore, #tpu.memory_space<semaphore_mem>>
        %dma_start3A = arith.constant 5000 : i32
        %dma_start3A_105 = tpu.memref_slice %arg7[%dma_start3A] : memref<10000xf32, #tpu.memory_space<vmem>> -> memref<1000xf32, #tpu.memory_space<vmem>>
        %dma_start3A_106 = tpu.memref_slice %arg2[%mul3A_58] : memref<160000xf32, #tpu.memory_space<hbm>> -> memref<1000xf32, #tpu.memory_space<hbm>>
        %dma_start3A_107 = arith.constant 5000 : i32
        %dma_start3A_108 = tpu.memref_slice %arg7[%dma_start3A_107] : memref<10000xf32, #tpu.memory_space<vmem>> -> memref<1000xf32, #tpu.memory_space<vmem>>
        %dma_start3A_109 = tpu.memref_slice %arg2[%mul3A_58] : memref<160000xf32, #tpu.memory_space<hbm>> -> memref<1000xf32, #tpu.memory_space<hbm>>
        tpu.enqueue_dma source(%dma_start3A_109 : memref<1000xf32, #tpu.memory_space<hbm>>) target(%dma_start3A_108 : memref<1000xf32, #tpu.memory_space<vmem>>) target_semaphore(%run_scoped3A : memref<!tpu.dma_semaphore, #tpu.memory_space<semaphore_mem>>)
        %dma_wait3A_110 = arith.constant 5000 : i32
        %dma_wait3A_111 = tpu.memref_slice %arg7[%dma_wait3A_110] : memref<10000xf32, #tpu.memory_space<vmem>> -> memref<1000xf32, #tpu.memory_space<vmem>>
        %dma_wait3A_112 = tpu.memref_slice %arg2[%mul3A_58] : memref<160000xf32, #tpu.memory_space<hbm>> -> memref<1000xf32, #tpu.memory_space<hbm>>
        %dma_wait3A_113 = arith.constant 5000 : i32
        %dma_wait3A_114 = tpu.memref_slice %arg7[%dma_wait3A_113] : memref<10000xf32, #tpu.memory_space<vmem>> -> memref<1000xf32, #tpu.memory_space<vmem>>
        %dma_wait3A_115 = tpu.memref_slice %arg2[%mul3A_58] : memref<160000xf32, #tpu.memory_space<hbm>> -> memref<1000xf32, #tpu.memory_space<hbm>>
        tpu.wait_dma2 semaphore(%run_scoped3A : memref<!tpu.dma_semaphore, #tpu.memory_space<semaphore_mem>>) src(%dma_wait3A_115 : memref<1000xf32, #tpu.memory_space<hbm>>) dst(%dma_wait3A_114 : memref<1000xf32, #tpu.memory_space<vmem>>)
        tpu.yield
      }) : () -> ()
      %add3A_59 = arith.constant 96 : i32
      %add3A_60 = arith.addi %add3A_59, %add3A : i32
      %mul3A_61 = arith.constant 1000 : i32
      %mul3A_62 = arith.muli %add3A_60, %mul3A_61 : i32
      "tpu.region"() ({
        %run_scoped3A = tpu.sem_alloc : memref<!tpu.dma_semaphore, #tpu.memory_space<semaphore_mem>>
        %dma_start3A = arith.constant 6000 : i32
        %dma_start3A_105 = tpu.memref_slice %arg6[%dma_start3A] : memref<10000xf32, #tpu.memory_space<vmem>> -> memref<1000xf32, #tpu.memory_space<vmem>>
        %dma_start3A_106 = tpu.memref_slice %arg2[%mul3A_62] : memref<160000xf32, #tpu.memory_space<hbm>> -> memref<1000xf32, #tpu.memory_space<hbm>>
        %dma_start3A_107 = arith.constant 6000 : i32
        %dma_start3A_108 = tpu.memref_slice %arg6[%dma_start3A_107] : memref<10000xf32, #tpu.memory_space<vmem>> -> memref<1000xf32, #tpu.memory_space<vmem>>
        %dma_start3A_109 = tpu.memref_slice %arg2[%mul3A_62] : memref<160000xf32, #tpu.memory_space<hbm>> -> memref<1000xf32, #tpu.memory_space<hbm>>
        tpu.enqueue_dma source(%dma_start3A_109 : memref<1000xf32, #tpu.memory_space<hbm>>) target(%dma_start3A_108 : memref<1000xf32, #tpu.memory_space<vmem>>) target_semaphore(%run_scoped3A : memref<!tpu.dma_semaphore, #tpu.memory_space<semaphore_mem>>)
        %dma_wait3A_110 = arith.constant 6000 : i32
        %dma_wait3A_111 = tpu.memref_slice %arg6[%dma_wait3A_110] : memref<10000xf32, #tpu.memory_space<vmem>> -> memref<1000xf32, #tpu.memory_space<vmem>>
        %dma_wait3A_112 = tpu.memref_slice %arg2[%mul3A_62] : memref<160000xf32, #tpu.memory_space<hbm>> -> memref<1000xf32, #tpu.memory_space<hbm>>
        %dma_wait3A_113 = arith.constant 6000 : i32
        %dma_wait3A_114 = tpu.memref_slice %arg6[%dma_wait3A_113] : memref<10000xf32, #tpu.memory_space<vmem>> -> memref<1000xf32, #tpu.memory_space<vmem>>
        %dma_wait3A_115 = tpu.memref_slice %arg2[%mul3A_62] : memref<160000xf32, #tpu.memory_space<hbm>> -> memref<1000xf32, #tpu.memory_space<hbm>>
        tpu.wait_dma2 semaphore(%run_scoped3A : memref<!tpu.dma_semaphore, #tpu.memory_space<semaphore_mem>>) src(%dma_wait3A_115 : memref<1000xf32, #tpu.memory_space<hbm>>) dst(%dma_wait3A_114 : memref<1000xf32, #tpu.memory_space<vmem>>)
        tpu.yield
      }) : () -> ()
      %add3A_63 = arith.constant 104 : i32
      %add3A_64 = arith.addi %add3A_63, %add3A : i32
      %mul3A_65 = arith.constant 1000 : i32
      %mul3A_66 = arith.muli %add3A_64, %mul3A_65 : i32
      "tpu.region"() ({
        %run_scoped3A = tpu.sem_alloc : memref<!tpu.dma_semaphore, #tpu.memory_space<semaphore_mem>>
        %dma_start3A = arith.constant 6000 : i32
        %dma_start3A_105 = tpu.memref_slice %arg7[%dma_start3A] : memref<10000xf32, #tpu.memory_space<vmem>> -> memref<1000xf32, #tpu.memory_space<vmem>>
        %dma_start3A_106 = tpu.memref_slice %arg2[%mul3A_66] : memref<160000xf32, #tpu.memory_space<hbm>> -> memref<1000xf32, #tpu.memory_space<hbm>>
        %dma_start3A_107 = arith.constant 6000 : i32
        %dma_start3A_108 = tpu.memref_slice %arg7[%dma_start3A_107] : memref<10000xf32, #tpu.memory_space<vmem>> -> memref<1000xf32, #tpu.memory_space<vmem>>
        %dma_start3A_109 = tpu.memref_slice %arg2[%mul3A_66] : memref<160000xf32, #tpu.memory_space<hbm>> -> memref<1000xf32, #tpu.memory_space<hbm>>
        tpu.enqueue_dma source(%dma_start3A_109 : memref<1000xf32, #tpu.memory_space<hbm>>) target(%dma_start3A_108 : memref<1000xf32, #tpu.memory_space<vmem>>) target_semaphore(%run_scoped3A : memref<!tpu.dma_semaphore, #tpu.memory_space<semaphore_mem>>)
        %dma_wait3A_110 = arith.constant 6000 : i32
        %dma_wait3A_111 = tpu.memref_slice %arg7[%dma_wait3A_110] : memref<10000xf32, #tpu.memory_space<vmem>> -> memref<1000xf32, #tpu.memory_space<vmem>>
        %dma_wait3A_112 = tpu.memref_slice %arg2[%mul3A_66] : memref<160000xf32, #tpu.memory_space<hbm>> -> memref<1000xf32, #tpu.memory_space<hbm>>
        %dma_wait3A_113 = arith.constant 6000 : i32
        %dma_wait3A_114 = tpu.memref_slice %arg7[%dma_wait3A_113] : memref<10000xf32, #tpu.memory_space<vmem>> -> memref<1000xf32, #tpu.memory_space<vmem>>
        %dma_wait3A_115 = tpu.memref_slice %arg2[%mul3A_66] : memref<160000xf32, #tpu.memory_space<hbm>> -> memref<1000xf32, #tpu.memory_space<hbm>>
        tpu.wait_dma2 semaphore(%run_scoped3A : memref<!tpu.dma_semaphore, #tpu.memory_space<semaphore_mem>>) src(%dma_wait3A_115 : memref<1000xf32, #tpu.memory_space<hbm>>) dst(%dma_wait3A_114 : memref<1000xf32, #tpu.memory_space<vmem>>)
        tpu.yield
      }) : () -> ()
      %add3A_67 = arith.constant 112 : i32
      %add3A_68 = arith.addi %add3A_67, %add3A : i32
      %mul3A_69 = arith.constant 1000 : i32
      %mul3A_70 = arith.muli %add3A_68, %mul3A_69 : i32
      "tpu.region"() ({
        %run_scoped3A = tpu.sem_alloc : memref<!tpu.dma_semaphore, #tpu.memory_space<semaphore_mem>>
        %dma_start3A = arith.constant 7000 : i32
        %dma_start3A_105 = tpu.memref_slice %arg6[%dma_start3A] : memref<10000xf32, #tpu.memory_space<vmem>> -> memref<1000xf32, #tpu.memory_space<vmem>>
        %dma_start3A_106 = tpu.memref_slice %arg2[%mul3A_70] : memref<160000xf32, #tpu.memory_space<hbm>> -> memref<1000xf32, #tpu.memory_space<hbm>>
        %dma_start3A_107 = arith.constant 7000 : i32
        %dma_start3A_108 = tpu.memref_slice %arg6[%dma_start3A_107] : memref<10000xf32, #tpu.memory_space<vmem>> -> memref<1000xf32, #tpu.memory_space<vmem>>
        %dma_start3A_109 = tpu.memref_slice %arg2[%mul3A_70] : memref<160000xf32, #tpu.memory_space<hbm>> -> memref<1000xf32, #tpu.memory_space<hbm>>
        tpu.enqueue_dma source(%dma_start3A_109 : memref<1000xf32, #tpu.memory_space<hbm>>) target(%dma_start3A_108 : memref<1000xf32, #tpu.memory_space<vmem>>) target_semaphore(%run_scoped3A : memref<!tpu.dma_semaphore, #tpu.memory_space<semaphore_mem>>)
        %dma_wait3A_110 = arith.constant 7000 : i32
        %dma_wait3A_111 = tpu.memref_slice %arg6[%dma_wait3A_110] : memref<10000xf32, #tpu.memory_space<vmem>> -> memref<1000xf32, #tpu.memory_space<vmem>>
        %dma_wait3A_112 = tpu.memref_slice %arg2[%mul3A_70] : memref<160000xf32, #tpu.memory_space<hbm>> -> memref<1000xf32, #tpu.memory_space<hbm>>
        %dma_wait3A_113 = arith.constant 7000 : i32
        %dma_wait3A_114 = tpu.memref_slice %arg6[%dma_wait3A_113] : memref<10000xf32, #tpu.memory_space<vmem>> -> memref<1000xf32, #tpu.memory_space<vmem>>
        %dma_wait3A_115 = tpu.memref_slice %arg2[%mul3A_70] : memref<160000xf32, #tpu.memory_space<hbm>> -> memref<1000xf32, #tpu.memory_space<hbm>>
        tpu.wait_dma2 semaphore(%run_scoped3A : memref<!tpu.dma_semaphore, #tpu.memory_space<semaphore_mem>>) src(%dma_wait3A_115 : memref<1000xf32, #tpu.memory_space<hbm>>) dst(%dma_wait3A_114 : memref<1000xf32, #tpu.memory_space<vmem>>)
        tpu.yield
      }) : () -> ()
      %add3A_71 = arith.constant 120 : i32
      %add3A_72 = arith.addi %add3A_71, %add3A : i32
      %mul3A_73 = arith.constant 1000 : i32
      %mul3A_74 = arith.muli %add3A_72, %mul3A_73 : i32
      "tpu.region"() ({
        %run_scoped3A = tpu.sem_alloc : memref<!tpu.dma_semaphore, #tpu.memory_space<semaphore_mem>>
        %dma_start3A = arith.constant 7000 : i32
        %dma_start3A_105 = tpu.memref_slice %arg7[%dma_start3A] : memref<10000xf32, #tpu.memory_space<vmem>> -> memref<1000xf32, #tpu.memory_space<vmem>>
        %dma_start3A_106 = tpu.memref_slice %arg2[%mul3A_74] : memref<160000xf32, #tpu.memory_space<hbm>> -> memref<1000xf32, #tpu.memory_space<hbm>>
        %dma_start3A_107 = arith.constant 7000 : i32
        %dma_start3A_108 = tpu.memref_slice %arg7[%dma_start3A_107] : memref<10000xf32, #tpu.memory_space<vmem>> -> memref<1000xf32, #tpu.memory_space<vmem>>
        %dma_start3A_109 = tpu.memref_slice %arg2[%mul3A_74] : memref<160000xf32, #tpu.memory_space<hbm>> -> memref<1000xf32, #tpu.memory_space<hbm>>
        tpu.enqueue_dma source(%dma_start3A_109 : memref<1000xf32, #tpu.memory_space<hbm>>) target(%dma_start3A_108 : memref<1000xf32, #tpu.memory_space<vmem>>) target_semaphore(%run_scoped3A : memref<!tpu.dma_semaphore, #tpu.memory_space<semaphore_mem>>)
        %dma_wait3A_110 = arith.constant 7000 : i32
        %dma_wait3A_111 = tpu.memref_slice %arg7[%dma_wait3A_110] : memref<10000xf32, #tpu.memory_space<vmem>> -> memref<1000xf32, #tpu.memory_space<vmem>>
        %dma_wait3A_112 = tpu.memref_slice %arg2[%mul3A_74] : memref<160000xf32, #tpu.memory_space<hbm>> -> memref<1000xf32, #tpu.memory_space<hbm>>
        %dma_wait3A_113 = arith.constant 7000 : i32
        %dma_wait3A_114 = tpu.memref_slice %arg7[%dma_wait3A_113] : memref<10000xf32, #tpu.memory_space<vmem>> -> memref<1000xf32, #tpu.memory_space<vmem>>
        %dma_wait3A_115 = tpu.memref_slice %arg2[%mul3A_74] : memref<160000xf32, #tpu.memory_space<hbm>> -> memref<1000xf32, #tpu.memory_space<hbm>>
        tpu.wait_dma2 semaphore(%run_scoped3A : memref<!tpu.dma_semaphore, #tpu.memory_space<semaphore_mem>>) src(%dma_wait3A_115 : memref<1000xf32, #tpu.memory_space<hbm>>) dst(%dma_wait3A_114 : memref<1000xf32, #tpu.memory_space<vmem>>)
        tpu.yield
      }) : () -> ()
      %add3A_75 = arith.constant 128 : i32
      %add3A_76 = arith.addi %add3A_75, %add3A : i32
      %mul3A_77 = arith.constant 1000 : i32
      %mul3A_78 = arith.muli %add3A_76, %mul3A_77 : i32
      "tpu.region"() ({
        %run_scoped3A = tpu.sem_alloc : memref<!tpu.dma_semaphore, #tpu.memory_space<semaphore_mem>>
        %dma_start3A = arith.constant 8000 : i32
        %dma_start3A_105 = tpu.memref_slice %arg6[%dma_start3A] : memref<10000xf32, #tpu.memory_space<vmem>> -> memref<1000xf32, #tpu.memory_space<vmem>>
        %dma_start3A_106 = tpu.memref_slice %arg2[%mul3A_78] : memref<160000xf32, #tpu.memory_space<hbm>> -> memref<1000xf32, #tpu.memory_space<hbm>>
        %dma_start3A_107 = arith.constant 8000 : i32
        %dma_start3A_108 = tpu.memref_slice %arg6[%dma_start3A_107] : memref<10000xf32, #tpu.memory_space<vmem>> -> memref<1000xf32, #tpu.memory_space<vmem>>
        %dma_start3A_109 = tpu.memref_slice %arg2[%mul3A_78] : memref<160000xf32, #tpu.memory_space<hbm>> -> memref<1000xf32, #tpu.memory_space<hbm>>
        tpu.enqueue_dma source(%dma_start3A_109 : memref<1000xf32, #tpu.memory_space<hbm>>) target(%dma_start3A_108 : memref<1000xf32, #tpu.memory_space<vmem>>) target_semaphore(%run_scoped3A : memref<!tpu.dma_semaphore, #tpu.memory_space<semaphore_mem>>)
        %dma_wait3A_110 = arith.constant 8000 : i32
        %dma_wait3A_111 = tpu.memref_slice %arg6[%dma_wait3A_110] : memref<10000xf32, #tpu.memory_space<vmem>> -> memref<1000xf32, #tpu.memory_space<vmem>>
        %dma_wait3A_112 = tpu.memref_slice %arg2[%mul3A_78] : memref<160000xf32, #tpu.memory_space<hbm>> -> memref<1000xf32, #tpu.memory_space<hbm>>
        %dma_wait3A_113 = arith.constant 8000 : i32
        %dma_wait3A_114 = tpu.memref_slice %arg6[%dma_wait3A_113] : memref<10000xf32, #tpu.memory_space<vmem>> -> memref<1000xf32, #tpu.memory_space<vmem>>
        %dma_wait3A_115 = tpu.memref_slice %arg2[%mul3A_78] : memref<160000xf32, #tpu.memory_space<hbm>> -> memref<1000xf32, #tpu.memory_space<hbm>>
        tpu.wait_dma2 semaphore(%run_scoped3A : memref<!tpu.dma_semaphore, #tpu.memory_space<semaphore_mem>>) src(%dma_wait3A_115 : memref<1000xf32, #tpu.memory_space<hbm>>) dst(%dma_wait3A_114 : memref<1000xf32, #tpu.memory_space<vmem>>)
        tpu.yield
      }) : () -> ()
      %add3A_79 = arith.constant 136 : i32
      %add3A_80 = arith.addi %add3A_79, %add3A : i32
      %mul3A_81 = arith.constant 1000 : i32
      %mul3A_82 = arith.muli %add3A_80, %mul3A_81 : i32
      "tpu.region"() ({
        %run_scoped3A = tpu.sem_alloc : memref<!tpu.dma_semaphore, #tpu.memory_space<semaphore_mem>>
        %dma_start3A = arith.constant 8000 : i32
        %dma_start3A_105 = tpu.memref_slice %arg7[%dma_start3A] : memref<10000xf32, #tpu.memory_space<vmem>> -> memref<1000xf32, #tpu.memory_space<vmem>>
        %dma_start3A_106 = tpu.memref_slice %arg2[%mul3A_82] : memref<160000xf32, #tpu.memory_space<hbm>> -> memref<1000xf32, #tpu.memory_space<hbm>>
        %dma_start3A_107 = arith.constant 8000 : i32
        %dma_start3A_108 = tpu.memref_slice %arg7[%dma_start3A_107] : memref<10000xf32, #tpu.memory_space<vmem>> -> memref<1000xf32, #tpu.memory_space<vmem>>
        %dma_start3A_109 = tpu.memref_slice %arg2[%mul3A_82] : memref<160000xf32, #tpu.memory_space<hbm>> -> memref<1000xf32, #tpu.memory_space<hbm>>
        tpu.enqueue_dma source(%dma_start3A_109 : memref<1000xf32, #tpu.memory_space<hbm>>) target(%dma_start3A_108 : memref<1000xf32, #tpu.memory_space<vmem>>) target_semaphore(%run_scoped3A : memref<!tpu.dma_semaphore, #tpu.memory_space<semaphore_mem>>)
        %dma_wait3A_110 = arith.constant 8000 : i32
        %dma_wait3A_111 = tpu.memref_slice %arg7[%dma_wait3A_110] : memref<10000xf32, #tpu.memory_space<vmem>> -> memref<1000xf32, #tpu.memory_space<vmem>>
        %dma_wait3A_112 = tpu.memref_slice %arg2[%mul3A_82] : memref<160000xf32, #tpu.memory_space<hbm>> -> memref<1000xf32, #tpu.memory_space<hbm>>
        %dma_wait3A_113 = arith.constant 8000 : i32
        %dma_wait3A_114 = tpu.memref_slice %arg7[%dma_wait3A_113] : memref<10000xf32, #tpu.memory_space<vmem>> -> memref<1000xf32, #tpu.memory_space<vmem>>
        %dma_wait3A_115 = tpu.memref_slice %arg2[%mul3A_82] : memref<160000xf32, #tpu.memory_space<hbm>> -> memref<1000xf32, #tpu.memory_space<hbm>>
        tpu.wait_dma2 semaphore(%run_scoped3A : memref<!tpu.dma_semaphore, #tpu.memory_space<semaphore_mem>>) src(%dma_wait3A_115 : memref<1000xf32, #tpu.memory_space<hbm>>) dst(%dma_wait3A_114 : memref<1000xf32, #tpu.memory_space<vmem>>)
        tpu.yield
      }) : () -> ()
      %add3A_83 = arith.constant 144 : i32
      %add3A_84 = arith.addi %add3A_83, %add3A : i32
      %mul3A_85 = arith.constant 1000 : i32
      %mul3A_86 = arith.muli %add3A_84, %mul3A_85 : i32
      "tpu.region"() ({
        %run_scoped3A = tpu.sem_alloc : memref<!tpu.dma_semaphore, #tpu.memory_space<semaphore_mem>>
        %dma_start3A = arith.constant 9000 : i32
        %dma_start3A_105 = tpu.memref_slice %arg6[%dma_start3A] : memref<10000xf32, #tpu.memory_space<vmem>> -> memref<1000xf32, #tpu.memory_space<vmem>>
        %dma_start3A_106 = tpu.memref_slice %arg2[%mul3A_86] : memref<160000xf32, #tpu.memory_space<hbm>> -> memref<1000xf32, #tpu.memory_space<hbm>>
        %dma_start3A_107 = arith.constant 9000 : i32
        %dma_start3A_108 = tpu.memref_slice %arg6[%dma_start3A_107] : memref<10000xf32, #tpu.memory_space<vmem>> -> memref<1000xf32, #tpu.memory_space<vmem>>
        %dma_start3A_109 = tpu.memref_slice %arg2[%mul3A_86] : memref<160000xf32, #tpu.memory_space<hbm>> -> memref<1000xf32, #tpu.memory_space<hbm>>
        tpu.enqueue_dma source(%dma_start3A_109 : memref<1000xf32, #tpu.memory_space<hbm>>) target(%dma_start3A_108 : memref<1000xf32, #tpu.memory_space<vmem>>) target_semaphore(%run_scoped3A : memref<!tpu.dma_semaphore, #tpu.memory_space<semaphore_mem>>)
        %dma_wait3A_110 = arith.constant 9000 : i32
        %dma_wait3A_111 = tpu.memref_slice %arg6[%dma_wait3A_110] : memref<10000xf32, #tpu.memory_space<vmem>> -> memref<1000xf32, #tpu.memory_space<vmem>>
        %dma_wait3A_112 = tpu.memref_slice %arg2[%mul3A_86] : memref<160000xf32, #tpu.memory_space<hbm>> -> memref<1000xf32, #tpu.memory_space<hbm>>
        %dma_wait3A_113 = arith.constant 9000 : i32
        %dma_wait3A_114 = tpu.memref_slice %arg6[%dma_wait3A_113] : memref<10000xf32, #tpu.memory_space<vmem>> -> memref<1000xf32, #tpu.memory_space<vmem>>
        %dma_wait3A_115 = tpu.memref_slice %arg2[%mul3A_86] : memref<160000xf32, #tpu.memory_space<hbm>> -> memref<1000xf32, #tpu.memory_space<hbm>>
        tpu.wait_dma2 semaphore(%run_scoped3A : memref<!tpu.dma_semaphore, #tpu.memory_space<semaphore_mem>>) src(%dma_wait3A_115 : memref<1000xf32, #tpu.memory_space<hbm>>) dst(%dma_wait3A_114 : memref<1000xf32, #tpu.memory_space<vmem>>)
        tpu.yield
      }) : () -> ()
      %add3A_87 = arith.constant 152 : i32
      %add3A_88 = arith.addi %add3A_87, %add3A : i32
      %mul3A_89 = arith.constant 1000 : i32
      %mul3A_90 = arith.muli %add3A_88, %mul3A_89 : i32
      "tpu.region"() ({
        %run_scoped3A = tpu.sem_alloc : memref<!tpu.dma_semaphore, #tpu.memory_space<semaphore_mem>>
        %dma_start3A = arith.constant 9000 : i32
        %dma_start3A_105 = tpu.memref_slice %arg7[%dma_start3A] : memref<10000xf32, #tpu.memory_space<vmem>> -> memref<1000xf32, #tpu.memory_space<vmem>>
        %dma_start3A_106 = tpu.memref_slice %arg2[%mul3A_90] : memref<160000xf32, #tpu.memory_space<hbm>> -> memref<1000xf32, #tpu.memory_space<hbm>>
        %dma_start3A_107 = arith.constant 9000 : i32
        %dma_start3A_108 = tpu.memref_slice %arg7[%dma_start3A_107] : memref<10000xf32, #tpu.memory_space<vmem>> -> memref<1000xf32, #tpu.memory_space<vmem>>
        %dma_start3A_109 = tpu.memref_slice %arg2[%mul3A_90] : memref<160000xf32, #tpu.memory_space<hbm>> -> memref<1000xf32, #tpu.memory_space<hbm>>
        tpu.enqueue_dma source(%dma_start3A_109 : memref<1000xf32, #tpu.memory_space<hbm>>) target(%dma_start3A_108 : memref<1000xf32, #tpu.memory_space<vmem>>) target_semaphore(%run_scoped3A : memref<!tpu.dma_semaphore, #tpu.memory_space<semaphore_mem>>)
        %dma_wait3A_110 = arith.constant 9000 : i32
        %dma_wait3A_111 = tpu.memref_slice %arg7[%dma_wait3A_110] : memref<10000xf32, #tpu.memory_space<vmem>> -> memref<1000xf32, #tpu.memory_space<vmem>>
        %dma_wait3A_112 = tpu.memref_slice %arg2[%mul3A_90] : memref<160000xf32, #tpu.memory_space<hbm>> -> memref<1000xf32, #tpu.memory_space<hbm>>
        %dma_wait3A_113 = arith.constant 9000 : i32
        %dma_wait3A_114 = tpu.memref_slice %arg7[%dma_wait3A_113] : memref<10000xf32, #tpu.memory_space<vmem>> -> memref<1000xf32, #tpu.memory_space<vmem>>
        %dma_wait3A_115 = tpu.memref_slice %arg2[%mul3A_90] : memref<160000xf32, #tpu.memory_space<hbm>> -> memref<1000xf32, #tpu.memory_space<hbm>>
        tpu.wait_dma2 semaphore(%run_scoped3A : memref<!tpu.dma_semaphore, #tpu.memory_space<semaphore_mem>>) src(%dma_wait3A_115 : memref<1000xf32, #tpu.memory_space<hbm>>) dst(%dma_wait3A_114 : memref<1000xf32, #tpu.memory_space<vmem>>)
        tpu.yield
      }) : () -> ()
      %mul3A_91 = arith.constant 320000 : i32
      %mul3A_92 = arith.muli %add3A, %mul3A_91 : i32
      %mul3A_93 = arith.constant 20000 : i32
      %mul3A_94 = arith.muli %arg1, %mul3A_93 : i32
      %add3A_95 = arith.addi %mul3A_92, %mul3A_94 : i32
      %scan3A_96 = arith.constant 0 : i32
      %scan3A_97 = arith.constant 0 : i32
      %scan3A_98 = arith.constant 25 : i32
      %scan3A_99 = arith.addi %scan3A_97, %scan3A_98 : i32
      %scan3A_100 = arith.constant 1 : i32
      scf.for %scan3A_105 = %scan3A_97 to %scan3A_99 step %scan3A_100  : i32 {
        %mul3A_106 = arith.constant 2 : i32
        %mul3A_107 = arith.muli %mul3A_106, %scan3A_105 : i32
        %add3A_108 = arith.constant 0 : i32
        %add3A_109 = arith.addi %mul3A_107, %add3A_108 : i32
        %gt3A = arith.constant 0 : i32
        %gt3A_110 = arith.cmpi sgt, %scan3A_105, %gt3A : i32
        %convert_element_type3A = arith.extui %gt3A_110 : i1 to i32
        %cond3A = arith.constant 0 : i32
        %cond3A_111 = arith.cmpi ne, %convert_element_type3A, %cond3A : i32
        scf.if %cond3A_111 {
          %dma_wait3A_190 = tpu.memref_slice %arg5[%add3A_95] : memref<2560000xf32, #tpu.memory_space<hbm>> -> memref<400xf32, #tpu.memory_space<hbm>>
          %dma_wait3A_191 = tpu.memref_slice %arg5[%add3A_95] : memref<2560000xf32, #tpu.memory_space<hbm>> -> memref<400xf32, #tpu.memory_space<hbm>>
          tpu.wait_dma2 semaphore(%arg12 : memref<!tpu.dma_semaphore, #tpu.memory_space<semaphore_mem>>) src(%arg10 : memref<400xf32, #tpu.memory_space<vmem>>) dst(%dma_wait3A_191 : memref<400xf32, #tpu.memory_space<hbm>>)
        } else {
        }
        %scan3A_112 = arith.constant 0 : i32
        %scan3A_113 = arith.constant 0 : i32
        %scan3A_114 = arith.constant 24 : i32
        %scan3A_115 = arith.addi %scan3A_113, %scan3A_114 : i32
        %scan3A_116 = arith.constant 2 : i32
        scf.for %scan3A_190 = %scan3A_113 to %scan3A_115 step %scan3A_116  : i32 {
          %mul3A_191 = arith.constant 16 : i32
          %mul3A_192 = arith.muli %scan3A_190, %mul3A_191 : i32
          %get3A_193 = arith.index_cast %add3A_109 : i32 to index
          %get3A_194 = arith.index_cast %mul3A_192 : i32 to index
          %get3A_195 = tpu.vector_load %arg8[%get3A_193, %get3A_194] {strides = array<i32>} : memref<50x400xi32, #tpu.memory_space<vmem>>, vector<16xi32>,
          %mul3A_196 = arith.constant 16 : i32
          %mul3A_197 = arith.muli %scan3A_190, %mul3A_196 : i32
          %get3A_198 = arith.index_cast %add3A_109 : i32 to index
          %get3A_199 = arith.index_cast %mul3A_197 : i32 to index
          %get3A_200 = tpu.vector_load %arg9[%get3A_198, %get3A_199] {strides = array<i32>} : memref<50x400xi32, #tpu.memory_space<vmem>>, vector<16xi32>,
          %gather3A_201 = tpu.vector_load_idx %arg6[%get3A_195] : memref<10000xf32, #tpu.memory_space<vmem>>[vector<16xi32>], vector<16xf32>,
          %gather3A_202 = tpu.vector_load_idx %arg7[%get3A_200] : memref<10000xf32, #tpu.memory_space<vmem>>[vector<16xi32>], vector<16xf32>,
          %add3A_203 = arith.addf %gather3A_201, %gather3A_202 : vector<16xf32>
          %neg3A_204 = arith.constant 0.000000e+00 : f32
          %neg3A_205 = vector.broadcast %neg3A_204 : f32 to vector<16xf32>
          %neg3A_206 = arith.subf %neg3A_205, %add3A_203 : vector<16xf32>
          %mul3A_207 = arith.constant -2.000000e-01 : f32
          %mul3A_208 = vector.broadcast %mul3A_207 : f32 to vector<16xf32>
          %mul3A_209 = arith.mulf %mul3A_208, %add3A_203 : vector<16xf32>
          %min3A_210 = arith.minimumf %neg3A_206, %mul3A_209 : vector<16xf32>
          %exp3A_211 = math.exp %min3A_210 : vector<16xf32>
          %mul3A_212 = arith.constant 16 : i32
          %mul3A_213 = arith.muli %scan3A_190, %mul3A_212 : i32
          %swap3A_214 = arith.index_cast %mul3A_213 : i32 to index
          %swap3A_215 = tpu.vector_load %arg10[%swap3A_214] {strides = array<i32>} : memref<400xf32, #tpu.memory_space<vmem>>, vector<16xf32>,
          tpu.vector_store %arg10[%swap3A_214], %exp3A_211 {strides = array<i32>} : memref<400xf32, #tpu.memory_space<vmem>>, vector<16xf32>,
          %scan3A_216 = arith.constant 1 : i32
          %scan3A_217 = arith.addi %scan3A_190, %scan3A_216 : i32
          %mul3A_218 = arith.constant 16 : i32
          %mul3A_219 = arith.muli %scan3A_217, %mul3A_218 : i32
          %get3A_220 = arith.index_cast %add3A_109 : i32 to index
          %get3A_221 = arith.index_cast %mul3A_219 : i32 to index
          %get3A_222 = tpu.vector_load %arg8[%get3A_220, %get3A_221] {strides = array<i32>} : memref<50x400xi32, #tpu.memory_space<vmem>>, vector<16xi32>,
          %mul3A_223 = arith.constant 16 : i32
          %mul3A_224 = arith.muli %scan3A_217, %mul3A_223 : i32
          %get3A_225 = arith.index_cast %add3A_109 : i32 to index
          %get3A_226 = arith.index_cast %mul3A_224 : i32 to index
          %get3A_227 = tpu.vector_load %arg9[%get3A_225, %get3A_226] {strides = array<i32>} : memref<50x400xi32, #tpu.memory_space<vmem>>, vector<16xi32>,
          %gather3A_228 = tpu.vector_load_idx %arg6[%get3A_222] : memref<10000xf32, #tpu.memory_space<vmem>>[vector<16xi32>], vector<16xf32>,
          %gather3A_229 = tpu.vector_load_idx %arg7[%get3A_227] : memref<10000xf32, #tpu.memory_space<vmem>>[vector<16xi32>], vector<16xf32>,
          %add3A_230 = arith.addf %gather3A_228, %gather3A_229 : vector<16xf32>
          %neg3A_231 = arith.constant 0.000000e+00 : f32
          %neg3A_232 = vector.broadcast %neg3A_231 : f32 to vector<16xf32>
          %neg3A_233 = arith.subf %neg3A_232, %add3A_230 : vector<16xf32>
          %mul3A_234 = arith.constant -2.000000e-01 : f32
          %mul3A_235 = vector.broadcast %mul3A_234 : f32 to vector<16xf32>
          %mul3A_236 = arith.mulf %mul3A_235, %add3A_230 : vector<16xf32>
          %min3A_237 = arith.minimumf %neg3A_233, %mul3A_236 : vector<16xf32>
          %exp3A_238 = math.exp %min3A_237 : vector<16xf32>
          %mul3A_239 = arith.constant 16 : i32
          %mul3A_240 = arith.muli %scan3A_217, %mul3A_239 : i32
          %swap3A_241 = arith.index_cast %mul3A_240 : i32 to index
          %swap3A_242 = tpu.vector_load %arg10[%swap3A_241] {strides = array<i32>} : memref<400xf32, #tpu.memory_space<vmem>>, vector<16xf32>,
          tpu.vector_store %arg10[%swap3A_241], %exp3A_238 {strides = array<i32>} : memref<400xf32, #tpu.memory_space<vmem>>, vector<16xf32>,
        }
        %scan3A_117 = arith.constant 24 : i32
        %scan3A_118 = arith.addi %scan3A_113, %scan3A_117 : i32
        %mul3A_119 = arith.constant 16 : i32
        %mul3A_120 = arith.muli %scan3A_118, %mul3A_119 : i32
        %get3A = arith.index_cast %add3A_109 : i32 to index
        %get3A_121 = arith.index_cast %mul3A_120 : i32 to index
        %get3A_122 = tpu.vector_load %arg8[%get3A, %get3A_121] {strides = array<i32>} : memref<50x400xi32, #tpu.memory_space<vmem>>, vector<16xi32>,
        %mul3A_123 = arith.constant 16 : i32
        %mul3A_124 = arith.muli %scan3A_118, %mul3A_123 : i32
        %get3A_125 = arith.index_cast %add3A_109 : i32 to index
        %get3A_126 = arith.index_cast %mul3A_124 : i32 to index
        %get3A_127 = tpu.vector_load %arg9[%get3A_125, %get3A_126] {strides = array<i32>} : memref<50x400xi32, #tpu.memory_space<vmem>>, vector<16xi32>,
        %gather3A = tpu.vector_load_idx %arg6[%get3A_122] : memref<10000xf32, #tpu.memory_space<vmem>>[vector<16xi32>], vector<16xf32>,
        %gather3A_128 = tpu.vector_load_idx %arg7[%get3A_127] : memref<10000xf32, #tpu.memory_space<vmem>>[vector<16xi32>], vector<16xf32>,
        %add3A_129 = arith.addf %gather3A, %gather3A_128 : vector<16xf32>
        %neg3A = arith.constant 0.000000e+00 : f32
        %neg3A_130 = vector.broadcast %neg3A : f32 to vector<16xf32>
        %neg3A_131 = arith.subf %neg3A_130, %add3A_129 : vector<16xf32>
        %mul3A_132 = arith.constant -2.000000e-01 : f32
        %mul3A_133 = vector.broadcast %mul3A_132 : f32 to vector<16xf32>
        %mul3A_134 = arith.mulf %mul3A_133, %add3A_129 : vector<16xf32>
        %min3A = arith.minimumf %neg3A_131, %mul3A_134 : vector<16xf32>
        %exp3A = math.exp %min3A : vector<16xf32>
        %mul3A_135 = arith.constant 16 : i32
        %mul3A_136 = arith.muli %scan3A_118, %mul3A_135 : i32
        %swap3A = arith.index_cast %mul3A_136 : i32 to index
        %swap3A_137 = tpu.vector_load %arg10[%swap3A] {strides = array<i32>} : memref<400xf32, #tpu.memory_space<vmem>>, vector<16xf32>,
        tpu.vector_store %arg10[%swap3A], %exp3A {strides = array<i32>} : memref<400xf32, #tpu.memory_space<vmem>>, vector<16xf32>,
        %scan3A_138 = arith.constant 25 : i32
        %mul3A_139 = arith.constant 400 : i32
        %mul3A_140 = arith.muli %add3A_109, %mul3A_139 : i32
        %add3A_141 = arith.addi %add3A_95, %mul3A_140 : i32
        %dma_start3A = tpu.memref_slice %arg5[%add3A_141] : memref<2560000xf32, #tpu.memory_space<hbm>> -> memref<400xf32, #tpu.memory_space<hbm>>
        %dma_start3A_142 = tpu.memref_slice %arg5[%add3A_141] : memref<2560000xf32, #tpu.memory_space<hbm>> -> memref<400xf32, #tpu.memory_space<hbm>>
        tpu.enqueue_dma source(%arg10 : memref<400xf32, #tpu.memory_space<vmem>>) target(%dma_start3A_142 : memref<400xf32, #tpu.memory_space<hbm>>) target_semaphore(%arg12 : memref<!tpu.dma_semaphore, #tpu.memory_space<semaphore_mem>>)
        %mul3A_143 = arith.constant 2 : i32
        %mul3A_144 = arith.muli %mul3A_143, %scan3A_105 : i32
        %add3A_145 = arith.constant 1 : i32
        %add3A_146 = arith.addi %mul3A_144, %add3A_145 : i32
        %gt3A_147 = arith.constant 0 : i32
        %gt3A_148 = arith.cmpi sgt, %scan3A_105, %gt3A_147 : i32
        %convert_element_type3A_149 = arith.extui %gt3A_148 : i1 to i32
        %cond3A_150 = arith.constant 0 : i32
        %cond3A_151 = arith.cmpi ne, %convert_element_type3A_149, %cond3A_150 : i32
        scf.if %cond3A_151 {
          %dma_wait3A_190 = tpu.memref_slice %arg5[%add3A_95] : memref<2560000xf32, #tpu.memory_space<hbm>> -> memref<400xf32, #tpu.memory_space<hbm>>
          %dma_wait3A_191 = tpu.memref_slice %arg5[%add3A_95] : memref<2560000xf32, #tpu.memory_space<hbm>> -> memref<400xf32, #tpu.memory_space<hbm>>
          tpu.wait_dma2 semaphore(%arg13 : memref<!tpu.dma_semaphore, #tpu.memory_space<semaphore_mem>>) src(%arg11 : memref<400xf32, #tpu.memory_space<vmem>>) dst(%dma_wait3A_191 : memref<400xf32, #tpu.memory_space<hbm>>)
        } else {
        }
        %scan3A_152 = arith.constant 0 : i32
        %scan3A_153 = arith.constant 0 : i32
        %scan3A_154 = arith.constant 24 : i32
        %scan3A_155 = arith.addi %scan3A_153, %scan3A_154 : i32
        %scan3A_156 = arith.constant 2 : i32
        scf.for %scan3A_190 = %scan3A_153 to %scan3A_155 step %scan3A_156  : i32 {
          %mul3A_191 = arith.constant 16 : i32
          %mul3A_192 = arith.muli %scan3A_190, %mul3A_191 : i32
          %get3A_193 = arith.index_cast %add3A_146 : i32 to index
          %get3A_194 = arith.index_cast %mul3A_192 : i32 to index
          %get3A_195 = tpu.vector_load %arg8[%get3A_193, %get3A_194] {strides = array<i32>} : memref<50x400xi32, #tpu.memory_space<vmem>>, vector<16xi32>,
          %mul3A_196 = arith.constant 16 : i32
          %mul3A_197 = arith.muli %scan3A_190, %mul3A_196 : i32
          %get3A_198 = arith.index_cast %add3A_146 : i32 to index
          %get3A_199 = arith.index_cast %mul3A_197 : i32 to index
          %get3A_200 = tpu.vector_load %arg9[%get3A_198, %get3A_199] {strides = array<i32>} : memref<50x400xi32, #tpu.memory_space<vmem>>, vector<16xi32>,
          %gather3A_201 = tpu.vector_load_idx %arg6[%get3A_195] : memref<10000xf32, #tpu.memory_space<vmem>>[vector<16xi32>], vector<16xf32>,
          %gather3A_202 = tpu.vector_load_idx %arg7[%get3A_200] : memref<10000xf32, #tpu.memory_space<vmem>>[vector<16xi32>], vector<16xf32>,
          %add3A_203 = arith.addf %gather3A_201, %gather3A_202 : vector<16xf32>
          %neg3A_204 = arith.constant 0.000000e+00 : f32
          %neg3A_205 = vector.broadcast %neg3A_204 : f32 to vector<16xf32>
          %neg3A_206 = arith.subf %neg3A_205, %add3A_203 : vector<16xf32>
          %mul3A_207 = arith.constant -2.000000e-01 : f32
          %mul3A_208 = vector.broadcast %mul3A_207 : f32 to vector<16xf32>
          %mul3A_209 = arith.mulf %mul3A_208, %add3A_203 : vector<16xf32>
          %min3A_210 = arith.minimumf %neg3A_206, %mul3A_209 : vector<16xf32>
          %exp3A_211 = math.exp %min3A_210 : vector<16xf32>
          %mul3A_212 = arith.constant 16 : i32
          %mul3A_213 = arith.muli %scan3A_190, %mul3A_212 : i32
          %swap3A_214 = arith.index_cast %mul3A_213 : i32 to index
          %swap3A_215 = tpu.vector_load %arg11[%swap3A_214] {strides = array<i32>} : memref<400xf32, #tpu.memory_space<vmem>>, vector<16xf32>,
          tpu.vector_store %arg11[%swap3A_214], %exp3A_211 {strides = array<i32>} : memref<400xf32, #tpu.memory_space<vmem>>, vector<16xf32>,
          %scan3A_216 = arith.constant 1 : i32
          %scan3A_217 = arith.addi %scan3A_190, %scan3A_216 : i32
          %mul3A_218 = arith.constant 16 : i32
          %mul3A_219 = arith.muli %scan3A_217, %mul3A_218 : i32
          %get3A_220 = arith.index_cast %add3A_146 : i32 to index
          %get3A_221 = arith.index_cast %mul3A_219 : i32 to index
          %get3A_222 = tpu.vector_load %arg8[%get3A_220, %get3A_221] {strides = array<i32>} : memref<50x400xi32, #tpu.memory_space<vmem>>, vector<16xi32>,
          %mul3A_223 = arith.constant 16 : i32
          %mul3A_224 = arith.muli %scan3A_217, %mul3A_223 : i32
          %get3A_225 = arith.index_cast %add3A_146 : i32 to index
          %get3A_226 = arith.index_cast %mul3A_224 : i32 to index
          %get3A_227 = tpu.vector_load %arg9[%get3A_225, %get3A_226] {strides = array<i32>} : memref<50x400xi32, #tpu.memory_space<vmem>>, vector<16xi32>,
          %gather3A_228 = tpu.vector_load_idx %arg6[%get3A_222] : memref<10000xf32, #tpu.memory_space<vmem>>[vector<16xi32>], vector<16xf32>,
          %gather3A_229 = tpu.vector_load_idx %arg7[%get3A_227] : memref<10000xf32, #tpu.memory_space<vmem>>[vector<16xi32>], vector<16xf32>,
          %add3A_230 = arith.addf %gather3A_228, %gather3A_229 : vector<16xf32>
          %neg3A_231 = arith.constant 0.000000e+00 : f32
          %neg3A_232 = vector.broadcast %neg3A_231 : f32 to vector<16xf32>
          %neg3A_233 = arith.subf %neg3A_232, %add3A_230 : vector<16xf32>
          %mul3A_234 = arith.constant -2.000000e-01 : f32
          %mul3A_235 = vector.broadcast %mul3A_234 : f32 to vector<16xf32>
          %mul3A_236 = arith.mulf %mul3A_235, %add3A_230 : vector<16xf32>
          %min3A_237 = arith.minimumf %neg3A_233, %mul3A_236 : vector<16xf32>
          %exp3A_238 = math.exp %min3A_237 : vector<16xf32>
          %mul3A_239 = arith.constant 16 : i32
          %mul3A_240 = arith.muli %scan3A_217, %mul3A_239 : i32
          %swap3A_241 = arith.index_cast %mul3A_240 : i32 to index
          %swap3A_242 = tpu.vector_load %arg11[%swap3A_241] {strides = array<i32>} : memref<400xf32, #tpu.memory_space<vmem>>, vector<16xf32>,
          tpu.vector_store %arg11[%swap3A_241], %exp3A_238 {strides = array<i32>} : memref<400xf32, #tpu.memory_space<vmem>>, vector<16xf32>,
        }
        %scan3A_157 = arith.constant 24 : i32
        %scan3A_158 = arith.addi %scan3A_153, %scan3A_157 : i32
        %mul3A_159 = arith.constant 16 : i32
        %mul3A_160 = arith.muli %scan3A_158, %mul3A_159 : i32
        %get3A_161 = arith.index_cast %add3A_146 : i32 to index
        %get3A_162 = arith.index_cast %mul3A_160 : i32 to index
        %get3A_163 = tpu.vector_load %arg8[%get3A_161, %get3A_162] {strides = array<i32>} : memref<50x400xi32, #tpu.memory_space<vmem>>, vector<16xi32>,
        %mul3A_164 = arith.constant 16 : i32
        %mul3A_165 = arith.muli %scan3A_158, %mul3A_164 : i32
        %get3A_166 = arith.index_cast %add3A_146 : i32 to index
        %get3A_167 = arith.index_cast %mul3A_165 : i32 to index
        %get3A_168 = tpu.vector_load %arg9[%get3A_166, %get3A_167] {strides = array<i32>} : memref<50x400xi32, #tpu.memory_space<vmem>>, vector<16xi32>,
        %gather3A_169 = tpu.vector_load_idx %arg6[%get3A_163] : memref<10000xf32, #tpu.memory_space<vmem>>[vector<16xi32>], vector<16xf32>,
        %gather3A_170 = tpu.vector_load_idx %arg7[%get3A_168] : memref<10000xf32, #tpu.memory_space<vmem>>[vector<16xi32>], vector<16xf32>,
        %add3A_171 = arith.addf %gather3A_169, %gather3A_170 : vector<16xf32>
        %neg3A_172 = arith.constant 0.000000e+00 : f32
        %neg3A_173 = vector.broadcast %neg3A_172 : f32 to vector<16xf32>
        %neg3A_174 = arith.subf %neg3A_173, %add3A_171 : vector<16xf32>
        %mul3A_175 = arith.constant -2.000000e-01 : f32
        %mul3A_176 = vector.broadcast %mul3A_175 : f32 to vector<16xf32>
        %mul3A_177 = arith.mulf %mul3A_176, %add3A_171 : vector<16xf32>
        %min3A_178 = arith.minimumf %neg3A_174, %mul3A_177 : vector<16xf32>
        %exp3A_179 = math.exp %min3A_178 : vector<16xf32>
        %mul3A_180 = arith.constant 16 : i32
        %mul3A_181 = arith.muli %scan3A_158, %mul3A_180 : i32
        %swap3A_182 = arith.index_cast %mul3A_181 : i32 to index
        %swap3A_183 = tpu.vector_load %arg11[%swap3A_182] {strides = array<i32>} : memref<400xf32, #tpu.memory_space<vmem>>, vector<16xf32>,
        tpu.vector_store %arg11[%swap3A_182], %exp3A_179 {strides = array<i32>} : memref<400xf32, #tpu.memory_space<vmem>>, vector<16xf32>,
        %scan3A_184 = arith.constant 25 : i32
        %mul3A_185 = arith.constant 400 : i32
        %mul3A_186 = arith.muli %add3A_146, %mul3A_185 : i32
        %add3A_187 = arith.addi %add3A_95, %mul3A_186 : i32
        %dma_start3A_188 = tpu.memref_slice %arg5[%add3A_187] : memref<2560000xf32, #tpu.memory_space<hbm>> -> memref<400xf32, #tpu.memory_space<hbm>>
        %dma_start3A_189 = tpu.memref_slice %arg5[%add3A_187] : memref<2560000xf32, #tpu.memory_space<hbm>> -> memref<400xf32, #tpu.memory_space<hbm>>
        tpu.enqueue_dma source(%arg11 : memref<400xf32, #tpu.memory_space<vmem>>) target(%dma_start3A_189 : memref<400xf32, #tpu.memory_space<hbm>>) target_semaphore(%arg13 : memref<!tpu.dma_semaphore, #tpu.memory_space<semaphore_mem>>)
      }
      %scan3A_101 = arith.constant 25 : i32
      %dma_wait3A = tpu.memref_slice %arg5[%add3A_95] : memref<2560000xf32, #tpu.memory_space<hbm>> -> memref<400xf32, #tpu.memory_space<hbm>>
      %dma_wait3A_102 = tpu.memref_slice %arg5[%add3A_95] : memref<2560000xf32, #tpu.memory_space<hbm>> -> memref<400xf32, #tpu.memory_space<hbm>>
      tpu.wait_dma2 semaphore(%arg12 : memref<!tpu.dma_semaphore, #tpu.memory_space<semaphore_mem>>) src(%arg10 : memref<400xf32, #tpu.memory_space<vmem>>) dst(%dma_wait3A_102 : memref<400xf32, #tpu.memory_space<hbm>>)
      %dma_wait3A_103 = tpu.memref_slice %arg5[%add3A_95] : memref<2560000xf32, #tpu.memory_space<hbm>> -> memref<400xf32, #tpu.memory_space<hbm>>
      %dma_wait3A_104 = tpu.memref_slice %arg5[%add3A_95] : memref<2560000xf32, #tpu.memory_space<hbm>> -> memref<400xf32, #tpu.memory_space<hbm>>
      tpu.wait_dma2 semaphore(%arg13 : memref<!tpu.dma_semaphore, #tpu.memory_space<semaphore_mem>>) src(%arg11 : memref<400xf32, #tpu.memory_space<vmem>>) dst(%dma_wait3A_104 : memref<400xf32, #tpu.memory_space<hbm>>)
    }
    %scan3A_7 = arith.constant 4 : i32
    return
  }
}

#map = affine_map<(d0, d1) -> (0, 0)>
#map1 = affine_map<(d0, d1) -> (0)>
module attributes {stable_mosaic.version = 14 : i64} {
  func.func @_edges2_body(%arg0: i32, %arg1: i32, %arg2: memref<10000x48xf32, #tpu.memory_space<hbm>>, %arg3: memref<20000xf32, #tpu.memory_space<hbm>>, %arg4: memref<800x400xi32, #tpu.memory_space<hbm>>, %arg5: memref<800x400xi32, #tpu.memory_space<hbm>>, %arg6: memref<20000x48xf32, #tpu.memory_space<hbm>>, %arg7: memref<10000xf32, #tpu.memory_space<vmem>>, %arg8: memref<10000xf32, #tpu.memory_space<vmem>>, %arg9: memref<25x400xi32, #tpu.memory_space<vmem>>, %arg10: memref<25x400xi32, #tpu.memory_space<vmem>>, %arg11: memref<400x48xf32, #tpu.memory_space<vmem>>, %arg12: memref<400x48xf32, #tpu.memory_space<vmem>>, %arg13: memref<400xf32, #tpu.memory_space<vmem>>, %arg14: memref<400xf32, #tpu.memory_space<vmem>>, %arg15: memref<!tpu.dma_semaphore, #tpu.memory_space<semaphore_mem>>, %arg16: memref<!tpu.dma_semaphore, #tpu.memory_space<semaphore_mem>>, %arg17: memref<!tpu.dma_semaphore, #tpu.memory_space<semaphore_mem>>, %arg18: memref<!tpu.dma_semaphore, #tpu.memory_space<semaphore_mem>>, %arg19: memref<10000x48xf32, #tpu.memory_space<vmem_shared>>) attributes {dimension_semantics = [#tpu.dimension_semantics<core_parallel>, #tpu.dimension_semantics<subcore_parallel>], iteration_bounds = array<i64: 2, 16>, scalar_prefetch = 0 : i64, scratch_operands = 13 : i64, tpu.core_type = #tpu.core_type<sc_vector_subcore>, window_params = [{transform_indices = #map}, {transform_indices = #map1}, {transform_indices = #map}, {transform_indices = #map}, {transform_indices = #map}]} {
    %mul3A = arith.constant 640 : i32
    %mul3A_0 = arith.muli %arg1, %mul3A : i32
    %mul3A_1 = arith.constant 16 : i32
    %mul3A_2 = arith.muli %arg0, %mul3A_1 : i32
    %add3A = arith.addi %mul3A_2, %arg1 : i32
    %mul3A_3 = arith.constant 25 : i32
    %mul3A_4 = arith.muli %add3A, %mul3A_3 : i32
    "tpu.region"() ({
      %run_scoped3A = tpu.sem_alloc : memref<!tpu.dma_semaphore, #tpu.memory_space<semaphore_mem>>
      %dma_start3A_125 = arith.constant 0 : i32
      %dma_start3A_126 = tpu.memref_slice %arg4[%mul3A_4, %dma_start3A_125] : memref<800x400xi32, #tpu.memory_space<hbm>> -> memref<25x400xi32, #tpu.memory_space<hbm>>
      %dma_start3A_127 = arith.constant 0 : i32
      %dma_start3A_128 = tpu.memref_slice %arg4[%mul3A_4, %dma_start3A_127] : memref<800x400xi32, #tpu.memory_space<hbm>> -> memref<25x400xi32, #tpu.memory_space<hbm>>
      tpu.enqueue_dma source(%dma_start3A_128 : memref<25x400xi32, #tpu.memory_space<hbm>>) target(%arg9 : memref<25x400xi32, #tpu.memory_space<vmem>>) target_semaphore(%run_scoped3A : memref<!tpu.dma_semaphore, #tpu.memory_space<semaphore_mem>>)
      %dma_wait3A_129 = arith.constant 0 : i32
      %dma_wait3A_130 = tpu.memref_slice %arg4[%mul3A_4, %dma_wait3A_129] : memref<800x400xi32, #tpu.memory_space<hbm>> -> memref<25x400xi32, #tpu.memory_space<hbm>>
      %dma_wait3A_131 = arith.constant 0 : i32
      %dma_wait3A_132 = tpu.memref_slice %arg4[%mul3A_4, %dma_wait3A_131] : memref<800x400xi32, #tpu.memory_space<hbm>> -> memref<25x400xi32, #tpu.memory_space<hbm>>
      tpu.wait_dma2 semaphore(%run_scoped3A : memref<!tpu.dma_semaphore, #tpu.memory_space<semaphore_mem>>) src(%dma_wait3A_132 : memref<25x400xi32, #tpu.memory_space<hbm>>) dst(%arg9 : memref<25x400xi32, #tpu.memory_space<vmem>>)
      tpu.yield
    }) : () -> ()
    %mul3A_5 = arith.constant 25 : i32
    %mul3A_6 = arith.muli %add3A, %mul3A_5 : i32
    "tpu.region"() ({
      %run_scoped3A = tpu.sem_alloc : memref<!tpu.dma_semaphore, #tpu.memory_space<semaphore_mem>>
      %dma_start3A_125 = arith.constant 0 : i32
      %dma_start3A_126 = tpu.memref_slice %arg5[%mul3A_6, %dma_start3A_125] : memref<800x400xi32, #tpu.memory_space<hbm>> -> memref<25x400xi32, #tpu.memory_space<hbm>>
      %dma_start3A_127 = arith.constant 0 : i32
      %dma_start3A_128 = tpu.memref_slice %arg5[%mul3A_6, %dma_start3A_127] : memref<800x400xi32, #tpu.memory_space<hbm>> -> memref<25x400xi32, #tpu.memory_space<hbm>>
      tpu.enqueue_dma source(%dma_start3A_128 : memref<25x400xi32, #tpu.memory_space<hbm>>) target(%arg10 : memref<25x400xi32, #tpu.memory_space<vmem>>) target_semaphore(%run_scoped3A : memref<!tpu.dma_semaphore, #tpu.memory_space<semaphore_mem>>)
      %dma_wait3A_129 = arith.constant 0 : i32
      %dma_wait3A_130 = tpu.memref_slice %arg5[%mul3A_6, %dma_wait3A_129] : memref<800x400xi32, #tpu.memory_space<hbm>> -> memref<25x400xi32, #tpu.memory_space<hbm>>
      %dma_wait3A_131 = arith.constant 0 : i32
      %dma_wait3A_132 = tpu.memref_slice %arg5[%mul3A_6, %dma_wait3A_131] : memref<800x400xi32, #tpu.memory_space<hbm>> -> memref<25x400xi32, #tpu.memory_space<hbm>>
      tpu.wait_dma2 semaphore(%run_scoped3A : memref<!tpu.dma_semaphore, #tpu.memory_space<semaphore_mem>>) src(%dma_wait3A_132 : memref<25x400xi32, #tpu.memory_space<hbm>>) dst(%arg10 : memref<25x400xi32, #tpu.memory_space<vmem>>)
      tpu.yield
    }) : () -> ()
    "tpu.region"() ({
      %run_scoped3A = tpu.sem_alloc : memref<!tpu.dma_semaphore, #tpu.memory_space<semaphore_mem>>
      %dma_start3A_125 = arith.constant 0 : i32
      %dma_start3A_126 = tpu.memref_slice %arg7[%dma_start3A_125] : memref<10000xf32, #tpu.memory_space<vmem>> -> memref<1000xf32, #tpu.memory_space<vmem>>
      %dma_start3A_127 = arith.constant 0 : i32
      %dma_start3A_128 = tpu.memref_slice %arg3[%dma_start3A_127] : memref<20000xf32, #tpu.memory_space<hbm>> -> memref<1000xf32, #tpu.memory_space<hbm>>
      %dma_start3A_129 = arith.constant 0 : i32
      %dma_start3A_130 = tpu.memref_slice %arg7[%dma_start3A_129] : memref<10000xf32, #tpu.memory_space<vmem>> -> memref<1000xf32, #tpu.memory_space<vmem>>
      %dma_start3A_131 = arith.constant 0 : i32
      %dma_start3A_132 = tpu.memref_slice %arg3[%dma_start3A_131] : memref<20000xf32, #tpu.memory_space<hbm>> -> memref<1000xf32, #tpu.memory_space<hbm>>
      tpu.enqueue_dma source(%dma_start3A_132 : memref<1000xf32, #tpu.memory_space<hbm>>) target(%dma_start3A_130 : memref<1000xf32, #tpu.memory_space<vmem>>) target_semaphore(%run_scoped3A : memref<!tpu.dma_semaphore, #tpu.memory_space<semaphore_mem>>)
      %dma_wait3A_133 = arith.constant 0 : i32
      %dma_wait3A_134 = tpu.memref_slice %arg7[%dma_wait3A_133] : memref<10000xf32, #tpu.memory_space<vmem>> -> memref<1000xf32, #tpu.memory_space<vmem>>
      %dma_wait3A_135 = arith.constant 0 : i32
      %dma_wait3A_136 = tpu.memref_slice %arg3[%dma_wait3A_135] : memref<20000xf32, #tpu.memory_space<hbm>> -> memref<1000xf32, #tpu.memory_space<hbm>>
      %dma_wait3A_137 = arith.constant 0 : i32
      %dma_wait3A_138 = tpu.memref_slice %arg7[%dma_wait3A_137] : memref<10000xf32, #tpu.memory_space<vmem>> -> memref<1000xf32, #tpu.memory_space<vmem>>
      %dma_wait3A_139 = arith.constant 0 : i32
      %dma_wait3A_140 = tpu.memref_slice %arg3[%dma_wait3A_139] : memref<20000xf32, #tpu.memory_space<hbm>> -> memref<1000xf32, #tpu.memory_space<hbm>>
      tpu.wait_dma2 semaphore(%run_scoped3A : memref<!tpu.dma_semaphore, #tpu.memory_space<semaphore_mem>>) src(%dma_wait3A_140 : memref<1000xf32, #tpu.memory_space<hbm>>) dst(%dma_wait3A_138 : memref<1000xf32, #tpu.memory_space<vmem>>)
      tpu.yield
    }) : () -> ()
    "tpu.region"() ({
      %run_scoped3A = tpu.sem_alloc : memref<!tpu.dma_semaphore, #tpu.memory_space<semaphore_mem>>
      %dma_start3A_125 = arith.constant 0 : i32
      %dma_start3A_126 = tpu.memref_slice %arg8[%dma_start3A_125] : memref<10000xf32, #tpu.memory_space<vmem>> -> memref<1000xf32, #tpu.memory_space<vmem>>
      %dma_start3A_127 = arith.constant 1000 : i32
      %dma_start3A_128 = tpu.memref_slice %arg3[%dma_start3A_127] : memref<20000xf32, #tpu.memory_space<hbm>> -> memref<1000xf32, #tpu.memory_space<hbm>>
      %dma_start3A_129 = arith.constant 0 : i32
      %dma_start3A_130 = tpu.memref_slice %arg8[%dma_start3A_129] : memref<10000xf32, #tpu.memory_space<vmem>> -> memref<1000xf32, #tpu.memory_space<vmem>>
      %dma_start3A_131 = arith.constant 1000 : i32
      %dma_start3A_132 = tpu.memref_slice %arg3[%dma_start3A_131] : memref<20000xf32, #tpu.memory_space<hbm>> -> memref<1000xf32, #tpu.memory_space<hbm>>
      tpu.enqueue_dma source(%dma_start3A_132 : memref<1000xf32, #tpu.memory_space<hbm>>) target(%dma_start3A_130 : memref<1000xf32, #tpu.memory_space<vmem>>) target_semaphore(%run_scoped3A : memref<!tpu.dma_semaphore, #tpu.memory_space<semaphore_mem>>)
      %dma_wait3A_133 = arith.constant 0 : i32
      %dma_wait3A_134 = tpu.memref_slice %arg8[%dma_wait3A_133] : memref<10000xf32, #tpu.memory_space<vmem>> -> memref<1000xf32, #tpu.memory_space<vmem>>
      %dma_wait3A_135 = arith.constant 1000 : i32
      %dma_wait3A_136 = tpu.memref_slice %arg3[%dma_wait3A_135] : memref<20000xf32, #tpu.memory_space<hbm>> -> memref<1000xf32, #tpu.memory_space<hbm>>
      %dma_wait3A_137 = arith.constant 0 : i32
      %dma_wait3A_138 = tpu.memref_slice %arg8[%dma_wait3A_137] : memref<10000xf32, #tpu.memory_space<vmem>> -> memref<1000xf32, #tpu.memory_space<vmem>>
      %dma_wait3A_139 = arith.constant 1000 : i32
      %dma_wait3A_140 = tpu.memref_slice %arg3[%dma_wait3A_139] : memref<20000xf32, #tpu.memory_space<hbm>> -> memref<1000xf32, #tpu.memory_space<hbm>>
      tpu.wait_dma2 semaphore(%run_scoped3A : memref<!tpu.dma_semaphore, #tpu.memory_space<semaphore_mem>>) src(%dma_wait3A_140 : memref<1000xf32, #tpu.memory_space<hbm>>) dst(%dma_wait3A_138 : memref<1000xf32, #tpu.memory_space<vmem>>)
      tpu.yield
    }) : () -> ()
    "tpu.region"() ({
      %run_scoped3A = tpu.sem_alloc : memref<!tpu.dma_semaphore, #tpu.memory_space<semaphore_mem>>
      %dma_start3A_125 = arith.constant 1000 : i32
      %dma_start3A_126 = tpu.memref_slice %arg7[%dma_start3A_125] : memref<10000xf32, #tpu.memory_space<vmem>> -> memref<1000xf32, #tpu.memory_space<vmem>>
      %dma_start3A_127 = arith.constant 2000 : i32
      %dma_start3A_128 = tpu.memref_slice %arg3[%dma_start3A_127] : memref<20000xf32, #tpu.memory_space<hbm>> -> memref<1000xf32, #tpu.memory_space<hbm>>
      %dma_start3A_129 = arith.constant 1000 : i32
      %dma_start3A_130 = tpu.memref_slice %arg7[%dma_start3A_129] : memref<10000xf32, #tpu.memory_space<vmem>> -> memref<1000xf32, #tpu.memory_space<vmem>>
      %dma_start3A_131 = arith.constant 2000 : i32
      %dma_start3A_132 = tpu.memref_slice %arg3[%dma_start3A_131] : memref<20000xf32, #tpu.memory_space<hbm>> -> memref<1000xf32, #tpu.memory_space<hbm>>
      tpu.enqueue_dma source(%dma_start3A_132 : memref<1000xf32, #tpu.memory_space<hbm>>) target(%dma_start3A_130 : memref<1000xf32, #tpu.memory_space<vmem>>) target_semaphore(%run_scoped3A : memref<!tpu.dma_semaphore, #tpu.memory_space<semaphore_mem>>)
      %dma_wait3A_133 = arith.constant 1000 : i32
      %dma_wait3A_134 = tpu.memref_slice %arg7[%dma_wait3A_133] : memref<10000xf32, #tpu.memory_space<vmem>> -> memref<1000xf32, #tpu.memory_space<vmem>>
      %dma_wait3A_135 = arith.constant 2000 : i32
      %dma_wait3A_136 = tpu.memref_slice %arg3[%dma_wait3A_135] : memref<20000xf32, #tpu.memory_space<hbm>> -> memref<1000xf32, #tpu.memory_space<hbm>>
      %dma_wait3A_137 = arith.constant 1000 : i32
      %dma_wait3A_138 = tpu.memref_slice %arg7[%dma_wait3A_137] : memref<10000xf32, #tpu.memory_space<vmem>> -> memref<1000xf32, #tpu.memory_space<vmem>>
      %dma_wait3A_139 = arith.constant 2000 : i32
      %dma_wait3A_140 = tpu.memref_slice %arg3[%dma_wait3A_139] : memref<20000xf32, #tpu.memory_space<hbm>> -> memref<1000xf32, #tpu.memory_space<hbm>>
      tpu.wait_dma2 semaphore(%run_scoped3A : memref<!tpu.dma_semaphore, #tpu.memory_space<semaphore_mem>>) src(%dma_wait3A_140 : memref<1000xf32, #tpu.memory_space<hbm>>) dst(%dma_wait3A_138 : memref<1000xf32, #tpu.memory_space<vmem>>)
      tpu.yield
    }) : () -> ()
    "tpu.region"() ({
      %run_scoped3A = tpu.sem_alloc : memref<!tpu.dma_semaphore, #tpu.memory_space<semaphore_mem>>
      %dma_start3A_125 = arith.constant 1000 : i32
      %dma_start3A_126 = tpu.memref_slice %arg8[%dma_start3A_125] : memref<10000xf32, #tpu.memory_space<vmem>> -> memref<1000xf32, #tpu.memory_space<vmem>>
      %dma_start3A_127 = arith.constant 3000 : i32
      %dma_start3A_128 = tpu.memref_slice %arg3[%dma_start3A_127] : memref<20000xf32, #tpu.memory_space<hbm>> -> memref<1000xf32, #tpu.memory_space<hbm>>
      %dma_start3A_129 = arith.constant 1000 : i32
      %dma_start3A_130 = tpu.memref_slice %arg8[%dma_start3A_129] : memref<10000xf32, #tpu.memory_space<vmem>> -> memref<1000xf32, #tpu.memory_space<vmem>>
      %dma_start3A_131 = arith.constant 3000 : i32
      %dma_start3A_132 = tpu.memref_slice %arg3[%dma_start3A_131] : memref<20000xf32, #tpu.memory_space<hbm>> -> memref<1000xf32, #tpu.memory_space<hbm>>
      tpu.enqueue_dma source(%dma_start3A_132 : memref<1000xf32, #tpu.memory_space<hbm>>) target(%dma_start3A_130 : memref<1000xf32, #tpu.memory_space<vmem>>) target_semaphore(%run_scoped3A : memref<!tpu.dma_semaphore, #tpu.memory_space<semaphore_mem>>)
      %dma_wait3A_133 = arith.constant 1000 : i32
      %dma_wait3A_134 = tpu.memref_slice %arg8[%dma_wait3A_133] : memref<10000xf32, #tpu.memory_space<vmem>> -> memref<1000xf32, #tpu.memory_space<vmem>>
      %dma_wait3A_135 = arith.constant 3000 : i32
      %dma_wait3A_136 = tpu.memref_slice %arg3[%dma_wait3A_135] : memref<20000xf32, #tpu.memory_space<hbm>> -> memref<1000xf32, #tpu.memory_space<hbm>>
      %dma_wait3A_137 = arith.constant 1000 : i32
      %dma_wait3A_138 = tpu.memref_slice %arg8[%dma_wait3A_137] : memref<10000xf32, #tpu.memory_space<vmem>> -> memref<1000xf32, #tpu.memory_space<vmem>>
      %dma_wait3A_139 = arith.constant 3000 : i32
      %dma_wait3A_140 = tpu.memref_slice %arg3[%dma_wait3A_139] : memref<20000xf32, #tpu.memory_space<hbm>> -> memref<1000xf32, #tpu.memory_space<hbm>>
      tpu.wait_dma2 semaphore(%run_scoped3A : memref<!tpu.dma_semaphore, #tpu.memory_space<semaphore_mem>>) src(%dma_wait3A_140 : memref<1000xf32, #tpu.memory_space<hbm>>) dst(%dma_wait3A_138 : memref<1000xf32, #tpu.memory_space<vmem>>)
      tpu.yield
    }) : () -> ()
    "tpu.region"() ({
      %run_scoped3A = tpu.sem_alloc : memref<!tpu.dma_semaphore, #tpu.memory_space<semaphore_mem>>
      %dma_start3A_125 = arith.constant 2000 : i32
      %dma_start3A_126 = tpu.memref_slice %arg7[%dma_start3A_125] : memref<10000xf32, #tpu.memory_space<vmem>> -> memref<1000xf32, #tpu.memory_space<vmem>>
      %dma_start3A_127 = arith.constant 4000 : i32
      %dma_start3A_128 = tpu.memref_slice %arg3[%dma_start3A_127] : memref<20000xf32, #tpu.memory_space<hbm>> -> memref<1000xf32, #tpu.memory_space<hbm>>
      %dma_start3A_129 = arith.constant 2000 : i32
      %dma_start3A_130 = tpu.memref_slice %arg7[%dma_start3A_129] : memref<10000xf32, #tpu.memory_space<vmem>> -> memref<1000xf32, #tpu.memory_space<vmem>>
      %dma_start3A_131 = arith.constant 4000 : i32
      %dma_start3A_132 = tpu.memref_slice %arg3[%dma_start3A_131] : memref<20000xf32, #tpu.memory_space<hbm>> -> memref<1000xf32, #tpu.memory_space<hbm>>
      tpu.enqueue_dma source(%dma_start3A_132 : memref<1000xf32, #tpu.memory_space<hbm>>) target(%dma_start3A_130 : memref<1000xf32, #tpu.memory_space<vmem>>) target_semaphore(%run_scoped3A : memref<!tpu.dma_semaphore, #tpu.memory_space<semaphore_mem>>)
      %dma_wait3A_133 = arith.constant 2000 : i32
      %dma_wait3A_134 = tpu.memref_slice %arg7[%dma_wait3A_133] : memref<10000xf32, #tpu.memory_space<vmem>> -> memref<1000xf32, #tpu.memory_space<vmem>>
      %dma_wait3A_135 = arith.constant 4000 : i32
      %dma_wait3A_136 = tpu.memref_slice %arg3[%dma_wait3A_135] : memref<20000xf32, #tpu.memory_space<hbm>> -> memref<1000xf32, #tpu.memory_space<hbm>>
      %dma_wait3A_137 = arith.constant 2000 : i32
      %dma_wait3A_138 = tpu.memref_slice %arg7[%dma_wait3A_137] : memref<10000xf32, #tpu.memory_space<vmem>> -> memref<1000xf32, #tpu.memory_space<vmem>>
      %dma_wait3A_139 = arith.constant 4000 : i32
      %dma_wait3A_140 = tpu.memref_slice %arg3[%dma_wait3A_139] : memref<20000xf32, #tpu.memory_space<hbm>> -> memref<1000xf32, #tpu.memory_space<hbm>>
      tpu.wait_dma2 semaphore(%run_scoped3A : memref<!tpu.dma_semaphore, #tpu.memory_space<semaphore_mem>>) src(%dma_wait3A_140 : memref<1000xf32, #tpu.memory_space<hbm>>) dst(%dma_wait3A_138 : memref<1000xf32, #tpu.memory_space<vmem>>)
      tpu.yield
    }) : () -> ()
    "tpu.region"() ({
      %run_scoped3A = tpu.sem_alloc : memref<!tpu.dma_semaphore, #tpu.memory_space<semaphore_mem>>
      %dma_start3A_125 = arith.constant 2000 : i32
      %dma_start3A_126 = tpu.memref_slice %arg8[%dma_start3A_125] : memref<10000xf32, #tpu.memory_space<vmem>> -> memref<1000xf32, #tpu.memory_space<vmem>>
      %dma_start3A_127 = arith.constant 5000 : i32
      %dma_start3A_128 = tpu.memref_slice %arg3[%dma_start3A_127] : memref<20000xf32, #tpu.memory_space<hbm>> -> memref<1000xf32, #tpu.memory_space<hbm>>
      %dma_start3A_129 = arith.constant 2000 : i32
      %dma_start3A_130 = tpu.memref_slice %arg8[%dma_start3A_129] : memref<10000xf32, #tpu.memory_space<vmem>> -> memref<1000xf32, #tpu.memory_space<vmem>>
      %dma_start3A_131 = arith.constant 5000 : i32
      %dma_start3A_132 = tpu.memref_slice %arg3[%dma_start3A_131] : memref<20000xf32, #tpu.memory_space<hbm>> -> memref<1000xf32, #tpu.memory_space<hbm>>
      tpu.enqueue_dma source(%dma_start3A_132 : memref<1000xf32, #tpu.memory_space<hbm>>) target(%dma_start3A_130 : memref<1000xf32, #tpu.memory_space<vmem>>) target_semaphore(%run_scoped3A : memref<!tpu.dma_semaphore, #tpu.memory_space<semaphore_mem>>)
      %dma_wait3A_133 = arith.constant 2000 : i32
      %dma_wait3A_134 = tpu.memref_slice %arg8[%dma_wait3A_133] : memref<10000xf32, #tpu.memory_space<vmem>> -> memref<1000xf32, #tpu.memory_space<vmem>>
      %dma_wait3A_135 = arith.constant 5000 : i32
      %dma_wait3A_136 = tpu.memref_slice %arg3[%dma_wait3A_135] : memref<20000xf32, #tpu.memory_space<hbm>> -> memref<1000xf32, #tpu.memory_space<hbm>>
      %dma_wait3A_137 = arith.constant 2000 : i32
      %dma_wait3A_138 = tpu.memref_slice %arg8[%dma_wait3A_137] : memref<10000xf32, #tpu.memory_space<vmem>> -> memref<1000xf32, #tpu.memory_space<vmem>>
      %dma_wait3A_139 = arith.constant 5000 : i32
      %dma_wait3A_140 = tpu.memref_slice %arg3[%dma_wait3A_139] : memref<20000xf32, #tpu.memory_space<hbm>> -> memref<1000xf32, #tpu.memory_space<hbm>>
      tpu.wait_dma2 semaphore(%run_scoped3A : memref<!tpu.dma_semaphore, #tpu.memory_space<semaphore_mem>>) src(%dma_wait3A_140 : memref<1000xf32, #tpu.memory_space<hbm>>) dst(%dma_wait3A_138 : memref<1000xf32, #tpu.memory_space<vmem>>)
      tpu.yield
    }) : () -> ()
    "tpu.region"() ({
      %run_scoped3A = tpu.sem_alloc : memref<!tpu.dma_semaphore, #tpu.memory_space<semaphore_mem>>
      %dma_start3A_125 = arith.constant 3000 : i32
      %dma_start3A_126 = tpu.memref_slice %arg7[%dma_start3A_125] : memref<10000xf32, #tpu.memory_space<vmem>> -> memref<1000xf32, #tpu.memory_space<vmem>>
      %dma_start3A_127 = arith.constant 6000 : i32
      %dma_start3A_128 = tpu.memref_slice %arg3[%dma_start3A_127] : memref<20000xf32, #tpu.memory_space<hbm>> -> memref<1000xf32, #tpu.memory_space<hbm>>
      %dma_start3A_129 = arith.constant 3000 : i32
      %dma_start3A_130 = tpu.memref_slice %arg7[%dma_start3A_129] : memref<10000xf32, #tpu.memory_space<vmem>> -> memref<1000xf32, #tpu.memory_space<vmem>>
      %dma_start3A_131 = arith.constant 6000 : i32
      %dma_start3A_132 = tpu.memref_slice %arg3[%dma_start3A_131] : memref<20000xf32, #tpu.memory_space<hbm>> -> memref<1000xf32, #tpu.memory_space<hbm>>
      tpu.enqueue_dma source(%dma_start3A_132 : memref<1000xf32, #tpu.memory_space<hbm>>) target(%dma_start3A_130 : memref<1000xf32, #tpu.memory_space<vmem>>) target_semaphore(%run_scoped3A : memref<!tpu.dma_semaphore, #tpu.memory_space<semaphore_mem>>)
      %dma_wait3A_133 = arith.constant 3000 : i32
      %dma_wait3A_134 = tpu.memref_slice %arg7[%dma_wait3A_133] : memref<10000xf32, #tpu.memory_space<vmem>> -> memref<1000xf32, #tpu.memory_space<vmem>>
      %dma_wait3A_135 = arith.constant 6000 : i32
      %dma_wait3A_136 = tpu.memref_slice %arg3[%dma_wait3A_135] : memref<20000xf32, #tpu.memory_space<hbm>> -> memref<1000xf32, #tpu.memory_space<hbm>>
      %dma_wait3A_137 = arith.constant 3000 : i32
      %dma_wait3A_138 = tpu.memref_slice %arg7[%dma_wait3A_137] : memref<10000xf32, #tpu.memory_space<vmem>> -> memref<1000xf32, #tpu.memory_space<vmem>>
      %dma_wait3A_139 = arith.constant 6000 : i32
      %dma_wait3A_140 = tpu.memref_slice %arg3[%dma_wait3A_139] : memref<20000xf32, #tpu.memory_space<hbm>> -> memref<1000xf32, #tpu.memory_space<hbm>>
      tpu.wait_dma2 semaphore(%run_scoped3A : memref<!tpu.dma_semaphore, #tpu.memory_space<semaphore_mem>>) src(%dma_wait3A_140 : memref<1000xf32, #tpu.memory_space<hbm>>) dst(%dma_wait3A_138 : memref<1000xf32, #tpu.memory_space<vmem>>)
      tpu.yield
    }) : () -> ()
    "tpu.region"() ({
      %run_scoped3A = tpu.sem_alloc : memref<!tpu.dma_semaphore, #tpu.memory_space<semaphore_mem>>
      %dma_start3A_125 = arith.constant 3000 : i32
      %dma_start3A_126 = tpu.memref_slice %arg8[%dma_start3A_125] : memref<10000xf32, #tpu.memory_space<vmem>> -> memref<1000xf32, #tpu.memory_space<vmem>>
      %dma_start3A_127 = arith.constant 7000 : i32
      %dma_start3A_128 = tpu.memref_slice %arg3[%dma_start3A_127] : memref<20000xf32, #tpu.memory_space<hbm>> -> memref<1000xf32, #tpu.memory_space<hbm>>
      %dma_start3A_129 = arith.constant 3000 : i32
      %dma_start3A_130 = tpu.memref_slice %arg8[%dma_start3A_129] : memref<10000xf32, #tpu.memory_space<vmem>> -> memref<1000xf32, #tpu.memory_space<vmem>>
      %dma_start3A_131 = arith.constant 7000 : i32
      %dma_start3A_132 = tpu.memref_slice %arg3[%dma_start3A_131] : memref<20000xf32, #tpu.memory_space<hbm>> -> memref<1000xf32, #tpu.memory_space<hbm>>
      tpu.enqueue_dma source(%dma_start3A_132 : memref<1000xf32, #tpu.memory_space<hbm>>) target(%dma_start3A_130 : memref<1000xf32, #tpu.memory_space<vmem>>) target_semaphore(%run_scoped3A : memref<!tpu.dma_semaphore, #tpu.memory_space<semaphore_mem>>)
      %dma_wait3A_133 = arith.constant 3000 : i32
      %dma_wait3A_134 = tpu.memref_slice %arg8[%dma_wait3A_133] : memref<10000xf32, #tpu.memory_space<vmem>> -> memref<1000xf32, #tpu.memory_space<vmem>>
      %dma_wait3A_135 = arith.constant 7000 : i32
      %dma_wait3A_136 = tpu.memref_slice %arg3[%dma_wait3A_135] : memref<20000xf32, #tpu.memory_space<hbm>> -> memref<1000xf32, #tpu.memory_space<hbm>>
      %dma_wait3A_137 = arith.constant 3000 : i32
      %dma_wait3A_138 = tpu.memref_slice %arg8[%dma_wait3A_137] : memref<10000xf32, #tpu.memory_space<vmem>> -> memref<1000xf32, #tpu.memory_space<vmem>>
      %dma_wait3A_139 = arith.constant 7000 : i32
      %dma_wait3A_140 = tpu.memref_slice %arg3[%dma_wait3A_139] : memref<20000xf32, #tpu.memory_space<hbm>> -> memref<1000xf32, #tpu.memory_space<hbm>>
      tpu.wait_dma2 semaphore(%run_scoped3A : memref<!tpu.dma_semaphore, #tpu.memory_space<semaphore_mem>>) src(%dma_wait3A_140 : memref<1000xf32, #tpu.memory_space<hbm>>) dst(%dma_wait3A_138 : memref<1000xf32, #tpu.memory_space<vmem>>)
      tpu.yield
    }) : () -> ()
    "tpu.region"() ({
      %run_scoped3A = tpu.sem_alloc : memref<!tpu.dma_semaphore, #tpu.memory_space<semaphore_mem>>
      %dma_start3A_125 = arith.constant 4000 : i32
      %dma_start3A_126 = tpu.memref_slice %arg7[%dma_start3A_125] : memref<10000xf32, #tpu.memory_space<vmem>> -> memref<1000xf32, #tpu.memory_space<vmem>>
      %dma_start3A_127 = arith.constant 8000 : i32
      %dma_start3A_128 = tpu.memref_slice %arg3[%dma_start3A_127] : memref<20000xf32, #tpu.memory_space<hbm>> -> memref<1000xf32, #tpu.memory_space<hbm>>
      %dma_start3A_129 = arith.constant 4000 : i32
      %dma_start3A_130 = tpu.memref_slice %arg7[%dma_start3A_129] : memref<10000xf32, #tpu.memory_space<vmem>> -> memref<1000xf32, #tpu.memory_space<vmem>>
      %dma_start3A_131 = arith.constant 8000 : i32
      %dma_start3A_132 = tpu.memref_slice %arg3[%dma_start3A_131] : memref<20000xf32, #tpu.memory_space<hbm>> -> memref<1000xf32, #tpu.memory_space<hbm>>
      tpu.enqueue_dma source(%dma_start3A_132 : memref<1000xf32, #tpu.memory_space<hbm>>) target(%dma_start3A_130 : memref<1000xf32, #tpu.memory_space<vmem>>) target_semaphore(%run_scoped3A : memref<!tpu.dma_semaphore, #tpu.memory_space<semaphore_mem>>)
      %dma_wait3A_133 = arith.constant 4000 : i32
      %dma_wait3A_134 = tpu.memref_slice %arg7[%dma_wait3A_133] : memref<10000xf32, #tpu.memory_space<vmem>> -> memref<1000xf32, #tpu.memory_space<vmem>>
      %dma_wait3A_135 = arith.constant 8000 : i32
      %dma_wait3A_136 = tpu.memref_slice %arg3[%dma_wait3A_135] : memref<20000xf32, #tpu.memory_space<hbm>> -> memref<1000xf32, #tpu.memory_space<hbm>>
      %dma_wait3A_137 = arith.constant 4000 : i32
      %dma_wait3A_138 = tpu.memref_slice %arg7[%dma_wait3A_137] : memref<10000xf32, #tpu.memory_space<vmem>> -> memref<1000xf32, #tpu.memory_space<vmem>>
      %dma_wait3A_139 = arith.constant 8000 : i32
      %dma_wait3A_140 = tpu.memref_slice %arg3[%dma_wait3A_139] : memref<20000xf32, #tpu.memory_space<hbm>> -> memref<1000xf32, #tpu.memory_space<hbm>>
      tpu.wait_dma2 semaphore(%run_scoped3A : memref<!tpu.dma_semaphore, #tpu.memory_space<semaphore_mem>>) src(%dma_wait3A_140 : memref<1000xf32, #tpu.memory_space<hbm>>) dst(%dma_wait3A_138 : memref<1000xf32, #tpu.memory_space<vmem>>)
      tpu.yield
    }) : () -> ()
    "tpu.region"() ({
      %run_scoped3A = tpu.sem_alloc : memref<!tpu.dma_semaphore, #tpu.memory_space<semaphore_mem>>
      %dma_start3A_125 = arith.constant 4000 : i32
      %dma_start3A_126 = tpu.memref_slice %arg8[%dma_start3A_125] : memref<10000xf32, #tpu.memory_space<vmem>> -> memref<1000xf32, #tpu.memory_space<vmem>>
      %dma_start3A_127 = arith.constant 9000 : i32
      %dma_start3A_128 = tpu.memref_slice %arg3[%dma_start3A_127] : memref<20000xf32, #tpu.memory_space<hbm>> -> memref<1000xf32, #tpu.memory_space<hbm>>
      %dma_start3A_129 = arith.constant 4000 : i32
      %dma_start3A_130 = tpu.memref_slice %arg8[%dma_start3A_129] : memref<10000xf32, #tpu.memory_space<vmem>> -> memref<1000xf32, #tpu.memory_space<vmem>>
      %dma_start3A_131 = arith.constant 9000 : i32
      %dma_start3A_132 = tpu.memref_slice %arg3[%dma_start3A_131] : memref<20000xf32, #tpu.memory_space<hbm>> -> memref<1000xf32, #tpu.memory_space<hbm>>
      tpu.enqueue_dma source(%dma_start3A_132 : memref<1000xf32, #tpu.memory_space<hbm>>) target(%dma_start3A_130 : memref<1000xf32, #tpu.memory_space<vmem>>) target_semaphore(%run_scoped3A : memref<!tpu.dma_semaphore, #tpu.memory_space<semaphore_mem>>)
      %dma_wait3A_133 = arith.constant 4000 : i32
      %dma_wait3A_134 = tpu.memref_slice %arg8[%dma_wait3A_133] : memref<10000xf32, #tpu.memory_space<vmem>> -> memref<1000xf32, #tpu.memory_space<vmem>>
      %dma_wait3A_135 = arith.constant 9000 : i32
      %dma_wait3A_136 = tpu.memref_slice %arg3[%dma_wait3A_135] : memref<20000xf32, #tpu.memory_space<hbm>> -> memref<1000xf32, #tpu.memory_space<hbm>>
      %dma_wait3A_137 = arith.constant 4000 : i32
      %dma_wait3A_138 = tpu.memref_slice %arg8[%dma_wait3A_137] : memref<10000xf32, #tpu.memory_space<vmem>> -> memref<1000xf32, #tpu.memory_space<vmem>>
      %dma_wait3A_139 = arith.constant 9000 : i32
      %dma_wait3A_140 = tpu.memref_slice %arg3[%dma_wait3A_139] : memref<20000xf32, #tpu.memory_space<hbm>> -> memref<1000xf32, #tpu.memory_space<hbm>>
      tpu.wait_dma2 semaphore(%run_scoped3A : memref<!tpu.dma_semaphore, #tpu.memory_space<semaphore_mem>>) src(%dma_wait3A_140 : memref<1000xf32, #tpu.memory_space<hbm>>) dst(%dma_wait3A_138 : memref<1000xf32, #tpu.memory_space<vmem>>)
      tpu.yield
    }) : () -> ()
    "tpu.region"() ({
      %run_scoped3A = tpu.sem_alloc : memref<!tpu.dma_semaphore, #tpu.memory_space<semaphore_mem>>
      %dma_start3A_125 = arith.constant 5000 : i32
      %dma_start3A_126 = tpu.memref_slice %arg7[%dma_start3A_125] : memref<10000xf32, #tpu.memory_space<vmem>> -> memref<1000xf32, #tpu.memory_space<vmem>>
      %dma_start3A_127 = arith.constant 10000 : i32
      %dma_start3A_128 = tpu.memref_slice %arg3[%dma_start3A_127] : memref<20000xf32, #tpu.memory_space<hbm>> -> memref<1000xf32, #tpu.memory_space<hbm>>
      %dma_start3A_129 = arith.constant 5000 : i32
      %dma_start3A_130 = tpu.memref_slice %arg7[%dma_start3A_129] : memref<10000xf32, #tpu.memory_space<vmem>> -> memref<1000xf32, #tpu.memory_space<vmem>>
      %dma_start3A_131 = arith.constant 10000 : i32
      %dma_start3A_132 = tpu.memref_slice %arg3[%dma_start3A_131] : memref<20000xf32, #tpu.memory_space<hbm>> -> memref<1000xf32, #tpu.memory_space<hbm>>
      tpu.enqueue_dma source(%dma_start3A_132 : memref<1000xf32, #tpu.memory_space<hbm>>) target(%dma_start3A_130 : memref<1000xf32, #tpu.memory_space<vmem>>) target_semaphore(%run_scoped3A : memref<!tpu.dma_semaphore, #tpu.memory_space<semaphore_mem>>)
      %dma_wait3A_133 = arith.constant 5000 : i32
      %dma_wait3A_134 = tpu.memref_slice %arg7[%dma_wait3A_133] : memref<10000xf32, #tpu.memory_space<vmem>> -> memref<1000xf32, #tpu.memory_space<vmem>>
      %dma_wait3A_135 = arith.constant 10000 : i32
      %dma_wait3A_136 = tpu.memref_slice %arg3[%dma_wait3A_135] : memref<20000xf32, #tpu.memory_space<hbm>> -> memref<1000xf32, #tpu.memory_space<hbm>>
      %dma_wait3A_137 = arith.constant 5000 : i32
      %dma_wait3A_138 = tpu.memref_slice %arg7[%dma_wait3A_137] : memref<10000xf32, #tpu.memory_space<vmem>> -> memref<1000xf32, #tpu.memory_space<vmem>>
      %dma_wait3A_139 = arith.constant 10000 : i32
      %dma_wait3A_140 = tpu.memref_slice %arg3[%dma_wait3A_139] : memref<20000xf32, #tpu.memory_space<hbm>> -> memref<1000xf32, #tpu.memory_space<hbm>>
      tpu.wait_dma2 semaphore(%run_scoped3A : memref<!tpu.dma_semaphore, #tpu.memory_space<semaphore_mem>>) src(%dma_wait3A_140 : memref<1000xf32, #tpu.memory_space<hbm>>) dst(%dma_wait3A_138 : memref<1000xf32, #tpu.memory_space<vmem>>)
      tpu.yield
    }) : () -> ()
    "tpu.region"() ({
      %run_scoped3A = tpu.sem_alloc : memref<!tpu.dma_semaphore, #tpu.memory_space<semaphore_mem>>
      %dma_start3A_125 = arith.constant 5000 : i32
      %dma_start3A_126 = tpu.memref_slice %arg8[%dma_start3A_125] : memref<10000xf32, #tpu.memory_space<vmem>> -> memref<1000xf32, #tpu.memory_space<vmem>>
      %dma_start3A_127 = arith.constant 11000 : i32
      %dma_start3A_128 = tpu.memref_slice %arg3[%dma_start3A_127] : memref<20000xf32, #tpu.memory_space<hbm>> -> memref<1000xf32, #tpu.memory_space<hbm>>
      %dma_start3A_129 = arith.constant 5000 : i32
      %dma_start3A_130 = tpu.memref_slice %arg8[%dma_start3A_129] : memref<10000xf32, #tpu.memory_space<vmem>> -> memref<1000xf32, #tpu.memory_space<vmem>>
      %dma_start3A_131 = arith.constant 11000 : i32
      %dma_start3A_132 = tpu.memref_slice %arg3[%dma_start3A_131] : memref<20000xf32, #tpu.memory_space<hbm>> -> memref<1000xf32, #tpu.memory_space<hbm>>
      tpu.enqueue_dma source(%dma_start3A_132 : memref<1000xf32, #tpu.memory_space<hbm>>) target(%dma_start3A_130 : memref<1000xf32, #tpu.memory_space<vmem>>) target_semaphore(%run_scoped3A : memref<!tpu.dma_semaphore, #tpu.memory_space<semaphore_mem>>)
      %dma_wait3A_133 = arith.constant 5000 : i32
      %dma_wait3A_134 = tpu.memref_slice %arg8[%dma_wait3A_133] : memref<10000xf32, #tpu.memory_space<vmem>> -> memref<1000xf32, #tpu.memory_space<vmem>>
      %dma_wait3A_135 = arith.constant 11000 : i32
      %dma_wait3A_136 = tpu.memref_slice %arg3[%dma_wait3A_135] : memref<20000xf32, #tpu.memory_space<hbm>> -> memref<1000xf32, #tpu.memory_space<hbm>>
      %dma_wait3A_137 = arith.constant 5000 : i32
      %dma_wait3A_138 = tpu.memref_slice %arg8[%dma_wait3A_137] : memref<10000xf32, #tpu.memory_space<vmem>> -> memref<1000xf32, #tpu.memory_space<vmem>>
      %dma_wait3A_139 = arith.constant 11000 : i32
      %dma_wait3A_140 = tpu.memref_slice %arg3[%dma_wait3A_139] : memref<20000xf32, #tpu.memory_space<hbm>> -> memref<1000xf32, #tpu.memory_space<hbm>>
      tpu.wait_dma2 semaphore(%run_scoped3A : memref<!tpu.dma_semaphore, #tpu.memory_space<semaphore_mem>>) src(%dma_wait3A_140 : memref<1000xf32, #tpu.memory_space<hbm>>) dst(%dma_wait3A_138 : memref<1000xf32, #tpu.memory_space<vmem>>)
      tpu.yield
    }) : () -> ()
    "tpu.region"() ({
      %run_scoped3A = tpu.sem_alloc : memref<!tpu.dma_semaphore, #tpu.memory_space<semaphore_mem>>
      %dma_start3A_125 = arith.constant 6000 : i32
      %dma_start3A_126 = tpu.memref_slice %arg7[%dma_start3A_125] : memref<10000xf32, #tpu.memory_space<vmem>> -> memref<1000xf32, #tpu.memory_space<vmem>>
      %dma_start3A_127 = arith.constant 12000 : i32
      %dma_start3A_128 = tpu.memref_slice %arg3[%dma_start3A_127] : memref<20000xf32, #tpu.memory_space<hbm>> -> memref<1000xf32, #tpu.memory_space<hbm>>
      %dma_start3A_129 = arith.constant 6000 : i32
      %dma_start3A_130 = tpu.memref_slice %arg7[%dma_start3A_129] : memref<10000xf32, #tpu.memory_space<vmem>> -> memref<1000xf32, #tpu.memory_space<vmem>>
      %dma_start3A_131 = arith.constant 12000 : i32
      %dma_start3A_132 = tpu.memref_slice %arg3[%dma_start3A_131] : memref<20000xf32, #tpu.memory_space<hbm>> -> memref<1000xf32, #tpu.memory_space<hbm>>
      tpu.enqueue_dma source(%dma_start3A_132 : memref<1000xf32, #tpu.memory_space<hbm>>) target(%dma_start3A_130 : memref<1000xf32, #tpu.memory_space<vmem>>) target_semaphore(%run_scoped3A : memref<!tpu.dma_semaphore, #tpu.memory_space<semaphore_mem>>)
      %dma_wait3A_133 = arith.constant 6000 : i32
      %dma_wait3A_134 = tpu.memref_slice %arg7[%dma_wait3A_133] : memref<10000xf32, #tpu.memory_space<vmem>> -> memref<1000xf32, #tpu.memory_space<vmem>>
      %dma_wait3A_135 = arith.constant 12000 : i32
      %dma_wait3A_136 = tpu.memref_slice %arg3[%dma_wait3A_135] : memref<20000xf32, #tpu.memory_space<hbm>> -> memref<1000xf32, #tpu.memory_space<hbm>>
      %dma_wait3A_137 = arith.constant 6000 : i32
      %dma_wait3A_138 = tpu.memref_slice %arg7[%dma_wait3A_137] : memref<10000xf32, #tpu.memory_space<vmem>> -> memref<1000xf32, #tpu.memory_space<vmem>>
      %dma_wait3A_139 = arith.constant 12000 : i32
      %dma_wait3A_140 = tpu.memref_slice %arg3[%dma_wait3A_139] : memref<20000xf32, #tpu.memory_space<hbm>> -> memref<1000xf32, #tpu.memory_space<hbm>>
      tpu.wait_dma2 semaphore(%run_scoped3A : memref<!tpu.dma_semaphore, #tpu.memory_space<semaphore_mem>>) src(%dma_wait3A_140 : memref<1000xf32, #tpu.memory_space<hbm>>) dst(%dma_wait3A_138 : memref<1000xf32, #tpu.memory_space<vmem>>)
      tpu.yield
    }) : () -> ()
    "tpu.region"() ({
      %run_scoped3A = tpu.sem_alloc : memref<!tpu.dma_semaphore, #tpu.memory_space<semaphore_mem>>
      %dma_start3A_125 = arith.constant 6000 : i32
      %dma_start3A_126 = tpu.memref_slice %arg8[%dma_start3A_125] : memref<10000xf32, #tpu.memory_space<vmem>> -> memref<1000xf32, #tpu.memory_space<vmem>>
      %dma_start3A_127 = arith.constant 13000 : i32
      %dma_start3A_128 = tpu.memref_slice %arg3[%dma_start3A_127] : memref<20000xf32, #tpu.memory_space<hbm>> -> memref<1000xf32, #tpu.memory_space<hbm>>
      %dma_start3A_129 = arith.constant 6000 : i32
      %dma_start3A_130 = tpu.memref_slice %arg8[%dma_start3A_129] : memref<10000xf32, #tpu.memory_space<vmem>> -> memref<1000xf32, #tpu.memory_space<vmem>>
      %dma_start3A_131 = arith.constant 13000 : i32
      %dma_start3A_132 = tpu.memref_slice %arg3[%dma_start3A_131] : memref<20000xf32, #tpu.memory_space<hbm>> -> memref<1000xf32, #tpu.memory_space<hbm>>
      tpu.enqueue_dma source(%dma_start3A_132 : memref<1000xf32, #tpu.memory_space<hbm>>) target(%dma_start3A_130 : memref<1000xf32, #tpu.memory_space<vmem>>) target_semaphore(%run_scoped3A : memref<!tpu.dma_semaphore, #tpu.memory_space<semaphore_mem>>)
      %dma_wait3A_133 = arith.constant 6000 : i32
      %dma_wait3A_134 = tpu.memref_slice %arg8[%dma_wait3A_133] : memref<10000xf32, #tpu.memory_space<vmem>> -> memref<1000xf32, #tpu.memory_space<vmem>>
      %dma_wait3A_135 = arith.constant 13000 : i32
      %dma_wait3A_136 = tpu.memref_slice %arg3[%dma_wait3A_135] : memref<20000xf32, #tpu.memory_space<hbm>> -> memref<1000xf32, #tpu.memory_space<hbm>>
      %dma_wait3A_137 = arith.constant 6000 : i32
      %dma_wait3A_138 = tpu.memref_slice %arg8[%dma_wait3A_137] : memref<10000xf32, #tpu.memory_space<vmem>> -> memref<1000xf32, #tpu.memory_space<vmem>>
      %dma_wait3A_139 = arith.constant 13000 : i32
      %dma_wait3A_140 = tpu.memref_slice %arg3[%dma_wait3A_139] : memref<20000xf32, #tpu.memory_space<hbm>> -> memref<1000xf32, #tpu.memory_space<hbm>>
      tpu.wait_dma2 semaphore(%run_scoped3A : memref<!tpu.dma_semaphore, #tpu.memory_space<semaphore_mem>>) src(%dma_wait3A_140 : memref<1000xf32, #tpu.memory_space<hbm>>) dst(%dma_wait3A_138 : memref<1000xf32, #tpu.memory_space<vmem>>)
      tpu.yield
    }) : () -> ()
    "tpu.region"() ({
      %run_scoped3A = tpu.sem_alloc : memref<!tpu.dma_semaphore, #tpu.memory_space<semaphore_mem>>
      %dma_start3A_125 = arith.constant 7000 : i32
      %dma_start3A_126 = tpu.memref_slice %arg7[%dma_start3A_125] : memref<10000xf32, #tpu.memory_space<vmem>> -> memref<1000xf32, #tpu.memory_space<vmem>>
      %dma_start3A_127 = arith.constant 14000 : i32
      %dma_start3A_128 = tpu.memref_slice %arg3[%dma_start3A_127] : memref<20000xf32, #tpu.memory_space<hbm>> -> memref<1000xf32, #tpu.memory_space<hbm>>
      %dma_start3A_129 = arith.constant 7000 : i32
      %dma_start3A_130 = tpu.memref_slice %arg7[%dma_start3A_129] : memref<10000xf32, #tpu.memory_space<vmem>> -> memref<1000xf32, #tpu.memory_space<vmem>>
      %dma_start3A_131 = arith.constant 14000 : i32
      %dma_start3A_132 = tpu.memref_slice %arg3[%dma_start3A_131] : memref<20000xf32, #tpu.memory_space<hbm>> -> memref<1000xf32, #tpu.memory_space<hbm>>
      tpu.enqueue_dma source(%dma_start3A_132 : memref<1000xf32, #tpu.memory_space<hbm>>) target(%dma_start3A_130 : memref<1000xf32, #tpu.memory_space<vmem>>) target_semaphore(%run_scoped3A : memref<!tpu.dma_semaphore, #tpu.memory_space<semaphore_mem>>)
      %dma_wait3A_133 = arith.constant 7000 : i32
      %dma_wait3A_134 = tpu.memref_slice %arg7[%dma_wait3A_133] : memref<10000xf32, #tpu.memory_space<vmem>> -> memref<1000xf32, #tpu.memory_space<vmem>>
      %dma_wait3A_135 = arith.constant 14000 : i32
      %dma_wait3A_136 = tpu.memref_slice %arg3[%dma_wait3A_135] : memref<20000xf32, #tpu.memory_space<hbm>> -> memref<1000xf32, #tpu.memory_space<hbm>>
      %dma_wait3A_137 = arith.constant 7000 : i32
      %dma_wait3A_138 = tpu.memref_slice %arg7[%dma_wait3A_137] : memref<10000xf32, #tpu.memory_space<vmem>> -> memref<1000xf32, #tpu.memory_space<vmem>>
      %dma_wait3A_139 = arith.constant 14000 : i32
      %dma_wait3A_140 = tpu.memref_slice %arg3[%dma_wait3A_139] : memref<20000xf32, #tpu.memory_space<hbm>> -> memref<1000xf32, #tpu.memory_space<hbm>>
      tpu.wait_dma2 semaphore(%run_scoped3A : memref<!tpu.dma_semaphore, #tpu.memory_space<semaphore_mem>>) src(%dma_wait3A_140 : memref<1000xf32, #tpu.memory_space<hbm>>) dst(%dma_wait3A_138 : memref<1000xf32, #tpu.memory_space<vmem>>)
      tpu.yield
    }) : () -> ()
    "tpu.region"() ({
      %run_scoped3A = tpu.sem_alloc : memref<!tpu.dma_semaphore, #tpu.memory_space<semaphore_mem>>
      %dma_start3A_125 = arith.constant 7000 : i32
      %dma_start3A_126 = tpu.memref_slice %arg8[%dma_start3A_125] : memref<10000xf32, #tpu.memory_space<vmem>> -> memref<1000xf32, #tpu.memory_space<vmem>>
      %dma_start3A_127 = arith.constant 15000 : i32
      %dma_start3A_128 = tpu.memref_slice %arg3[%dma_start3A_127] : memref<20000xf32, #tpu.memory_space<hbm>> -> memref<1000xf32, #tpu.memory_space<hbm>>
      %dma_start3A_129 = arith.constant 7000 : i32
      %dma_start3A_130 = tpu.memref_slice %arg8[%dma_start3A_129] : memref<10000xf32, #tpu.memory_space<vmem>> -> memref<1000xf32, #tpu.memory_space<vmem>>
      %dma_start3A_131 = arith.constant 15000 : i32
      %dma_start3A_132 = tpu.memref_slice %arg3[%dma_start3A_131] : memref<20000xf32, #tpu.memory_space<hbm>> -> memref<1000xf32, #tpu.memory_space<hbm>>
      tpu.enqueue_dma source(%dma_start3A_132 : memref<1000xf32, #tpu.memory_space<hbm>>) target(%dma_start3A_130 : memref<1000xf32, #tpu.memory_space<vmem>>) target_semaphore(%run_scoped3A : memref<!tpu.dma_semaphore, #tpu.memory_space<semaphore_mem>>)
      %dma_wait3A_133 = arith.constant 7000 : i32
      %dma_wait3A_134 = tpu.memref_slice %arg8[%dma_wait3A_133] : memref<10000xf32, #tpu.memory_space<vmem>> -> memref<1000xf32, #tpu.memory_space<vmem>>
      %dma_wait3A_135 = arith.constant 15000 : i32
      %dma_wait3A_136 = tpu.memref_slice %arg3[%dma_wait3A_135] : memref<20000xf32, #tpu.memory_space<hbm>> -> memref<1000xf32, #tpu.memory_space<hbm>>
      %dma_wait3A_137 = arith.constant 7000 : i32
      %dma_wait3A_138 = tpu.memref_slice %arg8[%dma_wait3A_137] : memref<10000xf32, #tpu.memory_space<vmem>> -> memref<1000xf32, #tpu.memory_space<vmem>>
      %dma_wait3A_139 = arith.constant 15000 : i32
      %dma_wait3A_140 = tpu.memref_slice %arg3[%dma_wait3A_139] : memref<20000xf32, #tpu.memory_space<hbm>> -> memref<1000xf32, #tpu.memory_space<hbm>>
      tpu.wait_dma2 semaphore(%run_scoped3A : memref<!tpu.dma_semaphore, #tpu.memory_space<semaphore_mem>>) src(%dma_wait3A_140 : memref<1000xf32, #tpu.memory_space<hbm>>) dst(%dma_wait3A_138 : memref<1000xf32, #tpu.memory_space<vmem>>)
      tpu.yield
    }) : () -> ()
    "tpu.region"() ({
      %run_scoped3A = tpu.sem_alloc : memref<!tpu.dma_semaphore, #tpu.memory_space<semaphore_mem>>
      %dma_start3A_125 = arith.constant 8000 : i32
      %dma_start3A_126 = tpu.memref_slice %arg7[%dma_start3A_125] : memref<10000xf32, #tpu.memory_space<vmem>> -> memref<1000xf32, #tpu.memory_space<vmem>>
      %dma_start3A_127 = arith.constant 16000 : i32
      %dma_start3A_128 = tpu.memref_slice %arg3[%dma_start3A_127] : memref<20000xf32, #tpu.memory_space<hbm>> -> memref<1000xf32, #tpu.memory_space<hbm>>
      %dma_start3A_129 = arith.constant 8000 : i32
      %dma_start3A_130 = tpu.memref_slice %arg7[%dma_start3A_129] : memref<10000xf32, #tpu.memory_space<vmem>> -> memref<1000xf32, #tpu.memory_space<vmem>>
      %dma_start3A_131 = arith.constant 16000 : i32
      %dma_start3A_132 = tpu.memref_slice %arg3[%dma_start3A_131] : memref<20000xf32, #tpu.memory_space<hbm>> -> memref<1000xf32, #tpu.memory_space<hbm>>
      tpu.enqueue_dma source(%dma_start3A_132 : memref<1000xf32, #tpu.memory_space<hbm>>) target(%dma_start3A_130 : memref<1000xf32, #tpu.memory_space<vmem>>) target_semaphore(%run_scoped3A : memref<!tpu.dma_semaphore, #tpu.memory_space<semaphore_mem>>)
      %dma_wait3A_133 = arith.constant 8000 : i32
      %dma_wait3A_134 = tpu.memref_slice %arg7[%dma_wait3A_133] : memref<10000xf32, #tpu.memory_space<vmem>> -> memref<1000xf32, #tpu.memory_space<vmem>>
      %dma_wait3A_135 = arith.constant 16000 : i32
      %dma_wait3A_136 = tpu.memref_slice %arg3[%dma_wait3A_135] : memref<20000xf32, #tpu.memory_space<hbm>> -> memref<1000xf32, #tpu.memory_space<hbm>>
      %dma_wait3A_137 = arith.constant 8000 : i32
      %dma_wait3A_138 = tpu.memref_slice %arg7[%dma_wait3A_137] : memref<10000xf32, #tpu.memory_space<vmem>> -> memref<1000xf32, #tpu.memory_space<vmem>>
      %dma_wait3A_139 = arith.constant 16000 : i32
      %dma_wait3A_140 = tpu.memref_slice %arg3[%dma_wait3A_139] : memref<20000xf32, #tpu.memory_space<hbm>> -> memref<1000xf32, #tpu.memory_space<hbm>>
      tpu.wait_dma2 semaphore(%run_scoped3A : memref<!tpu.dma_semaphore, #tpu.memory_space<semaphore_mem>>) src(%dma_wait3A_140 : memref<1000xf32, #tpu.memory_space<hbm>>) dst(%dma_wait3A_138 : memref<1000xf32, #tpu.memory_space<vmem>>)
      tpu.yield
    }) : () -> ()
    "tpu.region"() ({
      %run_scoped3A = tpu.sem_alloc : memref<!tpu.dma_semaphore, #tpu.memory_space<semaphore_mem>>
      %dma_start3A_125 = arith.constant 8000 : i32
      %dma_start3A_126 = tpu.memref_slice %arg8[%dma_start3A_125] : memref<10000xf32, #tpu.memory_space<vmem>> -> memref<1000xf32, #tpu.memory_space<vmem>>
      %dma_start3A_127 = arith.constant 17000 : i32
      %dma_start3A_128 = tpu.memref_slice %arg3[%dma_start3A_127] : memref<20000xf32, #tpu.memory_space<hbm>> -> memref<1000xf32, #tpu.memory_space<hbm>>
      %dma_start3A_129 = arith.constant 8000 : i32
      %dma_start3A_130 = tpu.memref_slice %arg8[%dma_start3A_129] : memref<10000xf32, #tpu.memory_space<vmem>> -> memref<1000xf32, #tpu.memory_space<vmem>>
      %dma_start3A_131 = arith.constant 17000 : i32
      %dma_start3A_132 = tpu.memref_slice %arg3[%dma_start3A_131] : memref<20000xf32, #tpu.memory_space<hbm>> -> memref<1000xf32, #tpu.memory_space<hbm>>
      tpu.enqueue_dma source(%dma_start3A_132 : memref<1000xf32, #tpu.memory_space<hbm>>) target(%dma_start3A_130 : memref<1000xf32, #tpu.memory_space<vmem>>) target_semaphore(%run_scoped3A : memref<!tpu.dma_semaphore, #tpu.memory_space<semaphore_mem>>)
      %dma_wait3A_133 = arith.constant 8000 : i32
      %dma_wait3A_134 = tpu.memref_slice %arg8[%dma_wait3A_133] : memref<10000xf32, #tpu.memory_space<vmem>> -> memref<1000xf32, #tpu.memory_space<vmem>>
      %dma_wait3A_135 = arith.constant 17000 : i32
      %dma_wait3A_136 = tpu.memref_slice %arg3[%dma_wait3A_135] : memref<20000xf32, #tpu.memory_space<hbm>> -> memref<1000xf32, #tpu.memory_space<hbm>>
      %dma_wait3A_137 = arith.constant 8000 : i32
      %dma_wait3A_138 = tpu.memref_slice %arg8[%dma_wait3A_137] : memref<10000xf32, #tpu.memory_space<vmem>> -> memref<1000xf32, #tpu.memory_space<vmem>>
      %dma_wait3A_139 = arith.constant 17000 : i32
      %dma_wait3A_140 = tpu.memref_slice %arg3[%dma_wait3A_139] : memref<20000xf32, #tpu.memory_space<hbm>> -> memref<1000xf32, #tpu.memory_space<hbm>>
      tpu.wait_dma2 semaphore(%run_scoped3A : memref<!tpu.dma_semaphore, #tpu.memory_space<semaphore_mem>>) src(%dma_wait3A_140 : memref<1000xf32, #tpu.memory_space<hbm>>) dst(%dma_wait3A_138 : memref<1000xf32, #tpu.memory_space<vmem>>)
      tpu.yield
    }) : () -> ()
    "tpu.region"() ({
      %run_scoped3A = tpu.sem_alloc : memref<!tpu.dma_semaphore, #tpu.memory_space<semaphore_mem>>
      %dma_start3A_125 = arith.constant 9000 : i32
      %dma_start3A_126 = tpu.memref_slice %arg7[%dma_start3A_125] : memref<10000xf32, #tpu.memory_space<vmem>> -> memref<1000xf32, #tpu.memory_space<vmem>>
      %dma_start3A_127 = arith.constant 18000 : i32
      %dma_start3A_128 = tpu.memref_slice %arg3[%dma_start3A_127] : memref<20000xf32, #tpu.memory_space<hbm>> -> memref<1000xf32, #tpu.memory_space<hbm>>
      %dma_start3A_129 = arith.constant 9000 : i32
      %dma_start3A_130 = tpu.memref_slice %arg7[%dma_start3A_129] : memref<10000xf32, #tpu.memory_space<vmem>> -> memref<1000xf32, #tpu.memory_space<vmem>>
      %dma_start3A_131 = arith.constant 18000 : i32
      %dma_start3A_132 = tpu.memref_slice %arg3[%dma_start3A_131] : memref<20000xf32, #tpu.memory_space<hbm>> -> memref<1000xf32, #tpu.memory_space<hbm>>
      tpu.enqueue_dma source(%dma_start3A_132 : memref<1000xf32, #tpu.memory_space<hbm>>) target(%dma_start3A_130 : memref<1000xf32, #tpu.memory_space<vmem>>) target_semaphore(%run_scoped3A : memref<!tpu.dma_semaphore, #tpu.memory_space<semaphore_mem>>)
      %dma_wait3A_133 = arith.constant 9000 : i32
      %dma_wait3A_134 = tpu.memref_slice %arg7[%dma_wait3A_133] : memref<10000xf32, #tpu.memory_space<vmem>> -> memref<1000xf32, #tpu.memory_space<vmem>>
      %dma_wait3A_135 = arith.constant 18000 : i32
      %dma_wait3A_136 = tpu.memref_slice %arg3[%dma_wait3A_135] : memref<20000xf32, #tpu.memory_space<hbm>> -> memref<1000xf32, #tpu.memory_space<hbm>>
      %dma_wait3A_137 = arith.constant 9000 : i32
      %dma_wait3A_138 = tpu.memref_slice %arg7[%dma_wait3A_137] : memref<10000xf32, #tpu.memory_space<vmem>> -> memref<1000xf32, #tpu.memory_space<vmem>>
      %dma_wait3A_139 = arith.constant 18000 : i32
      %dma_wait3A_140 = tpu.memref_slice %arg3[%dma_wait3A_139] : memref<20000xf32, #tpu.memory_space<hbm>> -> memref<1000xf32, #tpu.memory_space<hbm>>
      tpu.wait_dma2 semaphore(%run_scoped3A : memref<!tpu.dma_semaphore, #tpu.memory_space<semaphore_mem>>) src(%dma_wait3A_140 : memref<1000xf32, #tpu.memory_space<hbm>>) dst(%dma_wait3A_138 : memref<1000xf32, #tpu.memory_space<vmem>>)
      tpu.yield
    }) : () -> ()
    "tpu.region"() ({
      %run_scoped3A = tpu.sem_alloc : memref<!tpu.dma_semaphore, #tpu.memory_space<semaphore_mem>>
      %dma_start3A_125 = arith.constant 9000 : i32
      %dma_start3A_126 = tpu.memref_slice %arg8[%dma_start3A_125] : memref<10000xf32, #tpu.memory_space<vmem>> -> memref<1000xf32, #tpu.memory_space<vmem>>
      %dma_start3A_127 = arith.constant 19000 : i32
      %dma_start3A_128 = tpu.memref_slice %arg3[%dma_start3A_127] : memref<20000xf32, #tpu.memory_space<hbm>> -> memref<1000xf32, #tpu.memory_space<hbm>>
      %dma_start3A_129 = arith.constant 9000 : i32
      %dma_start3A_130 = tpu.memref_slice %arg8[%dma_start3A_129] : memref<10000xf32, #tpu.memory_space<vmem>> -> memref<1000xf32, #tpu.memory_space<vmem>>
      %dma_start3A_131 = arith.constant 19000 : i32
      %dma_start3A_132 = tpu.memref_slice %arg3[%dma_start3A_131] : memref<20000xf32, #tpu.memory_space<hbm>> -> memref<1000xf32, #tpu.memory_space<hbm>>
      tpu.enqueue_dma source(%dma_start3A_132 : memref<1000xf32, #tpu.memory_space<hbm>>) target(%dma_start3A_130 : memref<1000xf32, #tpu.memory_space<vmem>>) target_semaphore(%run_scoped3A : memref<!tpu.dma_semaphore, #tpu.memory_space<semaphore_mem>>)
      %dma_wait3A_133 = arith.constant 9000 : i32
      %dma_wait3A_134 = tpu.memref_slice %arg8[%dma_wait3A_133] : memref<10000xf32, #tpu.memory_space<vmem>> -> memref<1000xf32, #tpu.memory_space<vmem>>
      %dma_wait3A_135 = arith.constant 19000 : i32
      %dma_wait3A_136 = tpu.memref_slice %arg3[%dma_wait3A_135] : memref<20000xf32, #tpu.memory_space<hbm>> -> memref<1000xf32, #tpu.memory_space<hbm>>
      %dma_wait3A_137 = arith.constant 9000 : i32
      %dma_wait3A_138 = tpu.memref_slice %arg8[%dma_wait3A_137] : memref<10000xf32, #tpu.memory_space<vmem>> -> memref<1000xf32, #tpu.memory_space<vmem>>
      %dma_wait3A_139 = arith.constant 19000 : i32
      %dma_wait3A_140 = tpu.memref_slice %arg3[%dma_wait3A_139] : memref<20000xf32, #tpu.memory_space<hbm>> -> memref<1000xf32, #tpu.memory_space<hbm>>
      tpu.wait_dma2 semaphore(%run_scoped3A : memref<!tpu.dma_semaphore, #tpu.memory_space<semaphore_mem>>) src(%dma_wait3A_140 : memref<1000xf32, #tpu.memory_space<hbm>>) dst(%dma_wait3A_138 : memref<1000xf32, #tpu.memory_space<vmem>>)
      tpu.yield
    }) : () -> ()
    %scan3A = arith.constant 0 : i32
    %scan3A_7 = arith.constant 0 : i32
    %scan3A_8 = arith.constant 400 : i32
    %scan3A_9 = arith.addi %scan3A_7, %scan3A_8 : i32
    %scan3A_10 = arith.constant 1 : i32
    scf.for %scan3A_125 = %scan3A_7 to %scan3A_9 step %scan3A_10  : i32 {
      %broadcast_in_dim3A = arith.constant 0.000000e+00 : f32
      %broadcast_in_dim3A_126 = vector.broadcast %broadcast_in_dim3A : f32 to vector<16xf32>
      %swap3A_127 = arith.index_cast %scan3A_125 : i32 to index
      %swap3A_128 = arith.constant 0 : index
      %swap3A_129 = tpu.vector_load %arg11[%swap3A_127, %swap3A_128] {strides = array<i32>} : memref<400x48xf32, #tpu.memory_space<vmem>>, vector<16xf32>,
      tpu.vector_store %arg11[%swap3A_127, %swap3A_128], %broadcast_in_dim3A_126 {strides = array<i32>} : memref<400x48xf32, #tpu.memory_space<vmem>>, vector<16xf32>,
      %broadcast_in_dim3A_130 = arith.constant 0.000000e+00 : f32
      %broadcast_in_dim3A_131 = vector.broadcast %broadcast_in_dim3A_130 : f32 to vector<16xf32>
      %swap3A_132 = arith.index_cast %scan3A_125 : i32 to index
      %swap3A_133 = arith.constant 16 : index
      %swap3A_134 = tpu.vector_load %arg11[%swap3A_132, %swap3A_133] {strides = array<i32>} : memref<400x48xf32, #tpu.memory_space<vmem>>, vector<16xf32>,
      tpu.vector_store %arg11[%swap3A_132, %swap3A_133], %broadcast_in_dim3A_131 {strides = array<i32>} : memref<400x48xf32, #tpu.memory_space<vmem>>, vector<16xf32>,
      %broadcast_in_dim3A_135 = arith.constant 0.000000e+00 : f32
      %broadcast_in_dim3A_136 = vector.broadcast %broadcast_in_dim3A_135 : f32 to vector<16xf32>
      %swap3A_137 = arith.index_cast %scan3A_125 : i32 to index
      %swap3A_138 = arith.constant 32 : index
      %swap3A_139 = tpu.vector_load %arg11[%swap3A_137, %swap3A_138] {strides = array<i32>} : memref<400x48xf32, #tpu.memory_space<vmem>>, vector<16xf32>,
      tpu.vector_store %arg11[%swap3A_137, %swap3A_138], %broadcast_in_dim3A_136 {strides = array<i32>} : memref<400x48xf32, #tpu.memory_space<vmem>>, vector<16xf32>,
    }
    %scan3A_11 = arith.constant 400 : i32
    %lt3A = arith.constant 15 : i32
    %lt3A_12 = arith.cmpi slt, %arg1, %lt3A : i32
    %convert_element_type3A = arith.extui %lt3A_12 : i1 to i32
    %cond3A = arith.constant 0 : i32
    %cond3A_13 = arith.cmpi ne, %convert_element_type3A, %cond3A : i32
    scf.if %cond3A_13 {
      "tpu.region"() ({
        %run_scoped3A = tpu.sem_alloc : memref<!tpu.dma_semaphore, #tpu.memory_space<semaphore_mem>>
        %dma_start3A_127 = arith.constant 0 : i32
        %dma_start3A_128 = tpu.memref_slice %arg19[%mul3A_0, %dma_start3A_127] : memref<10000x48xf32, #tpu.memory_space<vmem_shared>> -> memref<400x48xf32, #tpu.memory_space<vmem_shared>>
        %dma_start3A_129 = arith.constant 0 : i32
        %dma_start3A_130 = tpu.memref_slice %arg19[%mul3A_0, %dma_start3A_129] : memref<10000x48xf32, #tpu.memory_space<vmem_shared>> -> memref<400x48xf32, #tpu.memory_space<vmem_shared>>
        tpu.enqueue_dma source(%arg11 : memref<400x48xf32, #tpu.memory_space<vmem>>) target(%dma_start3A_130 : memref<400x48xf32, #tpu.memory_space<vmem_shared>>) target_semaphore(%run_scoped3A : memref<!tpu.dma_semaphore, #tpu.memory_space<semaphore_mem>>)
        %dma_wait3A_131 = arith.constant 0 : i32
        %dma_wait3A_132 = tpu.memref_slice %arg19[%mul3A_0, %dma_wait3A_131] : memref<10000x48xf32, #tpu.memory_space<vmem_shared>> -> memref<400x48xf32, #tpu.memory_space<vmem_shared>>
        %dma_wait3A_133 = arith.constant 0 : i32
        %dma_wait3A_134 = tpu.memref_slice %arg19[%mul3A_0, %dma_wait3A_133] : memref<10000x48xf32, #tpu.memory_space<vmem_shared>> -> memref<400x48xf32, #tpu.memory_space<vmem_shared>>
        tpu.wait_dma2 semaphore(%run_scoped3A : memref<!tpu.dma_semaphore, #tpu.memory_space<semaphore_mem>>) src(%arg11 : memref<400x48xf32, #tpu.memory_space<vmem>>) dst(%dma_wait3A_134 : memref<400x48xf32, #tpu.memory_space<vmem_shared>>)
        tpu.yield
      }) : () -> ()
      %add3A_125 = arith.constant 400 : i32
      %add3A_126 = arith.addi %mul3A_0, %add3A_125 : i32
      "tpu.region"() ({
        %run_scoped3A = tpu.sem_alloc : memref<!tpu.dma_semaphore, #tpu.memory_space<semaphore_mem>>
        %dma_start3A_127 = arith.constant 0 : i32
        %dma_start3A_128 = arith.constant 0 : i32
        %dma_start3A_129 = tpu.memref_slice %arg11[%dma_start3A_127, %dma_start3A_128] : memref<400x48xf32, #tpu.memory_space<vmem>> -> memref<240x48xf32, #tpu.memory_space<vmem>>
        %dma_start3A_130 = arith.constant 0 : i32
        %dma_start3A_131 = tpu.memref_slice %arg19[%add3A_126, %dma_start3A_130] : memref<10000x48xf32, #tpu.memory_space<vmem_shared>> -> memref<240x48xf32, #tpu.memory_space<vmem_shared>>
        %dma_start3A_132 = arith.constant 0 : i32
        %dma_start3A_133 = tpu.memref_slice %arg19[%add3A_126, %dma_start3A_132] : memref<10000x48xf32, #tpu.memory_space<vmem_shared>> -> memref<240x48xf32, #tpu.memory_space<vmem_shared>>
        %dma_start3A_134 = arith.constant 0 : i32
        %dma_start3A_135 = arith.constant 0 : i32
        %dma_start3A_136 = tpu.memref_slice %arg11[%dma_start3A_134, %dma_start3A_135] : memref<400x48xf32, #tpu.memory_space<vmem>> -> memref<240x48xf32, #tpu.memory_space<vmem>>
        tpu.enqueue_dma source(%dma_start3A_136 : memref<240x48xf32, #tpu.memory_space<vmem>>) target(%dma_start3A_133 : memref<240x48xf32, #tpu.memory_space<vmem_shared>>) target_semaphore(%run_scoped3A : memref<!tpu.dma_semaphore, #tpu.memory_space<semaphore_mem>>)
        %dma_wait3A_137 = arith.constant 0 : i32
        %dma_wait3A_138 = arith.constant 0 : i32
        %dma_wait3A_139 = tpu.memref_slice %arg11[%dma_wait3A_137, %dma_wait3A_138] : memref<400x48xf32, #tpu.memory_space<vmem>> -> memref<240x48xf32, #tpu.memory_space<vmem>>
        %dma_wait3A_140 = arith.constant 0 : i32
        %dma_wait3A_141 = tpu.memref_slice %arg19[%add3A_126, %dma_wait3A_140] : memref<10000x48xf32, #tpu.memory_space<vmem_shared>> -> memref<240x48xf32, #tpu.memory_space<vmem_shared>>
        %dma_wait3A_142 = arith.constant 0 : i32
        %dma_wait3A_143 = tpu.memref_slice %arg19[%add3A_126, %dma_wait3A_142] : memref<10000x48xf32, #tpu.memory_space<vmem_shared>> -> memref<240x48xf32, #tpu.memory_space<vmem_shared>>
        %dma_wait3A_144 = arith.constant 0 : i32
        %dma_wait3A_145 = arith.constant 0 : i32
        %dma_wait3A_146 = tpu.memref_slice %arg11[%dma_wait3A_144, %dma_wait3A_145] : memref<400x48xf32, #tpu.memory_space<vmem>> -> memref<240x48xf32, #tpu.memory_space<vmem>>
        tpu.wait_dma2 semaphore(%run_scoped3A : memref<!tpu.dma_semaphore, #tpu.memory_space<semaphore_mem>>) src(%dma_wait3A_146 : memref<240x48xf32, #tpu.memory_space<vmem>>) dst(%dma_wait3A_143 : memref<240x48xf32, #tpu.memory_space<vmem_shared>>)
        tpu.yield
      }) : () -> ()
    } else {
    }
    %eq3A = arith.constant 15 : i32
    %eq3A_14 = arith.cmpi eq, %arg1, %eq3A : i32
    %convert_element_type3A_15 = arith.extui %eq3A_14 : i1 to i32
    %cond3A_16 = arith.constant 0 : i32
    %cond3A_17 = arith.cmpi ne, %convert_element_type3A_15, %cond3A_16 : i32
    scf.if %cond3A_17 {
      "tpu.region"() ({
        %run_scoped3A = tpu.sem_alloc : memref<!tpu.dma_semaphore, #tpu.memory_space<semaphore_mem>>
        %dma_start3A_125 = arith.constant 9600 : i32
        %dma_start3A_126 = arith.constant 0 : i32
        %dma_start3A_127 = tpu.memref_slice %arg19[%dma_start3A_125, %dma_start3A_126] : memref<10000x48xf32, #tpu.memory_space<vmem_shared>> -> memref<400x48xf32, #tpu.memory_space<vmem_shared>>
        %dma_start3A_128 = arith.constant 9600 : i32
        %dma_start3A_129 = arith.constant 0 : i32
        %dma_start3A_130 = tpu.memref_slice %arg19[%dma_start3A_128, %dma_start3A_129] : memref<10000x48xf32, #tpu.memory_space<vmem_shared>> -> memref<400x48xf32, #tpu.memory_space<vmem_shared>>
        tpu.enqueue_dma source(%arg11 : memref<400x48xf32, #tpu.memory_space<vmem>>) target(%dma_start3A_130 : memref<400x48xf32, #tpu.memory_space<vmem_shared>>) target_semaphore(%run_scoped3A : memref<!tpu.dma_semaphore, #tpu.memory_space<semaphore_mem>>)
        %dma_wait3A_131 = arith.constant 9600 : i32
        %dma_wait3A_132 = arith.constant 0 : i32
        %dma_wait3A_133 = tpu.memref_slice %arg19[%dma_wait3A_131, %dma_wait3A_132] : memref<10000x48xf32, #tpu.memory_space<vmem_shared>> -> memref<400x48xf32, #tpu.memory_space<vmem_shared>>
        %dma_wait3A_134 = arith.constant 9600 : i32
        %dma_wait3A_135 = arith.constant 0 : i32
        %dma_wait3A_136 = tpu.memref_slice %arg19[%dma_wait3A_134, %dma_wait3A_135] : memref<10000x48xf32, #tpu.memory_space<vmem_shared>> -> memref<400x48xf32, #tpu.memory_space<vmem_shared>>
        tpu.wait_dma2 semaphore(%run_scoped3A : memref<!tpu.dma_semaphore, #tpu.memory_space<semaphore_mem>>) src(%arg11 : memref<400x48xf32, #tpu.memory_space<vmem>>) dst(%dma_wait3A_136 : memref<400x48xf32, #tpu.memory_space<vmem_shared>>)
        tpu.yield
      }) : () -> ()
    } else {
    }
    %barrier3A = arith.constant 0 : index
    tpu.barrier barrier_id(%barrier3A)
    %scan3A_18 = arith.constant 0 : i32
    %scan3A_19 = arith.constant 0 : i32
    %scan3A_20 = arith.constant 24 : i32
    %scan3A_21 = arith.addi %scan3A_19, %scan3A_20 : i32
    %scan3A_22 = arith.constant 2 : i32
    scf.for %scan3A_125 = %scan3A_19 to %scan3A_21 step %scan3A_22  : i32 {
      %mul3A_126 = arith.constant 16 : i32
      %mul3A_127 = arith.muli %scan3A_125, %mul3A_126 : i32
      %get3A_128 = arith.constant 0 : i32
      %get3A_129 = arith.index_cast %get3A_128 : i32 to index
      %get3A_130 = arith.index_cast %mul3A_127 : i32 to index
      %get3A_131 = tpu.vector_load %arg9[%get3A_129, %get3A_130] {strides = array<i32>} : memref<25x400xi32, #tpu.memory_space<vmem>>, vector<16xi32>,
      %mul3A_132 = arith.constant 16 : i32
      %mul3A_133 = arith.muli %scan3A_125, %mul3A_132 : i32
      %get3A_134 = arith.constant 0 : i32
      %get3A_135 = arith.index_cast %get3A_134 : i32 to index
      %get3A_136 = arith.index_cast %mul3A_133 : i32 to index
      %get3A_137 = tpu.vector_load %arg10[%get3A_135, %get3A_136] {strides = array<i32>} : memref<25x400xi32, #tpu.memory_space<vmem>>, vector<16xi32>,
      %gather3A_138 = tpu.vector_load_idx %arg7[%get3A_131] : memref<10000xf32, #tpu.memory_space<vmem>>[vector<16xi32>], vector<16xf32>,
      %gather3A_139 = tpu.vector_load_idx %arg8[%get3A_137] : memref<10000xf32, #tpu.memory_space<vmem>>[vector<16xi32>], vector<16xf32>,
      %add3A_140 = arith.addf %gather3A_138, %gather3A_139 : vector<16xf32>
      %neg3A_141 = arith.constant 0.000000e+00 : f32
      %neg3A_142 = vector.broadcast %neg3A_141 : f32 to vector<16xf32>
      %neg3A_143 = arith.subf %neg3A_142, %add3A_140 : vector<16xf32>
      %mul3A_144 = arith.constant -2.000000e-01 : f32
      %mul3A_145 = vector.broadcast %mul3A_144 : f32 to vector<16xf32>
      %mul3A_146 = arith.mulf %mul3A_145, %add3A_140 : vector<16xf32>
      %min3A_147 = arith.minimumf %neg3A_143, %mul3A_146 : vector<16xf32>
      %exp3A_148 = math.exp %min3A_147 : vector<16xf32>
      %mul3A_149 = arith.constant 16 : i32
      %mul3A_150 = arith.muli %scan3A_125, %mul3A_149 : i32
      %swap3A_151 = arith.index_cast %mul3A_150 : i32 to index
      %swap3A_152 = tpu.vector_load %arg13[%swap3A_151] {strides = array<i32>} : memref<400xf32, #tpu.memory_space<vmem>>, vector<16xf32>,
      tpu.vector_store %arg13[%swap3A_151], %exp3A_148 {strides = array<i32>} : memref<400xf32, #tpu.memory_space<vmem>>, vector<16xf32>,
      %scan3A_153 = arith.constant 1 : i32
      %scan3A_154 = arith.addi %scan3A_125, %scan3A_153 : i32
      %mul3A_155 = arith.constant 16 : i32
      %mul3A_156 = arith.muli %scan3A_154, %mul3A_155 : i32
      %get3A_157 = arith.constant 0 : i32
      %get3A_158 = arith.index_cast %get3A_157 : i32 to index
      %get3A_159 = arith.index_cast %mul3A_156 : i32 to index
      %get3A_160 = tpu.vector_load %arg9[%get3A_158, %get3A_159] {strides = array<i32>} : memref<25x400xi32, #tpu.memory_space<vmem>>, vector<16xi32>,
      %mul3A_161 = arith.constant 16 : i32
      %mul3A_162 = arith.muli %scan3A_154, %mul3A_161 : i32
      %get3A_163 = arith.constant 0 : i32
      %get3A_164 = arith.index_cast %get3A_163 : i32 to index
      %get3A_165 = arith.index_cast %mul3A_162 : i32 to index
      %get3A_166 = tpu.vector_load %arg10[%get3A_164, %get3A_165] {strides = array<i32>} : memref<25x400xi32, #tpu.memory_space<vmem>>, vector<16xi32>,
      %gather3A_167 = tpu.vector_load_idx %arg7[%get3A_160] : memref<10000xf32, #tpu.memory_space<vmem>>[vector<16xi32>], vector<16xf32>,
      %gather3A_168 = tpu.vector_load_idx %arg8[%get3A_166] : memref<10000xf32, #tpu.memory_space<vmem>>[vector<16xi32>], vector<16xf32>,
      %add3A_169 = arith.addf %gather3A_167, %gather3A_168 : vector<16xf32>
      %neg3A_170 = arith.constant 0.000000e+00 : f32
      %neg3A_171 = vector.broadcast %neg3A_170 : f32 to vector<16xf32>
      %neg3A_172 = arith.subf %neg3A_171, %add3A_169 : vector<16xf32>
      %mul3A_173 = arith.constant -2.000000e-01 : f32
      %mul3A_174 = vector.broadcast %mul3A_173 : f32 to vector<16xf32>
      %mul3A_175 = arith.mulf %mul3A_174, %add3A_169 : vector<16xf32>
      %min3A_176 = arith.minimumf %neg3A_172, %mul3A_175 : vector<16xf32>
      %exp3A_177 = math.exp %min3A_176 : vector<16xf32>
      %mul3A_178 = arith.constant 16 : i32
      %mul3A_179 = arith.muli %scan3A_154, %mul3A_178 : i32
      %swap3A_180 = arith.index_cast %mul3A_179 : i32 to index
      %swap3A_181 = tpu.vector_load %arg13[%swap3A_180] {strides = array<i32>} : memref<400xf32, #tpu.memory_space<vmem>>, vector<16xf32>,
      tpu.vector_store %arg13[%swap3A_180], %exp3A_177 {strides = array<i32>} : memref<400xf32, #tpu.memory_space<vmem>>, vector<16xf32>,
    }
    %scan3A_23 = arith.constant 24 : i32
    %scan3A_24 = arith.addi %scan3A_19, %scan3A_23 : i32
    %mul3A_25 = arith.constant 16 : i32
    %mul3A_26 = arith.muli %scan3A_24, %mul3A_25 : i32
    %get3A = arith.constant 0 : i32
    %get3A_27 = arith.index_cast %get3A : i32 to index
    %get3A_28 = arith.index_cast %mul3A_26 : i32 to index
    %get3A_29 = tpu.vector_load %arg9[%get3A_27, %get3A_28] {strides = array<i32>} : memref<25x400xi32, #tpu.memory_space<vmem>>, vector<16xi32>,
    %mul3A_30 = arith.constant 16 : i32
    %mul3A_31 = arith.muli %scan3A_24, %mul3A_30 : i32
    %get3A_32 = arith.constant 0 : i32
    %get3A_33 = arith.index_cast %get3A_32 : i32 to index
    %get3A_34 = arith.index_cast %mul3A_31 : i32 to index
    %get3A_35 = tpu.vector_load %arg10[%get3A_33, %get3A_34] {strides = array<i32>} : memref<25x400xi32, #tpu.memory_space<vmem>>, vector<16xi32>,
    %gather3A = tpu.vector_load_idx %arg7[%get3A_29] : memref<10000xf32, #tpu.memory_space<vmem>>[vector<16xi32>], vector<16xf32>,
    %gather3A_36 = tpu.vector_load_idx %arg8[%get3A_35] : memref<10000xf32, #tpu.memory_space<vmem>>[vector<16xi32>], vector<16xf32>,
    %add3A_37 = arith.addf %gather3A, %gather3A_36 : vector<16xf32>
    %neg3A = arith.constant 0.000000e+00 : f32
    %neg3A_38 = vector.broadcast %neg3A : f32 to vector<16xf32>
    %neg3A_39 = arith.subf %neg3A_38, %add3A_37 : vector<16xf32>
    %mul3A_40 = arith.constant -2.000000e-01 : f32
    %mul3A_41 = vector.broadcast %mul3A_40 : f32 to vector<16xf32>
    %mul3A_42 = arith.mulf %mul3A_41, %add3A_37 : vector<16xf32>
    %min3A = arith.minimumf %neg3A_39, %mul3A_42 : vector<16xf32>
    %exp3A = math.exp %min3A : vector<16xf32>
    %mul3A_43 = arith.constant 16 : i32
    %mul3A_44 = arith.muli %scan3A_24, %mul3A_43 : i32
    %swap3A = arith.index_cast %mul3A_44 : i32 to index
    %swap3A_45 = tpu.vector_load %arg13[%swap3A] {strides = array<i32>} : memref<400xf32, #tpu.memory_space<vmem>>, vector<16xf32>,
    tpu.vector_store %arg13[%swap3A], %exp3A {strides = array<i32>} : memref<400xf32, #tpu.memory_space<vmem>>, vector<16xf32>,
    %scan3A_46 = arith.constant 25 : i32
    %dma_start3A = arith.constant 0 : i32
    %dma_start3A_47 = arith.constant 0 : i32
    %dma_start3A_48 = tpu.memref_slice %arg10[%dma_start3A, %dma_start3A_47] : memref<25x400xi32, #tpu.memory_space<vmem>> -> memref<1x400xi32, #tpu.memory_space<vmem>>
    %dma_start3A_49 = tpu.memref_squeeze %dma_start3A_48 : memref<1x400xi32, #tpu.memory_space<vmem>> -> memref<400xi32, #tpu.memory_space<vmem>>
    %dma_start3A_50 = arith.constant 0 : i32
    %dma_start3A_51 = arith.constant 0 : i32
    %dma_start3A_52 = tpu.memref_slice %arg2[%dma_start3A_50, %dma_start3A_51] : memref<10000x48xf32, #tpu.memory_space<hbm>> -> memref<10000x48xf32, #tpu.memory_space<hbm>>
    tpu.enqueue_indirect_dma source(%dma_start3A_52 : memref<10000x48xf32, #tpu.memory_space<hbm>>) target(%arg11 : memref<400x48xf32, #tpu.memory_space<vmem>>) offsets(%dma_start3A_49 : memref<400xi32, #tpu.memory_space<vmem>>) semaphore(%arg15 : memref<!tpu.dma_semaphore, #tpu.memory_space<semaphore_mem>>)
    %scan3A_53 = arith.constant 0 : i32
    %scan3A_54 = arith.constant 0 : i32
    %scan3A_55 = arith.constant 24 : i32
    %scan3A_56 = arith.addi %scan3A_54, %scan3A_55 : i32
    %scan3A_57 = arith.constant 2 : i32
    scf.for %scan3A_125 = %scan3A_54 to %scan3A_56 step %scan3A_57  : i32 {
      %mul3A_126 = arith.constant 16 : i32
      %mul3A_127 = arith.muli %scan3A_125, %mul3A_126 : i32
      %get3A_128 = arith.constant 1 : i32
      %get3A_129 = arith.index_cast %get3A_128 : i32 to index
      %get3A_130 = arith.index_cast %mul3A_127 : i32 to index
      %get3A_131 = tpu.vector_load %arg9[%get3A_129, %get3A_130] {strides = array<i32>} : memref<25x400xi32, #tpu.memory_space<vmem>>, vector<16xi32>,
      %mul3A_132 = arith.constant 16 : i32
      %mul3A_133 = arith.muli %scan3A_125, %mul3A_132 : i32
      %get3A_134 = arith.constant 1 : i32
      %get3A_135 = arith.index_cast %get3A_134 : i32 to index
      %get3A_136 = arith.index_cast %mul3A_133 : i32 to index
      %get3A_137 = tpu.vector_load %arg10[%get3A_135, %get3A_136] {strides = array<i32>} : memref<25x400xi32, #tpu.memory_space<vmem>>, vector<16xi32>,
      %gather3A_138 = tpu.vector_load_idx %arg7[%get3A_131] : memref<10000xf32, #tpu.memory_space<vmem>>[vector<16xi32>], vector<16xf32>,
      %gather3A_139 = tpu.vector_load_idx %arg8[%get3A_137] : memref<10000xf32, #tpu.memory_space<vmem>>[vector<16xi32>], vector<16xf32>,
      %add3A_140 = arith.addf %gather3A_138, %gather3A_139 : vector<16xf32>
      %neg3A_141 = arith.constant 0.000000e+00 : f32
      %neg3A_142 = vector.broadcast %neg3A_141 : f32 to vector<16xf32>
      %neg3A_143 = arith.subf %neg3A_142, %add3A_140 : vector<16xf32>
      %mul3A_144 = arith.constant -2.000000e-01 : f32
      %mul3A_145 = vector.broadcast %mul3A_144 : f32 to vector<16xf32>
      %mul3A_146 = arith.mulf %mul3A_145, %add3A_140 : vector<16xf32>
      %min3A_147 = arith.minimumf %neg3A_143, %mul3A_146 : vector<16xf32>
      %exp3A_148 = math.exp %min3A_147 : vector<16xf32>
      %mul3A_149 = arith.constant 16 : i32
      %mul3A_150 = arith.muli %scan3A_125, %mul3A_149 : i32
      %swap3A_151 = arith.index_cast %mul3A_150 : i32 to index
      %swap3A_152 = tpu.vector_load %arg14[%swap3A_151] {strides = array<i32>} : memref<400xf32, #tpu.memory_space<vmem>>, vector<16xf32>,
      tpu.vector_store %arg14[%swap3A_151], %exp3A_148 {strides = array<i32>} : memref<400xf32, #tpu.memory_space<vmem>>, vector<16xf32>,
      %scan3A_153 = arith.constant 1 : i32
      %scan3A_154 = arith.addi %scan3A_125, %scan3A_153 : i32
      %mul3A_155 = arith.constant 16 : i32
      %mul3A_156 = arith.muli %scan3A_154, %mul3A_155 : i32
      %get3A_157 = arith.constant 1 : i32
      %get3A_158 = arith.index_cast %get3A_157 : i32 to index
      %get3A_159 = arith.index_cast %mul3A_156 : i32 to index
      %get3A_160 = tpu.vector_load %arg9[%get3A_158, %get3A_159] {strides = array<i32>} : memref<25x400xi32, #tpu.memory_space<vmem>>, vector<16xi32>,
      %mul3A_161 = arith.constant 16 : i32
      %mul3A_162 = arith.muli %scan3A_154, %mul3A_161 : i32
      %get3A_163 = arith.constant 1 : i32
      %get3A_164 = arith.index_cast %get3A_163 : i32 to index
      %get3A_165 = arith.index_cast %mul3A_162 : i32 to index
      %get3A_166 = tpu.vector_load %arg10[%get3A_164, %get3A_165] {strides = array<i32>} : memref<25x400xi32, #tpu.memory_space<vmem>>, vector<16xi32>,
      %gather3A_167 = tpu.vector_load_idx %arg7[%get3A_160] : memref<10000xf32, #tpu.memory_space<vmem>>[vector<16xi32>], vector<16xf32>,
      %gather3A_168 = tpu.vector_load_idx %arg8[%get3A_166] : memref<10000xf32, #tpu.memory_space<vmem>>[vector<16xi32>], vector<16xf32>,
      %add3A_169 = arith.addf %gather3A_167, %gather3A_168 : vector<16xf32>
      %neg3A_170 = arith.constant 0.000000e+00 : f32
      %neg3A_171 = vector.broadcast %neg3A_170 : f32 to vector<16xf32>
      %neg3A_172 = arith.subf %neg3A_171, %add3A_169 : vector<16xf32>
      %mul3A_173 = arith.constant -2.000000e-01 : f32
      %mul3A_174 = vector.broadcast %mul3A_173 : f32 to vector<16xf32>
      %mul3A_175 = arith.mulf %mul3A_174, %add3A_169 : vector<16xf32>
      %min3A_176 = arith.minimumf %neg3A_172, %mul3A_175 : vector<16xf32>
      %exp3A_177 = math.exp %min3A_176 : vector<16xf32>
      %mul3A_178 = arith.constant 16 : i32
      %mul3A_179 = arith.muli %scan3A_154, %mul3A_178 : i32
      %swap3A_180 = arith.index_cast %mul3A_179 : i32 to index
      %swap3A_181 = tpu.vector_load %arg14[%swap3A_180] {strides = array<i32>} : memref<400xf32, #tpu.memory_space<vmem>>, vector<16xf32>,
      tpu.vector_store %arg14[%swap3A_180], %exp3A_177 {strides = array<i32>} : memref<400xf32, #tpu.memory_space<vmem>>, vector<16xf32>,
    }
    %scan3A_58 = arith.constant 24 : i32
    %scan3A_59 = arith.addi %scan3A_54, %scan3A_58 : i32
    %mul3A_60 = arith.constant 16 : i32
    %mul3A_61 = arith.muli %scan3A_59, %mul3A_60 : i32
    %get3A_62 = arith.constant 1 : i32
    %get3A_63 = arith.index_cast %get3A_62 : i32 to index
    %get3A_64 = arith.index_cast %mul3A_61 : i32 to index
    %get3A_65 = tpu.vector_load %arg9[%get3A_63, %get3A_64] {strides = array<i32>} : memref<25x400xi32, #tpu.memory_space<vmem>>, vector<16xi32>,
    %mul3A_66 = arith.constant 16 : i32
    %mul3A_67 = arith.muli %scan3A_59, %mul3A_66 : i32
    %get3A_68 = arith.constant 1 : i32
    %get3A_69 = arith.index_cast %get3A_68 : i32 to index
    %get3A_70 = arith.index_cast %mul3A_67 : i32 to index
    %get3A_71 = tpu.vector_load %arg10[%get3A_69, %get3A_70] {strides = array<i32>} : memref<25x400xi32, #tpu.memory_space<vmem>>, vector<16xi32>,
    %gather3A_72 = tpu.vector_load_idx %arg7[%get3A_65] : memref<10000xf32, #tpu.memory_space<vmem>>[vector<16xi32>], vector<16xf32>,
    %gather3A_73 = tpu.vector_load_idx %arg8[%get3A_71] : memref<10000xf32, #tpu.memory_space<vmem>>[vector<16xi32>], vector<16xf32>,
    %add3A_74 = arith.addf %gather3A_72, %gather3A_73 : vector<16xf32>
    %neg3A_75 = arith.constant 0.000000e+00 : f32
    %neg3A_76 = vector.broadcast %neg3A_75 : f32 to vector<16xf32>
    %neg3A_77 = arith.subf %neg3A_76, %add3A_74 : vector<16xf32>
    %mul3A_78 = arith.constant -2.000000e-01 : f32
    %mul3A_79 = vector.broadcast %mul3A_78 : f32 to vector<16xf32>
    %mul3A_80 = arith.mulf %mul3A_79, %add3A_74 : vector<16xf32>
    %min3A_81 = arith.minimumf %neg3A_77, %mul3A_80 : vector<16xf32>
    %exp3A_82 = math.exp %min3A_81 : vector<16xf32>
    %mul3A_83 = arith.constant 16 : i32
    %mul3A_84 = arith.muli %scan3A_59, %mul3A_83 : i32
    %swap3A_85 = arith.index_cast %mul3A_84 : i32 to index
    %swap3A_86 = tpu.vector_load %arg14[%swap3A_85] {strides = array<i32>} : memref<400xf32, #tpu.memory_space<vmem>>, vector<16xf32>,
    tpu.vector_store %arg14[%swap3A_85], %exp3A_82 {strides = array<i32>} : memref<400xf32, #tpu.memory_space<vmem>>, vector<16xf32>,
    %scan3A_87 = arith.constant 25 : i32
    %dma_start3A_88 = arith.constant 1 : i32
    %dma_start3A_89 = arith.constant 0 : i32
    %dma_start3A_90 = tpu.memref_slice %arg10[%dma_start3A_88, %dma_start3A_89] : memref<25x400xi32, #tpu.memory_space<vmem>> -> memref<1x400xi32, #tpu.memory_space<vmem>>
    %dma_start3A_91 = tpu.memref_squeeze %dma_start3A_90 : memref<1x400xi32, #tpu.memory_space<vmem>> -> memref<400xi32, #tpu.memory_space<vmem>>
    %dma_start3A_92 = arith.constant 0 : i32
    %dma_start3A_93 = arith.constant 0 : i32
    %dma_start3A_94 = tpu.memref_slice %arg2[%dma_start3A_92, %dma_start3A_93] : memref<10000x48xf32, #tpu.memory_space<hbm>> -> memref<10000x48xf32, #tpu.memory_space<hbm>>
    tpu.enqueue_indirect_dma source(%dma_start3A_94 : memref<10000x48xf32, #tpu.memory_space<hbm>>) target(%arg12 : memref<400x48xf32, #tpu.memory_space<vmem>>) offsets(%dma_start3A_91 : memref<400xi32, #tpu.memory_space<vmem>>) semaphore(%arg16 : memref<!tpu.dma_semaphore, #tpu.memory_space<semaphore_mem>>)
    %scan3A_95 = arith.constant 0 : i32
    %scan3A_96 = arith.constant 0 : i32
    %scan3A_97 = arith.constant 12 : i32
    %scan3A_98 = arith.addi %scan3A_96, %scan3A_97 : i32
    %scan3A_99 = arith.constant 1 : i32
    scf.for %scan3A_125 = %scan3A_96 to %scan3A_98 step %scan3A_99  : i32 {
      %mul3A_126 = arith.constant 2 : i32
      %mul3A_127 = arith.muli %mul3A_126, %scan3A_125 : i32
      %add3A_128 = arith.constant 0 : i32
      %add3A_129 = arith.addi %mul3A_127, %add3A_128 : i32
      %dma_wait3A_130 = arith.constant 0 : i32
      %dma_wait3A_131 = arith.constant 0 : i32
      %dma_wait3A_132 = tpu.memref_slice %arg10[%dma_wait3A_130, %dma_wait3A_131] : memref<25x400xi32, #tpu.memory_space<vmem>> -> memref<1x400xi32, #tpu.memory_space<vmem>>
      %dma_wait3A_133 = tpu.memref_squeeze %dma_wait3A_132 : memref<1x400xi32, #tpu.memory_space<vmem>> -> memref<400xi32, #tpu.memory_space<vmem>>
      %dma_wait3A_134 = arith.constant 0 : i32
      %dma_wait3A_135 = arith.constant 0 : i32
      %dma_wait3A_136 = tpu.memref_slice %arg2[%dma_wait3A_134, %dma_wait3A_135] : memref<10000x48xf32, #tpu.memory_space<hbm>> -> memref<10000x48xf32, #tpu.memory_space<hbm>>
      tpu.wait_indirect_dma semaphore(%arg15 : memref<!tpu.dma_semaphore, #tpu.memory_space<semaphore_mem>>) src(%dma_wait3A_136 : memref<10000x48xf32, #tpu.memory_space<hbm>>) dst(%arg11 : memref<400x48xf32, #tpu.memory_space<vmem>>)
      %scan3A_137 = arith.constant 0 : i32
      %scan3A_138 = arith.constant 0 : i32
      %scan3A_139 = arith.constant 200 : i32
      %scan3A_140 = arith.addi %scan3A_138, %scan3A_139 : i32
      %scan3A_141 = arith.constant 2 : i32
      scf.for %scan3A_179 = %scan3A_138 to %scan3A_140 step %scan3A_141  : i32 {
        %mul3A_180 = arith.constant 2 : i32
        %mul3A_181 = arith.muli %scan3A_179, %mul3A_180 : i32
        %add3A_182 = arith.constant 0 : i32
        %add3A_183 = arith.addi %mul3A_181, %add3A_182 : i32
        %broadcast_in_dim3A = vector.broadcast %add3A_183 : i32 to vector<16xi32>
        %gather3A_184 = tpu.vector_load_idx %arg13[%broadcast_in_dim3A] : memref<400xf32, #tpu.memory_space<vmem>>[vector<16xi32>], vector<16xf32>,
        %get3A_185 = arith.index_cast %add3A_183 : i32 to index
        %get3A_186 = arith.constant 0 : index
        %get3A_187 = tpu.vector_load %arg11[%get3A_185, %get3A_186] {strides = array<i32>} : memref<400x48xf32, #tpu.memory_space<vmem>>, vector<16xf32>,
        %mul3A_188 = arith.mulf %get3A_187, %gather3A_184 : vector<16xf32>
        %swap3A_189 = arith.index_cast %add3A_183 : i32 to index
        %swap3A_190 = arith.constant 0 : index
        %swap3A_191 = tpu.vector_load %arg11[%swap3A_189, %swap3A_190] {strides = array<i32>} : memref<400x48xf32, #tpu.memory_space<vmem>>, vector<16xf32>,
        tpu.vector_store %arg11[%swap3A_189, %swap3A_190], %mul3A_188 {strides = array<i32>} : memref<400x48xf32, #tpu.memory_space<vmem>>, vector<16xf32>,
        %get3A_192 = arith.index_cast %add3A_183 : i32 to index
        %get3A_193 = arith.constant 16 : index
        %get3A_194 = tpu.vector_load %arg11[%get3A_192, %get3A_193] {strides = array<i32>} : memref<400x48xf32, #tpu.memory_space<vmem>>, vector<16xf32>,
        %mul3A_195 = arith.mulf %get3A_194, %gather3A_184 : vector<16xf32>
        %swap3A_196 = arith.index_cast %add3A_183 : i32 to index
        %swap3A_197 = arith.constant 16 : index
        %swap3A_198 = tpu.vector_load %arg11[%swap3A_196, %swap3A_197] {strides = array<i32>} : memref<400x48xf32, #tpu.memory_space<vmem>>, vector<16xf32>,
        tpu.vector_store %arg11[%swap3A_196, %swap3A_197], %mul3A_195 {strides = array<i32>} : memref<400x48xf32, #tpu.memory_space<vmem>>, vector<16xf32>,
        %get3A_199 = arith.index_cast %add3A_183 : i32 to index
        %get3A_200 = arith.constant 32 : index
        %get3A_201 = tpu.vector_load %arg11[%get3A_199, %get3A_200] {strides = array<i32>} : memref<400x48xf32, #tpu.memory_space<vmem>>, vector<16xf32>,
        %mul3A_202 = arith.mulf %get3A_201, %gather3A_184 : vector<16xf32>
        %swap3A_203 = arith.index_cast %add3A_183 : i32 to index
        %swap3A_204 = arith.constant 32 : index
        %swap3A_205 = tpu.vector_load %arg11[%swap3A_203, %swap3A_204] {strides = array<i32>} : memref<400x48xf32, #tpu.memory_space<vmem>>, vector<16xf32>,
        tpu.vector_store %arg11[%swap3A_203, %swap3A_204], %mul3A_202 {strides = array<i32>} : memref<400x48xf32, #tpu.memory_space<vmem>>, vector<16xf32>,
        %mul3A_206 = arith.constant 2 : i32
        %mul3A_207 = arith.muli %scan3A_179, %mul3A_206 : i32
        %add3A_208 = arith.constant 1 : i32
        %add3A_209 = arith.addi %mul3A_207, %add3A_208 : i32
        %broadcast_in_dim3A_210 = vector.broadcast %add3A_209 : i32 to vector<16xi32>
        %gather3A_211 = tpu.vector_load_idx %arg13[%broadcast_in_dim3A_210] : memref<400xf32, #tpu.memory_space<vmem>>[vector<16xi32>], vector<16xf32>,
        %get3A_212 = arith.index_cast %add3A_209 : i32 to index
        %get3A_213 = arith.constant 0 : index
        %get3A_214 = tpu.vector_load %arg11[%get3A_212, %get3A_213] {strides = array<i32>} : memref<400x48xf32, #tpu.memory_space<vmem>>, vector<16xf32>,
        %mul3A_215 = arith.mulf %get3A_214, %gather3A_211 : vector<16xf32>
        %swap3A_216 = arith.index_cast %add3A_209 : i32 to index
        %swap3A_217 = arith.constant 0 : index
        %swap3A_218 = tpu.vector_load %arg11[%swap3A_216, %swap3A_217] {strides = array<i32>} : memref<400x48xf32, #tpu.memory_space<vmem>>, vector<16xf32>,
        tpu.vector_store %arg11[%swap3A_216, %swap3A_217], %mul3A_215 {strides = array<i32>} : memref<400x48xf32, #tpu.memory_space<vmem>>, vector<16xf32>,
        %get3A_219 = arith.index_cast %add3A_209 : i32 to index
        %get3A_220 = arith.constant 16 : index
        %get3A_221 = tpu.vector_load %arg11[%get3A_219, %get3A_220] {strides = array<i32>} : memref<400x48xf32, #tpu.memory_space<vmem>>, vector<16xf32>,
        %mul3A_222 = arith.mulf %get3A_221, %gather3A_211 : vector<16xf32>
        %swap3A_223 = arith.index_cast %add3A_209 : i32 to index
        %swap3A_224 = arith.constant 16 : index
        %swap3A_225 = tpu.vector_load %arg11[%swap3A_223, %swap3A_224] {strides = array<i32>} : memref<400x48xf32, #tpu.memory_space<vmem>>, vector<16xf32>,
        tpu.vector_store %arg11[%swap3A_223, %swap3A_224], %mul3A_222 {strides = array<i32>} : memref<400x48xf32, #tpu.memory_space<vmem>>, vector<16xf32>,
        %get3A_226 = arith.index_cast %add3A_209 : i32 to index
        %get3A_227 = arith.constant 32 : index
        %get3A_228 = tpu.vector_load %arg11[%get3A_226, %get3A_227] {strides = array<i32>} : memref<400x48xf32, #tpu.memory_space<vmem>>, vector<16xf32>,
        %mul3A_229 = arith.mulf %get3A_228, %gather3A_211 : vector<16xf32>
        %swap3A_230 = arith.index_cast %add3A_209 : i32 to index
        %swap3A_231 = arith.constant 32 : index
        %swap3A_232 = tpu.vector_load %arg11[%swap3A_230, %swap3A_231] {strides = array<i32>} : memref<400x48xf32, #tpu.memory_space<vmem>>, vector<16xf32>,
        tpu.vector_store %arg11[%swap3A_230, %swap3A_231], %mul3A_229 {strides = array<i32>} : memref<400x48xf32, #tpu.memory_space<vmem>>, vector<16xf32>,
        %scan3A_233 = arith.constant 1 : i32
        %scan3A_234 = arith.addi %scan3A_179, %scan3A_233 : i32
        %mul3A_235 = arith.constant 2 : i32
        %mul3A_236 = arith.muli %scan3A_234, %mul3A_235 : i32
        %add3A_237 = arith.constant 0 : i32
        %add3A_238 = arith.addi %mul3A_236, %add3A_237 : i32
        %broadcast_in_dim3A_239 = vector.broadcast %add3A_238 : i32 to vector<16xi32>
        %gather3A_240 = tpu.vector_load_idx %arg13[%broadcast_in_dim3A_239] : memref<400xf32, #tpu.memory_space<vmem>>[vector<16xi32>], vector<16xf32>,
        %get3A_241 = arith.index_cast %add3A_238 : i32 to index
        %get3A_242 = arith.constant 0 : index
        %get3A_243 = tpu.vector_load %arg11[%get3A_241, %get3A_242] {strides = array<i32>} : memref<400x48xf32, #tpu.memory_space<vmem>>, vector<16xf32>,
        %mul3A_244 = arith.mulf %get3A_243, %gather3A_240 : vector<16xf32>
        %swap3A_245 = arith.index_cast %add3A_238 : i32 to index
        %swap3A_246 = arith.constant 0 : index
        %swap3A_247 = tpu.vector_load %arg11[%swap3A_245, %swap3A_246] {strides = array<i32>} : memref<400x48xf32, #tpu.memory_space<vmem>>, vector<16xf32>,
        tpu.vector_store %arg11[%swap3A_245, %swap3A_246], %mul3A_244 {strides = array<i32>} : memref<400x48xf32, #tpu.memory_space<vmem>>, vector<16xf32>,
        %get3A_248 = arith.index_cast %add3A_238 : i32 to index
        %get3A_249 = arith.constant 16 : index
        %get3A_250 = tpu.vector_load %arg11[%get3A_248, %get3A_249] {strides = array<i32>} : memref<400x48xf32, #tpu.memory_space<vmem>>, vector<16xf32>,
        %mul3A_251 = arith.mulf %get3A_250, %gather3A_240 : vector<16xf32>
        %swap3A_252 = arith.index_cast %add3A_238 : i32 to index
        %swap3A_253 = arith.constant 16 : index
        %swap3A_254 = tpu.vector_load %arg11[%swap3A_252, %swap3A_253] {strides = array<i32>} : memref<400x48xf32, #tpu.memory_space<vmem>>, vector<16xf32>,
        tpu.vector_store %arg11[%swap3A_252, %swap3A_253], %mul3A_251 {strides = array<i32>} : memref<400x48xf32, #tpu.memory_space<vmem>>, vector<16xf32>,
        %get3A_255 = arith.index_cast %add3A_238 : i32 to index
        %get3A_256 = arith.constant 32 : index
        %get3A_257 = tpu.vector_load %arg11[%get3A_255, %get3A_256] {strides = array<i32>} : memref<400x48xf32, #tpu.memory_space<vmem>>, vector<16xf32>,
        %mul3A_258 = arith.mulf %get3A_257, %gather3A_240 : vector<16xf32>
        %swap3A_259 = arith.index_cast %add3A_238 : i32 to index
        %swap3A_260 = arith.constant 32 : index
        %swap3A_261 = tpu.vector_load %arg11[%swap3A_259, %swap3A_260] {strides = array<i32>} : memref<400x48xf32, #tpu.memory_space<vmem>>, vector<16xf32>,
        tpu.vector_store %arg11[%swap3A_259, %swap3A_260], %mul3A_258 {strides = array<i32>} : memref<400x48xf32, #tpu.memory_space<vmem>>, vector<16xf32>,
        %mul3A_262 = arith.constant 2 : i32
        %mul3A_263 = arith.muli %scan3A_234, %mul3A_262 : i32
        %add3A_264 = arith.constant 1 : i32
        %add3A_265 = arith.addi %mul3A_263, %add3A_264 : i32
        %broadcast_in_dim3A_266 = vector.broadcast %add3A_265 : i32 to vector<16xi32>
        %gather3A_267 = tpu.vector_load_idx %arg13[%broadcast_in_dim3A_266] : memref<400xf32, #tpu.memory_space<vmem>>[vector<16xi32>], vector<16xf32>,
        %get3A_268 = arith.index_cast %add3A_265 : i32 to index
        %get3A_269 = arith.constant 0 : index
        %get3A_270 = tpu.vector_load %arg11[%get3A_268, %get3A_269] {strides = array<i32>} : memref<400x48xf32, #tpu.memory_space<vmem>>, vector<16xf32>,
        %mul3A_271 = arith.mulf %get3A_270, %gather3A_267 : vector<16xf32>
        %swap3A_272 = arith.index_cast %add3A_265 : i32 to index
        %swap3A_273 = arith.constant 0 : index
        %swap3A_274 = tpu.vector_load %arg11[%swap3A_272, %swap3A_273] {strides = array<i32>} : memref<400x48xf32, #tpu.memory_space<vmem>>, vector<16xf32>,
        tpu.vector_store %arg11[%swap3A_272, %swap3A_273], %mul3A_271 {strides = array<i32>} : memref<400x48xf32, #tpu.memory_space<vmem>>, vector<16xf32>,
        %get3A_275 = arith.index_cast %add3A_265 : i32 to index
        %get3A_276 = arith.constant 16 : index
        %get3A_277 = tpu.vector_load %arg11[%get3A_275, %get3A_276] {strides = array<i32>} : memref<400x48xf32, #tpu.memory_space<vmem>>, vector<16xf32>,
        %mul3A_278 = arith.mulf %get3A_277, %gather3A_267 : vector<16xf32>
        %swap3A_279 = arith.index_cast %add3A_265 : i32 to index
        %swap3A_280 = arith.constant 16 : index
        %swap3A_281 = tpu.vector_load %arg11[%swap3A_279, %swap3A_280] {strides = array<i32>} : memref<400x48xf32, #tpu.memory_space<vmem>>, vector<16xf32>,
        tpu.vector_store %arg11[%swap3A_279, %swap3A_280], %mul3A_278 {strides = array<i32>} : memref<400x48xf32, #tpu.memory_space<vmem>>, vector<16xf32>,
        %get3A_282 = arith.index_cast %add3A_265 : i32 to index
        %get3A_283 = arith.constant 32 : index
        %get3A_284 = tpu.vector_load %arg11[%get3A_282, %get3A_283] {strides = array<i32>} : memref<400x48xf32, #tpu.memory_space<vmem>>, vector<16xf32>,
        %mul3A_285 = arith.mulf %get3A_284, %gather3A_267 : vector<16xf32>
        %swap3A_286 = arith.index_cast %add3A_265 : i32 to index
        %swap3A_287 = arith.constant 32 : index
        %swap3A_288 = tpu.vector_load %arg11[%swap3A_286, %swap3A_287] {strides = array<i32>} : memref<400x48xf32, #tpu.memory_space<vmem>>, vector<16xf32>,
        tpu.vector_store %arg11[%swap3A_286, %swap3A_287], %mul3A_285 {strides = array<i32>} : memref<400x48xf32, #tpu.memory_space<vmem>>, vector<16xf32>,
      }
      %scan3A_142 = arith.constant 200 : i32
      %dma_start3A_143 = arith.constant 0 : i32
      %dma_start3A_144 = tpu.memref_slice %arg9[%add3A_129, %dma_start3A_143] : memref<25x400xi32, #tpu.memory_space<vmem>> -> memref<1x400xi32, #tpu.memory_space<vmem>>
      %dma_start3A_145 = tpu.memref_squeeze %dma_start3A_144 : memref<1x400xi32, #tpu.memory_space<vmem>> -> memref<400xi32, #tpu.memory_space<vmem>>
      %dma_start3A_146 = arith.constant 0 : i32
      %dma_start3A_147 = arith.constant 0 : i32
      %dma_start3A_148 = tpu.memref_slice %arg19[%dma_start3A_146, %dma_start3A_147] : memref<10000x48xf32, #tpu.memory_space<vmem_shared>> -> memref<10000x48xf32, #tpu.memory_space<vmem_shared>>
      tpu.enqueue_indirect_dma source(%arg11 : memref<400x48xf32, #tpu.memory_space<vmem>>) target(%dma_start3A_148 : memref<10000x48xf32, #tpu.memory_space<vmem_shared>>) offsets(%dma_start3A_145 : memref<400xi32, #tpu.memory_space<vmem>>) semaphore(%arg17 : memref<!tpu.dma_semaphore, #tpu.memory_space<semaphore_mem>>) {add = true}
      %mul3A_149 = arith.constant 2 : i32
      %mul3A_150 = arith.muli %mul3A_149, %scan3A_125 : i32
      %add3A_151 = arith.constant 1 : i32
      %add3A_152 = arith.addi %mul3A_150, %add3A_151 : i32
      %dma_wait3A_153 = arith.constant 0 : i32
      %dma_wait3A_154 = arith.constant 0 : i32
      %dma_wait3A_155 = tpu.memref_slice %arg10[%dma_wait3A_153, %dma_wait3A_154] : memref<25x400xi32, #tpu.memory_space<vmem>> -> memref<1x400xi32, #tpu.memory_space<vmem>>
      %dma_wait3A_156 = tpu.memref_squeeze %dma_wait3A_155 : memref<1x400xi32, #tpu.memory_space<vmem>> -> memref<400xi32, #tpu.memory_space<vmem>>
      %dma_wait3A_157 = arith.constant 0 : i32
      %dma_wait3A_158 = arith.constant 0 : i32
      %dma_wait3A_159 = tpu.memref_slice %arg2[%dma_wait3A_157, %dma_wait3A_158] : memref<10000x48xf32, #tpu.memory_space<hbm>> -> memref<10000x48xf32, #tpu.memory_space<hbm>>
      tpu.wait_indirect_dma semaphore(%arg16 : memref<!tpu.dma_semaphore, #tpu.memory_space<semaphore_mem>>) src(%dma_wait3A_159 : memref<10000x48xf32, #tpu.memory_space<hbm>>) dst(%arg12 : memref<400x48xf32, #tpu.memory_space<vmem>>)
      %scan3A_160 = arith.constant 0 : i32
      %scan3A_161 = arith.constant 0 : i32
      %scan3A_162 = arith.constant 200 : i32
      %scan3A_163 = arith.addi %scan3A_161, %scan3A_162 : i32
      %scan3A_164 = arith.constant 2 : i32
      scf.for %scan3A_179 = %scan3A_161 to %scan3A_163 step %scan3A_164  : i32 {
        %mul3A_180 = arith.constant 2 : i32
        %mul3A_181 = arith.muli %scan3A_179, %mul3A_180 : i32
        %add3A_182 = arith.constant 0 : i32
        %add3A_183 = arith.addi %mul3A_181, %add3A_182 : i32
        %broadcast_in_dim3A = vector.broadcast %add3A_183 : i32 to vector<16xi32>
        %gather3A_184 = tpu.vector_load_idx %arg14[%broadcast_in_dim3A] : memref<400xf32, #tpu.memory_space<vmem>>[vector<16xi32>], vector<16xf32>,
        %get3A_185 = arith.index_cast %add3A_183 : i32 to index
        %get3A_186 = arith.constant 0 : index
        %get3A_187 = tpu.vector_load %arg12[%get3A_185, %get3A_186] {strides = array<i32>} : memref<400x48xf32, #tpu.memory_space<vmem>>, vector<16xf32>,
        %mul3A_188 = arith.mulf %get3A_187, %gather3A_184 : vector<16xf32>
        %swap3A_189 = arith.index_cast %add3A_183 : i32 to index
        %swap3A_190 = arith.constant 0 : index
        %swap3A_191 = tpu.vector_load %arg12[%swap3A_189, %swap3A_190] {strides = array<i32>} : memref<400x48xf32, #tpu.memory_space<vmem>>, vector<16xf32>,
        tpu.vector_store %arg12[%swap3A_189, %swap3A_190], %mul3A_188 {strides = array<i32>} : memref<400x48xf32, #tpu.memory_space<vmem>>, vector<16xf32>,
        %get3A_192 = arith.index_cast %add3A_183 : i32 to index
        %get3A_193 = arith.constant 16 : index
        %get3A_194 = tpu.vector_load %arg12[%get3A_192, %get3A_193] {strides = array<i32>} : memref<400x48xf32, #tpu.memory_space<vmem>>, vector<16xf32>,
        %mul3A_195 = arith.mulf %get3A_194, %gather3A_184 : vector<16xf32>
        %swap3A_196 = arith.index_cast %add3A_183 : i32 to index
        %swap3A_197 = arith.constant 16 : index
        %swap3A_198 = tpu.vector_load %arg12[%swap3A_196, %swap3A_197] {strides = array<i32>} : memref<400x48xf32, #tpu.memory_space<vmem>>, vector<16xf32>,
        tpu.vector_store %arg12[%swap3A_196, %swap3A_197], %mul3A_195 {strides = array<i32>} : memref<400x48xf32, #tpu.memory_space<vmem>>, vector<16xf32>,
        %get3A_199 = arith.index_cast %add3A_183 : i32 to index
        %get3A_200 = arith.constant 32 : index
        %get3A_201 = tpu.vector_load %arg12[%get3A_199, %get3A_200] {strides = array<i32>} : memref<400x48xf32, #tpu.memory_space<vmem>>, vector<16xf32>,
        %mul3A_202 = arith.mulf %get3A_201, %gather3A_184 : vector<16xf32>
        %swap3A_203 = arith.index_cast %add3A_183 : i32 to index
        %swap3A_204 = arith.constant 32 : index
        %swap3A_205 = tpu.vector_load %arg12[%swap3A_203, %swap3A_204] {strides = array<i32>} : memref<400x48xf32, #tpu.memory_space<vmem>>, vector<16xf32>,
        tpu.vector_store %arg12[%swap3A_203, %swap3A_204], %mul3A_202 {strides = array<i32>} : memref<400x48xf32, #tpu.memory_space<vmem>>, vector<16xf32>,
        %mul3A_206 = arith.constant 2 : i32
        %mul3A_207 = arith.muli %scan3A_179, %mul3A_206 : i32
        %add3A_208 = arith.constant 1 : i32
        %add3A_209 = arith.addi %mul3A_207, %add3A_208 : i32
        %broadcast_in_dim3A_210 = vector.broadcast %add3A_209 : i32 to vector<16xi32>
        %gather3A_211 = tpu.vector_load_idx %arg14[%broadcast_in_dim3A_210] : memref<400xf32, #tpu.memory_space<vmem>>[vector<16xi32>], vector<16xf32>,
        %get3A_212 = arith.index_cast %add3A_209 : i32 to index
        %get3A_213 = arith.constant 0 : index
        %get3A_214 = tpu.vector_load %arg12[%get3A_212, %get3A_213] {strides = array<i32>} : memref<400x48xf32, #tpu.memory_space<vmem>>, vector<16xf32>,
        %mul3A_215 = arith.mulf %get3A_214, %gather3A_211 : vector<16xf32>
        %swap3A_216 = arith.index_cast %add3A_209 : i32 to index
        %swap3A_217 = arith.constant 0 : index
        %swap3A_218 = tpu.vector_load %arg12[%swap3A_216, %swap3A_217] {strides = array<i32>} : memref<400x48xf32, #tpu.memory_space<vmem>>, vector<16xf32>,
        tpu.vector_store %arg12[%swap3A_216, %swap3A_217], %mul3A_215 {strides = array<i32>} : memref<400x48xf32, #tpu.memory_space<vmem>>, vector<16xf32>,
        %get3A_219 = arith.index_cast %add3A_209 : i32 to index
        %get3A_220 = arith.constant 16 : index
        %get3A_221 = tpu.vector_load %arg12[%get3A_219, %get3A_220] {strides = array<i32>} : memref<400x48xf32, #tpu.memory_space<vmem>>, vector<16xf32>,
        %mul3A_222 = arith.mulf %get3A_221, %gather3A_211 : vector<16xf32>
        %swap3A_223 = arith.index_cast %add3A_209 : i32 to index
        %swap3A_224 = arith.constant 16 : index
        %swap3A_225 = tpu.vector_load %arg12[%swap3A_223, %swap3A_224] {strides = array<i32>} : memref<400x48xf32, #tpu.memory_space<vmem>>, vector<16xf32>,
        tpu.vector_store %arg12[%swap3A_223, %swap3A_224], %mul3A_222 {strides = array<i32>} : memref<400x48xf32, #tpu.memory_space<vmem>>, vector<16xf32>,
        %get3A_226 = arith.index_cast %add3A_209 : i32 to index
        %get3A_227 = arith.constant 32 : index
        %get3A_228 = tpu.vector_load %arg12[%get3A_226, %get3A_227] {strides = array<i32>} : memref<400x48xf32, #tpu.memory_space<vmem>>, vector<16xf32>,
        %mul3A_229 = arith.mulf %get3A_228, %gather3A_211 : vector<16xf32>
        %swap3A_230 = arith.index_cast %add3A_209 : i32 to index
        %swap3A_231 = arith.constant 32 : index
        %swap3A_232 = tpu.vector_load %arg12[%swap3A_230, %swap3A_231] {strides = array<i32>} : memref<400x48xf32, #tpu.memory_space<vmem>>, vector<16xf32>,
        tpu.vector_store %arg12[%swap3A_230, %swap3A_231], %mul3A_229 {strides = array<i32>} : memref<400x48xf32, #tpu.memory_space<vmem>>, vector<16xf32>,
        %scan3A_233 = arith.constant 1 : i32
        %scan3A_234 = arith.addi %scan3A_179, %scan3A_233 : i32
        %mul3A_235 = arith.constant 2 : i32
        %mul3A_236 = arith.muli %scan3A_234, %mul3A_235 : i32
        %add3A_237 = arith.constant 0 : i32
        %add3A_238 = arith.addi %mul3A_236, %add3A_237 : i32
        %broadcast_in_dim3A_239 = vector.broadcast %add3A_238 : i32 to vector<16xi32>
        %gather3A_240 = tpu.vector_load_idx %arg14[%broadcast_in_dim3A_239] : memref<400xf32, #tpu.memory_space<vmem>>[vector<16xi32>], vector<16xf32>,
        %get3A_241 = arith.index_cast %add3A_238 : i32 to index
        %get3A_242 = arith.constant 0 : index
        %get3A_243 = tpu.vector_load %arg12[%get3A_241, %get3A_242] {strides = array<i32>} : memref<400x48xf32, #tpu.memory_space<vmem>>, vector<16xf32>,
        %mul3A_244 = arith.mulf %get3A_243, %gather3A_240 : vector<16xf32>
        %swap3A_245 = arith.index_cast %add3A_238 : i32 to index
        %swap3A_246 = arith.constant 0 : index
        %swap3A_247 = tpu.vector_load %arg12[%swap3A_245, %swap3A_246] {strides = array<i32>} : memref<400x48xf32, #tpu.memory_space<vmem>>, vector<16xf32>,
        tpu.vector_store %arg12[%swap3A_245, %swap3A_246], %mul3A_244 {strides = array<i32>} : memref<400x48xf32, #tpu.memory_space<vmem>>, vector<16xf32>,
        %get3A_248 = arith.index_cast %add3A_238 : i32 to index
        %get3A_249 = arith.constant 16 : index
        %get3A_250 = tpu.vector_load %arg12[%get3A_248, %get3A_249] {strides = array<i32>} : memref<400x48xf32, #tpu.memory_space<vmem>>, vector<16xf32>,
        %mul3A_251 = arith.mulf %get3A_250, %gather3A_240 : vector<16xf32>
        %swap3A_252 = arith.index_cast %add3A_238 : i32 to index
        %swap3A_253 = arith.constant 16 : index
        %swap3A_254 = tpu.vector_load %arg12[%swap3A_252, %swap3A_253] {strides = array<i32>} : memref<400x48xf32, #tpu.memory_space<vmem>>, vector<16xf32>,
        tpu.vector_store %arg12[%swap3A_252, %swap3A_253], %mul3A_251 {strides = array<i32>} : memref<400x48xf32, #tpu.memory_space<vmem>>, vector<16xf32>,
        %get3A_255 = arith.index_cast %add3A_238 : i32 to index
        %get3A_256 = arith.constant 32 : index
        %get3A_257 = tpu.vector_load %arg12[%get3A_255, %get3A_256] {strides = array<i32>} : memref<400x48xf32, #tpu.memory_space<vmem>>, vector<16xf32>,
        %mul3A_258 = arith.mulf %get3A_257, %gather3A_240 : vector<16xf32>
        %swap3A_259 = arith.index_cast %add3A_238 : i32 to index
        %swap3A_260 = arith.constant 32 : index
        %swap3A_261 = tpu.vector_load %arg12[%swap3A_259, %swap3A_260] {strides = array<i32>} : memref<400x48xf32, #tpu.memory_space<vmem>>, vector<16xf32>,
        tpu.vector_store %arg12[%swap3A_259, %swap3A_260], %mul3A_258 {strides = array<i32>} : memref<400x48xf32, #tpu.memory_space<vmem>>, vector<16xf32>,
        %mul3A_262 = arith.constant 2 : i32
        %mul3A_263 = arith.muli %scan3A_234, %mul3A_262 : i32
        %add3A_264 = arith.constant 1 : i32
        %add3A_265 = arith.addi %mul3A_263, %add3A_264 : i32
        %broadcast_in_dim3A_266 = vector.broadcast %add3A_265 : i32 to vector<16xi32>
        %gather3A_267 = tpu.vector_load_idx %arg14[%broadcast_in_dim3A_266] : memref<400xf32, #tpu.memory_space<vmem>>[vector<16xi32>], vector<16xf32>,
        %get3A_268 = arith.index_cast %add3A_265 : i32 to index
        %get3A_269 = arith.constant 0 : index
        %get3A_270 = tpu.vector_load %arg12[%get3A_268, %get3A_269] {strides = array<i32>} : memref<400x48xf32, #tpu.memory_space<vmem>>, vector<16xf32>,
        %mul3A_271 = arith.mulf %get3A_270, %gather3A_267 : vector<16xf32>
        %swap3A_272 = arith.index_cast %add3A_265 : i32 to index
        %swap3A_273 = arith.constant 0 : index
        %swap3A_274 = tpu.vector_load %arg12[%swap3A_272, %swap3A_273] {strides = array<i32>} : memref<400x48xf32, #tpu.memory_space<vmem>>, vector<16xf32>,
        tpu.vector_store %arg12[%swap3A_272, %swap3A_273], %mul3A_271 {strides = array<i32>} : memref<400x48xf32, #tpu.memory_space<vmem>>, vector<16xf32>,
        %get3A_275 = arith.index_cast %add3A_265 : i32 to index
        %get3A_276 = arith.constant 16 : index
        %get3A_277 = tpu.vector_load %arg12[%get3A_275, %get3A_276] {strides = array<i32>} : memref<400x48xf32, #tpu.memory_space<vmem>>, vector<16xf32>,
        %mul3A_278 = arith.mulf %get3A_277, %gather3A_267 : vector<16xf32>
        %swap3A_279 = arith.index_cast %add3A_265 : i32 to index
        %swap3A_280 = arith.constant 16 : index
        %swap3A_281 = tpu.vector_load %arg12[%swap3A_279, %swap3A_280] {strides = array<i32>} : memref<400x48xf32, #tpu.memory_space<vmem>>, vector<16xf32>,
        tpu.vector_store %arg12[%swap3A_279, %swap3A_280], %mul3A_278 {strides = array<i32>} : memref<400x48xf32, #tpu.memory_space<vmem>>, vector<16xf32>,
        %get3A_282 = arith.index_cast %add3A_265 : i32 to index
        %get3A_283 = arith.constant 32 : index
        %get3A_284 = tpu.vector_load %arg12[%get3A_282, %get3A_283] {strides = array<i32>} : memref<400x48xf32, #tpu.memory_space<vmem>>, vector<16xf32>,
        %mul3A_285 = arith.mulf %get3A_284, %gather3A_267 : vector<16xf32>
        %swap3A_286 = arith.index_cast %add3A_265 : i32 to index
        %swap3A_287 = arith.constant 32 : index
        %swap3A_288 = tpu.vector_load %arg12[%swap3A_286, %swap3A_287] {strides = array<i32>} : memref<400x48xf32, #tpu.memory_space<vmem>>, vector<16xf32>,
        tpu.vector_store %arg12[%swap3A_286, %swap3A_287], %mul3A_285 {strides = array<i32>} : memref<400x48xf32, #tpu.memory_space<vmem>>, vector<16xf32>,
      }
      %scan3A_165 = arith.constant 200 : i32
      %dma_start3A_166 = arith.constant 0 : i32
      %dma_start3A_167 = tpu.memref_slice %arg9[%add3A_152, %dma_start3A_166] : memref<25x400xi32, #tpu.memory_space<vmem>> -> memref<1x400xi32, #tpu.memory_space<vmem>>
      %dma_start3A_168 = tpu.memref_squeeze %dma_start3A_167 : memref<1x400xi32, #tpu.memory_space<vmem>> -> memref<400xi32, #tpu.memory_space<vmem>>
      %dma_start3A_169 = arith.constant 0 : i32
      %dma_start3A_170 = arith.constant 0 : i32
      %dma_start3A_171 = tpu.memref_slice %arg19[%dma_start3A_169, %dma_start3A_170] : memref<10000x48xf32, #tpu.memory_space<vmem_shared>> -> memref<10000x48xf32, #tpu.memory_space<vmem_shared>>
      tpu.enqueue_indirect_dma source(%arg12 : memref<400x48xf32, #tpu.memory_space<vmem>>) target(%dma_start3A_171 : memref<10000x48xf32, #tpu.memory_space<vmem_shared>>) offsets(%dma_start3A_168 : memref<400xi32, #tpu.memory_space<vmem>>) semaphore(%arg18 : memref<!tpu.dma_semaphore, #tpu.memory_space<semaphore_mem>>) {add = true}
      %add3A_172 = arith.constant 1 : i32
      %add3A_173 = arith.addi %scan3A_125, %add3A_172 : i32
      %lt3A_174 = arith.constant 12 : i32
      %lt3A_175 = arith.cmpi slt, %add3A_173, %lt3A_174 : i32
      %convert_element_type3A_176 = arith.extui %lt3A_175 : i1 to i32
      %cond3A_177 = arith.constant 0 : i32
      %cond3A_178 = arith.cmpi ne, %convert_element_type3A_176, %cond3A_177 : i32
      scf.if %cond3A_178 {
        %add3A_179 = arith.constant 1 : i32
        %add3A_180 = arith.addi %scan3A_125, %add3A_179 : i32
        %mul3A_181 = arith.constant 2 : i32
        %mul3A_182 = arith.muli %mul3A_181, %add3A_180 : i32
        %add3A_183 = arith.constant 0 : i32
        %add3A_184 = arith.addi %mul3A_182, %add3A_183 : i32
        %scan3A_185 = arith.constant 0 : i32
        %scan3A_186 = arith.constant 0 : i32
        %scan3A_187 = arith.constant 24 : i32
        %scan3A_188 = arith.addi %scan3A_186, %scan3A_187 : i32
        %scan3A_189 = arith.constant 2 : i32
        scf.for %scan3A_283 = %scan3A_186 to %scan3A_188 step %scan3A_189  : i32 {
          %mul3A_284 = arith.constant 16 : i32
          %mul3A_285 = arith.muli %scan3A_283, %mul3A_284 : i32
          %get3A_286 = arith.index_cast %add3A_184 : i32 to index
          %get3A_287 = arith.index_cast %mul3A_285 : i32 to index
          %get3A_288 = tpu.vector_load %arg9[%get3A_286, %get3A_287] {strides = array<i32>} : memref<25x400xi32, #tpu.memory_space<vmem>>, vector<16xi32>,
          %mul3A_289 = arith.constant 16 : i32
          %mul3A_290 = arith.muli %scan3A_283, %mul3A_289 : i32
          %get3A_291 = arith.index_cast %add3A_184 : i32 to index
          %get3A_292 = arith.index_cast %mul3A_290 : i32 to index
          %get3A_293 = tpu.vector_load %arg10[%get3A_291, %get3A_292] {strides = array<i32>} : memref<25x400xi32, #tpu.memory_space<vmem>>, vector<16xi32>,
          %gather3A_294 = tpu.vector_load_idx %arg7[%get3A_288] : memref<10000xf32, #tpu.memory_space<vmem>>[vector<16xi32>], vector<16xf32>,
          %gather3A_295 = tpu.vector_load_idx %arg8[%get3A_293] : memref<10000xf32, #tpu.memory_space<vmem>>[vector<16xi32>], vector<16xf32>,
          %add3A_296 = arith.addf %gather3A_294, %gather3A_295 : vector<16xf32>
          %neg3A_297 = arith.constant 0.000000e+00 : f32
          %neg3A_298 = vector.broadcast %neg3A_297 : f32 to vector<16xf32>
          %neg3A_299 = arith.subf %neg3A_298, %add3A_296 : vector<16xf32>
          %mul3A_300 = arith.constant -2.000000e-01 : f32
          %mul3A_301 = vector.broadcast %mul3A_300 : f32 to vector<16xf32>
          %mul3A_302 = arith.mulf %mul3A_301, %add3A_296 : vector<16xf32>
          %min3A_303 = arith.minimumf %neg3A_299, %mul3A_302 : vector<16xf32>
          %exp3A_304 = math.exp %min3A_303 : vector<16xf32>
          %mul3A_305 = arith.constant 16 : i32
          %mul3A_306 = arith.muli %scan3A_283, %mul3A_305 : i32
          %swap3A_307 = arith.index_cast %mul3A_306 : i32 to index
          %swap3A_308 = tpu.vector_load %arg13[%swap3A_307] {strides = array<i32>} : memref<400xf32, #tpu.memory_space<vmem>>, vector<16xf32>,
          tpu.vector_store %arg13[%swap3A_307], %exp3A_304 {strides = array<i32>} : memref<400xf32, #tpu.memory_space<vmem>>, vector<16xf32>,
          %scan3A_309 = arith.constant 1 : i32
          %scan3A_310 = arith.addi %scan3A_283, %scan3A_309 : i32
          %mul3A_311 = arith.constant 16 : i32
          %mul3A_312 = arith.muli %scan3A_310, %mul3A_311 : i32
          %get3A_313 = arith.index_cast %add3A_184 : i32 to index
          %get3A_314 = arith.index_cast %mul3A_312 : i32 to index
          %get3A_315 = tpu.vector_load %arg9[%get3A_313, %get3A_314] {strides = array<i32>} : memref<25x400xi32, #tpu.memory_space<vmem>>, vector<16xi32>,
          %mul3A_316 = arith.constant 16 : i32
          %mul3A_317 = arith.muli %scan3A_310, %mul3A_316 : i32
          %get3A_318 = arith.index_cast %add3A_184 : i32 to index
          %get3A_319 = arith.index_cast %mul3A_317 : i32 to index
          %get3A_320 = tpu.vector_load %arg10[%get3A_318, %get3A_319] {strides = array<i32>} : memref<25x400xi32, #tpu.memory_space<vmem>>, vector<16xi32>,
          %gather3A_321 = tpu.vector_load_idx %arg7[%get3A_315] : memref<10000xf32, #tpu.memory_space<vmem>>[vector<16xi32>], vector<16xf32>,
          %gather3A_322 = tpu.vector_load_idx %arg8[%get3A_320] : memref<10000xf32, #tpu.memory_space<vmem>>[vector<16xi32>], vector<16xf32>,
          %add3A_323 = arith.addf %gather3A_321, %gather3A_322 : vector<16xf32>
          %neg3A_324 = arith.constant 0.000000e+00 : f32
          %neg3A_325 = vector.broadcast %neg3A_324 : f32 to vector<16xf32>
          %neg3A_326 = arith.subf %neg3A_325, %add3A_323 : vector<16xf32>
          %mul3A_327 = arith.constant -2.000000e-01 : f32
          %mul3A_328 = vector.broadcast %mul3A_327 : f32 to vector<16xf32>
          %mul3A_329 = arith.mulf %mul3A_328, %add3A_323 : vector<16xf32>
          %min3A_330 = arith.minimumf %neg3A_326, %mul3A_329 : vector<16xf32>
          %exp3A_331 = math.exp %min3A_330 : vector<16xf32>
          %mul3A_332 = arith.constant 16 : i32
          %mul3A_333 = arith.muli %scan3A_310, %mul3A_332 : i32
          %swap3A_334 = arith.index_cast %mul3A_333 : i32 to index
          %swap3A_335 = tpu.vector_load %arg13[%swap3A_334] {strides = array<i32>} : memref<400xf32, #tpu.memory_space<vmem>>, vector<16xf32>,
          tpu.vector_store %arg13[%swap3A_334], %exp3A_331 {strides = array<i32>} : memref<400xf32, #tpu.memory_space<vmem>>, vector<16xf32>,
        }
        %scan3A_190 = arith.constant 24 : i32
        %scan3A_191 = arith.addi %scan3A_186, %scan3A_190 : i32
        %mul3A_192 = arith.constant 16 : i32
        %mul3A_193 = arith.muli %scan3A_191, %mul3A_192 : i32
        %get3A_194 = arith.index_cast %add3A_184 : i32 to index
        %get3A_195 = arith.index_cast %mul3A_193 : i32 to index
        %get3A_196 = tpu.vector_load %arg9[%get3A_194, %get3A_195] {strides = array<i32>} : memref<25x400xi32, #tpu.memory_space<vmem>>, vector<16xi32>,
        %mul3A_197 = arith.constant 16 : i32
        %mul3A_198 = arith.muli %scan3A_191, %mul3A_197 : i32
        %get3A_199 = arith.index_cast %add3A_184 : i32 to index
        %get3A_200 = arith.index_cast %mul3A_198 : i32 to index
        %get3A_201 = tpu.vector_load %arg10[%get3A_199, %get3A_200] {strides = array<i32>} : memref<25x400xi32, #tpu.memory_space<vmem>>, vector<16xi32>,
        %gather3A_202 = tpu.vector_load_idx %arg7[%get3A_196] : memref<10000xf32, #tpu.memory_space<vmem>>[vector<16xi32>], vector<16xf32>,
        %gather3A_203 = tpu.vector_load_idx %arg8[%get3A_201] : memref<10000xf32, #tpu.memory_space<vmem>>[vector<16xi32>], vector<16xf32>,
        %add3A_204 = arith.addf %gather3A_202, %gather3A_203 : vector<16xf32>
        %neg3A_205 = arith.constant 0.000000e+00 : f32
        %neg3A_206 = vector.broadcast %neg3A_205 : f32 to vector<16xf32>
        %neg3A_207 = arith.subf %neg3A_206, %add3A_204 : vector<16xf32>
        %mul3A_208 = arith.constant -2.000000e-01 : f32
        %mul3A_209 = vector.broadcast %mul3A_208 : f32 to vector<16xf32>
        %mul3A_210 = arith.mulf %mul3A_209, %add3A_204 : vector<16xf32>
        %min3A_211 = arith.minimumf %neg3A_207, %mul3A_210 : vector<16xf32>
        %exp3A_212 = math.exp %min3A_211 : vector<16xf32>
        %mul3A_213 = arith.constant 16 : i32
        %mul3A_214 = arith.muli %scan3A_191, %mul3A_213 : i32
        %swap3A_215 = arith.index_cast %mul3A_214 : i32 to index
        %swap3A_216 = tpu.vector_load %arg13[%swap3A_215] {strides = array<i32>} : memref<400xf32, #tpu.memory_space<vmem>>, vector<16xf32>,
        tpu.vector_store %arg13[%swap3A_215], %exp3A_212 {strides = array<i32>} : memref<400xf32, #tpu.memory_space<vmem>>, vector<16xf32>,
        %scan3A_217 = arith.constant 25 : i32
        %dma_wait3A_218 = arith.constant 0 : i32
        %dma_wait3A_219 = arith.constant 0 : i32
        %dma_wait3A_220 = tpu.memref_slice %arg9[%dma_wait3A_218, %dma_wait3A_219] : memref<25x400xi32, #tpu.memory_space<vmem>> -> memref<1x400xi32, #tpu.memory_space<vmem>>
        %dma_wait3A_221 = tpu.memref_squeeze %dma_wait3A_220 : memref<1x400xi32, #tpu.memory_space<vmem>> -> memref<400xi32, #tpu.memory_space<vmem>>
        %dma_wait3A_222 = arith.constant 0 : i32
        %dma_wait3A_223 = arith.constant 0 : i32
        %dma_wait3A_224 = tpu.memref_slice %arg19[%dma_wait3A_222, %dma_wait3A_223] : memref<10000x48xf32, #tpu.memory_space<vmem_shared>> -> memref<10000x48xf32, #tpu.memory_space<vmem_shared>>
        tpu.wait_indirect_dma semaphore(%arg17 : memref<!tpu.dma_semaphore, #tpu.memory_space<semaphore_mem>>) src(%arg11 : memref<400x48xf32, #tpu.memory_space<vmem>>) dst(%dma_wait3A_224 : memref<10000x48xf32, #tpu.memory_space<vmem_shared>>)
        %dma_start3A_225 = arith.constant 0 : i32
        %dma_start3A_226 = tpu.memref_slice %arg10[%add3A_184, %dma_start3A_225] : memref<25x400xi32, #tpu.memory_space<vmem>> -> memref<1x400xi32, #tpu.memory_space<vmem>>
        %dma_start3A_227 = tpu.memref_squeeze %dma_start3A_226 : memref<1x400xi32, #tpu.memory_space<vmem>> -> memref<400xi32, #tpu.memory_space<vmem>>
        %dma_start3A_228 = arith.constant 0 : i32
        %dma_start3A_229 = arith.constant 0 : i32
        %dma_start3A_230 = tpu.memref_slice %arg2[%dma_start3A_228, %dma_start3A_229] : memref<10000x48xf32, #tpu.memory_space<hbm>> -> memref<10000x48xf32, #tpu.memory_space<hbm>>
        tpu.enqueue_indirect_dma source(%dma_start3A_230 : memref<10000x48xf32, #tpu.memory_space<hbm>>) target(%arg11 : memref<400x48xf32, #tpu.memory_space<vmem>>) offsets(%dma_start3A_227 : memref<400xi32, #tpu.memory_space<vmem>>) semaphore(%arg15 : memref<!tpu.dma_semaphore, #tpu.memory_space<semaphore_mem>>)
        %add3A_231 = arith.constant 1 : i32
        %add3A_232 = arith.addi %scan3A_125, %add3A_231 : i32
        %mul3A_233 = arith.constant 2 : i32
        %mul3A_234 = arith.muli %mul3A_233, %add3A_232 : i32
        %add3A_235 = arith.constant 1 : i32
        %add3A_236 = arith.addi %mul3A_234, %add3A_235 : i32
        %scan3A_237 = arith.constant 0 : i32
        %scan3A_238 = arith.constant 0 : i32
        %scan3A_239 = arith.constant 24 : i32
        %scan3A_240 = arith.addi %scan3A_238, %scan3A_239 : i32
        %scan3A_241 = arith.constant 2 : i32
        scf.for %scan3A_283 = %scan3A_238 to %scan3A_240 step %scan3A_241  : i32 {
          %mul3A_284 = arith.constant 16 : i32
          %mul3A_285 = arith.muli %scan3A_283, %mul3A_284 : i32
          %get3A_286 = arith.index_cast %add3A_236 : i32 to index
          %get3A_287 = arith.index_cast %mul3A_285 : i32 to index
          %get3A_288 = tpu.vector_load %arg9[%get3A_286, %get3A_287] {strides = array<i32>} : memref<25x400xi32, #tpu.memory_space<vmem>>, vector<16xi32>,
          %mul3A_289 = arith.constant 16 : i32
          %mul3A_290 = arith.muli %scan3A_283, %mul3A_289 : i32
          %get3A_291 = arith.index_cast %add3A_236 : i32 to index
          %get3A_292 = arith.index_cast %mul3A_290 : i32 to index
          %get3A_293 = tpu.vector_load %arg10[%get3A_291, %get3A_292] {strides = array<i32>} : memref<25x400xi32, #tpu.memory_space<vmem>>, vector<16xi32>,
          %gather3A_294 = tpu.vector_load_idx %arg7[%get3A_288] : memref<10000xf32, #tpu.memory_space<vmem>>[vector<16xi32>], vector<16xf32>,
          %gather3A_295 = tpu.vector_load_idx %arg8[%get3A_293] : memref<10000xf32, #tpu.memory_space<vmem>>[vector<16xi32>], vector<16xf32>,
          %add3A_296 = arith.addf %gather3A_294, %gather3A_295 : vector<16xf32>
          %neg3A_297 = arith.constant 0.000000e+00 : f32
          %neg3A_298 = vector.broadcast %neg3A_297 : f32 to vector<16xf32>
          %neg3A_299 = arith.subf %neg3A_298, %add3A_296 : vector<16xf32>
          %mul3A_300 = arith.constant -2.000000e-01 : f32
          %mul3A_301 = vector.broadcast %mul3A_300 : f32 to vector<16xf32>
          %mul3A_302 = arith.mulf %mul3A_301, %add3A_296 : vector<16xf32>
          %min3A_303 = arith.minimumf %neg3A_299, %mul3A_302 : vector<16xf32>
          %exp3A_304 = math.exp %min3A_303 : vector<16xf32>
          %mul3A_305 = arith.constant 16 : i32
          %mul3A_306 = arith.muli %scan3A_283, %mul3A_305 : i32
          %swap3A_307 = arith.index_cast %mul3A_306 : i32 to index
          %swap3A_308 = tpu.vector_load %arg14[%swap3A_307] {strides = array<i32>} : memref<400xf32, #tpu.memory_space<vmem>>, vector<16xf32>,
          tpu.vector_store %arg14[%swap3A_307], %exp3A_304 {strides = array<i32>} : memref<400xf32, #tpu.memory_space<vmem>>, vector<16xf32>,
          %scan3A_309 = arith.constant 1 : i32
          %scan3A_310 = arith.addi %scan3A_283, %scan3A_309 : i32
          %mul3A_311 = arith.constant 16 : i32
          %mul3A_312 = arith.muli %scan3A_310, %mul3A_311 : i32
          %get3A_313 = arith.index_cast %add3A_236 : i32 to index
          %get3A_314 = arith.index_cast %mul3A_312 : i32 to index
          %get3A_315 = tpu.vector_load %arg9[%get3A_313, %get3A_314] {strides = array<i32>} : memref<25x400xi32, #tpu.memory_space<vmem>>, vector<16xi32>,
          %mul3A_316 = arith.constant 16 : i32
          %mul3A_317 = arith.muli %scan3A_310, %mul3A_316 : i32
          %get3A_318 = arith.index_cast %add3A_236 : i32 to index
          %get3A_319 = arith.index_cast %mul3A_317 : i32 to index
          %get3A_320 = tpu.vector_load %arg10[%get3A_318, %get3A_319] {strides = array<i32>} : memref<25x400xi32, #tpu.memory_space<vmem>>, vector<16xi32>,
          %gather3A_321 = tpu.vector_load_idx %arg7[%get3A_315] : memref<10000xf32, #tpu.memory_space<vmem>>[vector<16xi32>], vector<16xf32>,
          %gather3A_322 = tpu.vector_load_idx %arg8[%get3A_320] : memref<10000xf32, #tpu.memory_space<vmem>>[vector<16xi32>], vector<16xf32>,
          %add3A_323 = arith.addf %gather3A_321, %gather3A_322 : vector<16xf32>
          %neg3A_324 = arith.constant 0.000000e+00 : f32
          %neg3A_325 = vector.broadcast %neg3A_324 : f32 to vector<16xf32>
          %neg3A_326 = arith.subf %neg3A_325, %add3A_323 : vector<16xf32>
          %mul3A_327 = arith.constant -2.000000e-01 : f32
          %mul3A_328 = vector.broadcast %mul3A_327 : f32 to vector<16xf32>
          %mul3A_329 = arith.mulf %mul3A_328, %add3A_323 : vector<16xf32>
          %min3A_330 = arith.minimumf %neg3A_326, %mul3A_329 : vector<16xf32>
          %exp3A_331 = math.exp %min3A_330 : vector<16xf32>
          %mul3A_332 = arith.constant 16 : i32
          %mul3A_333 = arith.muli %scan3A_310, %mul3A_332 : i32
          %swap3A_334 = arith.index_cast %mul3A_333 : i32 to index
          %swap3A_335 = tpu.vector_load %arg14[%swap3A_334] {strides = array<i32>} : memref<400xf32, #tpu.memory_space<vmem>>, vector<16xf32>,
          tpu.vector_store %arg14[%swap3A_334], %exp3A_331 {strides = array<i32>} : memref<400xf32, #tpu.memory_space<vmem>>, vector<16xf32>,
        }
        %scan3A_242 = arith.constant 24 : i32
        %scan3A_243 = arith.addi %scan3A_238, %scan3A_242 : i32
        %mul3A_244 = arith.constant 16 : i32
        %mul3A_245 = arith.muli %scan3A_243, %mul3A_244 : i32
        %get3A_246 = arith.index_cast %add3A_236 : i32 to index
        %get3A_247 = arith.index_cast %mul3A_245 : i32 to index
        %get3A_248 = tpu.vector_load %arg9[%get3A_246, %get3A_247] {strides = array<i32>} : memref<25x400xi32, #tpu.memory_space<vmem>>, vector<16xi32>,
        %mul3A_249 = arith.constant 16 : i32
        %mul3A_250 = arith.muli %scan3A_243, %mul3A_249 : i32
        %get3A_251 = arith.index_cast %add3A_236 : i32 to index
        %get3A_252 = arith.index_cast %mul3A_250 : i32 to index
        %get3A_253 = tpu.vector_load %arg10[%get3A_251, %get3A_252] {strides = array<i32>} : memref<25x400xi32, #tpu.memory_space<vmem>>, vector<16xi32>,
        %gather3A_254 = tpu.vector_load_idx %arg7[%get3A_248] : memref<10000xf32, #tpu.memory_space<vmem>>[vector<16xi32>], vector<16xf32>,
        %gather3A_255 = tpu.vector_load_idx %arg8[%get3A_253] : memref<10000xf32, #tpu.memory_space<vmem>>[vector<16xi32>], vector<16xf32>,
        %add3A_256 = arith.addf %gather3A_254, %gather3A_255 : vector<16xf32>
        %neg3A_257 = arith.constant 0.000000e+00 : f32
        %neg3A_258 = vector.broadcast %neg3A_257 : f32 to vector<16xf32>
        %neg3A_259 = arith.subf %neg3A_258, %add3A_256 : vector<16xf32>
        %mul3A_260 = arith.constant -2.000000e-01 : f32
        %mul3A_261 = vector.broadcast %mul3A_260 : f32 to vector<16xf32>
        %mul3A_262 = arith.mulf %mul3A_261, %add3A_256 : vector<16xf32>
        %min3A_263 = arith.minimumf %neg3A_259, %mul3A_262 : vector<16xf32>
        %exp3A_264 = math.exp %min3A_263 : vector<16xf32>
        %mul3A_265 = arith.constant 16 : i32
        %mul3A_266 = arith.muli %scan3A_243, %mul3A_265 : i32
        %swap3A_267 = arith.index_cast %mul3A_266 : i32 to index
        %swap3A_268 = tpu.vector_load %arg14[%swap3A_267] {strides = array<i32>} : memref<400xf32, #tpu.memory_space<vmem>>, vector<16xf32>,
        tpu.vector_store %arg14[%swap3A_267], %exp3A_264 {strides = array<i32>} : memref<400xf32, #tpu.memory_space<vmem>>, vector<16xf32>,
        %scan3A_269 = arith.constant 25 : i32
        %dma_wait3A_270 = arith.constant 0 : i32
        %dma_wait3A_271 = arith.constant 0 : i32
        %dma_wait3A_272 = tpu.memref_slice %arg9[%dma_wait3A_270, %dma_wait3A_271] : memref<25x400xi32, #tpu.memory_space<vmem>> -> memref<1x400xi32, #tpu.memory_space<vmem>>
        %dma_wait3A_273 = tpu.memref_squeeze %dma_wait3A_272 : memref<1x400xi32, #tpu.memory_space<vmem>> -> memref<400xi32, #tpu.memory_space<vmem>>
        %dma_wait3A_274 = arith.constant 0 : i32
        %dma_wait3A_275 = arith.constant 0 : i32
        %dma_wait3A_276 = tpu.memref_slice %arg19[%dma_wait3A_274, %dma_wait3A_275] : memref<10000x48xf32, #tpu.memory_space<vmem_shared>> -> memref<10000x48xf32, #tpu.memory_space<vmem_shared>>
        tpu.wait_indirect_dma semaphore(%arg18 : memref<!tpu.dma_semaphore, #tpu.memory_space<semaphore_mem>>) src(%arg12 : memref<400x48xf32, #tpu.memory_space<vmem>>) dst(%dma_wait3A_276 : memref<10000x48xf32, #tpu.memory_space<vmem_shared>>)
        %dma_start3A_277 = arith.constant 0 : i32
        %dma_start3A_278 = tpu.memref_slice %arg10[%add3A_236, %dma_start3A_277] : memref<25x400xi32, #tpu.memory_space<vmem>> -> memref<1x400xi32, #tpu.memory_space<vmem>>
        %dma_start3A_279 = tpu.memref_squeeze %dma_start3A_278 : memref<1x400xi32, #tpu.memory_space<vmem>> -> memref<400xi32, #tpu.memory_space<vmem>>
        %dma_start3A_280 = arith.constant 0 : i32
        %dma_start3A_281 = arith.constant 0 : i32
        %dma_start3A_282 = tpu.memref_slice %arg2[%dma_start3A_280, %dma_start3A_281] : memref<10000x48xf32, #tpu.memory_space<hbm>> -> memref<10000x48xf32, #tpu.memory_space<hbm>>
        tpu.enqueue_indirect_dma source(%dma_start3A_282 : memref<10000x48xf32, #tpu.memory_space<hbm>>) target(%arg12 : memref<400x48xf32, #tpu.memory_space<vmem>>) offsets(%dma_start3A_279 : memref<400xi32, #tpu.memory_space<vmem>>) semaphore(%arg16 : memref<!tpu.dma_semaphore, #tpu.memory_space<semaphore_mem>>)
      } else {
      }
    }
    %scan3A_100 = arith.constant 12 : i32
    %dma_wait3A = arith.constant 0 : i32
    %dma_wait3A_101 = arith.constant 0 : i32
    %dma_wait3A_102 = tpu.memref_slice %arg9[%dma_wait3A, %dma_wait3A_101] : memref<25x400xi32, #tpu.memory_space<vmem>> -> memref<1x400xi32, #tpu.memory_space<vmem>>
    %dma_wait3A_103 = tpu.memref_squeeze %dma_wait3A_102 : memref<1x400xi32, #tpu.memory_space<vmem>> -> memref<400xi32, #tpu.memory_space<vmem>>
    %dma_wait3A_104 = arith.constant 0 : i32
    %dma_wait3A_105 = arith.constant 0 : i32
    %dma_wait3A_106 = tpu.memref_slice %arg19[%dma_wait3A_104, %dma_wait3A_105] : memref<10000x48xf32, #tpu.memory_space<vmem_shared>> -> memref<10000x48xf32, #tpu.memory_space<vmem_shared>>
    tpu.wait_indirect_dma semaphore(%arg17 : memref<!tpu.dma_semaphore, #tpu.memory_space<semaphore_mem>>) src(%arg11 : memref<400x48xf32, #tpu.memory_space<vmem>>) dst(%dma_wait3A_106 : memref<10000x48xf32, #tpu.memory_space<vmem_shared>>)
    %dma_wait3A_107 = arith.constant 0 : i32
    %dma_wait3A_108 = arith.constant 0 : i32
    %dma_wait3A_109 = tpu.memref_slice %arg9[%dma_wait3A_107, %dma_wait3A_108] : memref<25x400xi32, #tpu.memory_space<vmem>> -> memref<1x400xi32, #tpu.memory_space<vmem>>
    %dma_wait3A_110 = tpu.memref_squeeze %dma_wait3A_109 : memref<1x400xi32, #tpu.memory_space<vmem>> -> memref<400xi32, #tpu.memory_space<vmem>>
    %dma_wait3A_111 = arith.constant 0 : i32
    %dma_wait3A_112 = arith.constant 0 : i32
    %dma_wait3A_113 = tpu.memref_slice %arg19[%dma_wait3A_111, %dma_wait3A_112] : memref<10000x48xf32, #tpu.memory_space<vmem_shared>> -> memref<10000x48xf32, #tpu.memory_space<vmem_shared>>
    tpu.wait_indirect_dma semaphore(%arg18 : memref<!tpu.dma_semaphore, #tpu.memory_space<semaphore_mem>>) src(%arg12 : memref<400x48xf32, #tpu.memory_space<vmem>>) dst(%dma_wait3A_113 : memref<10000x48xf32, #tpu.memory_space<vmem_shared>>)
    %barrier3A_114 = arith.constant 0 : index
    tpu.barrier barrier_id(%barrier3A_114)
    %lt3A_115 = arith.constant 15 : i32
    %lt3A_116 = arith.cmpi slt, %arg1, %lt3A_115 : i32
    %convert_element_type3A_117 = arith.extui %lt3A_116 : i1 to i32
    %cond3A_118 = arith.constant 0 : i32
    %cond3A_119 = arith.cmpi ne, %convert_element_type3A_117, %cond3A_118 : i32
    scf.if %cond3A_119 {
      %mul3A_125 = arith.constant 10000 : i32
      %mul3A_126 = arith.muli %arg0, %mul3A_125 : i32
      %add3A_127 = arith.addi %mul3A_126, %mul3A_0 : i32
      "tpu.region"() ({
        %run_scoped3A = tpu.sem_alloc : memref<!tpu.dma_semaphore, #tpu.memory_space<semaphore_mem>>
        %dma_start3A_128 = arith.constant 0 : i32
        %dma_start3A_129 = tpu.memref_slice %arg6[%add3A_127, %dma_start3A_128] : memref<20000x48xf32, #tpu.memory_space<hbm>> -> memref<640x48xf32, #tpu.memory_space<hbm>>
        %dma_start3A_130 = arith.constant 0 : i32
        %dma_start3A_131 = tpu.memref_slice %arg19[%mul3A_0, %dma_start3A_130] : memref<10000x48xf32, #tpu.memory_space<vmem_shared>> -> memref<640x48xf32, #tpu.memory_space<vmem_shared>>
        tpu.enqueue_dma source(%dma_start3A_131 : memref<640x48xf32, #tpu.memory_space<vmem_shared>>) target(%dma_start3A_129 : memref<640x48xf32, #tpu.memory_space<hbm>>) target_semaphore(%run_scoped3A : memref<!tpu.dma_semaphore, #tpu.memory_space<semaphore_mem>>)
        %dma_wait3A_132 = arith.constant 0 : i32
        %dma_wait3A_133 = tpu.memref_slice %arg6[%add3A_127, %dma_wait3A_132] : memref<20000x48xf32, #tpu.memory_space<hbm>> -> memref<640x48xf32, #tpu.memory_space<hbm>>
        %dma_wait3A_134 = arith.constant 0 : i32
        %dma_wait3A_135 = tpu.memref_slice %arg19[%mul3A_0, %dma_wait3A_134] : memref<10000x48xf32, #tpu.memory_space<vmem_shared>> -> memref<640x48xf32, #tpu.memory_space<vmem_shared>>
        tpu.wait_dma2 semaphore(%run_scoped3A : memref<!tpu.dma_semaphore, #tpu.memory_space<semaphore_mem>>) src(%dma_wait3A_135 : memref<640x48xf32, #tpu.memory_space<vmem_shared>>) dst(%dma_wait3A_133 : memref<640x48xf32, #tpu.memory_space<hbm>>)
        tpu.yield
      }) : () -> ()
    } else {
    }
    %eq3A_120 = arith.constant 15 : i32
    %eq3A_121 = arith.cmpi eq, %arg1, %eq3A_120 : i32
    %convert_element_type3A_122 = arith.extui %eq3A_121 : i1 to i32
    %cond3A_123 = arith.constant 0 : i32
    %cond3A_124 = arith.cmpi ne, %convert_element_type3A_122, %cond3A_123 : i32
    scf.if %cond3A_124 {
      %mul3A_125 = arith.constant 10000 : i32
      %mul3A_126 = arith.muli %arg0, %mul3A_125 : i32
      %add3A_127 = arith.constant 9600 : i32
      %add3A_128 = arith.addi %mul3A_126, %add3A_127 : i32
      "tpu.region"() ({
        %run_scoped3A = tpu.sem_alloc : memref<!tpu.dma_semaphore, #tpu.memory_space<semaphore_mem>>
        %dma_start3A_129 = arith.constant 0 : i32
        %dma_start3A_130 = tpu.memref_slice %arg6[%add3A_128, %dma_start3A_129] : memref<20000x48xf32, #tpu.memory_space<hbm>> -> memref<400x48xf32, #tpu.memory_space<hbm>>
        %dma_start3A_131 = arith.constant 9600 : i32
        %dma_start3A_132 = arith.constant 0 : i32
        %dma_start3A_133 = tpu.memref_slice %arg19[%dma_start3A_131, %dma_start3A_132] : memref<10000x48xf32, #tpu.memory_space<vmem_shared>> -> memref<400x48xf32, #tpu.memory_space<vmem_shared>>
        tpu.enqueue_dma source(%dma_start3A_133 : memref<400x48xf32, #tpu.memory_space<vmem_shared>>) target(%dma_start3A_130 : memref<400x48xf32, #tpu.memory_space<hbm>>) target_semaphore(%run_scoped3A : memref<!tpu.dma_semaphore, #tpu.memory_space<semaphore_mem>>)
        %dma_wait3A_134 = arith.constant 0 : i32
        %dma_wait3A_135 = tpu.memref_slice %arg6[%add3A_128, %dma_wait3A_134] : memref<20000x48xf32, #tpu.memory_space<hbm>> -> memref<400x48xf32, #tpu.memory_space<hbm>>
        %dma_wait3A_136 = arith.constant 9600 : i32
        %dma_wait3A_137 = arith.constant 0 : i32
        %dma_wait3A_138 = tpu.memref_slice %arg19[%dma_wait3A_136, %dma_wait3A_137] : memref<10000x48xf32, #tpu.memory_space<vmem_shared>> -> memref<400x48xf32, #tpu.memory_space<vmem_shared>>
        tpu.wait_dma2 semaphore(%run_scoped3A : memref<!tpu.dma_semaphore, #tpu.memory_space<semaphore_mem>>) src(%dma_wait3A_138 : memref<400x48xf32, #tpu.memory_space<vmem_shared>>) dst(%dma_wait3A_135 : memref<400x48xf32, #tpu.memory_space<hbm>>)
        tpu.yield
      }) : () -> ()
    } else {
    }
    return
  }
}

module attributes {stable_mosaic.version = 14 : i64} {
  func.func @_densef_body(%arg0: i32, %arg1: memref<1000x128xf32, #tpu.memory_space<vmem>>, %arg2: memref<8x128x64xf32, #tpu.memory_space<vmem>>, %arg3: memref<8x128xf32, #tpu.memory_space<vmem>>, %arg4: memref<1x16x1000xf32, #tpu.memory_space<vmem>>) attributes {dimension_semantics = [#tpu.dimension_semantics<arbitrary>], iteration_bounds = array<i64: 10>, scalar_prefetch = 0 : i64, scratch_operands = 0 : i64, tpu.core_type = #tpu.core_type<tc>, window_params = [{transform_indices = @transform_0, window_bounds = array<i64: 1000, 128>}, {pipeline_mode = #tpu.pipeline_mode<synchronous>, transform_indices = @transform_1, window_bounds = array<i64: 8, 128, 64>}, {pipeline_mode = #tpu.pipeline_mode<synchronous>, transform_indices = @transform_2, window_bounds = array<i64: 8, 128>}, {transform_indices = @transform_3, window_bounds = array<i64: 1, 16, 1000>}]} {
    %get3A = arith.constant 0 : index
    %get3A_0 = arith.constant 0 : index
    %get3A_1 = vector.load %arg1[%get3A, %get3A_0] : memref<1000x128xf32, #tpu.memory_space<vmem>>, vector<1000x128xf32>
    %get3A_2 = arith.constant 0 : index
    %get3A_3 = arith.constant 0 : index
    %get3A_4 = arith.constant 0 : index
    %get3A_5 = vector.load %arg2[%get3A_2, %get3A_3, %get3A_4] : memref<8x128x64xf32, #tpu.memory_space<vmem>>, vector<1x128x64xf32>
    %get3A_6 = vector.shape_cast %get3A_5 : vector<1x128x64xf32> to vector<128x64xf32>
    %get3A_7 = arith.constant 0 : index
    %get3A_8 = arith.constant 0 : index
    %get3A_9 = vector.load %arg3[%get3A_7, %get3A_8] : memref<8x128xf32, #tpu.memory_space<vmem>>, vector<1x64xf32>
    %get3A_10 = vector.shape_cast %get3A_9 : vector<1x64xf32> to vector<64xf32>
    %dot_general3A = arith.constant dense<0.000000e+00> : vector<128xf32>
    %dot_general3A_11 = tpu.matmul %get3A_6, %get3A_10, %dot_general3A {dimension_numbers = #tpu.dot_dimension_numbers<[1], [0], [0], [], [0, 0], [], []>, transpose_lhs_hint = false} : vector<128x64xf32>, vector<64xf32>, vector<128xf32> -> vector<128xf32>
    %get3A_12 = arith.constant 1 : index
    %get3A_13 = arith.constant 0 : index
    %get3A_14 = arith.constant 0 : index
    %get3A_15 = vector.load %arg2[%get3A_12, %get3A_13, %get3A_14] : memref<8x128x64xf32, #tpu.memory_space<vmem>>, vector<1x128x64xf32>
    %get3A_16 = vector.shape_cast %get3A_15 : vector<1x128x64xf32> to vector<128x64xf32>
    %get3A_17 = arith.constant 1 : index
    %get3A_18 = arith.constant 0 : index
    %get3A_19 = vector.load %arg3[%get3A_17, %get3A_18] : memref<8x128xf32, #tpu.memory_space<vmem>>, vector<1x64xf32>
    %get3A_20 = vector.shape_cast %get3A_19 : vector<1x64xf32> to vector<64xf32>
    %dot_general3A_21 = arith.constant dense<0.000000e+00> : vector<128xf32>
    %dot_general3A_22 = tpu.matmul %get3A_16, %get3A_20, %dot_general3A_21 {dimension_numbers = #tpu.dot_dimension_numbers<[1], [0], [0], [], [0, 0], [], []>, transpose_lhs_hint = false} : vector<128x64xf32>, vector<64xf32>, vector<128xf32> -> vector<128xf32>
    %get3A_23 = arith.constant 2 : index
    %get3A_24 = arith.constant 0 : index
    %get3A_25 = arith.constant 0 : index
    %get3A_26 = vector.load %arg2[%get3A_23, %get3A_24, %get3A_25] : memref<8x128x64xf32, #tpu.memory_space<vmem>>, vector<1x128x64xf32>
    %get3A_27 = vector.shape_cast %get3A_26 : vector<1x128x64xf32> to vector<128x64xf32>
    %get3A_28 = arith.constant 2 : index
    %get3A_29 = arith.constant 0 : index
    %get3A_30 = vector.load %arg3[%get3A_28, %get3A_29] : memref<8x128xf32, #tpu.memory_space<vmem>>, vector<1x64xf32>
    %get3A_31 = vector.shape_cast %get3A_30 : vector<1x64xf32> to vector<64xf32>
    %dot_general3A_32 = arith.constant dense<0.000000e+00> : vector<128xf32>
    %dot_general3A_33 = tpu.matmul %get3A_27, %get3A_31, %dot_general3A_32 {dimension_numbers = #tpu.dot_dimension_numbers<[1], [0], [0], [], [0, 0], [], []>, transpose_lhs_hint = false} : vector<128x64xf32>, vector<64xf32>, vector<128xf32> -> vector<128xf32>
    %get3A_34 = arith.constant 3 : index
    %get3A_35 = arith.constant 0 : index
    %get3A_36 = arith.constant 0 : index
    %get3A_37 = vector.load %arg2[%get3A_34, %get3A_35, %get3A_36] : memref<8x128x64xf32, #tpu.memory_space<vmem>>, vector<1x128x64xf32>
    %get3A_38 = vector.shape_cast %get3A_37 : vector<1x128x64xf32> to vector<128x64xf32>
    %get3A_39 = arith.constant 3 : index
    %get3A_40 = arith.constant 0 : index
    %get3A_41 = vector.load %arg3[%get3A_39, %get3A_40] : memref<8x128xf32, #tpu.memory_space<vmem>>, vector<1x64xf32>
    %get3A_42 = vector.shape_cast %get3A_41 : vector<1x64xf32> to vector<64xf32>
    %dot_general3A_43 = arith.constant dense<0.000000e+00> : vector<128xf32>
    %dot_general3A_44 = tpu.matmul %get3A_38, %get3A_42, %dot_general3A_43 {dimension_numbers = #tpu.dot_dimension_numbers<[1], [0], [0], [], [0, 0], [], []>, transpose_lhs_hint = false} : vector<128x64xf32>, vector<64xf32>, vector<128xf32> -> vector<128xf32>
    %get3A_45 = arith.constant 4 : index
    %get3A_46 = arith.constant 0 : index
    %get3A_47 = arith.constant 0 : index
    %get3A_48 = vector.load %arg2[%get3A_45, %get3A_46, %get3A_47] : memref<8x128x64xf32, #tpu.memory_space<vmem>>, vector<1x128x64xf32>
    %get3A_49 = vector.shape_cast %get3A_48 : vector<1x128x64xf32> to vector<128x64xf32>
    %get3A_50 = arith.constant 4 : index
    %get3A_51 = arith.constant 0 : index
    %get3A_52 = vector.load %arg3[%get3A_50, %get3A_51] : memref<8x128xf32, #tpu.memory_space<vmem>>, vector<1x64xf32>
    %get3A_53 = vector.shape_cast %get3A_52 : vector<1x64xf32> to vector<64xf32>
    %dot_general3A_54 = arith.constant dense<0.000000e+00> : vector<128xf32>
    %dot_general3A_55 = tpu.matmul %get3A_49, %get3A_53, %dot_general3A_54 {dimension_numbers = #tpu.dot_dimension_numbers<[1], [0], [0], [], [0, 0], [], []>, transpose_lhs_hint = false} : vector<128x64xf32>, vector<64xf32>, vector<128xf32> -> vector<128xf32>
    %get3A_56 = arith.constant 5 : index
    %get3A_57 = arith.constant 0 : index
    %get3A_58 = arith.constant 0 : index
    %get3A_59 = vector.load %arg2[%get3A_56, %get3A_57, %get3A_58] : memref<8x128x64xf32, #tpu.memory_space<vmem>>, vector<1x128x64xf32>
    %get3A_60 = vector.shape_cast %get3A_59 : vector<1x128x64xf32> to vector<128x64xf32>
    %get3A_61 = arith.constant 5 : index
    %get3A_62 = arith.constant 0 : index
    %get3A_63 = vector.load %arg3[%get3A_61, %get3A_62] : memref<8x128xf32, #tpu.memory_space<vmem>>, vector<1x64xf32>
    %get3A_64 = vector.shape_cast %get3A_63 : vector<1x64xf32> to vector<64xf32>
    %dot_general3A_65 = arith.constant dense<0.000000e+00> : vector<128xf32>
    %dot_general3A_66 = tpu.matmul %get3A_60, %get3A_64, %dot_general3A_65 {dimension_numbers = #tpu.dot_dimension_numbers<[1], [0], [0], [], [0, 0], [], []>, transpose_lhs_hint = false} : vector<128x64xf32>, vector<64xf32>, vector<128xf32> -> vector<128xf32>
    %get3A_67 = arith.constant 6 : index
    %get3A_68 = arith.constant 0 : index
    %get3A_69 = arith.constant 0 : index
    %get3A_70 = vector.load %arg2[%get3A_67, %get3A_68, %get3A_69] : memref<8x128x64xf32, #tpu.memory_space<vmem>>, vector<1x128x64xf32>
    %get3A_71 = vector.shape_cast %get3A_70 : vector<1x128x64xf32> to vector<128x64xf32>
    %get3A_72 = arith.constant 6 : index
    %get3A_73 = arith.constant 0 : index
    %get3A_74 = vector.load %arg3[%get3A_72, %get3A_73] : memref<8x128xf32, #tpu.memory_space<vmem>>, vector<1x64xf32>
    %get3A_75 = vector.shape_cast %get3A_74 : vector<1x64xf32> to vector<64xf32>
    %dot_general3A_76 = arith.constant dense<0.000000e+00> : vector<128xf32>
    %dot_general3A_77 = tpu.matmul %get3A_71, %get3A_75, %dot_general3A_76 {dimension_numbers = #tpu.dot_dimension_numbers<[1], [0], [0], [], [0, 0], [], []>, transpose_lhs_hint = false} : vector<128x64xf32>, vector<64xf32>, vector<128xf32> -> vector<128xf32>
    %get3A_78 = arith.constant 7 : index
    %get3A_79 = arith.constant 0 : index
    %get3A_80 = arith.constant 0 : index
    %get3A_81 = vector.load %arg2[%get3A_78, %get3A_79, %get3A_80] : memref<8x128x64xf32, #tpu.memory_space<vmem>>, vector<1x128x64xf32>
    %get3A_82 = vector.shape_cast %get3A_81 : vector<1x128x64xf32> to vector<128x64xf32>
    %get3A_83 = arith.constant 7 : index
    %get3A_84 = arith.constant 0 : index
    %get3A_85 = vector.load %arg3[%get3A_83, %get3A_84] : memref<8x128xf32, #tpu.memory_space<vmem>>, vector<1x64xf32>
    %get3A_86 = vector.shape_cast %get3A_85 : vector<1x64xf32> to vector<64xf32>
    %dot_general3A_87 = arith.constant dense<0.000000e+00> : vector<128xf32>
    %dot_general3A_88 = tpu.matmul %get3A_82, %get3A_86, %dot_general3A_87 {dimension_numbers = #tpu.dot_dimension_numbers<[1], [0], [0], [], [0, 0], [], []>, transpose_lhs_hint = false} : vector<128x64xf32>, vector<64xf32>, vector<128xf32> -> vector<128xf32>
    %get3A_89 = arith.constant 0 : index
    %get3A_90 = arith.constant 0 : index
    %get3A_91 = arith.constant 0 : index
    %get3A_92 = vector.load %arg2[%get3A_89, %get3A_90, %get3A_91] : memref<8x128x64xf32, #tpu.memory_space<vmem>>, vector<1x128x64xf32>
    %get3A_93 = vector.shape_cast %get3A_92 : vector<1x128x64xf32> to vector<128x64xf32>
    %get3A_94 = arith.constant 0 : index
    %get3A_95 = arith.constant 64 : index
    %get3A_96 = vector.load %arg3[%get3A_94, %get3A_95] : memref<8x128xf32, #tpu.memory_space<vmem>>, vector<1x64xf32>
    %get3A_97 = vector.shape_cast %get3A_96 : vector<1x64xf32> to vector<64xf32>
    %dot_general3A_98 = arith.constant dense<0.000000e+00> : vector<128xf32>
    %dot_general3A_99 = tpu.matmul %get3A_93, %get3A_97, %dot_general3A_98 {dimension_numbers = #tpu.dot_dimension_numbers<[1], [0], [0], [], [0, 0], [], []>, transpose_lhs_hint = false} : vector<128x64xf32>, vector<64xf32>, vector<128xf32> -> vector<128xf32>
    %get3A_100 = arith.constant 1 : index
    %get3A_101 = arith.constant 0 : index
    %get3A_102 = arith.constant 0 : index
    %get3A_103 = vector.load %arg2[%get3A_100, %get3A_101, %get3A_102] : memref<8x128x64xf32, #tpu.memory_space<vmem>>, vector<1x128x64xf32>
    %get3A_104 = vector.shape_cast %get3A_103 : vector<1x128x64xf32> to vector<128x64xf32>
    %get3A_105 = arith.constant 1 : index
    %get3A_106 = arith.constant 64 : index
    %get3A_107 = vector.load %arg3[%get3A_105, %get3A_106] : memref<8x128xf32, #tpu.memory_space<vmem>>, vector<1x64xf32>
    %get3A_108 = vector.shape_cast %get3A_107 : vector<1x64xf32> to vector<64xf32>
    %dot_general3A_109 = arith.constant dense<0.000000e+00> : vector<128xf32>
    %dot_general3A_110 = tpu.matmul %get3A_104, %get3A_108, %dot_general3A_109 {dimension_numbers = #tpu.dot_dimension_numbers<[1], [0], [0], [], [0, 0], [], []>, transpose_lhs_hint = false} : vector<128x64xf32>, vector<64xf32>, vector<128xf32> -> vector<128xf32>
    %get3A_111 = arith.constant 2 : index
    %get3A_112 = arith.constant 0 : index
    %get3A_113 = arith.constant 0 : index
    %get3A_114 = vector.load %arg2[%get3A_111, %get3A_112, %get3A_113] : memref<8x128x64xf32, #tpu.memory_space<vmem>>, vector<1x128x64xf32>
    %get3A_115 = vector.shape_cast %get3A_114 : vector<1x128x64xf32> to vector<128x64xf32>
    %get3A_116 = arith.constant 2 : index
    %get3A_117 = arith.constant 64 : index
    %get3A_118 = vector.load %arg3[%get3A_116, %get3A_117] : memref<8x128xf32, #tpu.memory_space<vmem>>, vector<1x64xf32>
    %get3A_119 = vector.shape_cast %get3A_118 : vector<1x64xf32> to vector<64xf32>
    %dot_general3A_120 = arith.constant dense<0.000000e+00> : vector<128xf32>
    %dot_general3A_121 = tpu.matmul %get3A_115, %get3A_119, %dot_general3A_120 {dimension_numbers = #tpu.dot_dimension_numbers<[1], [0], [0], [], [0, 0], [], []>, transpose_lhs_hint = false} : vector<128x64xf32>, vector<64xf32>, vector<128xf32> -> vector<128xf32>
    %get3A_122 = arith.constant 3 : index
    %get3A_123 = arith.constant 0 : index
    %get3A_124 = arith.constant 0 : index
    %get3A_125 = vector.load %arg2[%get3A_122, %get3A_123, %get3A_124] : memref<8x128x64xf32, #tpu.memory_space<vmem>>, vector<1x128x64xf32>
    %get3A_126 = vector.shape_cast %get3A_125 : vector<1x128x64xf32> to vector<128x64xf32>
    %get3A_127 = arith.constant 3 : index
    %get3A_128 = arith.constant 64 : index
    %get3A_129 = vector.load %arg3[%get3A_127, %get3A_128] : memref<8x128xf32, #tpu.memory_space<vmem>>, vector<1x64xf32>
    %get3A_130 = vector.shape_cast %get3A_129 : vector<1x64xf32> to vector<64xf32>
    %dot_general3A_131 = arith.constant dense<0.000000e+00> : vector<128xf32>
    %dot_general3A_132 = tpu.matmul %get3A_126, %get3A_130, %dot_general3A_131 {dimension_numbers = #tpu.dot_dimension_numbers<[1], [0], [0], [], [0, 0], [], []>, transpose_lhs_hint = false} : vector<128x64xf32>, vector<64xf32>, vector<128xf32> -> vector<128xf32>
    %get3A_133 = arith.constant 4 : index
    %get3A_134 = arith.constant 0 : index
    %get3A_135 = arith.constant 0 : index
    %get3A_136 = vector.load %arg2[%get3A_133, %get3A_134, %get3A_135] : memref<8x128x64xf32, #tpu.memory_space<vmem>>, vector<1x128x64xf32>
    %get3A_137 = vector.shape_cast %get3A_136 : vector<1x128x64xf32> to vector<128x64xf32>
    %get3A_138 = arith.constant 4 : index
    %get3A_139 = arith.constant 64 : index
    %get3A_140 = vector.load %arg3[%get3A_138, %get3A_139] : memref<8x128xf32, #tpu.memory_space<vmem>>, vector<1x64xf32>
    %get3A_141 = vector.shape_cast %get3A_140 : vector<1x64xf32> to vector<64xf32>
    %dot_general3A_142 = arith.constant dense<0.000000e+00> : vector<128xf32>
    %dot_general3A_143 = tpu.matmul %get3A_137, %get3A_141, %dot_general3A_142 {dimension_numbers = #tpu.dot_dimension_numbers<[1], [0], [0], [], [0, 0], [], []>, transpose_lhs_hint = false} : vector<128x64xf32>, vector<64xf32>, vector<128xf32> -> vector<128xf32>
    %get3A_144 = arith.constant 5 : index
    %get3A_145 = arith.constant 0 : index
    %get3A_146 = arith.constant 0 : index
    %get3A_147 = vector.load %arg2[%get3A_144, %get3A_145, %get3A_146] : memref<8x128x64xf32, #tpu.memory_space<vmem>>, vector<1x128x64xf32>
    %get3A_148 = vector.shape_cast %get3A_147 : vector<1x128x64xf32> to vector<128x64xf32>
    %get3A_149 = arith.constant 5 : index
    %get3A_150 = arith.constant 64 : index
    %get3A_151 = vector.load %arg3[%get3A_149, %get3A_150] : memref<8x128xf32, #tpu.memory_space<vmem>>, vector<1x64xf32>
    %get3A_152 = vector.shape_cast %get3A_151 : vector<1x64xf32> to vector<64xf32>
    %dot_general3A_153 = arith.constant dense<0.000000e+00> : vector<128xf32>
    %dot_general3A_154 = tpu.matmul %get3A_148, %get3A_152, %dot_general3A_153 {dimension_numbers = #tpu.dot_dimension_numbers<[1], [0], [0], [], [0, 0], [], []>, transpose_lhs_hint = false} : vector<128x64xf32>, vector<64xf32>, vector<128xf32> -> vector<128xf32>
    %get3A_155 = arith.constant 6 : index
    %get3A_156 = arith.constant 0 : index
    %get3A_157 = arith.constant 0 : index
    %get3A_158 = vector.load %arg2[%get3A_155, %get3A_156, %get3A_157] : memref<8x128x64xf32, #tpu.memory_space<vmem>>, vector<1x128x64xf32>
    %get3A_159 = vector.shape_cast %get3A_158 : vector<1x128x64xf32> to vector<128x64xf32>
    %get3A_160 = arith.constant 6 : index
    %get3A_161 = arith.constant 64 : index
    %get3A_162 = vector.load %arg3[%get3A_160, %get3A_161] : memref<8x128xf32, #tpu.memory_space<vmem>>, vector<1x64xf32>
    %get3A_163 = vector.shape_cast %get3A_162 : vector<1x64xf32> to vector<64xf32>
    %dot_general3A_164 = arith.constant dense<0.000000e+00> : vector<128xf32>
    %dot_general3A_165 = tpu.matmul %get3A_159, %get3A_163, %dot_general3A_164 {dimension_numbers = #tpu.dot_dimension_numbers<[1], [0], [0], [], [0, 0], [], []>, transpose_lhs_hint = false} : vector<128x64xf32>, vector<64xf32>, vector<128xf32> -> vector<128xf32>
    %get3A_166 = arith.constant 7 : index
    %get3A_167 = arith.constant 0 : index
    %get3A_168 = arith.constant 0 : index
    %get3A_169 = vector.load %arg2[%get3A_166, %get3A_167, %get3A_168] : memref<8x128x64xf32, #tpu.memory_space<vmem>>, vector<1x128x64xf32>
    %get3A_170 = vector.shape_cast %get3A_169 : vector<1x128x64xf32> to vector<128x64xf32>
    %get3A_171 = arith.constant 7 : index
    %get3A_172 = arith.constant 64 : index
    %get3A_173 = vector.load %arg3[%get3A_171, %get3A_172] : memref<8x128xf32, #tpu.memory_space<vmem>>, vector<1x64xf32>
    %get3A_174 = vector.shape_cast %get3A_173 : vector<1x64xf32> to vector<64xf32>
    %dot_general3A_175 = arith.constant dense<0.000000e+00> : vector<128xf32>
    %dot_general3A_176 = tpu.matmul %get3A_170, %get3A_174, %dot_general3A_175 {dimension_numbers = #tpu.dot_dimension_numbers<[1], [0], [0], [], [0, 0], [], []>, transpose_lhs_hint = false} : vector<128x64xf32>, vector<64xf32>, vector<128xf32> -> vector<128xf32>
    %stack3A = vector.shape_cast %dot_general3A_11 : vector<128xf32> to vector<1x128xf32>
    %stack3A_177 = vector.shape_cast %dot_general3A_22 : vector<128xf32> to vector<1x128xf32>
    %stack3A_178 = vector.shape_cast %dot_general3A_33 : vector<128xf32> to vector<1x128xf32>
    %stack3A_179 = vector.shape_cast %dot_general3A_44 : vector<128xf32> to vector<1x128xf32>
    %stack3A_180 = vector.shape_cast %dot_general3A_55 : vector<128xf32> to vector<1x128xf32>
    %stack3A_181 = vector.shape_cast %dot_general3A_66 : vector<128xf32> to vector<1x128xf32>
    %stack3A_182 = vector.shape_cast %dot_general3A_77 : vector<128xf32> to vector<1x128xf32>
    %stack3A_183 = vector.shape_cast %dot_general3A_88 : vector<128xf32> to vector<1x128xf32>
    %stack3A_184 = vector.shape_cast %dot_general3A_99 : vector<128xf32> to vector<1x128xf32>
    %stack3A_185 = vector.shape_cast %dot_general3A_110 : vector<128xf32> to vector<1x128xf32>
    %stack3A_186 = vector.shape_cast %dot_general3A_121 : vector<128xf32> to vector<1x128xf32>
    %stack3A_187 = vector.shape_cast %dot_general3A_132 : vector<128xf32> to vector<1x128xf32>
    %stack3A_188 = vector.shape_cast %dot_general3A_143 : vector<128xf32> to vector<1x128xf32>
    %stack3A_189 = vector.shape_cast %dot_general3A_154 : vector<128xf32> to vector<1x128xf32>
    %stack3A_190 = vector.shape_cast %dot_general3A_165 : vector<128xf32> to vector<1x128xf32>
    %stack3A_191 = vector.shape_cast %dot_general3A_176 : vector<128xf32> to vector<1x128xf32>
    %stack3A_192 = tpu.concatenate %stack3A, %stack3A_177, %stack3A_178, %stack3A_179, %stack3A_180, %stack3A_181, %stack3A_182, %stack3A_183, %stack3A_184, %stack3A_185, %stack3A_186, %stack3A_187, %stack3A_188, %stack3A_189, %stack3A_190, %stack3A_191 in 0 : vector<1x128xf32>, vector<1x128xf32>, vector<1x128xf32>, vector<1x128xf32>, vector<1x128xf32>, vector<1x128xf32>, vector<1x128xf32>, vector<1x128xf32>, vector<1x128xf32>, vector<1x128xf32>, vector<1x128xf32>, vector<1x128xf32>, vector<1x128xf32>, vector<1x128xf32>, vector<1x128xf32>, vector<1x128xf32> -> vector<16x128xf32>
    %dot_general3A_193 = arith.constant dense<0.000000e+00> : vector<16x1000xf32>
    %dot_general3A_194 = tpu.matmul %stack3A_192, %get3A_1, %dot_general3A_193 {dimension_numbers = #tpu.dot_dimension_numbers<[1], [1], [0], [0], [0, 0, 1, 0], [], []>, transpose_lhs_hint = false} : vector<16x128xf32>, vector<1000x128xf32>, vector<16x1000xf32> -> vector<16x1000xf32>
    %swap3A = arith.constant 0 : index
    %swap3A_195 = arith.constant 0 : index
    %swap3A_196 = arith.constant 0 : index
    %swap3A_197 = vector.load %arg4[%swap3A, %swap3A_195, %swap3A_196] : memref<1x16x1000xf32, #tpu.memory_space<vmem>>, vector<1x16x1000xf32>
    %swap3A_198 = vector.shape_cast %swap3A_197 : vector<1x16x1000xf32> to vector<16x1000xf32>
    %swap3A_199 = vector.shape_cast %dot_general3A_194 : vector<16x1000xf32> to vector<1x16x1000xf32>
    tpu.vector_store %arg4[%swap3A, %swap3A_195, %swap3A_196], %swap3A_199 {strides = array<i32>} : memref<1x16x1000xf32, #tpu.memory_space<vmem>>, vector<1x16x1000xf32>,
    return
  }
  func.func @transform_0(%arg0: i32) -> (i32, i32) {
    %c0_i32 = arith.constant 0 : i32
    %c0_i32_0 = arith.constant 0 : i32
    return %arg0, %c0_i32 : i32, i32
  }
  func.func @transform_1(%arg0: i32) -> (i32, i32, i32) {
    %c0_i32 = arith.constant 0 : i32
    %c0_i32_0 = arith.constant 0 : i32
    %c0_i32_1 = arith.constant 0 : i32
    %c0_i32_2 = arith.constant 0 : i32
    return %c0_i32, %c0_i32_0, %c0_i32_1 : i32, i32, i32
  }
  func.func @transform_2(%arg0: i32) -> (i32, i32) {
    %c0_i32 = arith.constant 0 : i32
    %c0_i32_0 = arith.constant 0 : i32
    %c0_i32_1 = arith.constant 0 : i32
    return %c0_i32, %c0_i32_0 : i32, i32
  }
  func.func @transform_3(%arg0: i32) -> (i32, i32, i32) {
    %c0_i32 = arith.constant 0 : i32
    %c0_i32_0 = arith.constant 0 : i32
    %c0_i32_1 = arith.constant 0 : i32
    return %arg0, %c0_i32, %c0_i32_0 : i32, i32, i32
  }
}

module attributes {stable_mosaic.version = 14 : i64} {
  func.func @_dense1_body(%arg0: i32, %arg1: memref<2000x128xf32, #tpu.memory_space<vmem>>, %arg2: memref<8x128x64xf32, #tpu.memory_space<vmem>>, %arg3: memref<8x2000x96xbf16, #tpu.memory_space<vmem>>) attributes {dimension_semantics = [#tpu.dimension_semantics<arbitrary>], iteration_bounds = array<i64: 5>, scalar_prefetch = 0 : i64, scratch_operands = 0 : i64, tpu.core_type = #tpu.core_type<tc>, window_params = [{transform_indices = @transform_0, window_bounds = array<i64: 2000, 128>}, {pipeline_mode = #tpu.pipeline_mode<synchronous>, transform_indices = @transform_1, window_bounds = array<i64: 8, 128, 64>}, {transform_indices = @transform_2, window_bounds = array<i64: 8, 2000, 96>}]} {
    %get3A = arith.constant 0 : index
    %get3A_0 = arith.constant 0 : index
    %get3A_1 = vector.load %arg1[%get3A, %get3A_0] : memref<2000x128xf32, #tpu.memory_space<vmem>>, vector<2000x128xf32>
    %get3A_2 = arith.constant 0 : index
    %get3A_3 = arith.constant 0 : index
    %get3A_4 = arith.constant 0 : index
    %get3A_5 = vector.load %arg2[%get3A_2, %get3A_3, %get3A_4] : memref<8x128x64xf32, #tpu.memory_space<vmem>>, vector<1x128x64xf32>
    %get3A_6 = vector.shape_cast %get3A_5 : vector<1x128x64xf32> to vector<128x64xf32>
    %dot_general3A = arith.constant dense<0.000000e+00> : vector<2000x64xf32>
    %dot_general3A_7 = tpu.matmul %get3A_1, %get3A_6, %dot_general3A {dimension_numbers = #tpu.dot_dimension_numbers<[1], [0], [0], [1], [0, 0, 1, 1], [], []>, transpose_lhs_hint = false} : vector<2000x128xf32>, vector<128x64xf32>, vector<2000x64xf32> -> vector<2000x64xf32>
    %convert_element_type3A = arith.truncf %dot_general3A_7 : vector<2000x64xf32> to vector<2000x64xbf16>
    %swap3A = arith.constant 0 : index
    %swap3A_8 = arith.constant 0 : index
    %swap3A_9 = arith.constant 0 : index
    %swap3A_10 = vector.load %arg3[%swap3A, %swap3A_8, %swap3A_9] : memref<8x2000x96xbf16, #tpu.memory_space<vmem>>, vector<1x2000x64xbf16>
    %swap3A_11 = vector.shape_cast %swap3A_10 : vector<1x2000x64xbf16> to vector<2000x64xbf16>
    %swap3A_12 = vector.shape_cast %convert_element_type3A : vector<2000x64xbf16> to vector<1x2000x64xbf16>
    tpu.vector_store %arg3[%swap3A, %swap3A_8, %swap3A_9], %swap3A_12 {strides = array<i32>} : memref<8x2000x96xbf16, #tpu.memory_space<vmem>>, vector<1x2000x64xbf16>,
    %broadcast_in_dim3A = arith.constant 1.000000e+00 : bf16
    %broadcast_in_dim3A_13 = vector.broadcast %broadcast_in_dim3A : bf16 to vector<2000x1xbf16>
    %swap3A_14 = arith.constant 0 : index
    %swap3A_15 = arith.constant 0 : index
    %swap3A_16 = arith.constant 64 : index
    %swap3A_17 = vector.load %arg3[%swap3A_14, %swap3A_15, %swap3A_16] : memref<8x2000x96xbf16, #tpu.memory_space<vmem>>, vector<1x2000x1xbf16>
    %swap3A_18 = vector.shape_cast %swap3A_17 : vector<1x2000x1xbf16> to vector<2000x1xbf16>
    %swap3A_19 = vector.shape_cast %broadcast_in_dim3A_13 : vector<2000x1xbf16> to vector<1x2000x1xbf16>
    tpu.vector_store %arg3[%swap3A_14, %swap3A_15, %swap3A_16], %swap3A_19 {strides = array<i32>} : memref<8x2000x96xbf16, #tpu.memory_space<vmem>>, vector<1x2000x1xbf16>,
    %broadcast_in_dim3A_20 = arith.constant 0.000000e+00 : bf16
    %broadcast_in_dim3A_21 = vector.broadcast %broadcast_in_dim3A_20 : bf16 to vector<2000x31xbf16>
    %swap3A_22 = arith.constant 0 : index
    %swap3A_23 = arith.constant 0 : index
    %swap3A_24 = arith.constant 65 : index
    %swap3A_25 = vector.load %arg3[%swap3A_22, %swap3A_23, %swap3A_24] : memref<8x2000x96xbf16, #tpu.memory_space<vmem>>, vector<1x2000x31xbf16>
    %swap3A_26 = vector.shape_cast %swap3A_25 : vector<1x2000x31xbf16> to vector<2000x31xbf16>
    %swap3A_27 = vector.shape_cast %broadcast_in_dim3A_21 : vector<2000x31xbf16> to vector<1x2000x31xbf16>
    tpu.vector_store %arg3[%swap3A_22, %swap3A_23, %swap3A_24], %swap3A_27 {strides = array<i32>} : memref<8x2000x96xbf16, #tpu.memory_space<vmem>>, vector<1x2000x31xbf16>,
    %get3A_28 = arith.constant 1 : index
    %get3A_29 = arith.constant 0 : index
    %get3A_30 = arith.constant 0 : index
    %get3A_31 = vector.load %arg2[%get3A_28, %get3A_29, %get3A_30] : memref<8x128x64xf32, #tpu.memory_space<vmem>>, vector<1x128x64xf32>
    %get3A_32 = vector.shape_cast %get3A_31 : vector<1x128x64xf32> to vector<128x64xf32>
    %dot_general3A_33 = arith.constant dense<0.000000e+00> : vector<2000x64xf32>
    %dot_general3A_34 = tpu.matmul %get3A_1, %get3A_32, %dot_general3A_33 {dimension_numbers = #tpu.dot_dimension_numbers<[1], [0], [0], [1], [0, 0, 1, 1], [], []>, transpose_lhs_hint = false} : vector<2000x128xf32>, vector<128x64xf32>, vector<2000x64xf32> -> vector<2000x64xf32>
    %convert_element_type3A_35 = arith.truncf %dot_general3A_34 : vector<2000x64xf32> to vector<2000x64xbf16>
    %swap3A_36 = arith.constant 1 : index
    %swap3A_37 = arith.constant 0 : index
    %swap3A_38 = arith.constant 0 : index
    %swap3A_39 = vector.load %arg3[%swap3A_36, %swap3A_37, %swap3A_38] : memref<8x2000x96xbf16, #tpu.memory_space<vmem>>, vector<1x2000x64xbf16>
    %swap3A_40 = vector.shape_cast %swap3A_39 : vector<1x2000x64xbf16> to vector<2000x64xbf16>
    %swap3A_41 = vector.shape_cast %convert_element_type3A_35 : vector<2000x64xbf16> to vector<1x2000x64xbf16>
    tpu.vector_store %arg3[%swap3A_36, %swap3A_37, %swap3A_38], %swap3A_41 {strides = array<i32>} : memref<8x2000x96xbf16, #tpu.memory_space<vmem>>, vector<1x2000x64xbf16>,
    %broadcast_in_dim3A_42 = arith.constant 1.000000e+00 : bf16
    %broadcast_in_dim3A_43 = vector.broadcast %broadcast_in_dim3A_42 : bf16 to vector<2000x1xbf16>
    %swap3A_44 = arith.constant 1 : index
    %swap3A_45 = arith.constant 0 : index
    %swap3A_46 = arith.constant 64 : index
    %swap3A_47 = vector.load %arg3[%swap3A_44, %swap3A_45, %swap3A_46] : memref<8x2000x96xbf16, #tpu.memory_space<vmem>>, vector<1x2000x1xbf16>
    %swap3A_48 = vector.shape_cast %swap3A_47 : vector<1x2000x1xbf16> to vector<2000x1xbf16>
    %swap3A_49 = vector.shape_cast %broadcast_in_dim3A_43 : vector<2000x1xbf16> to vector<1x2000x1xbf16>
    tpu.vector_store %arg3[%swap3A_44, %swap3A_45, %swap3A_46], %swap3A_49 {strides = array<i32>} : memref<8x2000x96xbf16, #tpu.memory_space<vmem>>, vector<1x2000x1xbf16>,
    %broadcast_in_dim3A_50 = arith.constant 0.000000e+00 : bf16
    %broadcast_in_dim3A_51 = vector.broadcast %broadcast_in_dim3A_50 : bf16 to vector<2000x31xbf16>
    %swap3A_52 = arith.constant 1 : index
    %swap3A_53 = arith.constant 0 : index
    %swap3A_54 = arith.constant 65 : index
    %swap3A_55 = vector.load %arg3[%swap3A_52, %swap3A_53, %swap3A_54] : memref<8x2000x96xbf16, #tpu.memory_space<vmem>>, vector<1x2000x31xbf16>
    %swap3A_56 = vector.shape_cast %swap3A_55 : vector<1x2000x31xbf16> to vector<2000x31xbf16>
    %swap3A_57 = vector.shape_cast %broadcast_in_dim3A_51 : vector<2000x31xbf16> to vector<1x2000x31xbf16>
    tpu.vector_store %arg3[%swap3A_52, %swap3A_53, %swap3A_54], %swap3A_57 {strides = array<i32>} : memref<8x2000x96xbf16, #tpu.memory_space<vmem>>, vector<1x2000x31xbf16>,
    %get3A_58 = arith.constant 2 : index
    %get3A_59 = arith.constant 0 : index
    %get3A_60 = arith.constant 0 : index
    %get3A_61 = vector.load %arg2[%get3A_58, %get3A_59, %get3A_60] : memref<8x128x64xf32, #tpu.memory_space<vmem>>, vector<1x128x64xf32>
    %get3A_62 = vector.shape_cast %get3A_61 : vector<1x128x64xf32> to vector<128x64xf32>
    %dot_general3A_63 = arith.constant dense<0.000000e+00> : vector<2000x64xf32>
    %dot_general3A_64 = tpu.matmul %get3A_1, %get3A_62, %dot_general3A_63 {dimension_numbers = #tpu.dot_dimension_numbers<[1], [0], [0], [1], [0, 0, 1, 1], [], []>, transpose_lhs_hint = false} : vector<2000x128xf32>, vector<128x64xf32>, vector<2000x64xf32> -> vector<2000x64xf32>
    %convert_element_type3A_65 = arith.truncf %dot_general3A_64 : vector<2000x64xf32> to vector<2000x64xbf16>
    %swap3A_66 = arith.constant 2 : index
    %swap3A_67 = arith.constant 0 : index
    %swap3A_68 = arith.constant 0 : index
    %swap3A_69 = vector.load %arg3[%swap3A_66, %swap3A_67, %swap3A_68] : memref<8x2000x96xbf16, #tpu.memory_space<vmem>>, vector<1x2000x64xbf16>
    %swap3A_70 = vector.shape_cast %swap3A_69 : vector<1x2000x64xbf16> to vector<2000x64xbf16>
    %swap3A_71 = vector.shape_cast %convert_element_type3A_65 : vector<2000x64xbf16> to vector<1x2000x64xbf16>
    tpu.vector_store %arg3[%swap3A_66, %swap3A_67, %swap3A_68], %swap3A_71 {strides = array<i32>} : memref<8x2000x96xbf16, #tpu.memory_space<vmem>>, vector<1x2000x64xbf16>,
    %broadcast_in_dim3A_72 = arith.constant 1.000000e+00 : bf16
    %broadcast_in_dim3A_73 = vector.broadcast %broadcast_in_dim3A_72 : bf16 to vector<2000x1xbf16>
    %swap3A_74 = arith.constant 2 : index
    %swap3A_75 = arith.constant 0 : index
    %swap3A_76 = arith.constant 64 : index
    %swap3A_77 = vector.load %arg3[%swap3A_74, %swap3A_75, %swap3A_76] : memref<8x2000x96xbf16, #tpu.memory_space<vmem>>, vector<1x2000x1xbf16>
    %swap3A_78 = vector.shape_cast %swap3A_77 : vector<1x2000x1xbf16> to vector<2000x1xbf16>
    %swap3A_79 = vector.shape_cast %broadcast_in_dim3A_73 : vector<2000x1xbf16> to vector<1x2000x1xbf16>
    tpu.vector_store %arg3[%swap3A_74, %swap3A_75, %swap3A_76], %swap3A_79 {strides = array<i32>} : memref<8x2000x96xbf16, #tpu.memory_space<vmem>>, vector<1x2000x1xbf16>,
    %broadcast_in_dim3A_80 = arith.constant 0.000000e+00 : bf16
    %broadcast_in_dim3A_81 = vector.broadcast %broadcast_in_dim3A_80 : bf16 to vector<2000x31xbf16>
    %swap3A_82 = arith.constant 2 : index
    %swap3A_83 = arith.constant 0 : index
    %swap3A_84 = arith.constant 65 : index
    %swap3A_85 = vector.load %arg3[%swap3A_82, %swap3A_83, %swap3A_84] : memref<8x2000x96xbf16, #tpu.memory_space<vmem>>, vector<1x2000x31xbf16>
    %swap3A_86 = vector.shape_cast %swap3A_85 : vector<1x2000x31xbf16> to vector<2000x31xbf16>
    %swap3A_87 = vector.shape_cast %broadcast_in_dim3A_81 : vector<2000x31xbf16> to vector<1x2000x31xbf16>
    tpu.vector_store %arg3[%swap3A_82, %swap3A_83, %swap3A_84], %swap3A_87 {strides = array<i32>} : memref<8x2000x96xbf16, #tpu.memory_space<vmem>>, vector<1x2000x31xbf16>,
    %get3A_88 = arith.constant 3 : index
    %get3A_89 = arith.constant 0 : index
    %get3A_90 = arith.constant 0 : index
    %get3A_91 = vector.load %arg2[%get3A_88, %get3A_89, %get3A_90] : memref<8x128x64xf32, #tpu.memory_space<vmem>>, vector<1x128x64xf32>
    %get3A_92 = vector.shape_cast %get3A_91 : vector<1x128x64xf32> to vector<128x64xf32>
    %dot_general3A_93 = arith.constant dense<0.000000e+00> : vector<2000x64xf32>
    %dot_general3A_94 = tpu.matmul %get3A_1, %get3A_92, %dot_general3A_93 {dimension_numbers = #tpu.dot_dimension_numbers<[1], [0], [0], [1], [0, 0, 1, 1], [], []>, transpose_lhs_hint = false} : vector<2000x128xf32>, vector<128x64xf32>, vector<2000x64xf32> -> vector<2000x64xf32>
    %convert_element_type3A_95 = arith.truncf %dot_general3A_94 : vector<2000x64xf32> to vector<2000x64xbf16>
    %swap3A_96 = arith.constant 3 : index
    %swap3A_97 = arith.constant 0 : index
    %swap3A_98 = arith.constant 0 : index
    %swap3A_99 = vector.load %arg3[%swap3A_96, %swap3A_97, %swap3A_98] : memref<8x2000x96xbf16, #tpu.memory_space<vmem>>, vector<1x2000x64xbf16>
    %swap3A_100 = vector.shape_cast %swap3A_99 : vector<1x2000x64xbf16> to vector<2000x64xbf16>
    %swap3A_101 = vector.shape_cast %convert_element_type3A_95 : vector<2000x64xbf16> to vector<1x2000x64xbf16>
    tpu.vector_store %arg3[%swap3A_96, %swap3A_97, %swap3A_98], %swap3A_101 {strides = array<i32>} : memref<8x2000x96xbf16, #tpu.memory_space<vmem>>, vector<1x2000x64xbf16>,
    %broadcast_in_dim3A_102 = arith.constant 1.000000e+00 : bf16
    %broadcast_in_dim3A_103 = vector.broadcast %broadcast_in_dim3A_102 : bf16 to vector<2000x1xbf16>
    %swap3A_104 = arith.constant 3 : index
    %swap3A_105 = arith.constant 0 : index
    %swap3A_106 = arith.constant 64 : index
    %swap3A_107 = vector.load %arg3[%swap3A_104, %swap3A_105, %swap3A_106] : memref<8x2000x96xbf16, #tpu.memory_space<vmem>>, vector<1x2000x1xbf16>
    %swap3A_108 = vector.shape_cast %swap3A_107 : vector<1x2000x1xbf16> to vector<2000x1xbf16>
    %swap3A_109 = vector.shape_cast %broadcast_in_dim3A_103 : vector<2000x1xbf16> to vector<1x2000x1xbf16>
    tpu.vector_store %arg3[%swap3A_104, %swap3A_105, %swap3A_106], %swap3A_109 {strides = array<i32>} : memref<8x2000x96xbf16, #tpu.memory_space<vmem>>, vector<1x2000x1xbf16>,
    %broadcast_in_dim3A_110 = arith.constant 0.000000e+00 : bf16
    %broadcast_in_dim3A_111 = vector.broadcast %broadcast_in_dim3A_110 : bf16 to vector<2000x31xbf16>
    %swap3A_112 = arith.constant 3 : index
    %swap3A_113 = arith.constant 0 : index
    %swap3A_114 = arith.constant 65 : index
    %swap3A_115 = vector.load %arg3[%swap3A_112, %swap3A_113, %swap3A_114] : memref<8x2000x96xbf16, #tpu.memory_space<vmem>>, vector<1x2000x31xbf16>
    %swap3A_116 = vector.shape_cast %swap3A_115 : vector<1x2000x31xbf16> to vector<2000x31xbf16>
    %swap3A_117 = vector.shape_cast %broadcast_in_dim3A_111 : vector<2000x31xbf16> to vector<1x2000x31xbf16>
    tpu.vector_store %arg3[%swap3A_112, %swap3A_113, %swap3A_114], %swap3A_117 {strides = array<i32>} : memref<8x2000x96xbf16, #tpu.memory_space<vmem>>, vector<1x2000x31xbf16>,
    %get3A_118 = arith.constant 4 : index
    %get3A_119 = arith.constant 0 : index
    %get3A_120 = arith.constant 0 : index
    %get3A_121 = vector.load %arg2[%get3A_118, %get3A_119, %get3A_120] : memref<8x128x64xf32, #tpu.memory_space<vmem>>, vector<1x128x64xf32>
    %get3A_122 = vector.shape_cast %get3A_121 : vector<1x128x64xf32> to vector<128x64xf32>
    %dot_general3A_123 = arith.constant dense<0.000000e+00> : vector<2000x64xf32>
    %dot_general3A_124 = tpu.matmul %get3A_1, %get3A_122, %dot_general3A_123 {dimension_numbers = #tpu.dot_dimension_numbers<[1], [0], [0], [1], [0, 0, 1, 1], [], []>, transpose_lhs_hint = false} : vector<2000x128xf32>, vector<128x64xf32>, vector<2000x64xf32> -> vector<2000x64xf32>
    %convert_element_type3A_125 = arith.truncf %dot_general3A_124 : vector<2000x64xf32> to vector<2000x64xbf16>
    %swap3A_126 = arith.constant 4 : index
    %swap3A_127 = arith.constant 0 : index
    %swap3A_128 = arith.constant 0 : index
    %swap3A_129 = vector.load %arg3[%swap3A_126, %swap3A_127, %swap3A_128] : memref<8x2000x96xbf16, #tpu.memory_space<vmem>>, vector<1x2000x64xbf16>
    %swap3A_130 = vector.shape_cast %swap3A_129 : vector<1x2000x64xbf16> to vector<2000x64xbf16>
    %swap3A_131 = vector.shape_cast %convert_element_type3A_125 : vector<2000x64xbf16> to vector<1x2000x64xbf16>
    tpu.vector_store %arg3[%swap3A_126, %swap3A_127, %swap3A_128], %swap3A_131 {strides = array<i32>} : memref<8x2000x96xbf16, #tpu.memory_space<vmem>>, vector<1x2000x64xbf16>,
    %broadcast_in_dim3A_132 = arith.constant 1.000000e+00 : bf16
    %broadcast_in_dim3A_133 = vector.broadcast %broadcast_in_dim3A_132 : bf16 to vector<2000x1xbf16>
    %swap3A_134 = arith.constant 4 : index
    %swap3A_135 = arith.constant 0 : index
    %swap3A_136 = arith.constant 64 : index
    %swap3A_137 = vector.load %arg3[%swap3A_134, %swap3A_135, %swap3A_136] : memref<8x2000x96xbf16, #tpu.memory_space<vmem>>, vector<1x2000x1xbf16>
    %swap3A_138 = vector.shape_cast %swap3A_137 : vector<1x2000x1xbf16> to vector<2000x1xbf16>
    %swap3A_139 = vector.shape_cast %broadcast_in_dim3A_133 : vector<2000x1xbf16> to vector<1x2000x1xbf16>
    tpu.vector_store %arg3[%swap3A_134, %swap3A_135, %swap3A_136], %swap3A_139 {strides = array<i32>} : memref<8x2000x96xbf16, #tpu.memory_space<vmem>>, vector<1x2000x1xbf16>,
    %broadcast_in_dim3A_140 = arith.constant 0.000000e+00 : bf16
    %broadcast_in_dim3A_141 = vector.broadcast %broadcast_in_dim3A_140 : bf16 to vector<2000x31xbf16>
    %swap3A_142 = arith.constant 4 : index
    %swap3A_143 = arith.constant 0 : index
    %swap3A_144 = arith.constant 65 : index
    %swap3A_145 = vector.load %arg3[%swap3A_142, %swap3A_143, %swap3A_144] : memref<8x2000x96xbf16, #tpu.memory_space<vmem>>, vector<1x2000x31xbf16>
    %swap3A_146 = vector.shape_cast %swap3A_145 : vector<1x2000x31xbf16> to vector<2000x31xbf16>
    %swap3A_147 = vector.shape_cast %broadcast_in_dim3A_141 : vector<2000x31xbf16> to vector<1x2000x31xbf16>
    tpu.vector_store %arg3[%swap3A_142, %swap3A_143, %swap3A_144], %swap3A_147 {strides = array<i32>} : memref<8x2000x96xbf16, #tpu.memory_space<vmem>>, vector<1x2000x31xbf16>,
    %get3A_148 = arith.constant 5 : index
    %get3A_149 = arith.constant 0 : index
    %get3A_150 = arith.constant 0 : index
    %get3A_151 = vector.load %arg2[%get3A_148, %get3A_149, %get3A_150] : memref<8x128x64xf32, #tpu.memory_space<vmem>>, vector<1x128x64xf32>
    %get3A_152 = vector.shape_cast %get3A_151 : vector<1x128x64xf32> to vector<128x64xf32>
    %dot_general3A_153 = arith.constant dense<0.000000e+00> : vector<2000x64xf32>
    %dot_general3A_154 = tpu.matmul %get3A_1, %get3A_152, %dot_general3A_153 {dimension_numbers = #tpu.dot_dimension_numbers<[1], [0], [0], [1], [0, 0, 1, 1], [], []>, transpose_lhs_hint = false} : vector<2000x128xf32>, vector<128x64xf32>, vector<2000x64xf32> -> vector<2000x64xf32>
    %convert_element_type3A_155 = arith.truncf %dot_general3A_154 : vector<2000x64xf32> to vector<2000x64xbf16>
    %swap3A_156 = arith.constant 5 : index
    %swap3A_157 = arith.constant 0 : index
    %swap3A_158 = arith.constant 0 : index
    %swap3A_159 = vector.load %arg3[%swap3A_156, %swap3A_157, %swap3A_158] : memref<8x2000x96xbf16, #tpu.memory_space<vmem>>, vector<1x2000x64xbf16>
    %swap3A_160 = vector.shape_cast %swap3A_159 : vector<1x2000x64xbf16> to vector<2000x64xbf16>
    %swap3A_161 = vector.shape_cast %convert_element_type3A_155 : vector<2000x64xbf16> to vector<1x2000x64xbf16>
    tpu.vector_store %arg3[%swap3A_156, %swap3A_157, %swap3A_158], %swap3A_161 {strides = array<i32>} : memref<8x2000x96xbf16, #tpu.memory_space<vmem>>, vector<1x2000x64xbf16>,
    %broadcast_in_dim3A_162 = arith.constant 1.000000e+00 : bf16
    %broadcast_in_dim3A_163 = vector.broadcast %broadcast_in_dim3A_162 : bf16 to vector<2000x1xbf16>
    %swap3A_164 = arith.constant 5 : index
    %swap3A_165 = arith.constant 0 : index
    %swap3A_166 = arith.constant 64 : index
    %swap3A_167 = vector.load %arg3[%swap3A_164, %swap3A_165, %swap3A_166] : memref<8x2000x96xbf16, #tpu.memory_space<vmem>>, vector<1x2000x1xbf16>
    %swap3A_168 = vector.shape_cast %swap3A_167 : vector<1x2000x1xbf16> to vector<2000x1xbf16>
    %swap3A_169 = vector.shape_cast %broadcast_in_dim3A_163 : vector<2000x1xbf16> to vector<1x2000x1xbf16>
    tpu.vector_store %arg3[%swap3A_164, %swap3A_165, %swap3A_166], %swap3A_169 {strides = array<i32>} : memref<8x2000x96xbf16, #tpu.memory_space<vmem>>, vector<1x2000x1xbf16>,
    %broadcast_in_dim3A_170 = arith.constant 0.000000e+00 : bf16
    %broadcast_in_dim3A_171 = vector.broadcast %broadcast_in_dim3A_170 : bf16 to vector<2000x31xbf16>
    %swap3A_172 = arith.constant 5 : index
    %swap3A_173 = arith.constant 0 : index
    %swap3A_174 = arith.constant 65 : index
    %swap3A_175 = vector.load %arg3[%swap3A_172, %swap3A_173, %swap3A_174] : memref<8x2000x96xbf16, #tpu.memory_space<vmem>>, vector<1x2000x31xbf16>
    %swap3A_176 = vector.shape_cast %swap3A_175 : vector<1x2000x31xbf16> to vector<2000x31xbf16>
    %swap3A_177 = vector.shape_cast %broadcast_in_dim3A_171 : vector<2000x31xbf16> to vector<1x2000x31xbf16>
    tpu.vector_store %arg3[%swap3A_172, %swap3A_173, %swap3A_174], %swap3A_177 {strides = array<i32>} : memref<8x2000x96xbf16, #tpu.memory_space<vmem>>, vector<1x2000x31xbf16>,
    %get3A_178 = arith.constant 6 : index
    %get3A_179 = arith.constant 0 : index
    %get3A_180 = arith.constant 0 : index
    %get3A_181 = vector.load %arg2[%get3A_178, %get3A_179, %get3A_180] : memref<8x128x64xf32, #tpu.memory_space<vmem>>, vector<1x128x64xf32>
    %get3A_182 = vector.shape_cast %get3A_181 : vector<1x128x64xf32> to vector<128x64xf32>
    %dot_general3A_183 = arith.constant dense<0.000000e+00> : vector<2000x64xf32>
    %dot_general3A_184 = tpu.matmul %get3A_1, %get3A_182, %dot_general3A_183 {dimension_numbers = #tpu.dot_dimension_numbers<[1], [0], [0], [1], [0, 0, 1, 1], [], []>, transpose_lhs_hint = false} : vector<2000x128xf32>, vector<128x64xf32>, vector<2000x64xf32> -> vector<2000x64xf32>
    %convert_element_type3A_185 = arith.truncf %dot_general3A_184 : vector<2000x64xf32> to vector<2000x64xbf16>
    %swap3A_186 = arith.constant 6 : index
    %swap3A_187 = arith.constant 0 : index
    %swap3A_188 = arith.constant 0 : index
    %swap3A_189 = vector.load %arg3[%swap3A_186, %swap3A_187, %swap3A_188] : memref<8x2000x96xbf16, #tpu.memory_space<vmem>>, vector<1x2000x64xbf16>
    %swap3A_190 = vector.shape_cast %swap3A_189 : vector<1x2000x64xbf16> to vector<2000x64xbf16>
    %swap3A_191 = vector.shape_cast %convert_element_type3A_185 : vector<2000x64xbf16> to vector<1x2000x64xbf16>
    tpu.vector_store %arg3[%swap3A_186, %swap3A_187, %swap3A_188], %swap3A_191 {strides = array<i32>} : memref<8x2000x96xbf16, #tpu.memory_space<vmem>>, vector<1x2000x64xbf16>,
    %broadcast_in_dim3A_192 = arith.constant 1.000000e+00 : bf16
    %broadcast_in_dim3A_193 = vector.broadcast %broadcast_in_dim3A_192 : bf16 to vector<2000x1xbf16>
    %swap3A_194 = arith.constant 6 : index
    %swap3A_195 = arith.constant 0 : index
    %swap3A_196 = arith.constant 64 : index
    %swap3A_197 = vector.load %arg3[%swap3A_194, %swap3A_195, %swap3A_196] : memref<8x2000x96xbf16, #tpu.memory_space<vmem>>, vector<1x2000x1xbf16>
    %swap3A_198 = vector.shape_cast %swap3A_197 : vector<1x2000x1xbf16> to vector<2000x1xbf16>
    %swap3A_199 = vector.shape_cast %broadcast_in_dim3A_193 : vector<2000x1xbf16> to vector<1x2000x1xbf16>
    tpu.vector_store %arg3[%swap3A_194, %swap3A_195, %swap3A_196], %swap3A_199 {strides = array<i32>} : memref<8x2000x96xbf16, #tpu.memory_space<vmem>>, vector<1x2000x1xbf16>,
    %broadcast_in_dim3A_200 = arith.constant 0.000000e+00 : bf16
    %broadcast_in_dim3A_201 = vector.broadcast %broadcast_in_dim3A_200 : bf16 to vector<2000x31xbf16>
    %swap3A_202 = arith.constant 6 : index
    %swap3A_203 = arith.constant 0 : index
    %swap3A_204 = arith.constant 65 : index
    %swap3A_205 = vector.load %arg3[%swap3A_202, %swap3A_203, %swap3A_204] : memref<8x2000x96xbf16, #tpu.memory_space<vmem>>, vector<1x2000x31xbf16>
    %swap3A_206 = vector.shape_cast %swap3A_205 : vector<1x2000x31xbf16> to vector<2000x31xbf16>
    %swap3A_207 = vector.shape_cast %broadcast_in_dim3A_201 : vector<2000x31xbf16> to vector<1x2000x31xbf16>
    tpu.vector_store %arg3[%swap3A_202, %swap3A_203, %swap3A_204], %swap3A_207 {strides = array<i32>} : memref<8x2000x96xbf16, #tpu.memory_space<vmem>>, vector<1x2000x31xbf16>,
    %get3A_208 = arith.constant 7 : index
    %get3A_209 = arith.constant 0 : index
    %get3A_210 = arith.constant 0 : index
    %get3A_211 = vector.load %arg2[%get3A_208, %get3A_209, %get3A_210] : memref<8x128x64xf32, #tpu.memory_space<vmem>>, vector<1x128x64xf32>
    %get3A_212 = vector.shape_cast %get3A_211 : vector<1x128x64xf32> to vector<128x64xf32>
    %dot_general3A_213 = arith.constant dense<0.000000e+00> : vector<2000x64xf32>
    %dot_general3A_214 = tpu.matmul %get3A_1, %get3A_212, %dot_general3A_213 {dimension_numbers = #tpu.dot_dimension_numbers<[1], [0], [0], [1], [0, 0, 1, 1], [], []>, transpose_lhs_hint = false} : vector<2000x128xf32>, vector<128x64xf32>, vector<2000x64xf32> -> vector<2000x64xf32>
    %convert_element_type3A_215 = arith.truncf %dot_general3A_214 : vector<2000x64xf32> to vector<2000x64xbf16>
    %swap3A_216 = arith.constant 7 : index
    %swap3A_217 = arith.constant 0 : index
    %swap3A_218 = arith.constant 0 : index
    %swap3A_219 = vector.load %arg3[%swap3A_216, %swap3A_217, %swap3A_218] : memref<8x2000x96xbf16, #tpu.memory_space<vmem>>, vector<1x2000x64xbf16>
    %swap3A_220 = vector.shape_cast %swap3A_219 : vector<1x2000x64xbf16> to vector<2000x64xbf16>
    %swap3A_221 = vector.shape_cast %convert_element_type3A_215 : vector<2000x64xbf16> to vector<1x2000x64xbf16>
    tpu.vector_store %arg3[%swap3A_216, %swap3A_217, %swap3A_218], %swap3A_221 {strides = array<i32>} : memref<8x2000x96xbf16, #tpu.memory_space<vmem>>, vector<1x2000x64xbf16>,
    %broadcast_in_dim3A_222 = arith.constant 1.000000e+00 : bf16
    %broadcast_in_dim3A_223 = vector.broadcast %broadcast_in_dim3A_222 : bf16 to vector<2000x1xbf16>
    %swap3A_224 = arith.constant 7 : index
    %swap3A_225 = arith.constant 0 : index
    %swap3A_226 = arith.constant 64 : index
    %swap3A_227 = vector.load %arg3[%swap3A_224, %swap3A_225, %swap3A_226] : memref<8x2000x96xbf16, #tpu.memory_space<vmem>>, vector<1x2000x1xbf16>
    %swap3A_228 = vector.shape_cast %swap3A_227 : vector<1x2000x1xbf16> to vector<2000x1xbf16>
    %swap3A_229 = vector.shape_cast %broadcast_in_dim3A_223 : vector<2000x1xbf16> to vector<1x2000x1xbf16>
    tpu.vector_store %arg3[%swap3A_224, %swap3A_225, %swap3A_226], %swap3A_229 {strides = array<i32>} : memref<8x2000x96xbf16, #tpu.memory_space<vmem>>, vector<1x2000x1xbf16>,
    %broadcast_in_dim3A_230 = arith.constant 0.000000e+00 : bf16
    %broadcast_in_dim3A_231 = vector.broadcast %broadcast_in_dim3A_230 : bf16 to vector<2000x31xbf16>
    %swap3A_232 = arith.constant 7 : index
    %swap3A_233 = arith.constant 0 : index
    %swap3A_234 = arith.constant 65 : index
    %swap3A_235 = vector.load %arg3[%swap3A_232, %swap3A_233, %swap3A_234] : memref<8x2000x96xbf16, #tpu.memory_space<vmem>>, vector<1x2000x31xbf16>
    %swap3A_236 = vector.shape_cast %swap3A_235 : vector<1x2000x31xbf16> to vector<2000x31xbf16>
    %swap3A_237 = vector.shape_cast %broadcast_in_dim3A_231 : vector<2000x31xbf16> to vector<1x2000x31xbf16>
    tpu.vector_store %arg3[%swap3A_232, %swap3A_233, %swap3A_234], %swap3A_237 {strides = array<i32>} : memref<8x2000x96xbf16, #tpu.memory_space<vmem>>, vector<1x2000x31xbf16>,
    return
  }
  func.func @transform_0(%arg0: i32) -> (i32, i32) {
    %c0_i32 = arith.constant 0 : i32
    %c0_i32_0 = arith.constant 0 : i32
    return %arg0, %c0_i32 : i32, i32
  }
  func.func @transform_1(%arg0: i32) -> (i32, i32, i32) {
    %c0_i32 = arith.constant 0 : i32
    %c0_i32_0 = arith.constant 0 : i32
    %c0_i32_1 = arith.constant 0 : i32
    %c0_i32_2 = arith.constant 0 : i32
    return %c0_i32, %c0_i32_0, %c0_i32_1 : i32, i32, i32
  }
  func.func @transform_2(%arg0: i32) -> (i32, i32, i32) {
    %c0_i32 = arith.constant 0 : i32
    %c0_i32_0 = arith.constant 0 : i32
    %c0_i32_1 = arith.constant 0 : i32
    return %c0_i32, %arg0, %c0_i32_0 : i32, i32, i32
  }
}

module attributes {stable_mosaic.version = 14 : i64} {
  func.func @_dense2_body(%arg0: i32, %arg1: memref<8x1000x96xbf16, #tpu.memory_space<vmem>>, %arg2: memref<512x40xf32, #tpu.memory_space<vmem>>, %arg3: memref<1x80xf32, #tpu.memory_space<vmem>>, %arg4: memref<1000x48xf32, #tpu.memory_space<vmem>>, %arg5: memref<1x2x1000xf32, #tpu.memory_space<vmem>>) attributes {dimension_semantics = [#tpu.dimension_semantics<arbitrary>], iteration_bounds = array<i64: 10>, scalar_prefetch = 0 : i64, scratch_operands = 0 : i64, tpu.core_type = #tpu.core_type<tc>, window_params = [{transform_indices = @transform_0, window_bounds = array<i64: 8, 1000, 96>}, {pipeline_mode = #tpu.pipeline_mode<synchronous>, transform_indices = @transform_1, window_bounds = array<i64: 512, 40>}, {pipeline_mode = #tpu.pipeline_mode<synchronous>, transform_indices = @transform_2, window_bounds = array<i64: 1, 80>}, {transform_indices = @transform_3, window_bounds = array<i64: 1000, 48>}, {transform_indices = @transform_4, window_bounds = array<i64: 1, 2, 1000>}]} {
    %get3A = arith.constant 0 : index
    %get3A_0 = arith.constant 0 : index
    %get3A_1 = arith.constant 0 : index
    %get3A_2 = vector.load %arg1[%get3A, %get3A_0, %get3A_1] : memref<8x1000x96xbf16, #tpu.memory_space<vmem>>, vector<1x1000x64xbf16>
    %get3A_3 = vector.shape_cast %get3A_2 : vector<1x1000x64xbf16> to vector<1000x64xbf16>
    %convert_element_type3A = arith.extf %get3A_3 : vector<1000x64xbf16> to vector<1000x64xf32>
    %get3A_4 = arith.constant 0 : index
    %get3A_5 = arith.constant 0 : index
    %get3A_6 = arith.constant 64 : index
    %get3A_7 = vector.load %arg1[%get3A_4, %get3A_5, %get3A_6] : memref<8x1000x96xbf16, #tpu.memory_space<vmem>>, vector<1x1000x1xbf16>
    %get3A_8 = vector.shape_cast %get3A_7 : vector<1x1000x1xbf16> to vector<1000x1xbf16>
    %convert_element_type3A_9 = arith.extf %get3A_8 : vector<1000x1xbf16> to vector<1000x1xf32>
    %add3A = arith.constant 1.000000e-16 : f32
    %add3A_10 = vector.broadcast %add3A : f32 to vector<1000x1xf32>
    %add3A_11 = arith.addf %convert_element_type3A_9, %add3A_10 : vector<1000x1xf32>
    %div3A = vector.broadcast %add3A_11 : vector<1000x1xf32> to vector<1000x64xf32>
    %div3A_12 = arith.divf %convert_element_type3A, %div3A : vector<1000x64xf32>
    %gt3A = arith.constant 0.000000e+00 : f32
    %gt3A_13 = vector.broadcast %gt3A : f32 to vector<1000x64xf32>
    %gt3A_14 = arith.cmpf ogt, %div3A_12, %gt3A_13 : vector<1000x64xf32>
    %min3A = arith.constant 0.000000e+00 : f32
    %min3A_15 = vector.broadcast %min3A : f32 to vector<1000x64xf32>
    %min3A_16 = arith.minimumf %div3A_12, %min3A_15 : vector<1000x64xf32>
    %exp3A = math.exp %min3A_16 : vector<1000x64xf32>
    %sub3A = arith.constant 1.000000e+00 : f32
    %sub3A_17 = vector.broadcast %sub3A : f32 to vector<1000x64xf32>
    %sub3A_18 = arith.subf %exp3A, %sub3A_17 : vector<1000x64xf32>
    %select_n3A = arith.select %gt3A_14, %div3A_12, %sub3A_18 : vector<1000x64xi1>, vector<1000x64xf32>
    %get3A_19 = arith.constant 1 : index
    %get3A_20 = arith.constant 0 : index
    %get3A_21 = arith.constant 0 : index
    %get3A_22 = vector.load %arg1[%get3A_19, %get3A_20, %get3A_21] : memref<8x1000x96xbf16, #tpu.memory_space<vmem>>, vector<1x1000x64xbf16>
    %get3A_23 = vector.shape_cast %get3A_22 : vector<1x1000x64xbf16> to vector<1000x64xbf16>
    %convert_element_type3A_24 = arith.extf %get3A_23 : vector<1000x64xbf16> to vector<1000x64xf32>
    %get3A_25 = arith.constant 1 : index
    %get3A_26 = arith.constant 0 : index
    %get3A_27 = arith.constant 64 : index
    %get3A_28 = vector.load %arg1[%get3A_25, %get3A_26, %get3A_27] : memref<8x1000x96xbf16, #tpu.memory_space<vmem>>, vector<1x1000x1xbf16>
    %get3A_29 = vector.shape_cast %get3A_28 : vector<1x1000x1xbf16> to vector<1000x1xbf16>
    %convert_element_type3A_30 = arith.extf %get3A_29 : vector<1000x1xbf16> to vector<1000x1xf32>
    %add3A_31 = arith.constant 1.000000e-16 : f32
    %add3A_32 = vector.broadcast %add3A_31 : f32 to vector<1000x1xf32>
    %add3A_33 = arith.addf %convert_element_type3A_30, %add3A_32 : vector<1000x1xf32>
    %div3A_34 = vector.broadcast %add3A_33 : vector<1000x1xf32> to vector<1000x64xf32>
    %div3A_35 = arith.divf %convert_element_type3A_24, %div3A_34 : vector<1000x64xf32>
    %gt3A_36 = arith.constant 0.000000e+00 : f32
    %gt3A_37 = vector.broadcast %gt3A_36 : f32 to vector<1000x64xf32>
    %gt3A_38 = arith.cmpf ogt, %div3A_35, %gt3A_37 : vector<1000x64xf32>
    %min3A_39 = arith.constant 0.000000e+00 : f32
    %min3A_40 = vector.broadcast %min3A_39 : f32 to vector<1000x64xf32>
    %min3A_41 = arith.minimumf %div3A_35, %min3A_40 : vector<1000x64xf32>
    %exp3A_42 = math.exp %min3A_41 : vector<1000x64xf32>
    %sub3A_43 = arith.constant 1.000000e+00 : f32
    %sub3A_44 = vector.broadcast %sub3A_43 : f32 to vector<1000x64xf32>
    %sub3A_45 = arith.subf %exp3A_42, %sub3A_44 : vector<1000x64xf32>
    %select_n3A_46 = arith.select %gt3A_38, %div3A_35, %sub3A_45 : vector<1000x64xi1>, vector<1000x64xf32>
    %get3A_47 = arith.constant 2 : index
    %get3A_48 = arith.constant 0 : index
    %get3A_49 = arith.constant 0 : index
    %get3A_50 = vector.load %arg1[%get3A_47, %get3A_48, %get3A_49] : memref<8x1000x96xbf16, #tpu.memory_space<vmem>>, vector<1x1000x64xbf16>
    %get3A_51 = vector.shape_cast %get3A_50 : vector<1x1000x64xbf16> to vector<1000x64xbf16>
    %convert_element_type3A_52 = arith.extf %get3A_51 : vector<1000x64xbf16> to vector<1000x64xf32>
    %get3A_53 = arith.constant 2 : index
    %get3A_54 = arith.constant 0 : index
    %get3A_55 = arith.constant 64 : index
    %get3A_56 = vector.load %arg1[%get3A_53, %get3A_54, %get3A_55] : memref<8x1000x96xbf16, #tpu.memory_space<vmem>>, vector<1x1000x1xbf16>
    %get3A_57 = vector.shape_cast %get3A_56 : vector<1x1000x1xbf16> to vector<1000x1xbf16>
    %convert_element_type3A_58 = arith.extf %get3A_57 : vector<1000x1xbf16> to vector<1000x1xf32>
    %add3A_59 = arith.constant 1.000000e-16 : f32
    %add3A_60 = vector.broadcast %add3A_59 : f32 to vector<1000x1xf32>
    %add3A_61 = arith.addf %convert_element_type3A_58, %add3A_60 : vector<1000x1xf32>
    %div3A_62 = vector.broadcast %add3A_61 : vector<1000x1xf32> to vector<1000x64xf32>
    %div3A_63 = arith.divf %convert_element_type3A_52, %div3A_62 : vector<1000x64xf32>
    %gt3A_64 = arith.constant 0.000000e+00 : f32
    %gt3A_65 = vector.broadcast %gt3A_64 : f32 to vector<1000x64xf32>
    %gt3A_66 = arith.cmpf ogt, %div3A_63, %gt3A_65 : vector<1000x64xf32>
    %min3A_67 = arith.constant 0.000000e+00 : f32
    %min3A_68 = vector.broadcast %min3A_67 : f32 to vector<1000x64xf32>
    %min3A_69 = arith.minimumf %div3A_63, %min3A_68 : vector<1000x64xf32>
    %exp3A_70 = math.exp %min3A_69 : vector<1000x64xf32>
    %sub3A_71 = arith.constant 1.000000e+00 : f32
    %sub3A_72 = vector.broadcast %sub3A_71 : f32 to vector<1000x64xf32>
    %sub3A_73 = arith.subf %exp3A_70, %sub3A_72 : vector<1000x64xf32>
    %select_n3A_74 = arith.select %gt3A_66, %div3A_63, %sub3A_73 : vector<1000x64xi1>, vector<1000x64xf32>
    %get3A_75 = arith.constant 3 : index
    %get3A_76 = arith.constant 0 : index
    %get3A_77 = arith.constant 0 : index
    %get3A_78 = vector.load %arg1[%get3A_75, %get3A_76, %get3A_77] : memref<8x1000x96xbf16, #tpu.memory_space<vmem>>, vector<1x1000x64xbf16>
    %get3A_79 = vector.shape_cast %get3A_78 : vector<1x1000x64xbf16> to vector<1000x64xbf16>
    %convert_element_type3A_80 = arith.extf %get3A_79 : vector<1000x64xbf16> to vector<1000x64xf32>
    %get3A_81 = arith.constant 3 : index
    %get3A_82 = arith.constant 0 : index
    %get3A_83 = arith.constant 64 : index
    %get3A_84 = vector.load %arg1[%get3A_81, %get3A_82, %get3A_83] : memref<8x1000x96xbf16, #tpu.memory_space<vmem>>, vector<1x1000x1xbf16>
    %get3A_85 = vector.shape_cast %get3A_84 : vector<1x1000x1xbf16> to vector<1000x1xbf16>
    %convert_element_type3A_86 = arith.extf %get3A_85 : vector<1000x1xbf16> to vector<1000x1xf32>
    %add3A_87 = arith.constant 1.000000e-16 : f32
    %add3A_88 = vector.broadcast %add3A_87 : f32 to vector<1000x1xf32>
    %add3A_89 = arith.addf %convert_element_type3A_86, %add3A_88 : vector<1000x1xf32>
    %div3A_90 = vector.broadcast %add3A_89 : vector<1000x1xf32> to vector<1000x64xf32>
    %div3A_91 = arith.divf %convert_element_type3A_80, %div3A_90 : vector<1000x64xf32>
    %gt3A_92 = arith.constant 0.000000e+00 : f32
    %gt3A_93 = vector.broadcast %gt3A_92 : f32 to vector<1000x64xf32>
    %gt3A_94 = arith.cmpf ogt, %div3A_91, %gt3A_93 : vector<1000x64xf32>
    %min3A_95 = arith.constant 0.000000e+00 : f32
    %min3A_96 = vector.broadcast %min3A_95 : f32 to vector<1000x64xf32>
    %min3A_97 = arith.minimumf %div3A_91, %min3A_96 : vector<1000x64xf32>
    %exp3A_98 = math.exp %min3A_97 : vector<1000x64xf32>
    %sub3A_99 = arith.constant 1.000000e+00 : f32
    %sub3A_100 = vector.broadcast %sub3A_99 : f32 to vector<1000x64xf32>
    %sub3A_101 = arith.subf %exp3A_98, %sub3A_100 : vector<1000x64xf32>
    %select_n3A_102 = arith.select %gt3A_94, %div3A_91, %sub3A_101 : vector<1000x64xi1>, vector<1000x64xf32>
    %get3A_103 = arith.constant 4 : index
    %get3A_104 = arith.constant 0 : index
    %get3A_105 = arith.constant 0 : index
    %get3A_106 = vector.load %arg1[%get3A_103, %get3A_104, %get3A_105] : memref<8x1000x96xbf16, #tpu.memory_space<vmem>>, vector<1x1000x64xbf16>
    %get3A_107 = vector.shape_cast %get3A_106 : vector<1x1000x64xbf16> to vector<1000x64xbf16>
    %convert_element_type3A_108 = arith.extf %get3A_107 : vector<1000x64xbf16> to vector<1000x64xf32>
    %get3A_109 = arith.constant 4 : index
    %get3A_110 = arith.constant 0 : index
    %get3A_111 = arith.constant 64 : index
    %get3A_112 = vector.load %arg1[%get3A_109, %get3A_110, %get3A_111] : memref<8x1000x96xbf16, #tpu.memory_space<vmem>>, vector<1x1000x1xbf16>
    %get3A_113 = vector.shape_cast %get3A_112 : vector<1x1000x1xbf16> to vector<1000x1xbf16>
    %convert_element_type3A_114 = arith.extf %get3A_113 : vector<1000x1xbf16> to vector<1000x1xf32>
    %add3A_115 = arith.constant 1.000000e-16 : f32
    %add3A_116 = vector.broadcast %add3A_115 : f32 to vector<1000x1xf32>
    %add3A_117 = arith.addf %convert_element_type3A_114, %add3A_116 : vector<1000x1xf32>
    %div3A_118 = vector.broadcast %add3A_117 : vector<1000x1xf32> to vector<1000x64xf32>
    %div3A_119 = arith.divf %convert_element_type3A_108, %div3A_118 : vector<1000x64xf32>
    %gt3A_120 = arith.constant 0.000000e+00 : f32
    %gt3A_121 = vector.broadcast %gt3A_120 : f32 to vector<1000x64xf32>
    %gt3A_122 = arith.cmpf ogt, %div3A_119, %gt3A_121 : vector<1000x64xf32>
    %min3A_123 = arith.constant 0.000000e+00 : f32
    %min3A_124 = vector.broadcast %min3A_123 : f32 to vector<1000x64xf32>
    %min3A_125 = arith.minimumf %div3A_119, %min3A_124 : vector<1000x64xf32>
    %exp3A_126 = math.exp %min3A_125 : vector<1000x64xf32>
    %sub3A_127 = arith.constant 1.000000e+00 : f32
    %sub3A_128 = vector.broadcast %sub3A_127 : f32 to vector<1000x64xf32>
    %sub3A_129 = arith.subf %exp3A_126, %sub3A_128 : vector<1000x64xf32>
    %select_n3A_130 = arith.select %gt3A_122, %div3A_119, %sub3A_129 : vector<1000x64xi1>, vector<1000x64xf32>
    %get3A_131 = arith.constant 5 : index
    %get3A_132 = arith.constant 0 : index
    %get3A_133 = arith.constant 0 : index
    %get3A_134 = vector.load %arg1[%get3A_131, %get3A_132, %get3A_133] : memref<8x1000x96xbf16, #tpu.memory_space<vmem>>, vector<1x1000x64xbf16>
    %get3A_135 = vector.shape_cast %get3A_134 : vector<1x1000x64xbf16> to vector<1000x64xbf16>
    %convert_element_type3A_136 = arith.extf %get3A_135 : vector<1000x64xbf16> to vector<1000x64xf32>
    %get3A_137 = arith.constant 5 : index
    %get3A_138 = arith.constant 0 : index
    %get3A_139 = arith.constant 64 : index
    %get3A_140 = vector.load %arg1[%get3A_137, %get3A_138, %get3A_139] : memref<8x1000x96xbf16, #tpu.memory_space<vmem>>, vector<1x1000x1xbf16>
    %get3A_141 = vector.shape_cast %get3A_140 : vector<1x1000x1xbf16> to vector<1000x1xbf16>
    %convert_element_type3A_142 = arith.extf %get3A_141 : vector<1000x1xbf16> to vector<1000x1xf32>
    %add3A_143 = arith.constant 1.000000e-16 : f32
    %add3A_144 = vector.broadcast %add3A_143 : f32 to vector<1000x1xf32>
    %add3A_145 = arith.addf %convert_element_type3A_142, %add3A_144 : vector<1000x1xf32>
    %div3A_146 = vector.broadcast %add3A_145 : vector<1000x1xf32> to vector<1000x64xf32>
    %div3A_147 = arith.divf %convert_element_type3A_136, %div3A_146 : vector<1000x64xf32>
    %gt3A_148 = arith.constant 0.000000e+00 : f32
    %gt3A_149 = vector.broadcast %gt3A_148 : f32 to vector<1000x64xf32>
    %gt3A_150 = arith.cmpf ogt, %div3A_147, %gt3A_149 : vector<1000x64xf32>
    %min3A_151 = arith.constant 0.000000e+00 : f32
    %min3A_152 = vector.broadcast %min3A_151 : f32 to vector<1000x64xf32>
    %min3A_153 = arith.minimumf %div3A_147, %min3A_152 : vector<1000x64xf32>
    %exp3A_154 = math.exp %min3A_153 : vector<1000x64xf32>
    %sub3A_155 = arith.constant 1.000000e+00 : f32
    %sub3A_156 = vector.broadcast %sub3A_155 : f32 to vector<1000x64xf32>
    %sub3A_157 = arith.subf %exp3A_154, %sub3A_156 : vector<1000x64xf32>
    %select_n3A_158 = arith.select %gt3A_150, %div3A_147, %sub3A_157 : vector<1000x64xi1>, vector<1000x64xf32>
    %get3A_159 = arith.constant 6 : index
    %get3A_160 = arith.constant 0 : index
    %get3A_161 = arith.constant 0 : index
    %get3A_162 = vector.load %arg1[%get3A_159, %get3A_160, %get3A_161] : memref<8x1000x96xbf16, #tpu.memory_space<vmem>>, vector<1x1000x64xbf16>
    %get3A_163 = vector.shape_cast %get3A_162 : vector<1x1000x64xbf16> to vector<1000x64xbf16>
    %convert_element_type3A_164 = arith.extf %get3A_163 : vector<1000x64xbf16> to vector<1000x64xf32>
    %get3A_165 = arith.constant 6 : index
    %get3A_166 = arith.constant 0 : index
    %get3A_167 = arith.constant 64 : index
    %get3A_168 = vector.load %arg1[%get3A_165, %get3A_166, %get3A_167] : memref<8x1000x96xbf16, #tpu.memory_space<vmem>>, vector<1x1000x1xbf16>
    %get3A_169 = vector.shape_cast %get3A_168 : vector<1x1000x1xbf16> to vector<1000x1xbf16>
    %convert_element_type3A_170 = arith.extf %get3A_169 : vector<1000x1xbf16> to vector<1000x1xf32>
    %add3A_171 = arith.constant 1.000000e-16 : f32
    %add3A_172 = vector.broadcast %add3A_171 : f32 to vector<1000x1xf32>
    %add3A_173 = arith.addf %convert_element_type3A_170, %add3A_172 : vector<1000x1xf32>
    %div3A_174 = vector.broadcast %add3A_173 : vector<1000x1xf32> to vector<1000x64xf32>
    %div3A_175 = arith.divf %convert_element_type3A_164, %div3A_174 : vector<1000x64xf32>
    %gt3A_176 = arith.constant 0.000000e+00 : f32
    %gt3A_177 = vector.broadcast %gt3A_176 : f32 to vector<1000x64xf32>
    %gt3A_178 = arith.cmpf ogt, %div3A_175, %gt3A_177 : vector<1000x64xf32>
    %min3A_179 = arith.constant 0.000000e+00 : f32
    %min3A_180 = vector.broadcast %min3A_179 : f32 to vector<1000x64xf32>
    %min3A_181 = arith.minimumf %div3A_175, %min3A_180 : vector<1000x64xf32>
    %exp3A_182 = math.exp %min3A_181 : vector<1000x64xf32>
    %sub3A_183 = arith.constant 1.000000e+00 : f32
    %sub3A_184 = vector.broadcast %sub3A_183 : f32 to vector<1000x64xf32>
    %sub3A_185 = arith.subf %exp3A_182, %sub3A_184 : vector<1000x64xf32>
    %select_n3A_186 = arith.select %gt3A_178, %div3A_175, %sub3A_185 : vector<1000x64xi1>, vector<1000x64xf32>
    %get3A_187 = arith.constant 7 : index
    %get3A_188 = arith.constant 0 : index
    %get3A_189 = arith.constant 0 : index
    %get3A_190 = vector.load %arg1[%get3A_187, %get3A_188, %get3A_189] : memref<8x1000x96xbf16, #tpu.memory_space<vmem>>, vector<1x1000x64xbf16>
    %get3A_191 = vector.shape_cast %get3A_190 : vector<1x1000x64xbf16> to vector<1000x64xbf16>
    %convert_element_type3A_192 = arith.extf %get3A_191 : vector<1000x64xbf16> to vector<1000x64xf32>
    %get3A_193 = arith.constant 7 : index
    %get3A_194 = arith.constant 0 : index
    %get3A_195 = arith.constant 64 : index
    %get3A_196 = vector.load %arg1[%get3A_193, %get3A_194, %get3A_195] : memref<8x1000x96xbf16, #tpu.memory_space<vmem>>, vector<1x1000x1xbf16>
    %get3A_197 = vector.shape_cast %get3A_196 : vector<1x1000x1xbf16> to vector<1000x1xbf16>
    %convert_element_type3A_198 = arith.extf %get3A_197 : vector<1000x1xbf16> to vector<1000x1xf32>
    %add3A_199 = arith.constant 1.000000e-16 : f32
    %add3A_200 = vector.broadcast %add3A_199 : f32 to vector<1000x1xf32>
    %add3A_201 = arith.addf %convert_element_type3A_198, %add3A_200 : vector<1000x1xf32>
    %div3A_202 = vector.broadcast %add3A_201 : vector<1000x1xf32> to vector<1000x64xf32>
    %div3A_203 = arith.divf %convert_element_type3A_192, %div3A_202 : vector<1000x64xf32>
    %gt3A_204 = arith.constant 0.000000e+00 : f32
    %gt3A_205 = vector.broadcast %gt3A_204 : f32 to vector<1000x64xf32>
    %gt3A_206 = arith.cmpf ogt, %div3A_203, %gt3A_205 : vector<1000x64xf32>
    %min3A_207 = arith.constant 0.000000e+00 : f32
    %min3A_208 = vector.broadcast %min3A_207 : f32 to vector<1000x64xf32>
    %min3A_209 = arith.minimumf %div3A_203, %min3A_208 : vector<1000x64xf32>
    %exp3A_210 = math.exp %min3A_209 : vector<1000x64xf32>
    %sub3A_211 = arith.constant 1.000000e+00 : f32
    %sub3A_212 = vector.broadcast %sub3A_211 : f32 to vector<1000x64xf32>
    %sub3A_213 = arith.subf %exp3A_210, %sub3A_212 : vector<1000x64xf32>
    %select_n3A_214 = arith.select %gt3A_206, %div3A_203, %sub3A_213 : vector<1000x64xi1>, vector<1000x64xf32>
    %concatenate3A = tpu.concatenate %select_n3A, %select_n3A_46, %select_n3A_74, %select_n3A_102, %select_n3A_130, %select_n3A_158, %select_n3A_186, %select_n3A_214 in 1 : vector<1000x64xf32>, vector<1000x64xf32>, vector<1000x64xf32>, vector<1000x64xf32>, vector<1000x64xf32>, vector<1000x64xf32>, vector<1000x64xf32>, vector<1000x64xf32> -> vector<1000x512xf32>
    %get3A_215 = arith.constant 0 : index
    %get3A_216 = arith.constant 0 : index
    %get3A_217 = vector.load %arg2[%get3A_215, %get3A_216] : memref<512x40xf32, #tpu.memory_space<vmem>>, vector<512x40xf32>
    %dot_general3A = arith.constant dense<0.000000e+00> : vector<1000x40xf32>
    %dot_general3A_218 = tpu.matmul %concatenate3A, %get3A_217, %dot_general3A {dimension_numbers = #tpu.dot_dimension_numbers<[1], [0], [0], [1], [0, 0, 1, 1], [], []>, transpose_lhs_hint = false} : vector<1000x512xf32>, vector<512x40xf32>, vector<1000x40xf32> -> vector<1000x40xf32>
    %swap3A = arith.constant 0 : index
    %swap3A_219 = arith.constant 0 : index
    %swap3A_220 = vector.load %arg4[%swap3A, %swap3A_219] : memref<1000x48xf32, #tpu.memory_space<vmem>>, vector<1000x40xf32>
    tpu.vector_store %arg4[%swap3A, %swap3A_219], %dot_general3A_218 {strides = array<i32>} : memref<1000x48xf32, #tpu.memory_space<vmem>>, vector<1000x40xf32>,
    %broadcast_in_dim3A = arith.constant 1.000000e+00 : f32
    %broadcast_in_dim3A_221 = vector.broadcast %broadcast_in_dim3A : f32 to vector<1000x1xf32>
    %swap3A_222 = arith.constant 0 : index
    %swap3A_223 = arith.constant 40 : index
    %swap3A_224 = vector.load %arg4[%swap3A_222, %swap3A_223] : memref<1000x48xf32, #tpu.memory_space<vmem>>, vector<1000x1xf32>
    tpu.vector_store %arg4[%swap3A_222, %swap3A_223], %broadcast_in_dim3A_221 {strides = array<i32>} : memref<1000x48xf32, #tpu.memory_space<vmem>>, vector<1000x1xf32>,
    %broadcast_in_dim3A_225 = arith.constant 0.000000e+00 : f32
    %broadcast_in_dim3A_226 = vector.broadcast %broadcast_in_dim3A_225 : f32 to vector<1000x7xf32>
    %swap3A_227 = arith.constant 0 : index
    %swap3A_228 = arith.constant 41 : index
    %swap3A_229 = vector.load %arg4[%swap3A_227, %swap3A_228] : memref<1000x48xf32, #tpu.memory_space<vmem>>, vector<1000x7xf32>
    tpu.vector_store %arg4[%swap3A_227, %swap3A_228], %broadcast_in_dim3A_226 {strides = array<i32>} : memref<1000x48xf32, #tpu.memory_space<vmem>>, vector<1000x7xf32>,
    %get3A_230 = arith.constant 0 : index
    %get3A_231 = arith.constant 0 : index
    %get3A_232 = vector.load %arg3[%get3A_230, %get3A_231] : memref<1x80xf32, #tpu.memory_space<vmem>>, vector<1x40xf32>
    %get3A_233 = vector.shape_cast %get3A_232 : vector<1x40xf32> to vector<40xf32>
    %dot_general3A_234 = arith.constant dense<0.000000e+00> : vector<1000xf32>
    %dot_general3A_235 = tpu.matmul %dot_general3A_218, %get3A_233, %dot_general3A_234 {dimension_numbers = #tpu.dot_dimension_numbers<[1], [0], [0], [], [0, 0], [], []>, transpose_lhs_hint = false} : vector<1000x40xf32>, vector<40xf32>, vector<1000xf32> -> vector<1000xf32>
    %swap3A_236 = arith.constant 0 : index
    %swap3A_237 = arith.constant 0 : index
    %swap3A_238 = arith.constant 0 : index
    %swap3A_239 = vector.load %arg5[%swap3A_236, %swap3A_237, %swap3A_238] : memref<1x2x1000xf32, #tpu.memory_space<vmem>>, vector<1x1x1000xf32>
    %swap3A_240 = vector.shape_cast %swap3A_239 : vector<1x1x1000xf32> to vector<1000xf32>
    %swap3A_241 = vector.shape_cast %dot_general3A_235 : vector<1000xf32> to vector<1x1x1000xf32>
    tpu.vector_store %arg5[%swap3A_236, %swap3A_237, %swap3A_238], %swap3A_241 {strides = array<i32>} : memref<1x2x1000xf32, #tpu.memory_space<vmem>>, vector<1x1x1000xf32>,
    %get3A_242 = arith.constant 0 : index
    %get3A_243 = arith.constant 40 : index
    %get3A_244 = vector.load %arg3[%get3A_242, %get3A_243] : memref<1x80xf32, #tpu.memory_space<vmem>>, vector<1x40xf32>
    %get3A_245 = vector.shape_cast %get3A_244 : vector<1x40xf32> to vector<40xf32>
    %dot_general3A_246 = arith.constant dense<0.000000e+00> : vector<1000xf32>
    %dot_general3A_247 = tpu.matmul %dot_general3A_218, %get3A_245, %dot_general3A_246 {dimension_numbers = #tpu.dot_dimension_numbers<[1], [0], [0], [], [0, 0], [], []>, transpose_lhs_hint = false} : vector<1000x40xf32>, vector<40xf32>, vector<1000xf32> -> vector<1000xf32>
    %swap3A_248 = arith.constant 0 : index
    %swap3A_249 = arith.constant 1 : index
    %swap3A_250 = arith.constant 0 : index
    %swap3A_251 = vector.load %arg5[%swap3A_248, %swap3A_249, %swap3A_250] : memref<1x2x1000xf32, #tpu.memory_space<vmem>>, vector<1x1x1000xf32>
    %swap3A_252 = vector.shape_cast %swap3A_251 : vector<1x1x1000xf32> to vector<1000xf32>
    %swap3A_253 = vector.shape_cast %dot_general3A_247 : vector<1000xf32> to vector<1x1x1000xf32>
    tpu.vector_store %arg5[%swap3A_248, %swap3A_249, %swap3A_250], %swap3A_253 {strides = array<i32>} : memref<1x2x1000xf32, #tpu.memory_space<vmem>>, vector<1x1x1000xf32>,
    return
  }
  func.func @transform_0(%arg0: i32) -> (i32, i32, i32) {
    %c0_i32 = arith.constant 0 : i32
    %c0_i32_0 = arith.constant 0 : i32
    %c0_i32_1 = arith.constant 0 : i32
    return %c0_i32, %arg0, %c0_i32_0 : i32, i32, i32
  }
  func.func @transform_1(%arg0: i32) -> (i32, i32) {
    %c0_i32 = arith.constant 0 : i32
    %c0_i32_0 = arith.constant 0 : i32
    %c0_i32_1 = arith.constant 0 : i32
    return %c0_i32, %c0_i32_0 : i32, i32
  }
  func.func @transform_2(%arg0: i32) -> (i32, i32) {
    %c0_i32 = arith.constant 0 : i32
    %c0_i32_0 = arith.constant 0 : i32
    %c0_i32_1 = arith.constant 0 : i32
    return %c0_i32, %c0_i32_0 : i32, i32
  }
  func.func @transform_3(%arg0: i32) -> (i32, i32) {
    %c0_i32 = arith.constant 0 : i32
    %c0_i32_0 = arith.constant 0 : i32
    return %arg0, %c0_i32 : i32, i32
  }
  func.func @transform_4(%arg0: i32) -> (i32, i32, i32) {
    %c0_i32 = arith.constant 0 : i32
    %c0_i32_0 = arith.constant 0 : i32
    %c0_i32_1 = arith.constant 0 : i32
    return %arg0, %c0_i32, %c0_i32_0 : i32, i32, i32
  }
}

module attributes {stable_mosaic.version = 14 : i64} {
  func.func @_final_body(%arg0: i32, %arg1: memref<1000x48xf32, #tpu.memory_space<vmem>>, %arg2: memref<1000x48xf32, #tpu.memory_space<vmem>>, %arg3: memref<1000x40xf32, #tpu.memory_space<vmem>>) attributes {dimension_semantics = [#tpu.dimension_semantics<arbitrary>], iteration_bounds = array<i64: 10>, scalar_prefetch = 0 : i64, scratch_operands = 0 : i64, tpu.core_type = #tpu.core_type<tc>, window_params = [{transform_indices = @transform_0, window_bounds = array<i64: 1000, 48>}, {transform_indices = @transform_1, window_bounds = array<i64: 1000, 48>}, {transform_indices = @transform_2, window_bounds = array<i64: 1000, 40>}]} {
    %get3A = arith.constant 0 : index
    %get3A_0 = arith.constant 0 : index
    %get3A_1 = vector.load %arg1[%get3A, %get3A_0] : memref<1000x48xf32, #tpu.memory_space<vmem>>, vector<1000x48xf32>
    %get3A_2 = arith.constant 0 : index
    %get3A_3 = arith.constant 0 : index
    %get3A_4 = vector.load %arg2[%get3A_2, %get3A_3] : memref<1000x48xf32, #tpu.memory_space<vmem>>, vector<1000x48xf32>
    %add3A = arith.addf %get3A_1, %get3A_4 : vector<1000x48xf32>
    %slice3A = vector.extract_strided_slice %add3A {offsets = [0, 0], sizes = [1000, 40], strides = [1, 1]} : vector<1000x48xf32> to vector<1000x40xf32>
    %slice3A_5 = vector.extract_strided_slice %add3A {offsets = [0, 40], sizes = [1000, 1], strides = [1, 1]} : vector<1000x48xf32> to vector<1000x1xf32>
    %add3A_6 = arith.constant 1.000000e-16 : f32
    %add3A_7 = vector.broadcast %add3A_6 : f32 to vector<1000x1xf32>
    %add3A_8 = arith.addf %slice3A_5, %add3A_7 : vector<1000x1xf32>
    %div3A = vector.broadcast %add3A_8 : vector<1000x1xf32> to vector<1000x40xf32>
    %div3A_9 = arith.divf %slice3A, %div3A : vector<1000x40xf32>
    %gt3A = arith.constant 0.000000e+00 : f32
    %gt3A_10 = vector.broadcast %gt3A : f32 to vector<1000x40xf32>
    %gt3A_11 = arith.cmpf ogt, %div3A_9, %gt3A_10 : vector<1000x40xf32>
    %min3A = arith.constant 0.000000e+00 : f32
    %min3A_12 = vector.broadcast %min3A : f32 to vector<1000x40xf32>
    %min3A_13 = arith.minimumf %div3A_9, %min3A_12 : vector<1000x40xf32>
    %exp3A = math.exp %min3A_13 : vector<1000x40xf32>
    %sub3A = arith.constant 1.000000e+00 : f32
    %sub3A_14 = vector.broadcast %sub3A : f32 to vector<1000x40xf32>
    %sub3A_15 = arith.subf %exp3A, %sub3A_14 : vector<1000x40xf32>
    %select_n3A = arith.select %gt3A_11, %div3A_9, %sub3A_15 : vector<1000x40xi1>, vector<1000x40xf32>
    %reduce_max3A = arith.constant dense<0xFF800000> : vector<1000xf32>
    %reduce_max3A_16 = vector.multi_reduction <maximumf>, %select_n3A, %reduce_max3A [1] : vector<1000x40xf32> to vector<1000xf32>
    %max3A = arith.constant 0xFF800000 : f32
    %max3A_17 = vector.broadcast %max3A : f32 to vector<1000xf32>
    %max3A_18 = arith.maximumf %max3A_17, %reduce_max3A_16 : vector<1000xf32>
    %broadcast_in_dim3A = vector.shape_cast %max3A_18 : vector<1000xf32> to vector<1000x1xf32>
    %sub3A_19 = vector.broadcast %broadcast_in_dim3A : vector<1000x1xf32> to vector<1000x40xf32>
    %sub3A_20 = arith.subf %select_n3A, %sub3A_19 : vector<1000x40xf32>
    %exp3A_21 = math.exp %sub3A_20 : vector<1000x40xf32>
    %reduce_sum3A = arith.constant dense<0.000000e+00> : vector<1000xf32>
    %reduce_sum3A_22 = vector.multi_reduction <add>, %exp3A_21, %reduce_sum3A [1] : vector<1000x40xf32> to vector<1000xf32>
    %broadcast_in_dim3A_23 = vector.shape_cast %reduce_sum3A_22 : vector<1000xf32> to vector<1000x1xf32>
    %log3A = math.log %broadcast_in_dim3A_23 : vector<1000x1xf32>
    %sub3A_24 = vector.broadcast %log3A : vector<1000x1xf32> to vector<1000x40xf32>
    %sub3A_25 = arith.subf %sub3A_20, %sub3A_24 : vector<1000x40xf32>
    %swap3A = arith.constant 0 : index
    %swap3A_26 = arith.constant 0 : index
    %swap3A_27 = vector.load %arg3[%swap3A, %swap3A_26] : memref<1000x40xf32, #tpu.memory_space<vmem>>, vector<1000x40xf32>
    tpu.vector_store %arg3[%swap3A, %swap3A_26], %sub3A_25 {strides = array<i32>} : memref<1000x40xf32, #tpu.memory_space<vmem>>, vector<1000x40xf32>,
    return
  }
  func.func @transform_0(%arg0: i32) -> (i32, i32) {
    %c0_i32 = arith.constant 0 : i32
    %c0_i32_0 = arith.constant 0 : i32
    return %arg0, %c0_i32 : i32, i32
  }
  func.func @transform_1(%arg0: i32) -> (i32, i32) {
    %add3A = arith.constant 10 : i32
    %add3A_0 = arith.addi %arg0, %add3A : i32
    %c0_i32 = arith.constant 0 : i32
    %c0_i32_1 = arith.constant 0 : i32
    return %add3A_0, %c0_i32 : i32, i32
  }
  func.func @transform_2(%arg0: i32) -> (i32, i32) {
    %c0_i32 = arith.constant 0 : i32
    %c0_i32_0 = arith.constant 0 : i32
    return %arg0, %c0_i32 : i32, i32
  }
}

</mosaic_0001>

<sc_bundles>
// kernel: kernel.12.cloned.1.call-start
scs
__scs_entry_jumppad:
0x0: {  	(pc) =	sbr.rel $0x88, $3  }
0x1: {  	(tag) =	ssettag $0x0;
	lr =	simm.s32 $0x1  }
0x2: {  	[smem:$0x3F9B] =	sst lr;
	_ =	strace $0xD0000000  }
0x3: {  	_ = 	snop  }
0x4: {  	_ = 	snop  }
0x5: {  	_ = 	snop  }
0x6: {  	_ = 	snop  }
0x7: {  	_ = 	snop  }
__scs_overlays_trampoline_lowered:
0x8: {  	[smem:$0x3FAA] =	sst s0  }
0x9: {  	[smem:$0x3FAB] =	sst s1  }
0xa: {  	[smem:$0x3FAC] =	sst s2  }
0xb: {  	[smem:$0x3FAD] =	sst s3  }
0xc: {  	[smem:$0x3FAE] =	sst s4  }
0xd: {  	[smem:$0x3FAF] =	sst s5  }
0xe: {  	[smem:$0x3FB0] =	sst s6  }
0xf: {  	[smem:$0x3FB1] =	sst s7  }
0x10: {  	[smem:$0x3FB2] =	sst s8  }
0x11: {  	[smem:$0x3FB3] =	sst s9;
	s0 =	simm.s32 @!p0 $0x0  }
0x12: {  	s1 =	sld [smem:$0x3F99];
	s0 =	simm.s32 @p0 $0x1  }
0x13: {  	[smem:$0x3FB4] =	sst s0;
	s0 =	simm.s32 @!p1 $0x0  }
0x14: {  	s2 =	sld [smem:$0x3F98];
	s0 =	simm.s32 @p1 $0x1  }
0x15: {  	[smem:$0x3FB5] =	sst s0;
	s0 =	simm.s32 @!p2 $0x0  }
0x16: {  	s3 =	sld [smem:$0x3FDB];
	s0 =	simm.s32 @p2 $0x1  }
0x17: {  	s4 =	simm.s32 $0x1BF5;
	[smem:$0x3FB7] =	sst s0  }
0x18: {  	s0 =	sld [smem:$0x3F9A];
	_ =	swait.ge [sflag:s4], $0x0  }
0x19: {  	s7 =	sld [smem:$0x3F9B]  }
0x1a: {  	s8 =	sadd.s32 $0xFFFFE003, lr  }
0x1b: {  	s9 =	sadd.s32 $0xFFFFFEF7, lr;
	s5 =	simm.s32 $0xFFFFFFFF;
	p2 =	slt.u32 s8, $0xFFFFF086  }
0x1c: {  	p1 =	slt.u32 s9, $0xF7A;
	s5 =	simm.s32 @!p2 $0x0  }
0x1d: {  	s5 =	simm.s32 @p1 $0x1;
	p0 =	seq.s32 s7, s2  }
0x1e: {  	s7 =	smul.u32 @!p0 $0xF7A, s2;
	p2 =	seq.s32 @!p0 s5, $0x0  }
0x1f: {  	s9 =	smul.u32 $0xF7A, s1;
	s8 =	simm.s32 @!p0 $0x1BF5;
	p2 =	por !p2, p0  }
0x20: {  	[sflag:s8] =	ssyncset.s32 @!p0 $0xFFFFF086;
	s6 =	sadd.s32 @!p0 s3, s7;
	s7 =	simm.s32 @!p0 $0x108  }
0x21: {  	s3 =	sadd.s32 s3, s9;
	s6 =	sadd.s32 @!p0 $0x88, s6;
	s7 =	simm.s32 @p2 $0x1082  }
0x22: {  	[simem:s7], [sflag:s8] =	dma.local @!p0 [hbm:s6], $0xF7A  }
0x23: {  	s9 =	sor.u32 $0xD0000000, s2;
	s6 =	simm.s32 $0x108;
	_ =	swait.ge @!p0 [sflag:s8], $0x0  }
0x24: {  	s3 =	sadd.s32 $0x88, s3;
	s6 =	simm.s32 @!p1 $0x1082;
	[sflag:s4] =	ssyncset.s32 $0xFFFFF086  }
0x25: {  	[simem:s6], [sflag:s4] =	dma.local [hbm:s3], $0xF7A  }
0x26: {  	[smem:$0x3F9B] =	sst s1;
	(tag) =	ssettag s2;
	_ =	strace s9  }
0x27: {  	s1 =	sld [smem:$0x3FAB]  }
0x28: {  	s2 =	sld [smem:$0x3FAC]  }
0x29: {  	s4 =	sld [smem:$0x3FAE]  }
0x2a: {  	p0 =	seq.s32 s5, $0x0;
	s5 =	sld [smem:$0x3FAF]  }
0x2b: {  	s6 =	sld [smem:$0x3FB0]  }
0x2c: {  	s7 =	sld [smem:$0x3FB1]  }
0x2d: {  	s3 =	simm.s32 $0x108;
	s8 =	sld [smem:$0x3FB2]  }
0x2e: {  	s3 =	simm.s32 @!p0 $0x1082;
	s9 =	sld [smem:$0x3FB3]  }
0x2f: {  	lr =	sadd.s32 s0, s3;
	s0 =	sld [smem:$0x3FAA]  }
0x30: {  	s3 =	sld [smem:$0x3FAD]  }
0x31: {  	[smem:$0x3FB6] =	sst s10  }
0x32: {  	s10 =	sld [smem:$0x3FB4];
	_ =	sdelay $0x3  }
0x33: {  	p0 =	seq.s32 s10, $0x1;
	s10 =	sld [smem:$0x3FB6];
	_ =	sdelay $0x3  }
0x34: {  	[smem:$0x3FB6] =	sst s10  }
0x35: {  	s10 =	sld [smem:$0x3FB5];
	_ =	sdelay $0x3  }
0x36: {  	p1 =	seq.s32 s10, $0x1;
	s10 =	sld [smem:$0x3FB6];
	_ =	sdelay $0x3  }
0x37: {  	[smem:$0x3FB6] =	sst s10  }
0x38: {  	s10 =	sld [smem:$0x3FB7]  }
0x39: {  	_ = 	snop;
	(pc) =	sbr.ind lr, $3  }
0x3a: {  	_ = 	snop  }
0x3b: {  	_ = 	snop  }
0x3c: {  	p2 =	seq.s32 s10, $0x1;
	s10 =	sld [smem:$0x3FB6]  }
0x3d: {  	_ =	shalt  }
0x3e: {  	_ =	shalt  }
0x3f: {  	_ =	shalt  }
0x40: {  	_ =	shalt  }
0x41: {  	_ =	shalt  }
0x42: {  	_ =	shalt  }
0x43: {  	_ =	shalt  }
0x44: {  	_ =	shalt  }
0x45: {  	_ =	shalt  }
0x46: {  	_ =	shalt  }
0x47: {  	_ =	shalt  }
0x48: {  	_ =	shalt  }
0x49: {  	_ =	shalt  }
0x4a: {  	_ =	shalt  }
0x4b: {  	_ =	shalt  }
0x4c: {  	_ =	shalt  }
0x4d: {  	_ =	shalt  }
0x4e: {  	_ =	shalt  }
0x4f: {  	_ =	shalt  }
0x50: {  	_ =	shalt  }
0x51: {  	_ =	shalt  }
0x52: {  	_ =	shalt  }
0x53: {  	_ =	shalt  }
0x54: {  	_ =	shalt  }
0x55: {  	_ =	shalt  }
0x56: {  	_ =	shalt  }
0x57: {  	_ =	shalt  }
0x58: {  	_ =	shalt  }
0x59: {  	_ =	shalt  }
0x5a: {  	_ =	shalt  }
0x5b: {  	_ =	shalt  }
0x5c: {  	_ =	shalt  }
0x5d: {  	_ =	shalt  }
0x5e: {  	_ =	shalt  }
0x5f: {  	_ =	shalt  }
0x60: {  	_ =	shalt  }
0x61: {  	_ =	shalt  }
0x62: {  	_ =	shalt  }
0x63: {  	_ =	shalt  }
0x64: {  	_ =	shalt  }
0x65: {  	_ =	shalt  }
0x66: {  	_ =	shalt  }
0x67: {  	_ =	shalt  }
0x68: {  	_ =	shalt  }
0x69: {  	_ =	shalt  }
0x6a: {  	_ =	shalt  }
0x6b: {  	_ =	shalt  }
0x6c: {  	_ =	shalt  }
0x6d: {  	_ =	shalt  }
0x6e: {  	_ =	shalt  }
0x6f: {  	_ =	shalt  }
0x70: {  	_ =	shalt  }
0x71: {  	_ =	shalt  }
0x72: {  	_ =	shalt  }
0x73: {  	_ =	shalt  }
0x74: {  	_ =	shalt  }
0x75: {  	_ =	shalt  }
0x76: {  	_ =	shalt  }
0x77: {  	_ =	shalt  }
0x78: {  	_ =	shalt  }
0x79: {  	_ =	shalt  }
0x7a: {  	_ =	shalt  }
0x7b: {  	_ =	shalt  }
0x7c: {  	_ =	shalt  }
0x7d: {  	_ =	shalt  }
0x7e: {  	_ =	shalt  }
0x7f: {  	_ =	shalt  }
0x80: {  	_ =	shalt  }
0x81: {  	_ =	shalt  }
0x82: {  	_ =	shalt  }
0x83: {  	_ =	shalt  }
0x84: {  	_ =	shalt  }
0x85: {  	_ =	shalt  }
0x86: {  	_ =	shalt  }
0x87: {  	_ =	shalt  }
.Lfunc_end0:
.L_simem_size_0:
called_computation.1_lowered:
.L_overlay_start_0:
0x88: {  	s2 =	sld [smem:$0x3FD9]  }
0x89: {  	s3 =	sld [smem:$0x3FFE];
	_ =	sdelay $0x1  }
0x8a: {  	s1 =	srdreg.scid  }
0x8b: {  	s0 =	sand.u32 $0x1, s1  }
0x8c: {  	s17 =	sshll.u32 s0, $0xA;
	s2 =	sadd.s32 s3, s2  }
0x8d: {  	s2 =	sadd.s32 s2, s17  }
0x8e: {  	[smem:$0x3FC2] =	sst s2  }
0x8f: {  	_ = 	snop  }
0x90: {  	s2 =	sld [smem:$0x3FD0];
	(tm) =	ssettm $0x1  }
0x91: {  	s18 =	sld [smem:$0x3FFB];
	_ =	sdelay $0x3  }
0x92: {  	_ =	strace s18  }
0x93: {  	s3 =	sld [smem:$0x3FFC];
	_ =	sdelay $0x3  }
0x94: {  	_ =	strace s3  }
0x95: {  	s3 =	sld [smem:$0x3FFD];
	_ =	sdelay $0x3  }
0x96: {  	_ =	strace s3  }
0x97: {  	_ =	strace $0x8FFFFFFF  }
0x98: {  	s19 =	sld [smem:$0x3FDB];
	_ =	sdelay $0x1  }
0x99: {  	s4 =	simm.s32 $_scs_section_size  }
0x9a: {  	s5 =	simm.s32 $_size__tile_overlayer_lowered;
	s6 =	simm.s32 $_tile_overlayer_lowered  }
0x9b: {  	s22 =	simm.s32 $0x1BFF;
	s21 =	sshll.u32 s6, $0x1;
	s3 =	sadd.s32 s4, s19  }
0x9c: {  	s7 =	simm.s32 $0x0;
	s20 =	sshll.u32 s5, $0x1;
	s5 =	sadd.s32 s21, s3  }
0x9d: {  	[timem:s7], [sflag:s22] =	dma.local [hbm:s5], s20  }
0x9e: {  	_ =	swait.ge [sflag:s22], s20  }
0x9f: {  	s4 =	ssub.s32 $0x0, s20;
	[sflag:s22] =	ssyncset.done $0x0  }
0xa0: {  	[sflag:s22] =	ssyncadd.s32 s4;
	_ =	sdelay $0x1  }
0xa1: {  	s23 =	simm.s32 $0x1B8B  }
0xa2: {  	_ =	swait.ge [sflag:s23], $0x1  }
0xa3: {  	[sflag:s23] =	ssyncset.done $0x0  }
0xa4: {  	s25 =	simm.s32 $0x1B8E;
	s24 =	sld [smem:$0x3FFE];
	[sflag:s23] =	ssyncadd.s32 $0xFFFFFFFF  }
0xa5: {  	s26 =	simm.s32 $execute0_lowered;
	[smem:$0x3FD2] =	sst s25  }
0xa6: {  	s5 =	sshll.u32 s26, $0x1;
	_ =	strace $0x80000049;
	[dreg:$0x1] =	wrdreg $0xFFFFFFFF  }
0xa7: {  	s28 =	simm.s32 $_size_execute0_lowered;
	s3 =	sadd.s32 s3, s5;
	[dreg:$0x0] =	wrdreg $0x0  }
0xa8: {  	s5 =	sshll.u32 s28, $0x1;
	[dreg:$0x2] =	wrdreg s3  }
0xa9: {  	[dreg:$0x3] =	wrdreg s5  }
0xaa: {  	[dreg:$0x4] =	wrdreg $0xC0  }
0xab: {  	_ =	task [dreg:s7], $0x5FFFF  }
0xac: {  	[dreg:$0x1] =	wrdreg $0xFFFFFFFF  }
0xad: {  	[dreg:$0x0] =	wrdreg $0x60  }
0xae: {  	[dreg:$0x2] =	wrdreg s24  }
0xaf: {  	[dreg:$0x3] =	wrdreg s2  }
0xb0: {  	[dreg:$0x4] =	wrdreg $0x138800  }
0xb1: {  	[dreg:$0x5] =	wrdreg $0x9  }
0xb2: {  	_ =	task.clear_ibuf [dreg:s7], $0x6FFFF;
	_ =	strace $0x90000049  }
0xb3: {  	s29 =	simm.s32 $0x9;
	_ =	strace $0x8000004B  }
0xb4: {  	_ =	swait.ge [sflag:s29], $0x1  }
0xb5: {  	[sflag:s29] =	ssyncadd.s32 $0xFFFFFFFF  }
0xb6: {  	_ =	strace $0x9000004B  }
0xb7: {  	_ =	sfence  }
0xb8: {  	s30 =	sld [smem:$0x0];
	_ =	sdelay $0x2  }
0xb9: {  	s31 =	sshll.u32 s1, $0xD;
	s1 =	sshrl.u32 s1, $0x2  }
0xba: {  	s3 =	sand.u32 $0x4000, s31;
	s1 =	sadd.s32 s1, s30  }
0xbb: {  	s0 =	sor.u32 s3, s0;
	s1 =	sshll.u32 s1, $0x11  }
0xbc: {  	s0 =	sor.u32 s1, s0  }
0xbd: {  	s0 =	sadd.s32 $0x8F2B, s0  }
0xbe: {  	[sflag:s0] =	ssyncadd.remote.s32 $0x1  }
0xbf: {  	_ =	sfence.sel $0xFFFF  }
0xc0: {  	[dreg:$0x0] =	wrdreg $0xFFFFFFFF;
	(pc) =	sbr.abs _section_cstart, $3  }
0xc1: {  	[dreg:$0x1] =	wrdreg $0xFFFFFFFF  }
0xc2: {  	_ =	task.clear_ibuf [dreg:s7], $0x2FFFF;
	_ =	strace $0x9FFFFFFF  }
0xc3: {  	(tm) =	ssettm $0x7FFFFFFF  }
tec
execute0_lowered:
.L_overlay_start_1:
0x0: {  	(tag) =	ssettag $0x1  }
0x1: {  	s0 =	rddreg [dreg:$0x0]  }
0x2: {  	s2 =	rddreg [dreg:$0x1]  }
0x3: {  	s1 =	rddreg [dreg:$0x2]  }
0x4: {  	s3 =	simm.s32 $0x0;
	s12 =	stileid.u32;
	s5 =	srdreg.scid  }
0x5: {  	s28 =	simm.s32 $0x3;
	s29 =	simm.s32 $0x1;
	s30 =	simm.s32 $0x4  }
0x6: {  	s31 =	simm.s32 $0x2;
	s19 =	simm.s32 $0x6;
	s6 =	smul.u32 $0x9C4, s12  }
0x7: {  	[smem:$0x7FF] =	sst s3;
	s4 =	sadd.s32 $0x5DE00, s0;
	s9 =	smul.u32 $0x280, s12  }
0x8: {  	s7 =	sand.u32 $0x1, s5;
	s5 =	sadd.s32 $0xFC00, s0;
	s11 =	smul.u32 $0x1E000, s12  }
0x9: {  	s23 =	smul.u32 $0x4E20, s12;
	s13 =	sadd.s32 $0x70800, s1;
	p0 =	seq.s32 s12, $0xF  }
0xa: {  	_ =	strace $0x8000004A;
	s8 =	ssub.s32 $0x2, s7;
	[dreg:$0xc] =	wrdreg s13  }
0xb: {  	s24 =	sshll.u32 s7, $0x2;
	[dreg:$0x4] =	wrdreg s9;
	s20 =	sadd.s32 s6, s0  }
0xc: {  	s10 =	sshrl.u32 s8, $0x1;
	s0 =	sadd.s32 $0xD3200, s0;
	[dreg:$0x9] =	wrdreg s24  }
0xd: {  	s22 =	sshrl.u32 s11, $0x2;
	s2 =	sadd.s32 s2, s6;
	[dreg:$0x7] =	wrdreg s23  }
0xe: {  	s26 =	sadd.s32 $0x190, s23;
	s23 =	simm.s32 $0xA280;
	s24 =	simm.s32 $0x9DD0  }
0xf: {  	s6 =	simm.s32 $0x0;
	[dreg:$0x5] =	wrdreg s0;
	s21 =	ssub.s32 s8, s10  }
0x10: {  	s8 =	smul.u32 $0x32, s12;
	s9 =	sadd.s32 $0x5E00, s20;
	[dreg:$0x8] =	wrdreg s2  }
.Ltmp0:
0x11: {  	[dreg:$0xd] =	wrdreg s26;
	s20 =	simm.s32 $0x9C40;
	(pc) =	sbr.rel .LBB2_1-.Ltmp0, $4  }
0x12: {  	s26 =	simm.s32 $0xED80;
	[dreg:$0x6] =	wrdreg s9;
	s0 =	smax.u32 s21, $0x1  }
0x13: {  	s9 =	sadd.s32 s22, s1;
	s21 =	simm.s32 $0x190;
	[dreg:$0xe] =	wrdreg s0  }
0x14: {  	v1 =	vimm.s32 $0x0;
	vm0 =	vcmask $0x300;
	s22 =	simm.s32 $0x9F60;
	s25 =	sadd.s32 $0x4B00, s9;
	[dreg:$0xa] =	wrdreg s9  }
0x15: {  	v0 =	vimm.bf16 $0.0e+00;
	v1 =	vsel vm0, $0x3, v1;
	s0 =	simm.s32 $0x5;
	[dreg:$0xb] =	wrdreg s25;
	s25 =	simm.s32 $0xA0F0  }
.LBB2_18:
0x16: {  	s6 =	rddreg [dreg:$0xf]  }
0x17: {  	s2 =	rddreg [dreg:$0xe];
	s6 =	sadd.s32 $0x1, s6  }
0x18: {  	p1 =	sne.s32 s6, s2  }
.Ltmp1:
0x19: {  	_ = 	snop;
	(pc) =	sbr.rel @!p1 .LBB2_19-.Ltmp1, $1  }
0x1a: {  	_ =	sdelay $0x3  }
.LBB2_1:
0x1b: {  	[dreg:$0xf] =	wrdreg s6  }
0x1c: {  	s2 =	rddreg [dreg:$0x6];
	s17 =	simm.s32 $0x7  }
0x1d: {  	[tilespmem:s3], [sflag:$0x7] =	stream.linear.gather [hbm4b:s2+s3], $0x4E20, $0x38;
	[tilespmem:$0x1ADB0] =	vst v63  }
0x1e: {  	_ =	swait.ge [sflag:s17], $0x4E20  }
0x1f: {  	s7 =	simm.s32 $0x4E20;
	[sflag:s17] =	ssyncset.done $0x0  }
.Ltmp2:
0x20: {  	s18 =	rddreg [dreg:$0x8];
	[sflag:s17] =	ssyncadd.s32 $0xFFFFB1E0;
	(pc) =	sbr.rel .LBB2_2-.Ltmp2, $4  }
0x21: {  	[tilespmem:s7], [sflag:$0x7] =	stream.linear.gather [hbm4b:s18+s3], $0x4E20, $0x38;
	[tilespmem:$0x1ADB0] =	vst v63  }
0x22: {  	_ =	swait.ge [sflag:s17], $0x4E20  }
0x23: {  	[sflag:s17] =	ssyncset.done $0x0  }
0x24: {  	s11 =	simm.s32 $0x0;
	[sflag:s17] =	ssyncadd.s32 $0xFFFFB1E0  }
.LBB2_17:
0x25: {  	_ =	swait.ge [sflag:s0], $0x4B00  }
0x26: {  	[sflag:s0] =	ssyncset.done $0x0  }
0x27: {  	[sflag:s0] =	ssyncadd.s32 $0xFFFFB500  }
0x28: {  	_ =	swait.ge [sflag:s19], $0x4B00  }
0x29: {  	[sflag:s19] =	ssyncset.done $0x0  }
0x2a: {  	s2 =	smul.u32 @p0 $0xEA600, s17;
	[sflag:s19] =	ssyncadd.s32 $0xFFFFB500  }
0x2b: {  	[bflag:$0x0] =	sbarrier.arrive $0xFFFF  }
0x2c: {  	s2 =	sshrl.u32 @p0 s2, $0x4;
	s9 =	rddreg [dreg:$0x5]  }
0x2d: {  	s13 =	rddreg [dreg:$0xc];
	s2 =	sadd.s32 @p0 s9, s2  }
0x2e: {  	s7 =	simm.s32 @p0 $0x1FC7;
	s6 =	sshrl.u32 @p0 s13, $0x3;
	s2 =	sadd.s32 @p0 $0xE100, s2  }
0x2f: {  	[hbm:s2], [sflag:s7] =	dma.local @p0 [spmem:s6], $0x960  }
0x30: {  	s2 =	simm.s32 @p0 $0x7  }
0x31: {  	_ =	swait.ge @p0 [sflag:s2], $0x960  }
0x32: {  	s6 =	rddreg [dreg:$0x4]  }
0x33: {  	s7 =	rddreg [dreg:$0x10]  }
0x34: {  	s6 =	sadd.s32 @!p0 s6, s7  }
0x35: {  	[sflag:s2] =	ssyncset.done @p0 $0x0;
	s6 =	smul.u32 @!p0 $0x6, s6  }
0x36: {  	[sflag:s2] =	ssyncadd.s32 @p0 $0xFFFFF6A0;
	s2 =	stileid.u32  }
0x37: {  	s2 =	sshll.u32 @!p0 s2, $0x6;
	s6 =	sadd.s32 @!p0 s9, s6;
	s9 =	rddreg [dreg:$0xa]  }
0x38: {  	s11 =	sadd.s32 $0x1, s11;
	s2 =	sor.u32 @!p0 $0x1C07, s2;
	s7 =	sshrl.u32 @!p0 s9, $0x3  }
0x39: {  	[hbm:s6], [sflag:s2] =	dma.local @!p0 [spmem:s7], $0xF00  }
0x3a: {  	p1 =	sne.s32 s11, $0x4;
	s2 =	simm.s32 @!p0 $0x7  }
.Ltmp3:
0x3b: {  	_ =	swait.ge @!p0 [sflag:s2], $0xF00;
	(pc) =	sbr.rel @!p1 .LBB2_18-.Ltmp3, $3  }
0x3c: {  	[sflag:s2] =	ssyncset.done @!p0 $0x0  }
0x3d: {  	[sflag:s2] =	ssyncadd.s32 @!p0 $0xFFFFF100  }
0x3e: {  	[bflag:$0x0] =	sbarrier.arrive $0xFFFF;
	_ =	sdelay $0x1  }
.LBB2_2:
0x3f: {  	s2 =	simm.s32 $0xC0;
	s6 =	simm.s32 $0x0  }
.LBB2_3:
0x40: {  	p1 =	sne.s32 s2, $0x12B40;
	[tilespmem:s6+$0xA2A0] =	vst v0;
	s7 =	smov.u32 s2;
	s2 =	sadd.s32 $0xC0, s2  }
.Ltmp4:
0x41: {  	[tilespmem:s6+$0xA280] =	vst v0;
	(pc) =	sbr.rel @p1 .LBB2_3-.Ltmp4, $2  }
0x42: {  	[tilespmem:s6+$0xA290] =	vst v0;
	_ =	sdelay $0x2  }
0x43: {  	s6 =	sshra.s32 s7, $0x2  }
0x44: {  	[tilespmem:s6+$0xA2A0] =	vst v0  }
0x45: {  	[tilespmem:s6+$0xA280] =	vst v0  }
0x46: {  	[tilespmem:s6+$0xA290] =	vst v0;
	s2 =	simm.s32 @p0 $0xA280  }
0x47: {  	[spmem:s13] =	stream.linear.scatter @p0 [tilespmem:s2], [sflag:$0x7], $0x4B00, $0x38;
	[tilespmem:$0x1ADB0] =	vst v63  }
0x48: {  	s2 =	simm.s32 @p0 $0x7  }
0x49: {  	_ =	swait.ge @p0 [sflag:s2], $0x4B00  }
0x4a: {  	[sflag:s2] =	ssyncset.done @p0 $0x0  }
0x4b: {  	s6 =	simm.s32 @!p0 $0x7;
	[sflag:s2] =	ssyncadd.s32 @p0 $0xFFFFB500;
	s2 =	simm.s32 @!p0 $0xA280  }
0x4c: {  	[spmem:s9] =	stream.linear.scatter @!p0 [tilespmem:s2], [sflag:$0x7], $0x4B00, $0x38;
	[tilespmem:$0x1ADB0] =	vst v63  }
0x4d: {  	_ =	swait.ge @!p0 [sflag:s6], $0x4B00  }
0x4e: {  	[sflag:s6] =	ssyncset.done @!p0 $0x0;
	s7 =	rddreg [dreg:$0x9]  }
0x4f: {  	s17 =	sadd.s32 s7, s11;
	[sflag:s6] =	ssyncadd.s32 @!p0 $0xFFFFB500;
	s7 =	rddreg [dreg:$0xb]  }
0x50: {  	[spmem:s7] =	stream.linear.scatter @!p0 [tilespmem:s2], [sflag:$0x7], $0x2D00, $0x38;
	[tilespmem:$0x1ADB0] =	vst v63  }
0x51: {  	s9 =	smul.u32 $0x4E200, s17;
	_ =	swait.ge @!p0 [sflag:s6], $0x2D00  }
0x52: {  	s15 =	rddreg [dreg:$0x7]  }
0x53: {  	[sflag:s6] =	ssyncset.done @!p0 $0x0;
	s2 =	sadd.s32 s15, s9  }
0x54: {  	[sflag:s6] =	ssyncadd.s32 @!p0 $0xFFFFD300;
	s2 =	sshrl.u32 s2, $0x3  }
0x55: {  	s16 =	simm.s32 $0x4E30;
	[bflag:$0x0] =	sbarrier.arrive $0xFFFF;
	s2 =	sadd.s32 s5, s2  }
0x56: {  	[tilespmem:s20], [sflag:$0x1] =	stream.linear.gather [hbm4b:s2+s3], $0x190, $0x38;
	[tilespmem:$0x1ADB0] =	vst v63  }
0x57: {  	v3 =	vld [tilespmem:s16+$0xFFFFFFF0];
	_ =	sdelay $0x1  }
0x58: {  	s18 =	smul.u32 $0x2710, s17;
	_ =	sdelay $0x1  }
0x59: {  	v2 =	vmov s18  }
0x5a: {  	s2 =	simm.s32 $0x9F70;
	v3 =	vadd.s32 v2, v3  }
0x5b: {  	[tilespmem:s2+$0xFFFFFFF0] =	vst v3  }
0x5c: {  	v3 =	vld [tilespmem:s16+$0x0];
	_ =	sdelay $0x4  }
0x5d: {  	v3 =	vadd.s32 v2, v3  }
0x5e: {  	s7 =	simm.s32 $0x4E50;
	s6 =	simm.s32 $0x0;
	[dreg:$0x10] =	wrdreg s18;
	[tilespmem:s2+$0x0] =	vst v3  }
.LBB2_5:
0x5f: {  	v3 =	vld [tilespmem:s7+$0xFFFFFFF0];
	s6 =	sadd.s32 $0x2, s6  }
0x60: {  	p1 =	slt.u32 s6, $0x16;
	_ =	sdelay $0x3  }
0x61: {  	s2 =	sadd.s32 $0x20, s2;
	v3 =	vadd.s32 v2, v3  }
0x62: {  	[tilespmem:s2+$0xFFFFFFF0] =	vst v3  }
0x63: {  	v3 =	vld [tilespmem:s7+$0x0];
	_ =	sdelay $0x1  }
.Ltmp5:
0x64: {  	(pc) =	sbr.rel @p1 .LBB2_5-.Ltmp5, $3  }
0x65: {  	_ =	sdelay $0x1  }
0x66: {  	v3 =	vadd.s32 v2, v3  }
0x67: {  	s7 =	sadd.s32 $0x20, s7;
	[tilespmem:s2+$0x0] =	vst v3  }
0x68: {  	v3 =	vld [tilespmem:$0x4FA0];
	_ =	sdelay $0x3  }
0x69: {  	s2 =	rddreg [dreg:$0xd]  }
0x6a: {  	s2 =	sadd.s32 s2, s9;
	v3 =	vadd.s32 v2, v3  }
0x6b: {  	s2 =	sshrl.u32 s2, $0x3;
	[tilespmem:$0xA0E0] =	vst v3  }
0x6c: {  	[tilespmem:s23], [sflag:$0x3] =	stream.indirect.gather [hbm4b:s4+s21], $0x30, s22, s21, $0xb8;
	[tilespmem:$0x1ADB0] =	vst v63  }
0x6d: {  	s6 =	sadd.s32 s5, s2;
	s2 =	simm.s32 $0x0  }
0x6e: {  	[tilespmem:s24], [sflag:$0x2] =	stream.linear.gather [hbm4b:s6+s2], $0x190, $0x38;
	[tilespmem:$0x1ADB0] =	vst v63  }
0x6f: {  	v3 =	vld [tilespmem:$0x4FB0]  }
0x70: {  	v4 =	vld [tilespmem:$0x4FC0]  }
0x71: {  	v5 =	vld [tilespmem:$0x4FD0]  }
0x72: {  	v6 =	vld [tilespmem:$0x4FE0]  }
0x73: {  	v7 =	vld [tilespmem:$0x4FF0]  }
0x74: {  	v8 =	vld [tilespmem:$0x5000];
	v3 =	vadd.s32 v2, v3  }
0x75: {  	v45 =	vld [tilespmem:$0x5010];
	[tilespmem:$0xA0F0] =	vst v3;
	v3 =	vadd.s32 v2, v4  }
0x76: {  	v46 =	vld [tilespmem:$0x5020];
	[tilespmem:$0xA100] =	vst v3;
	v3 =	vadd.s32 v2, v5  }
0x77: {  	v47 =	vld [tilespmem:$0x5030];
	[tilespmem:$0xA110] =	vst v3;
	v3 =	vadd.s32 v2, v6  }
0x78: {  	v48 =	vld [tilespmem:$0x5040];
	[tilespmem:$0xA120] =	vst v3;
	v3 =	vadd.s32 v2, v7  }
0x79: {  	v49 =	vld [tilespmem:$0x5050];
	[tilespmem:$0xA130] =	vst v3;
	v3 =	vadd.s32 v2, v8  }
0x7a: {  	v50 =	vld [tilespmem:$0x5060];
	[tilespmem:$0xA140] =	vst v3;
	v3 =	vadd.s32 v2, v45  }
0x7b: {  	v51 =	vld [tilespmem:$0x5070];
	[tilespmem:$0xA150] =	vst v3;
	v3 =	vadd.s32 v2, v46  }
0x7c: {  	v52 =	vld [tilespmem:$0x5080];
	[tilespmem:$0xA160] =	vst v3;
	v3 =	vadd.s32 v2, v47  }
0x7d: {  	v53 =	vld [tilespmem:$0x5090];
	[tilespmem:$0xA170] =	vst v3;
	v3 =	vadd.s32 v2, v48  }
0x7e: {  	v54 =	vld [tilespmem:$0x50A0];
	[tilespmem:$0xA180] =	vst v3;
	v3 =	vadd.s32 v2, v49  }
0x7f: {  	v55 =	vld [tilespmem:$0x50B0];
	[tilespmem:$0xA190] =	vst v3;
	v3 =	vadd.s32 v2, v50  }
0x80: {  	v56 =	vld [tilespmem:$0x50C0];
	[tilespmem:$0xA1A0] =	vst v3;
	v3 =	vadd.s32 v2, v51  }
0x81: {  	v57 =	vld [tilespmem:$0x50D0];
	[tilespmem:$0xA1B0] =	vst v3;
	v3 =	vadd.s32 v2, v52  }
0x82: {  	v58 =	vld [tilespmem:$0x50E0];
	[tilespmem:$0xA1C0] =	vst v3;
	v3 =	vadd.s32 v2, v53  }
0x83: {  	v59 =	vld [tilespmem:$0x50F0];
	[tilespmem:$0xA1D0] =	vst v3;
	v3 =	vadd.s32 v2, v54  }
0x84: {  	v60 =	vld [tilespmem:$0x5100];
	[tilespmem:$0xA1E0] =	vst v3;
	v3 =	vadd.s32 v2, v55  }
0x85: {  	v61 =	vld [tilespmem:$0x5110];
	[tilespmem:$0xA1F0] =	vst v3;
	v3 =	vadd.s32 v2, v56  }
0x86: {  	v62 =	vld [tilespmem:$0x5120];
	[tilespmem:$0xA200] =	vst v3;
	v3 =	vadd.s32 v2, v57  }
0x87: {  	v63 =	vld [tilespmem:$0x5130];
	[tilespmem:$0xA210] =	vst v3;
	v3 =	vadd.s32 v2, v58  }
0x88: {  	[tilespmem:$0xA220] =	vst v3;
	v3 =	vadd.s32 v2, v59  }
0x89: {  	[tilespmem:$0xA230] =	vst v3;
	v3 =	vadd.s32 v2, v60  }
0x8a: {  	[tilespmem:$0xA240] =	vst v3;
	v3 =	vadd.s32 v2, v61  }
0x8b: {  	[tilespmem:$0xA250] =	vst v3;
	v3 =	vadd.s32 v2, v62  }
0x8c: {  	[tilespmem:$0xA260] =	vst v3;
	v3 =	vadd.s32 v2, v63  }
0x8d: {  	s10 =	simm.s32 $0x52E0;
	s12 =	simm.s32 $0x0;
	s6 =	simm.s32 $0x5150;
	[tilespmem:$0xA270] =	vst v3  }
0x8e: {  	[tilespmem:s26], [sflag:$0x4] =	stream.indirect.gather [hbm4b:s4+s21], $0x30, s25, s21, $0xb8;
	[tilespmem:$0x1ADB0] =	vst v63  }
.LBB2_7:
0x8f: {  	v3 =	vmov s2  }
0x90: {  	v3 =	vshrl.u32 v3, $0x3  }
0x91: {  	v3 =	vshll.u32 v3, v1  }
0x92: {  	_ =	swait.ge [sflag:s28], $0x4B00;
	v3 =	vbroadcast v3, $0x0  }
0x93: {  	[sflag:s28] =	ssyncset.done $0x0  }
0x94: {  	[sflag:s28] =	ssyncadd.s32 $0xFFFFB500  }
0x95: {  	_ =	swait.ge [sflag:s29], $0x190  }
0x96: {  	[sflag:s29] =	ssyncset.done $0x0  }
0x97: {  	[sflag:s29] =	ssyncadd.s32 $0xFFFFFE70  }
0x98: {  	s14 =	simm.s32 $0xA340;
	s7 =	simm.s32 $0x1;
	v3 =	vld.idx.msk [tilespmem:v3+s20+$0x0], $0xffff  }
0x99: {  	v5 =	vmov s7;
	v4 =	vld [tilespmem:s14+$0xFFFFFF40]  }
0x9a: {  	v5 =	vshrl.u32 v5, $0x3;
	v6 =	vld [tilespmem:s14+$0xFFFFFF60]  }
0x9b: {  	v5 =	vshll.u32 v5, v1;
	v7 =	vld [tilespmem:s14+$0xFFFFFF50]  }
0x9c: {  	v5 =	vadd.s32 $0x1, v5  }
0x9d: {  	v5 =	vbroadcast v5, $0x0;
	v3 =	vpack.i.f32.bf16 v3, v3  }
0x9e: {  	v4 =	vmul.bf16 v4, v3  }
0x9f: {  	v6 =	vmul.bf16 v6, v3  }
0xa0: {  	v3 =	vmul.bf16 v7, v3;
	[tilespmem:s14+$0xFFFFFF40] =	vst v4  }
0xa1: {  	[tilespmem:s14+$0xFFFFFF60] =	vst v6  }
0xa2: {  	[tilespmem:s14+$0xFFFFFF50] =	vst v3  }
0xa3: {  	s16 =	simm.s32 $0x2;
	v3 =	vld.idx.msk [tilespmem:v5+s20+$0x0], $0xffff  }
0xa4: {  	v4 =	vld [tilespmem:s14+$0xFFFFFF70];
	v5 =	vmov s16  }
0xa5: {  	v6 =	vld [tilespmem:s14+$0xFFFFFF80];
	v5 =	vshrl.u32 v5, $0x3  }
0xa6: {  	v7 =	vld [tilespmem:s14+$0xFFFFFF90];
	v5 =	vshll.u32 v5, v1  }
0xa7: {  	v5 =	vadd.s32 $0x2, v5  }
0xa8: {  	v5 =	vbroadcast v5, $0x0;
	v3 =	vpack.i.f32.bf16 v3, v3  }
0xa9: {  	v4 =	vmul.bf16 v4, v3  }
0xaa: {  	v6 =	vmul.bf16 v6, v3  }
0xab: {  	v3 =	vmul.bf16 v7, v3;
	[tilespmem:s14+$0xFFFFFF70] =	vst v4  }
0xac: {  	[tilespmem:s14+$0xFFFFFF80] =	vst v6  }
0xad: {  	[tilespmem:s14+$0xFFFFFF90] =	vst v3  }
0xae: {  	s18 =	simm.s32 $0x3;
	v3 =	vld.idx.msk [tilespmem:v5+s20+$0x0], $0xffff  }
0xaf: {  	v4 =	vld [tilespmem:s14+$0xFFFFFFA0];
	v5 =	vmov s18  }
0xb0: {  	v6 =	vld [tilespmem:s14+$0xFFFFFFB0];
	v5 =	vshrl.u32 v5, $0x3  }
0xb1: {  	v7 =	vld [tilespmem:s14+$0xFFFFFFC0];
	v5 =	vshll.u32 v5, v1  }
0xb2: {  	v5 =	vadd.s32 $0x3, v5  }
0xb3: {  	v5 =	vbroadcast v5, $0x0;
	v3 =	vpack.i.f32.bf16 v3, v3  }
0xb4: {  	v4 =	vmul.bf16 v4, v3  }
0xb5: {  	v6 =	vmul.bf16 v6, v3  }
0xb6: {  	v3 =	vmul.bf16 v7, v3;
	[tilespmem:s14+$0xFFFFFFA0] =	vst v4  }
0xb7: {  	[tilespmem:s14+$0xFFFFFFB0] =	vst v6  }
0xb8: {  	[tilespmem:s14+$0xFFFFFFC0] =	vst v3  }
0xb9: {  	s13 =	simm.s32 $0x4;
	v3 =	vld.idx.msk [tilespmem:v5+s20+$0x0], $0xffff  }
0xba: {  	v4 =	vld [tilespmem:s14+$0xFFFFFFD0];
	v5 =	vmov s13  }
0xbb: {  	v6 =	vld [tilespmem:s14+$0xFFFFFFE0];
	v5 =	vshrl.u32 v5, $0x3  }
0xbc: {  	v7 =	vld [tilespmem:s14+$0xFFFFFFF0];
	v5 =	vshll.u32 v5, v1  }
0xbd: {  	v5 =	vadd.s32 $0x4, v5  }
0xbe: {  	v5 =	vbroadcast v5, $0x0;
	v3 =	vpack.i.f32.bf16 v3, v3  }
0xbf: {  	v4 =	vmul.bf16 v4, v3  }
0xc0: {  	v6 =	vmul.bf16 v6, v3  }
0xc1: {  	v3 =	vmul.bf16 v7, v3;
	[tilespmem:s14+$0xFFFFFFD0] =	vst v4  }
0xc2: {  	[tilespmem:s14+$0xFFFFFFE0] =	vst v6  }
0xc3: {  	[tilespmem:s14+$0xFFFFFFF0] =	vst v3  }
0xc4: {  	s15 =	simm.s32 $0x5;
	v3 =	vld.idx.msk [tilespmem:v5+s20+$0x0], $0xffff  }
0xc5: {  	v4 =	vld [tilespmem:s14+$0x0];
	v5 =	vmov s15  }
0xc6: {  	v6 =	vld [tilespmem:s14+$0x20];
	v5 =	vshrl.u32 v5, $0x3  }
0xc7: {  	v7 =	vld [tilespmem:s14+$0x10];
	v5 =	vshll.u32 v5, v1  }
0xc8: {  	v5 =	vadd.s32 $0x5, v5  }
0xc9: {  	v5 =	vbroadcast v5, $0x0;
	v3 =	vpack.i.f32.bf16 v3, v3  }
0xca: {  	v4 =	vmul.bf16 v4, v3  }
0xcb: {  	v6 =	vmul.bf16 v6, v3  }
0xcc: {  	v3 =	vmul.bf16 v7, v3;
	[tilespmem:s14+$0x0] =	vst v4  }
0xcd: {  	[tilespmem:s14+$0x20] =	vst v6  }
0xce: {  	[tilespmem:s14+$0x10] =	vst v3  }
0xcf: {  	s16 =	simm.s32 $0x6;
	v3 =	vld.idx.msk [tilespmem:v5+s20+$0x0], $0xffff  }
0xd0: {  	v4 =	vld [tilespmem:s14+$0x30];
	v5 =	vmov s16  }
0xd1: {  	v6 =	vld [tilespmem:s14+$0x50];
	v5 =	vshrl.u32 v5, $0x3  }
0xd2: {  	v7 =	vld [tilespmem:s14+$0x40];
	v5 =	vshll.u32 v5, v1  }
0xd3: {  	v5 =	vadd.s32 $0x6, v5  }
0xd4: {  	v5 =	vbroadcast v5, $0x0;
	v3 =	vpack.i.f32.bf16 v3, v3  }
0xd5: {  	v4 =	vmul.bf16 v4, v3  }
0xd6: {  	v6 =	vmul.bf16 v6, v3  }
0xd7: {  	v3 =	vmul.bf16 v7, v3;
	[tilespmem:s14+$0x30] =	vst v4  }
0xd8: {  	[tilespmem:s14+$0x50] =	vst v6  }
0xd9: {  	s18 =	simm.s32 $0x7;
	[tilespmem:s14+$0x40] =	vst v3  }
0xda: {  	v3 =	vmov s18;
	v4 =	vld.idx.msk [tilespmem:v5+s20+$0x0], $0xffff  }
0xdb: {  	v5 =	vshrl.u32 v3, $0x3;
	v3 =	vld [tilespmem:s14+$0x60]  }
0xdc: {  	v6 =	vshll.u32 v5, v1;
	v5 =	vld [tilespmem:s14+$0x70]  }
0xdd: {  	v8 =	vadd.s32 $0x7, v6;
	v6 =	vld [tilespmem:s14+$0x80];
	_ =	sdelay $0x2  }
0xde: {  	s7 =	simm.s32 $0xA340;
	s13 =	simm.s32 $0x0;
	s15 =	simm.s32 $0x0;
	v7 =	vpack.i.f32.bf16 v4, v4;
	v4 =	vbroadcast v8, $0x0  }
.LBB2_8:
0xdf: {  	s13 =	sadd.s32 $0x2, s13;
	v3 =	vmul.bf16 v3, v7;
	v5 =	vmul.bf16 v5, v7;
	s15 =	sadd.s32 $0x8, s15;
	s14 =	sadd.s32 $0x180, s14  }
0xe0: {  	p1 =	slt.u32 s13, $0x62;
	v6 =	vmul.bf16 v6, v7  }
0xe1: {  	[tilespmem:s7+$0x60] =	vst v3  }
0xe2: {  	[tilespmem:s7+$0x80] =	vst v6  }
0xe3: {  	[tilespmem:s7+$0x70] =	vst v5  }
0xe4: {  	v3 =	vld.idx.msk [tilespmem:v4+s20+$0x0], $0xffff  }
0xe5: {  	v4 =	vld [tilespmem:s7+$0x90]  }
0xe6: {  	v5 =	vld [tilespmem:s7+$0xB0]  }
0xe7: {  	v6 =	vmov s15;
	v7 =	vld [tilespmem:s7+$0xA0]  }
0xe8: {  	v6 =	vshrl.u32 v6, $0x3  }
0xe9: {  	v6 =	vshll.u32 v6, v1  }
0xea: {  	v6 =	vbroadcast v6, $0x0;
	v3 =	vpack.i.f32.bf16 v3, v3  }
0xeb: {  	v4 =	vmul.bf16 v4, v3;
	v5 =	vmul.bf16 v5, v3  }
0xec: {  	v3 =	vmul.bf16 v7, v3  }
0xed: {  	[tilespmem:s7+$0x90] =	vst v4  }
0xee: {  	[tilespmem:s7+$0xA0] =	vst v3  }
0xef: {  	[tilespmem:s7+$0xB0] =	vst v5;
	s7 =	smov.u32 s14  }
0xf0: {  	v3 =	vld.idx.msk [tilespmem:v6+s20+$0x0], $0xffff  }
0xf1: {  	s16 =	sadd.s32 $0x1, s15;
	v4 =	vld [tilespmem:s14+$0xFFFFFF50]  }
0xf2: {  	v6 =	vmov s16;
	v5 =	vld [tilespmem:s14+$0xFFFFFF40]  }
0xf3: {  	v6 =	vshrl.u32 v6, $0x3;
	v7 =	vld [tilespmem:s14+$0xFFFFFF60]  }
0xf4: {  	v6 =	vshll.u32 v6, v1  }
0xf5: {  	v6 =	vadd.s32 $0x1, v6  }
0xf6: {  	v6 =	vbroadcast v6, $0x0;
	v3 =	vpack.i.f32.bf16 v3, v3  }
0xf7: {  	v4 =	vmul.bf16 v4, v3;
	v5 =	vmul.bf16 v5, v3  }
0xf8: {  	v3 =	vmul.bf16 v7, v3  }
0xf9: {  	[tilespmem:s14+$0xFFFFFF40] =	vst v5  }
0xfa: {  	[tilespmem:s14+$0xFFFFFF60] =	vst v3  }
0xfb: {  	[tilespmem:s14+$0xFFFFFF50] =	vst v4  }
0xfc: {  	v3 =	vld.idx.msk [tilespmem:v6+s20+$0x0], $0xffff  }
0xfd: {  	s16 =	sadd.s32 $0x2, s15;
	v4 =	vld [tilespmem:s14+$0xFFFFFF80]  }
0xfe: {  	v6 =	vmov s16;
	v5 =	vld [tilespmem:s14+$0xFFFFFF70]  }
0xff: {  	v6 =	vshrl.u32 v6, $0x3;
	v7 =	vld [tilespmem:s14+$0xFFFFFF90]  }
0x100: {  	v6 =	vshll.u32 v6, v1  }
0x101: {  	v6 =	vadd.s32 $0x2, v6  }
0x102: {  	v6 =	vbroadcast v6, $0x0;
	v3 =	vpack.i.f32.bf16 v3, v3  }
0x103: {  	v4 =	vmul.bf16 v4, v3;
	v5 =	vmul.bf16 v5, v3  }
0x104: {  	v3 =	vmul.bf16 v7, v3  }
0x105: {  	[tilespmem:s14+$0xFFFFFF70] =	vst v5  }
0x106: {  	[tilespmem:s14+$0xFFFFFF80] =	vst v4  }
0x107: {  	[tilespmem:s14+$0xFFFFFF90] =	vst v3  }
0x108: {  	v3 =	vld.idx.msk [tilespmem:v6+s20+$0x0], $0xffff  }
0x109: {  	s16 =	sadd.s32 $0x3, s15;
	v4 =	vld [tilespmem:s14+$0xFFFFFFB0]  }
0x10a: {  	v6 =	vmov s16;
	v5 =	vld [tilespmem:s14+$0xFFFFFFA0]  }
0x10b: {  	v6 =	vshrl.u32 v6, $0x3;
	v7 =	vld [tilespmem:s14+$0xFFFFFFC0]  }
0x10c: {  	v6 =	vshll.u32 v6, v1  }
0x10d: {  	v6 =	vadd.s32 $0x3, v6  }
0x10e: {  	v6 =	vbroadcast v6, $0x0;
	v3 =	vpack.i.f32.bf16 v3, v3  }
0x10f: {  	v4 =	vmul.bf16 v4, v3;
	v5 =	vmul.bf16 v5, v3  }
0x110: {  	v3 =	vmul.bf16 v7, v3  }
0x111: {  	[tilespmem:s14+$0xFFFFFFA0] =	vst v5  }
0x112: {  	[tilespmem:s14+$0xFFFFFFB0] =	vst v4  }
0x113: {  	[tilespmem:s14+$0xFFFFFFC0] =	vst v3  }
0x114: {  	v3 =	vld.idx.msk [tilespmem:v6+s20+$0x0], $0xffff  }
0x115: {  	s16 =	sadd.s32 $0x4, s15;
	v4 =	vld [tilespmem:s14+$0xFFFFFFE0]  }
0x116: {  	v6 =	vmov s16;
	v5 =	vld [tilespmem:s14+$0xFFFFFFD0]  }
0x117: {  	v6 =	vshrl.u32 v6, $0x3;
	v7 =	vld [tilespmem:s14+$0xFFFFFFF0]  }
0x118: {  	v6 =	vshll.u32 v6, v1  }
0x119: {  	v6 =	vadd.s32 $0x4, v6  }
0x11a: {  	v6 =	vbroadcast v6, $0x0;
	v3 =	vpack.i.f32.bf16 v3, v3  }
0x11b: {  	v4 =	vmul.bf16 v4, v3;
	v5 =	vmul.bf16 v5, v3  }
0x11c: {  	v3 =	vmul.bf16 v7, v3  }
0x11d: {  	[tilespmem:s14+$0xFFFFFFD0] =	vst v5  }
0x11e: {  	[tilespmem:s14+$0xFFFFFFE0] =	vst v4  }
0x11f: {  	[tilespmem:s14+$0xFFFFFFF0] =	vst v3  }
0x120: {  	v3 =	vld.idx.msk [tilespmem:v6+s20+$0x0], $0xffff  }
0x121: {  	s16 =	sadd.s32 $0x5, s15;
	v4 =	vld [tilespmem:s14+$0x10]  }
0x122: {  	v6 =	vmov s16;
	v5 =	vld [tilespmem:s14+$0x0]  }
0x123: {  	v6 =	vshrl.u32 v6, $0x3;
	v7 =	vld [tilespmem:s14+$0x20]  }
0x124: {  	v6 =	vshll.u32 v6, v1  }
0x125: {  	v6 =	vadd.s32 $0x5, v6  }
0x126: {  	v6 =	vbroadcast v6, $0x0;
	v3 =	vpack.i.f32.bf16 v3, v3  }
0x127: {  	v4 =	vmul.bf16 v4, v3;
	v5 =	vmul.bf16 v5, v3  }
0x128: {  	v3 =	vmul.bf16 v7, v3  }
0x129: {  	[tilespmem:s14+$0x0] =	vst v5  }
0x12a: {  	[tilespmem:s14+$0x20] =	vst v3  }
0x12b: {  	[tilespmem:s14+$0x10] =	vst v4  }
0x12c: {  	v3 =	vld.idx.msk [tilespmem:v6+s20+$0x0], $0xffff  }
0x12d: {  	s16 =	sadd.s32 $0x6, s15;
	v4 =	vld [tilespmem:s14+$0x40]  }
0x12e: {  	v6 =	vmov s16;
	v5 =	vld [tilespmem:s14+$0x30]  }
0x12f: {  	v6 =	vshrl.u32 v6, $0x3;
	v7 =	vld [tilespmem:s14+$0x50]  }
0x130: {  	v6 =	vshll.u32 v6, v1  }
0x131: {  	v6 =	vadd.s32 $0x6, v6  }
0x132: {  	v6 =	vbroadcast v6, $0x0;
	v3 =	vpack.i.f32.bf16 v3, v3  }
0x133: {  	v4 =	vmul.bf16 v4, v3;
	v5 =	vmul.bf16 v5, v3  }
0x134: {  	v3 =	vmul.bf16 v7, v3  }
0x135: {  	[tilespmem:s14+$0x30] =	vst v5  }
0x136: {  	[tilespmem:s14+$0x50] =	vst v3  }
0x137: {  	[tilespmem:s14+$0x40] =	vst v4  }
0x138: {  	v4 =	vld.idx.msk [tilespmem:v6+s20+$0x0], $0xffff  }
0x139: {  	s16 =	sadd.s32 $0x7, s15;
	v3 =	vld [tilespmem:s14+$0x60]  }
.Ltmp6:
0x13a: {  	v7 =	vmov s16;
	v5 =	vld [tilespmem:s14+$0x70];
	(pc) =	sbr.rel @p1 .LBB2_8-.Ltmp6, $4  }
0x13b: {  	v7 =	vshrl.u32 v7, $0x3;
	v6 =	vld [tilespmem:s14+$0x80]  }
0x13c: {  	v7 =	vshll.u32 v7, v1  }
0x13d: {  	v8 =	vadd.s32 $0x7, v7  }
0x13e: {  	v7 =	vpack.i.f32.bf16 v4, v4;
	v4 =	vbroadcast v8, $0x0  }
0x13f: {  	v3 =	vmul.bf16 v3, v7  }
0x140: {  	v5 =	vmul.bf16 v5, v7  }
0x141: {  	v6 =	vmul.bf16 v6, v7;
	[tilespmem:s7+$0x60] =	vst v3  }
0x142: {  	[tilespmem:s7+$0x70] =	vst v5  }
0x143: {  	[tilespmem:s7+$0x80] =	vst v6  }
0x144: {  	v3 =	vld.idx.msk [tilespmem:v4+s20+$0x0], $0xffff  }
0x145: {  	v4 =	vld [tilespmem:s7+$0x90]  }
0x146: {  	v5 =	vld [tilespmem:s7+$0xA0]  }
0x147: {  	v6 =	vld [tilespmem:s7+$0xB0];
	_ =	sdelay $0x1  }
0x148: {  	v3 =	vpack.i.f32.bf16 v3, v3  }
0x149: {  	v4 =	vmul.bf16 v4, v3  }
0x14a: {  	v5 =	vmul.bf16 v5, v3  }
0x14b: {  	s13 =	smul.u32 $0xC80, s12;
	s16 =	simm.s32 $0x0;
	v3 =	vmul.bf16 v6, v3;
	[tilespmem:s7+$0x90] =	vst v4  }
0x14c: {  	[tilespmem:s7+$0xA0] =	vst v5;
	v4 =	vmov s16  }
0x14d: {  	s14 =	sshra.s32 s13, $0x2;
	[tilespmem:s7+$0xB0] =	vst v3;
	v3 =	vshrl.u32 v4, $0x3  }
0x14e: {  	[spmem:s1] =	stream.indirect.scatter.add.bf16 [tilespmem:s23], [sflag:$0x5], $0x30, s14, s21, $0xb8;
	v3 =	vshll.u32 v3, v1;
	[tilespmem:$0x1ADB0] =	vst v63  }
0x14f: {  	_ =	swait.ge [sflag:s30], $0x4B00;
	v3 =	vbroadcast v3, $0x0  }
0x150: {  	[sflag:s30] =	ssyncset.done $0x0  }
0x151: {  	[sflag:s30] =	ssyncadd.s32 $0xFFFFB500  }
0x152: {  	_ =	swait.ge [sflag:s31], $0x190  }
0x153: {  	[sflag:s31] =	ssyncset.done $0x0  }
0x154: {  	[sflag:s31] =	ssyncadd.s32 $0xFFFFFE70  }
0x155: {  	s18 =	simm.s32 $0x1;
	s7 =	simm.s32 $0xEE40;
	v3 =	vld.idx.msk [tilespmem:v3+s24+$0x0], $0xffff  }
0x156: {  	v5 =	vmov s18;
	v4 =	vld [tilespmem:s7+$0xFFFFFF40]  }
0x157: {  	v5 =	vshrl.u32 v5, $0x3;
	v6 =	vld [tilespmem:s7+$0xFFFFFF60]  }
0x158: {  	v5 =	vshll.u32 v5, v1;
	v7 =	vld [tilespmem:s7+$0xFFFFFF50]  }
0x159: {  	v5 =	vadd.s32 $0x1, v5  }
0x15a: {  	v5 =	vbroadcast v5, $0x0;
	v3 =	vpack.i.f32.bf16 v3, v3  }
0x15b: {  	v4 =	vmul.bf16 v4, v3  }
0x15c: {  	v6 =	vmul.bf16 v6, v3  }
0x15d: {  	v3 =	vmul.bf16 v7, v3;
	[tilespmem:s7+$0xFFFFFF40] =	vst v4  }
0x15e: {  	[tilespmem:s7+$0xFFFFFF60] =	vst v6  }
0x15f: {  	[tilespmem:s7+$0xFFFFFF50] =	vst v3  }
0x160: {  	s15 =	simm.s32 $0x2;
	v3 =	vld.idx.msk [tilespmem:v5+s24+$0x0], $0xffff  }
0x161: {  	v4 =	vld [tilespmem:s7+$0xFFFFFF70];
	v5 =	vmov s15  }
0x162: {  	v6 =	vld [tilespmem:s7+$0xFFFFFF80];
	v5 =	vshrl.u32 v5, $0x3  }
0x163: {  	v7 =	vld [tilespmem:s7+$0xFFFFFF90];
	v5 =	vshll.u32 v5, v1  }
0x164: {  	v5 =	vadd.s32 $0x2, v5  }
0x165: {  	v5 =	vbroadcast v5, $0x0;
	v3 =	vpack.i.f32.bf16 v3, v3  }
0x166: {  	v4 =	vmul.bf16 v4, v3  }
0x167: {  	v6 =	vmul.bf16 v6, v3  }
0x168: {  	v3 =	vmul.bf16 v7, v3;
	[tilespmem:s7+$0xFFFFFF70] =	vst v4  }
0x169: {  	[tilespmem:s7+$0xFFFFFF80] =	vst v6  }
0x16a: {  	[tilespmem:s7+$0xFFFFFF90] =	vst v3  }
0x16b: {  	s18 =	simm.s32 $0x3;
	v3 =	vld.idx.msk [tilespmem:v5+s24+$0x0], $0xffff  }
0x16c: {  	v4 =	vld [tilespmem:s7+$0xFFFFFFA0];
	v5 =	vmov s18  }
0x16d: {  	v6 =	vld [tilespmem:s7+$0xFFFFFFB0];
	v5 =	vshrl.u32 v5, $0x3  }
0x16e: {  	v7 =	vld [tilespmem:s7+$0xFFFFFFC0];
	v5 =	vshll.u32 v5, v1  }
0x16f: {  	v5 =	vadd.s32 $0x3, v5  }
0x170: {  	v5 =	vbroadcast v5, $0x0;
	v3 =	vpack.i.f32.bf16 v3, v3  }
0x171: {  	v4 =	vmul.bf16 v4, v3  }
0x172: {  	v6 =	vmul.bf16 v6, v3  }
0x173: {  	v3 =	vmul.bf16 v7, v3;
	[tilespmem:s7+$0xFFFFFFA0] =	vst v4  }
0x174: {  	[tilespmem:s7+$0xFFFFFFB0] =	vst v6  }
0x175: {  	[tilespmem:s7+$0xFFFFFFC0] =	vst v3  }
0x176: {  	s15 =	simm.s32 $0x4;
	v3 =	vld.idx.msk [tilespmem:v5+s24+$0x0], $0xffff  }
0x177: {  	v4 =	vld [tilespmem:s7+$0xFFFFFFD0];
	v5 =	vmov s15  }
0x178: {  	v6 =	vld [tilespmem:s7+$0xFFFFFFE0];
	v5 =	vshrl.u32 v5, $0x3  }
0x179: {  	v7 =	vld [tilespmem:s7+$0xFFFFFFF0];
	v5 =	vshll.u32 v5, v1  }
0x17a: {  	v5 =	vadd.s32 $0x4, v5  }
0x17b: {  	v5 =	vbroadcast v5, $0x0;
	v3 =	vpack.i.f32.bf16 v3, v3  }
0x17c: {  	v4 =	vmul.bf16 v4, v3  }
0x17d: {  	v6 =	vmul.bf16 v6, v3  }
0x17e: {  	v3 =	vmul.bf16 v7, v3;
	[tilespmem:s7+$0xFFFFFFD0] =	vst v4  }
0x17f: {  	[tilespmem:s7+$0xFFFFFFE0] =	vst v6  }
0x180: {  	[tilespmem:s7+$0xFFFFFFF0] =	vst v3  }
0x181: {  	s18 =	simm.s32 $0x5;
	v3 =	vld.idx.msk [tilespmem:v5+s24+$0x0], $0xffff  }
0x182: {  	v4 =	vld [tilespmem:s7+$0x0];
	v5 =	vmov s18  }
0x183: {  	v6 =	vld [tilespmem:s7+$0x20];
	v5 =	vshrl.u32 v5, $0x3  }
0x184: {  	v7 =	vld [tilespmem:s7+$0x10];
	v5 =	vshll.u32 v5, v1  }
0x185: {  	v5 =	vadd.s32 $0x5, v5  }
0x186: {  	v5 =	vbroadcast v5, $0x0;
	v3 =	vpack.i.f32.bf16 v3, v3  }
0x187: {  	v4 =	vmul.bf16 v4, v3  }
0x188: {  	v6 =	vmul.bf16 v6, v3  }
0x189: {  	v3 =	vmul.bf16 v7, v3;
	[tilespmem:s7+$0x0] =	vst v4  }
0x18a: {  	[tilespmem:s7+$0x20] =	vst v6  }
0x18b: {  	[tilespmem:s7+$0x10] =	vst v3  }
0x18c: {  	s15 =	simm.s32 $0x6;
	v3 =	vld.idx.msk [tilespmem:v5+s24+$0x0], $0xffff  }
0x18d: {  	v4 =	vld [tilespmem:s7+$0x30];
	v5 =	vmov s15  }
0x18e: {  	v6 =	vld [tilespmem:s7+$0x50];
	v5 =	vshrl.u32 v5, $0x3  }
0x18f: {  	v7 =	vld [tilespmem:s7+$0x40];
	v5 =	vshll.u32 v5, v1  }
0x190: {  	v5 =	vadd.s32 $0x6, v5  }
0x191: {  	v5 =	vbroadcast v5, $0x0;
	v3 =	vpack.i.f32.bf16 v3, v3  }
0x192: {  	v4 =	vmul.bf16 v4, v3  }
0x193: {  	v6 =	vmul.bf16 v6, v3  }
0x194: {  	v3 =	vmul.bf16 v7, v3;
	[tilespmem:s7+$0x30] =	vst v4  }
0x195: {  	[tilespmem:s7+$0x50] =	vst v6  }
0x196: {  	s18 =	simm.s32 $0x7;
	[tilespmem:s7+$0x40] =	vst v3  }
0x197: {  	v3 =	vmov s18;
	v4 =	vld.idx.msk [tilespmem:v5+s24+$0x0], $0xffff  }
0x198: {  	v5 =	vshrl.u32 v3, $0x3;
	v3 =	vld [tilespmem:s7+$0x60]  }
0x199: {  	v6 =	vshll.u32 v5, v1;
	v5 =	vld [tilespmem:s7+$0x70]  }
0x19a: {  	v8 =	vadd.s32 $0x7, v6;
	v6 =	vld [tilespmem:s7+$0x80];
	_ =	sdelay $0x2  }
0x19b: {  	s13 =	simm.s32 $0xEE40;
	s15 =	simm.s32 $0x0;
	v7 =	vpack.i.f32.bf16 v4, v4;
	v4 =	vbroadcast v8, $0x0  }
.LBB2_10:
0x19c: {  	s15 =	sadd.s32 $0x2, s15;
	v3 =	vmul.bf16 v3, v7;
	v5 =	vmul.bf16 v5, v7;
	s16 =	sadd.s32 $0x8, s16;
	s7 =	sadd.s32 $0x180, s7  }
0x19d: {  	p1 =	slt.u32 s15, $0x62;
	v6 =	vmul.bf16 v6, v7  }
0x19e: {  	[tilespmem:s13+$0x60] =	vst v3  }
0x19f: {  	[tilespmem:s13+$0x80] =	vst v6  }
0x1a0: {  	[tilespmem:s13+$0x70] =	vst v5  }
0x1a1: {  	v3 =	vld.idx.msk [tilespmem:v4+s24+$0x0], $0xffff  }
0x1a2: {  	v4 =	vld [tilespmem:s13+$0x90]  }
0x1a3: {  	v5 =	vld [tilespmem:s13+$0xB0]  }
0x1a4: {  	v6 =	vmov s16;
	v7 =	vld [tilespmem:s13+$0xA0]  }
0x1a5: {  	v6 =	vshrl.u32 v6, $0x3  }
0x1a6: {  	v6 =	vshll.u32 v6, v1  }
0x1a7: {  	v6 =	vbroadcast v6, $0x0;
	v3 =	vpack.i.f32.bf16 v3, v3  }
0x1a8: {  	v4 =	vmul.bf16 v4, v3;
	v5 =	vmul.bf16 v5, v3  }
0x1a9: {  	v3 =	vmul.bf16 v7, v3  }
0x1aa: {  	[tilespmem:s13+$0x90] =	vst v4  }
0x1ab: {  	[tilespmem:s13+$0xA0] =	vst v3  }
0x1ac: {  	[tilespmem:s13+$0xB0] =	vst v5;
	s13 =	smov.u32 s7  }
0x1ad: {  	v3 =	vld.idx.msk [tilespmem:v6+s24+$0x0], $0xffff  }
0x1ae: {  	s18 =	sadd.s32 $0x1, s16;
	v4 =	vld [tilespmem:s7+$0xFFFFFF50]  }
0x1af: {  	v6 =	vmov s18;
	v5 =	vld [tilespmem:s7+$0xFFFFFF40]  }
0x1b0: {  	v6 =	vshrl.u32 v6, $0x3;
	v7 =	vld [tilespmem:s7+$0xFFFFFF60]  }
0x1b1: {  	v6 =	vshll.u32 v6, v1  }
0x1b2: {  	v6 =	vadd.s32 $0x1, v6  }
0x1b3: {  	v6 =	vbroadcast v6, $0x0;
	v3 =	vpack.i.f32.bf16 v3, v3  }
0x1b4: {  	v4 =	vmul.bf16 v4, v3;
	v5 =	vmul.bf16 v5, v3  }
0x1b5: {  	v3 =	vmul.bf16 v7, v3  }
0x1b6: {  	[tilespmem:s7+$0xFFFFFF40] =	vst v5  }
0x1b7: {  	[tilespmem:s7+$0xFFFFFF60] =	vst v3  }
0x1b8: {  	[tilespmem:s7+$0xFFFFFF50] =	vst v4  }
0x1b9: {  	v3 =	vld.idx.msk [tilespmem:v6+s24+$0x0], $0xffff  }
0x1ba: {  	s18 =	sadd.s32 $0x2, s16;
	v4 =	vld [tilespmem:s7+$0xFFFFFF80]  }
0x1bb: {  	v6 =	vmov s18;
	v5 =	vld [tilespmem:s7+$0xFFFFFF70]  }
0x1bc: {  	v6 =	vshrl.u32 v6, $0x3;
	v7 =	vld [tilespmem:s7+$0xFFFFFF90]  }
0x1bd: {  	v6 =	vshll.u32 v6, v1  }
0x1be: {  	v6 =	vadd.s32 $0x2, v6  }
0x1bf: {  	v6 =	vbroadcast v6, $0x0;
	v3 =	vpack.i.f32.bf16 v3, v3  }
0x1c0: {  	v4 =	vmul.bf16 v4, v3;
	v5 =	vmul.bf16 v5, v3  }
0x1c1: {  	v3 =	vmul.bf16 v7, v3  }
0x1c2: {  	[tilespmem:s7+$0xFFFFFF70] =	vst v5  }
0x1c3: {  	[tilespmem:s7+$0xFFFFFF80] =	vst v4  }
0x1c4: {  	[tilespmem:s7+$0xFFFFFF90] =	vst v3  }
0x1c5: {  	v3 =	vld.idx.msk [tilespmem:v6+s24+$0x0], $0xffff  }
0x1c6: {  	s18 =	sadd.s32 $0x3, s16;
	v4 =	vld [tilespmem:s7+$0xFFFFFFB0]  }
0x1c7: {  	v6 =	vmov s18;
	v5 =	vld [tilespmem:s7+$0xFFFFFFA0]  }
0x1c8: {  	v6 =	vshrl.u32 v6, $0x3;
	v7 =	vld [tilespmem:s7+$0xFFFFFFC0]  }
0x1c9: {  	v6 =	vshll.u32 v6, v1  }
0x1ca: {  	v6 =	vadd.s32 $0x3, v6  }
0x1cb: {  	v6 =	vbroadcast v6, $0x0;
	v3 =	vpack.i.f32.bf16 v3, v3  }
0x1cc: {  	v4 =	vmul.bf16 v4, v3;
	v5 =	vmul.bf16 v5, v3  }
0x1cd: {  	v3 =	vmul.bf16 v7, v3  }
0x1ce: {  	[tilespmem:s7+$0xFFFFFFA0] =	vst v5  }
0x1cf: {  	[tilespmem:s7+$0xFFFFFFB0] =	vst v4  }
0x1d0: {  	[tilespmem:s7+$0xFFFFFFC0] =	vst v3  }
0x1d1: {  	v3 =	vld.idx.msk [tilespmem:v6+s24+$0x0], $0xffff  }
0x1d2: {  	s18 =	sadd.s32 $0x4, s16;
	v4 =	vld [tilespmem:s7+$0xFFFFFFE0]  }
0x1d3: {  	v6 =	vmov s18;
	v5 =	vld [tilespmem:s7+$0xFFFFFFD0]  }
0x1d4: {  	v6 =	vshrl.u32 v6, $0x3;
	v7 =	vld [tilespmem:s7+$0xFFFFFFF0]  }
0x1d5: {  	v6 =	vshll.u32 v6, v1  }
0x1d6: {  	v6 =	vadd.s32 $0x4, v6  }
0x1d7: {  	v6 =	vbroadcast v6, $0x0;
	v3 =	vpack.i.f32.bf16 v3, v3  }
0x1d8: {  	v4 =	vmul.bf16 v4, v3;
	v5 =	vmul.bf16 v5, v3  }
0x1d9: {  	v3 =	vmul.bf16 v7, v3  }
0x1da: {  	[tilespmem:s7+$0xFFFFFFD0] =	vst v5  }
0x1db: {  	[tilespmem:s7+$0xFFFFFFE0] =	vst v4  }
0x1dc: {  	[tilespmem:s7+$0xFFFFFFF0] =	vst v3  }
0x1dd: {  	v3 =	vld.idx.msk [tilespmem:v6+s24+$0x0], $0xffff  }
0x1de: {  	s18 =	sadd.s32 $0x5, s16;
	v4 =	vld [tilespmem:s7+$0x10]  }
0x1df: {  	v6 =	vmov s18;
	v5 =	vld [tilespmem:s7+$0x0]  }
0x1e0: {  	v6 =	vshrl.u32 v6, $0x3;
	v7 =	vld [tilespmem:s7+$0x20]  }
0x1e1: {  	v6 =	vshll.u32 v6, v1  }
0x1e2: {  	v6 =	vadd.s32 $0x5, v6  }
0x1e3: {  	v6 =	vbroadcast v6, $0x0;
	v3 =	vpack.i.f32.bf16 v3, v3  }
0x1e4: {  	v4 =	vmul.bf16 v4, v3;
	v5 =	vmul.bf16 v5, v3  }
0x1e5: {  	v3 =	vmul.bf16 v7, v3  }
0x1e6: {  	[tilespmem:s7+$0x0] =	vst v5  }
0x1e7: {  	[tilespmem:s7+$0x20] =	vst v3  }
0x1e8: {  	[tilespmem:s7+$0x10] =	vst v4  }
0x1e9: {  	v3 =	vld.idx.msk [tilespmem:v6+s24+$0x0], $0xffff  }
0x1ea: {  	s18 =	sadd.s32 $0x6, s16;
	v4 =	vld [tilespmem:s7+$0x40]  }
0x1eb: {  	v6 =	vmov s18;
	v5 =	vld [tilespmem:s7+$0x30]  }
0x1ec: {  	v6 =	vshrl.u32 v6, $0x3;
	v7 =	vld [tilespmem:s7+$0x50]  }
0x1ed: {  	v6 =	vshll.u32 v6, v1  }
0x1ee: {  	v6 =	vadd.s32 $0x6, v6  }
0x1ef: {  	v6 =	vbroadcast v6, $0x0;
	v3 =	vpack.i.f32.bf16 v3, v3  }
0x1f0: {  	v4 =	vmul.bf16 v4, v3;
	v5 =	vmul.bf16 v5, v3  }
0x1f1: {  	v3 =	vmul.bf16 v7, v3  }
0x1f2: {  	[tilespmem:s7+$0x30] =	vst v5  }
0x1f3: {  	[tilespmem:s7+$0x50] =	vst v3  }
0x1f4: {  	[tilespmem:s7+$0x40] =	vst v4  }
0x1f5: {  	v4 =	vld.idx.msk [tilespmem:v6+s24+$0x0], $0xffff  }
0x1f6: {  	s18 =	sadd.s32 $0x7, s16;
	v3 =	vld [tilespmem:s7+$0x60]  }
.Ltmp7:
0x1f7: {  	v7 =	vmov s18;
	v5 =	vld [tilespmem:s7+$0x70];
	(pc) =	sbr.rel @p1 .LBB2_10-.Ltmp7, $4  }
0x1f8: {  	v7 =	vshrl.u32 v7, $0x3;
	v6 =	vld [tilespmem:s7+$0x80]  }
0x1f9: {  	v7 =	vshll.u32 v7, v1  }
0x1fa: {  	v8 =	vadd.s32 $0x7, v7  }
0x1fb: {  	v7 =	vpack.i.f32.bf16 v4, v4;
	v4 =	vbroadcast v8, $0x0  }
0x1fc: {  	v3 =	vmul.bf16 v3, v7  }
0x1fd: {  	v5 =	vmul.bf16 v5, v7  }
0x1fe: {  	v6 =	vmul.bf16 v6, v7;
	[tilespmem:s13+$0x60] =	vst v3  }
0x1ff: {  	[tilespmem:s13+$0x70] =	vst v5  }
0x200: {  	[tilespmem:s13+$0x80] =	vst v6  }
0x201: {  	v3 =	vld.idx.msk [tilespmem:v4+s24+$0x0], $0xffff  }
0x202: {  	v61 =	vld [tilespmem:s13+$0x90]  }
0x203: {  	v62 =	vld [tilespmem:s13+$0xA0]  }
0x204: {  	v63 =	vld [tilespmem:s13+$0xB0];
	_ =	sdelay $0x1  }
0x205: {  	v3 =	vpack.i.f32.bf16 v3, v3  }
0x206: {  	p1 =	seq.s32 s12, $0x18;
	v4 =	vmul.bf16 v61, v3  }
.Ltmp8:
0x207: {  	v5 =	vmul.bf16 v62, v3;
	(pc) =	sbr.rel @p1 .LBB2_17-.Ltmp8, $4  }
0x208: {  	v3 =	vmul.bf16 v63, v3;
	[tilespmem:s13+$0x90] =	vst v4  }
0x209: {  	[tilespmem:s13+$0xA0] =	vst v5  }
0x20a: {  	s7 =	sadd.s32 $0x190, s14;
	[tilespmem:s13+$0xB0] =	vst v3  }
0x20b: {  	[spmem:s1] =	stream.indirect.scatter.add.bf16 [tilespmem:s26], [sflag:$0x6], $0x30, s7, s21, $0xb8;
	[tilespmem:$0x1ADB0] =	vst v63  }
0x20c: {  	s12 =	sadd.s32 $0x1, s12  }
0x20d: {  	s7 =	sshll.u32 s12, $0x1  }
0x20e: {  	s13 =	sadd.s32 s8, s7  }
0x20f: {  	s13 =	smul.u32 $0x190, s13;
	_ =	sdelay $0x1  }
0x210: {  	_ =	swait.ge [sflag:s0], $0x4B00;
	s13 =	sadd.s32 s9, s13  }
0x211: {  	[sflag:s0] =	ssyncset.done $0x0;
	s13 =	sshrl.u32 s13, $0x3  }
0x212: {  	[sflag:s0] =	ssyncadd.s32 $0xFFFFB500;
	s13 =	sadd.s32 s5, s13  }
0x213: {  	[tilespmem:s20], [sflag:$0x1] =	stream.linear.gather [hbm4b:s13+s3], $0x190, $0x38;
	[tilespmem:$0x1ADB0] =	vst v63  }
0x214: {  	v3 =	vld [tilespmem:s6+$0xFFFFFFF0];
	_ =	sdelay $0x4  }
0x215: {  	s13 =	simm.s32 $0x9F70;
	v3 =	vadd.s32 v2, v3  }
0x216: {  	[tilespmem:s13+$0xFFFFFFF0] =	vst v3  }
0x217: {  	v3 =	vld [tilespmem:s6+$0x0];
	_ =	sdelay $0x3  }
0x218: {  	s14 =	smul.u32 $0xC80, s12  }
0x219: {  	v3 =	vadd.s32 v2, v3  }
0x21a: {  	s15 =	simm.s32 $0x0;
	s16 =	sadd.s32 $0x20, s6;
	s14 =	sshra.s32 s14, $0x2;
	[tilespmem:s13+$0x0] =	vst v3  }
.LBB2_13:
0x21b: {  	v3 =	vld [tilespmem:s16+$0xFFFFFFF0];
	s15 =	sadd.s32 $0x2, s15  }
0x21c: {  	p1 =	slt.u32 s15, $0x16;
	_ =	sdelay $0x3  }
0x21d: {  	s13 =	sadd.s32 $0x20, s13;
	v3 =	vadd.s32 v2, v3  }
0x21e: {  	[tilespmem:s13+$0xFFFFFFF0] =	vst v3  }
0x21f: {  	v3 =	vld [tilespmem:s16+$0x0];
	_ =	sdelay $0x1  }
.Ltmp9:
0x220: {  	(pc) =	sbr.rel @p1 .LBB2_13-.Ltmp9, $3  }
0x221: {  	_ =	sdelay $0x1  }
0x222: {  	v3 =	vadd.s32 v2, v3  }
0x223: {  	s16 =	sadd.s32 $0x20, s16;
	[tilespmem:s13+$0x0] =	vst v3  }
0x224: {  	v3 =	vld [tilespmem:s14+$0x4FA0];
	_ =	sdelay $0x3  }
0x225: {  	s13 =	sor.u32 $0x1, s7  }
0x226: {  	s7 =	sadd.s32 s8, s13;
	v3 =	vadd.s32 v2, v3  }
0x227: {  	s7 =	smul.u32 $0x190, s7;
	[tilespmem:$0xA0E0] =	vst v3  }
0x228: {  	[tilespmem:s23], [sflag:$0x3] =	stream.indirect.gather [hbm4b:s4+s21], $0x30, s22, s21, $0xb8;
	[tilespmem:$0x1ADB0] =	vst v63  }
0x229: {  	s7 =	sadd.s32 s9, s7;
	_ =	swait.ge [sflag:s19], $0x4B00  }
0x22a: {  	s7 =	sshrl.u32 s7, $0x3;
	[sflag:s19] =	ssyncset.done $0x0  }
0x22b: {  	s7 =	sadd.s32 s5, s7;
	[sflag:s19] =	ssyncadd.s32 $0xFFFFB500  }
0x22c: {  	[tilespmem:s24], [sflag:$0x2] =	stream.linear.gather [hbm4b:s7+s3], $0x190, $0x38;
	[tilespmem:$0x1ADB0] =	vst v63  }
0x22d: {  	v3 =	vld [tilespmem:s10+$0xFFFFFFF0];
	_ =	sdelay $0x4  }
0x22e: {  	s7 =	simm.s32 $0xA100;
	v3 =	vadd.s32 v2, v3  }
0x22f: {  	[tilespmem:s7+$0xFFFFFFF0] =	vst v3  }
0x230: {  	v3 =	vld [tilespmem:s10+$0x0];
	_ =	sdelay $0x3  }
0x231: {  	s13 =	smul.u32 $0x640, s13  }
0x232: {  	v3 =	vadd.s32 v2, v3  }
0x233: {  	s14 =	simm.s32 $0x0;
	s15 =	sadd.s32 $0x20, s10;
	s13 =	sshra.s32 s13, $0x2;
	[tilespmem:s7+$0x0] =	vst v3  }
.LBB2_15:
0x234: {  	v3 =	vld [tilespmem:s15+$0xFFFFFFF0];
	s14 =	sadd.s32 $0x2, s14  }
0x235: {  	p1 =	slt.u32 s14, $0x16;
	_ =	sdelay $0x3  }
0x236: {  	s7 =	sadd.s32 $0x20, s7;
	v3 =	vadd.s32 v2, v3  }
0x237: {  	[tilespmem:s7+$0xFFFFFFF0] =	vst v3  }
0x238: {  	v3 =	vld [tilespmem:s15+$0x0];
	_ =	sdelay $0x1  }
.Ltmp10:
0x239: {  	(pc) =	sbr.rel @p1 .LBB2_15-.Ltmp10, $3  }
0x23a: {  	_ =	sdelay $0x1  }
0x23b: {  	v3 =	vadd.s32 v2, v3  }
0x23c: {  	s15 =	sadd.s32 $0x20, s15;
	[tilespmem:s7+$0x0] =	vst v3  }
0x23d: {  	v3 =	vld [tilespmem:s13+$0x4FA0];
	_ =	sdelay $0x1  }
0x23e: {  	p1 =	sne.s32 s12, $0x19  }
.Ltmp11:
0x23f: {  	_ = 	snop;
	(pc) =	sbr.rel @p1 .LBB2_7-.Ltmp11, $4  }
.Ltmp12:
0x240: {  	_ = 	snop;
	(pc) =	sbr.rel @!p1 .LBB2_17-.Ltmp12, $4  }
0x241: {  	v3 =	vadd.s32 v2, v3  }
0x242: {  	s6 =	sadd.s32 $0x320, s6;
	s10 =	sadd.s32 $0x320, s10;
	[tilespmem:$0xA270] =	vst v3  }
0x243: {  	[tilespmem:s26], [sflag:$0x4] =	stream.indirect.gather [hbm4b:s4+s21], $0x30, s25, s21, $0xb8;
	[tilespmem:$0x1ADB0] =	vst v63  }
0x244: {  	_ = 	snop  }
.LBB2_19:
0x245: {  	_ =	sfence.sel $0x180000  }
0x246: {  	[bflag:$0x0] =	sbarrier.arrive $0xFFFF  }
0x247: {  	_ =	strace $0x9000004A  }
0x248: {  	s0 =	stileid.u32;
	[bflag:$0x2] =	sbarrier.arrive $0xFFFF  }
0x249: {  	p0 =	sne.s32 s0, $0x0;
	s0 =	rddreg [dreg:$0x3]  }
0x24a: {  	s0 =	sadd.s32 @!p0 $0x100000, s0  }
0x24b: {  	[sflag:s0] =	ssyncadd.tile.s32 @!p0 $0x1;
	_ =	shalt  }
.Lfunc_end2:
_tile_overlayer_lowered:
.L_overlay_start_2:
0x24c: {  	(tag) =	ssettag $0x2  }
0x24d: {  	s0 =	rddreg [dreg:$0x0];
	s2 =	stileid.u32  }
0x24e: {  	s1 =	rddreg [dreg:$0x1];
	p0 =	sne.s32 s2, $0x0  }
0x24f: {  	s3 =	rddreg [dreg:$0x2];
	[bflag:$0x3] =	sbarrier.arrive $0xFFFF;
	s2 =	simm.s32 @!p0 $0x1C07  }
0x250: {  	[timem:s3], [sflag:s2] =	dma.local @!p0 [hbm:s0], s1  }
0x251: {  	s0 =	simm.s32 @!p0 $0x7  }
0x252: {  	_ =	swait.ge @!p0 [sflag:s0], s1  }
0x253: {  	s1 =	ssub.s32 @!p0 $0x0, s1;
	[sflag:s0] =	ssyncset.done @!p0 $0x0  }
0x254: {  	[sflag:s0] =	ssyncadd.s32 @!p0 s1  }
0x255: {  	[bflag:$0x3] =	sbarrier.arrive $0xFFFF  }
0x256: {  	_ =	shalt  }

// kernel: kernel.15.cloned.1.call-start
scs
__scs_entry_jumppad:
0x0: {  	(pc) =	sbr.rel $0x88, $3  }
0x1: {  	(tag) =	ssettag $0x0;
	lr =	simm.s32 $0x1  }
0x2: {  	[smem:$0x3F9B] =	sst lr;
	_ =	strace $0xD0000000  }
0x3: {  	_ = 	snop  }
0x4: {  	_ = 	snop  }
0x5: {  	_ = 	snop  }
0x6: {  	_ = 	snop  }
0x7: {  	_ = 	snop  }
__scs_overlays_trampoline_lowered:
0x8: {  	[smem:$0x3FAA] =	sst s0  }
0x9: {  	[smem:$0x3FAB] =	sst s1  }
0xa: {  	[smem:$0x3FAC] =	sst s2  }
0xb: {  	[smem:$0x3FAD] =	sst s3  }
0xc: {  	[smem:$0x3FAE] =	sst s4  }
0xd: {  	[smem:$0x3FAF] =	sst s5  }
0xe: {  	[smem:$0x3FB0] =	sst s6  }
0xf: {  	[smem:$0x3FB1] =	sst s7  }
0x10: {  	[smem:$0x3FB2] =	sst s8  }
0x11: {  	[smem:$0x3FB3] =	sst s9;
	s0 =	simm.s32 @!p0 $0x0  }
0x12: {  	s1 =	sld [smem:$0x3F99];
	s0 =	simm.s32 @p0 $0x1  }
0x13: {  	[smem:$0x3FB4] =	sst s0;
	s0 =	simm.s32 @!p1 $0x0  }
0x14: {  	s2 =	sld [smem:$0x3F98];
	s0 =	simm.s32 @p1 $0x1  }
0x15: {  	[smem:$0x3FB5] =	sst s0;
	s0 =	simm.s32 @!p2 $0x0  }
0x16: {  	s3 =	sld [smem:$0x3FDB];
	s0 =	simm.s32 @p2 $0x1  }
0x17: {  	s4 =	simm.s32 $0x1BF5;
	[smem:$0x3FB7] =	sst s0  }
0x18: {  	s0 =	sld [smem:$0x3F9A];
	_ =	swait.ge [sflag:s4], $0x0  }
0x19: {  	s7 =	sld [smem:$0x3F9B]  }
0x1a: {  	s8 =	sadd.s32 $0xFFFFE003, lr  }
0x1b: {  	s9 =	sadd.s32 $0xFFFFFEF7, lr;
	s5 =	simm.s32 $0xFFFFFFFF;
	p2 =	slt.u32 s8, $0xFFFFF086  }
0x1c: {  	p1 =	slt.u32 s9, $0xF7A;
	s5 =	simm.s32 @!p2 $0x0  }
0x1d: {  	s5 =	simm.s32 @p1 $0x1;
	p0 =	seq.s32 s7, s2  }
0x1e: {  	s7 =	smul.u32 @!p0 $0xF7A, s2;
	p2 =	seq.s32 @!p0 s5, $0x0  }
0x1f: {  	s9 =	smul.u32 $0xF7A, s1;
	s8 =	simm.s32 @!p0 $0x1BF5;
	p2 =	por !p2, p0  }
0x20: {  	[sflag:s8] =	ssyncset.s32 @!p0 $0xFFFFF086;
	s6 =	sadd.s32 @!p0 s3, s7;
	s7 =	simm.s32 @!p0 $0x108  }
0x21: {  	s3 =	sadd.s32 s3, s9;
	s6 =	sadd.s32 @!p0 $0x88, s6;
	s7 =	simm.s32 @p2 $0x1082  }
0x22: {  	[simem:s7], [sflag:s8] =	dma.local @!p0 [hbm:s6], $0xF7A  }
0x23: {  	s9 =	sor.u32 $0xD0000000, s2;
	s6 =	simm.s32 $0x108;
	_ =	swait.ge @!p0 [sflag:s8], $0x0  }
0x24: {  	s3 =	sadd.s32 $0x88, s3;
	s6 =	simm.s32 @!p1 $0x1082;
	[sflag:s4] =	ssyncset.s32 $0xFFFFF086  }
0x25: {  	[simem:s6], [sflag:s4] =	dma.local [hbm:s3], $0xF7A  }
0x26: {  	[smem:$0x3F9B] =	sst s1;
	(tag) =	ssettag s2;
	_ =	strace s9  }
0x27: {  	s1 =	sld [smem:$0x3FAB]  }
0x28: {  	s2 =	sld [smem:$0x3FAC]  }
0x29: {  	s4 =	sld [smem:$0x3FAE]  }
0x2a: {  	p0 =	seq.s32 s5, $0x0;
	s5 =	sld [smem:$0x3FAF]  }
0x2b: {  	s6 =	sld [smem:$0x3FB0]  }
0x2c: {  	s7 =	sld [smem:$0x3FB1]  }
0x2d: {  	s3 =	simm.s32 $0x108;
	s8 =	sld [smem:$0x3FB2]  }
0x2e: {  	s3 =	simm.s32 @!p0 $0x1082;
	s9 =	sld [smem:$0x3FB3]  }
0x2f: {  	lr =	sadd.s32 s0, s3;
	s0 =	sld [smem:$0x3FAA]  }
0x30: {  	s3 =	sld [smem:$0x3FAD]  }
0x31: {  	[smem:$0x3FB6] =	sst s10  }
0x32: {  	s10 =	sld [smem:$0x3FB4];
	_ =	sdelay $0x3  }
0x33: {  	p0 =	seq.s32 s10, $0x1;
	s10 =	sld [smem:$0x3FB6];
	_ =	sdelay $0x3  }
0x34: {  	[smem:$0x3FB6] =	sst s10  }
0x35: {  	s10 =	sld [smem:$0x3FB5];
	_ =	sdelay $0x3  }
0x36: {  	p1 =	seq.s32 s10, $0x1;
	s10 =	sld [smem:$0x3FB6];
	_ =	sdelay $0x3  }
0x37: {  	[smem:$0x3FB6] =	sst s10  }
0x38: {  	s10 =	sld [smem:$0x3FB7]  }
0x39: {  	_ = 	snop;
	(pc) =	sbr.ind lr, $3  }
0x3a: {  	_ = 	snop  }
0x3b: {  	_ = 	snop  }
0x3c: {  	p2 =	seq.s32 s10, $0x1;
	s10 =	sld [smem:$0x3FB6]  }
0x3d: {  	_ =	shalt  }
0x3e: {  	_ =	shalt  }
0x3f: {  	_ =	shalt  }
0x40: {  	_ =	shalt  }
0x41: {  	_ =	shalt  }
0x42: {  	_ =	shalt  }
0x43: {  	_ =	shalt  }
0x44: {  	_ =	shalt  }
0x45: {  	_ =	shalt  }
0x46: {  	_ =	shalt  }
0x47: {  	_ =	shalt  }
0x48: {  	_ =	shalt  }
0x49: {  	_ =	shalt  }
0x4a: {  	_ =	shalt  }
0x4b: {  	_ =	shalt  }
0x4c: {  	_ =	shalt  }
0x4d: {  	_ =	shalt  }
0x4e: {  	_ =	shalt  }
0x4f: {  	_ =	shalt  }
0x50: {  	_ =	shalt  }
0x51: {  	_ =	shalt  }
0x52: {  	_ =	shalt  }
0x53: {  	_ =	shalt  }
0x54: {  	_ =	shalt  }
0x55: {  	_ =	shalt  }
0x56: {  	_ =	shalt  }
0x57: {  	_ =	shalt  }
0x58: {  	_ =	shalt  }
0x59: {  	_ =	shalt  }
0x5a: {  	_ =	shalt  }
0x5b: {  	_ =	shalt  }
0x5c: {  	_ =	shalt  }
0x5d: {  	_ =	shalt  }
0x5e: {  	_ =	shalt  }
0x5f: {  	_ =	shalt  }
0x60: {  	_ =	shalt  }
0x61: {  	_ =	shalt  }
0x62: {  	_ =	shalt  }
0x63: {  	_ =	shalt  }
0x64: {  	_ =	shalt  }
0x65: {  	_ =	shalt  }
0x66: {  	_ =	shalt  }
0x67: {  	_ =	shalt  }
0x68: {  	_ =	shalt  }
0x69: {  	_ =	shalt  }
0x6a: {  	_ =	shalt  }
0x6b: {  	_ =	shalt  }
0x6c: {  	_ =	shalt  }
0x6d: {  	_ =	shalt  }
0x6e: {  	_ =	shalt  }
0x6f: {  	_ =	shalt  }
0x70: {  	_ =	shalt  }
0x71: {  	_ =	shalt  }
0x72: {  	_ =	shalt  }
0x73: {  	_ =	shalt  }
0x74: {  	_ =	shalt  }
0x75: {  	_ =	shalt  }
0x76: {  	_ =	shalt  }
0x77: {  	_ =	shalt  }
0x78: {  	_ =	shalt  }
0x79: {  	_ =	shalt  }
0x7a: {  	_ =	shalt  }
0x7b: {  	_ =	shalt  }
0x7c: {  	_ =	shalt  }
0x7d: {  	_ =	shalt  }
0x7e: {  	_ =	shalt  }
0x7f: {  	_ =	shalt  }
0x80: {  	_ =	shalt  }
0x81: {  	_ =	shalt  }
0x82: {  	_ =	shalt  }
0x83: {  	_ =	shalt  }
0x84: {  	_ =	shalt  }
0x85: {  	_ =	shalt  }
0x86: {  	_ =	shalt  }
0x87: {  	_ =	shalt  }
.Lfunc_end0:
.L_simem_size_0:
called_computation.2_lowered:
.L_overlay_start_0:
0x88: {  	s2 =	sld [smem:$0x3FD9]  }
0x89: {  	s3 =	sld [smem:$0x3FFE];
	_ =	sdelay $0x1  }
0x8a: {  	s1 =	srdreg.scid  }
0x8b: {  	s0 =	sand.u32 $0x1, s1  }
0x8c: {  	s17 =	sshll.u32 s0, $0xA;
	s2 =	sadd.s32 s3, s2  }
0x8d: {  	s2 =	sadd.s32 s2, s17  }
0x8e: {  	[smem:$0x3FC2] =	sst s2  }
0x8f: {  	_ = 	snop  }
0x90: {  	s2 =	sld [smem:$0x3FD0];
	(tm) =	ssettm $0x1  }
0x91: {  	s18 =	sld [smem:$0x3FFB];
	_ =	sdelay $0x3  }
0x92: {  	_ =	strace s18  }
0x93: {  	s3 =	sld [smem:$0x3FFC];
	_ =	sdelay $0x3  }
0x94: {  	_ =	strace s3  }
0x95: {  	s3 =	sld [smem:$0x3FFD];
	_ =	sdelay $0x3  }
0x96: {  	_ =	strace s3  }
0x97: {  	_ =	strace $0x8FFFFFFF  }
0x98: {  	s19 =	sld [smem:$0x3FDB];
	_ =	sdelay $0x1  }
0x99: {  	s4 =	simm.s32 $_scs_section_size  }
0x9a: {  	s5 =	simm.s32 $_size__tile_overlayer_lowered;
	s6 =	simm.s32 $_tile_overlayer_lowered  }
0x9b: {  	s22 =	simm.s32 $0x1BFF;
	s21 =	sshll.u32 s6, $0x1;
	s3 =	sadd.s32 s4, s19  }
0x9c: {  	s7 =	simm.s32 $0x0;
	s20 =	sshll.u32 s5, $0x1;
	s5 =	sadd.s32 s21, s3  }
0x9d: {  	[timem:s7], [sflag:s22] =	dma.local [hbm:s5], s20  }
0x9e: {  	_ =	swait.ge [sflag:s22], s20  }
0x9f: {  	s4 =	ssub.s32 $0x0, s20;
	[sflag:s22] =	ssyncset.done $0x0  }
0xa0: {  	[sflag:s22] =	ssyncadd.s32 s4;
	_ =	sdelay $0x1  }
0xa1: {  	s23 =	simm.s32 $0x1B8B  }
0xa2: {  	_ =	swait.ge [sflag:s23], $0x1  }
0xa3: {  	[sflag:s23] =	ssyncset.done $0x0  }
0xa4: {  	s25 =	simm.s32 $0x1B8E;
	s24 =	sld [smem:$0x3FFE];
	[sflag:s23] =	ssyncadd.s32 $0xFFFFFFFF  }
0xa5: {  	s26 =	simm.s32 $execute0_lowered;
	[smem:$0x3FD2] =	sst s25  }
0xa6: {  	s5 =	sshll.u32 s26, $0x1;
	_ =	strace $0x8000004C;
	[dreg:$0x1] =	wrdreg $0xFFFFFFFF  }
0xa7: {  	s28 =	simm.s32 $_size_execute0_lowered;
	s3 =	sadd.s32 s3, s5;
	[dreg:$0x0] =	wrdreg $0x0  }
0xa8: {  	s5 =	sshll.u32 s28, $0x1;
	[dreg:$0x2] =	wrdreg s3  }
0xa9: {  	[dreg:$0x3] =	wrdreg s5  }
0xaa: {  	[dreg:$0x4] =	wrdreg $0xC0  }
0xab: {  	_ =	task [dreg:s7], $0x5FFFF  }
0xac: {  	[dreg:$0x1] =	wrdreg $0xFFFFFFFF  }
0xad: {  	[dreg:$0x0] =	wrdreg $0x60  }
0xae: {  	[dreg:$0x2] =	wrdreg s24  }
0xaf: {  	[dreg:$0x3] =	wrdreg s2  }
0xb0: {  	[dreg:$0x4] =	wrdreg $0x135600  }
0xb1: {  	[dreg:$0x5] =	wrdreg $0x9  }
0xb2: {  	_ =	task.clear_ibuf [dreg:s7], $0x6FFFF;
	_ =	strace $0x9000004C  }
0xb3: {  	s29 =	simm.s32 $0x9;
	_ =	strace $0x8000004E  }
0xb4: {  	_ =	swait.ge [sflag:s29], $0x1  }
0xb5: {  	[sflag:s29] =	ssyncadd.s32 $0xFFFFFFFF  }
0xb6: {  	_ =	strace $0x9000004E  }
0xb7: {  	_ =	sfence  }
0xb8: {  	s30 =	sld [smem:$0x0];
	_ =	sdelay $0x2  }
0xb9: {  	s31 =	sshll.u32 s1, $0xD;
	s1 =	sshrl.u32 s1, $0x2  }
0xba: {  	s3 =	sand.u32 $0x4000, s31;
	s1 =	sadd.s32 s1, s30  }
0xbb: {  	s0 =	sor.u32 s3, s0;
	s1 =	sshll.u32 s1, $0x11  }
0xbc: {  	s0 =	sor.u32 s1, s0  }
0xbd: {  	s0 =	sadd.s32 $0x8F2B, s0  }
0xbe: {  	[sflag:s0] =	ssyncadd.remote.s32 $0x1  }
0xbf: {  	_ =	sfence.sel $0xFFFF  }
0xc0: {  	[dreg:$0x0] =	wrdreg $0xFFFFFFFF;
	(pc) =	sbr.abs _section_cstart, $3  }
0xc1: {  	[dreg:$0x1] =	wrdreg $0xFFFFFFFF  }
0xc2: {  	_ =	task.clear_ibuf [dreg:s7], $0x2FFFF;
	_ =	strace $0x9FFFFFFF  }
0xc3: {  	(tm) =	ssettm $0x7FFFFFFF  }
tec
execute0_lowered:
.L_overlay_start_1:
0x0: {  	(tag) =	ssettag $0x1  }
0x1: {  	s0 =	rddreg [dreg:$0x0]  }
0x2: {  	s2 =	rddreg [dreg:$0x1];
	s3 =	srdreg.scid  }
0x3: {  	s1 =	rddreg [dreg:$0x2];
	s5 =	sand.u32 $0x1, s3;
	s3 =	simm.s32 $0x0  }
0x4: {  	s8 =	sadd.s32 $0xE00, s0;
	[smem:$0x7FF] =	sst s3  }
0x5: {  	s25 =	sadd.s32 $0xE7D, s0;
	_ =	strace $0x8000004D;
	[dreg:$0x4] =	wrdreg s8  }
0x6: {  	s26 =	sadd.s32 $0xEFA, s0;
	[dreg:$0x7] =	wrdreg s25  }
0x7: {  	s28 =	sadd.s32 $0xF77, s0;
	[dreg:$0x8] =	wrdreg s26  }
0x8: {  	s11 =	stileid.u32;
	s30 =	sadd.s32 $0xFF4, s0;
	[dreg:$0x9] =	wrdreg s28  }
0x9: {  	s10 =	sadd.s32 $0x1E800, s0;
	s12 =	sadd.s32 $0x116B, s0;
	[dreg:$0xa] =	wrdreg s30  }
0xa: {  	s24 =	smul.u32 $0xF00, s11;
	s13 =	sadd.s32 $0x11E8, s0;
	[dreg:$0xd] =	wrdreg s12  }
0xb: {  	s15 =	sadd.s32 $0x1265, s0;
	s16 =	sadd.s32 $0x12E2, s0;
	[dreg:$0xe] =	wrdreg s13  }
0xc: {  	s17 =	sadd.s32 $0x135F, s0;
	s18 =	sadd.s32 $0x13DC, s0;
	[dreg:$0xf] =	wrdreg s15  }
0xd: {  	s19 =	sadd.s32 $0x1459, s0;
	s21 =	sadd.s32 $0x14D6, s0;
	[dreg:$0x10] =	wrdreg s16  }
0xe: {  	s22 =	smul.u32 $0x1E000, s11;
	p0 =	seq.s32 s11, $0xF;
	[dreg:$0x11] =	wrdreg s17  }
0xf: {  	s4 =	sshll.u32 s5, $0x4;
	s14 =	smul.u32 $0xEA60, s5;
	[dreg:$0x12] =	wrdreg s18  }
0x10: {  	s7 =	ssub.s32 $0x2, s5;
	s5 =	smul.u32 $0x75300, s5;
	[dreg:$0x13] =	wrdreg s19  }
0x11: {  	s4 =	sor.u32 s11, s4;
	s23 =	sshrl.u32 s7, $0x1;
	[dreg:$0x15] =	wrdreg s21  }
0x12: {  	s25 =	sadd.s32 $0x164D, s0;
	s26 =	sadd.s32 $0x16CA, s0;
	s28 =	sshrl.u32 s22, $0x2  }
0x13: {  	s21 =	simm.s32 $0x7530;
	s8 =	simm.s32 $0x190;
	s11 =	simm.s32 $0x1  }
0x14: {  	s12 =	simm.s32 $0x13240;
	s13 =	simm.s32 $0x2;
	s15 =	simm.s32 $0x3  }
0x15: {  	s16 =	simm.s32 $0x4;
	s17 =	simm.s32 $0x0;
	s6 =	smul.u32 $0x4E2, s4  }
0x16: {  	s4 =	sadd.s32 $0xFC00, s0;
	s7 =	ssub.s32 s7, s23;
	[dreg:$0x18] =	wrdreg s25  }
0x17: {  	s20 =	sshrl.u32 s5, $0x3;
	s23 =	sadd.s32 $0x1553, s0;
	[dreg:$0x19] =	wrdreg s26  }
0x18: {  	s29 =	sadd.s32 s28, s1;
	[dreg:$0x16] =	wrdreg s23;
	s2 =	sadd.s32 s2, s6  }
0x19: {  	s9 =	sadd.s32 s6, s0;
	s6 =	sadd.s32 $0x1071, s0;
	[dreg:$0x6] =	wrdreg s2  }
0x1a: {  	s5 =	simm.s32 $0x5;
	s9 =	sadd.s32 $0x5E00, s9;
	[dreg:$0xb] =	wrdreg s6  }
0x1b: {  	s2 =	sadd.s32 s24, s14;
	s24 =	sadd.s32 $0x15D0, s0;
	[dreg:$0x5] =	wrdreg s9  }
0x1c: {  	s31 =	smax.u32 s7, $0x1;
	s9 =	sadd.s32 $0x10EE, s0;
	[dreg:$0x17] =	wrdreg s24  }
.Ltmp0:
0x1d: {  	s2 =	sadd.s32 s10, s2;
	[dreg:$0xc] =	wrdreg s9;
	(pc) =	sbr.rel .LBB2_1-.Ltmp0, $4  }
0x1e: {  	s7 =	simm.s32 $0x2710;
	s0 =	sadd.s32 $0x1747, s0;
	[dreg:$0x14] =	wrdreg s2  }
0x1f: {  	s14 =	simm.s32 $0x133D0;
	s2 =	sadd.s32 s10, s20;
	[dreg:$0x1a] =	wrdreg s0  }
0x20: {  	s0 =	sadd.s32 $0x4B00, s29;
	s9 =	simm.s32 $0x9C40;
	s30 =	sadd.s32 $0xE100, s2  }
0x21: {  	v0 =	vimm.f32 $0.0e+00;
	s10 =	simm.s32 $0xE740;
	s2 =	sadd.s32 $0x70800, s1;
	[dreg:$0x1b] =	wrdreg s30  }
.LBB2_18:
0x22: {  	_ =	swait.ge [sflag:s15], $0x4B00  }
0x23: {  	[sflag:s15] =	ssyncset.done $0x0  }
0x24: {  	[sflag:s15] =	ssyncadd.s32 $0xFFFFB500  }
0x25: {  	_ =	swait.ge [sflag:s16], $0x4B00  }
0x26: {  	[sflag:s16] =	ssyncset.done $0x0  }
0x27: {  	[sflag:s16] =	ssyncadd.s32 $0xFFFFB500  }
0x28: {  	[bflag:$0x0] =	sbarrier.arrive $0xFFFF  }
0x29: {  	s6 =	sshrl.u32 @p0 s2, $0x3;
	s18 =	simm.s32 @p0 $0x1FC5;
	s19 =	rddreg [dreg:$0x1b]  }
0x2a: {  	[hbm:s19], [sflag:s18] =	dma.local @p0 [spmem:s6], $0x960  }
0x2b: {  	s17 =	sadd.s32 $0x1, s17;
	s6 =	simm.s32 @p0 $0x5  }
0x2c: {  	p1 =	sne.s32 s17, s31;
	s18 =	stileid.u32;
	_ =	swait.ge @p0 [sflag:s6], $0x960  }
0x2d: {  	s18 =	sshll.u32 @!p0 s18, $0x6;
	[sflag:s6] =	ssyncset.done @p0 $0x0;
	s19 =	rddreg [dreg:$0x14]  }
0x2e: {  	[sflag:s6] =	ssyncadd.s32 @p0 $0xFFFFF6A0;
	s6 =	sor.u32 @!p0 $0x1C05, s18;
	s18 =	sshrl.u32 @!p0 s29, $0x3  }
0x2f: {  	[hbm:s19], [sflag:s6] =	dma.local @!p0 [spmem:s18], $0xF00  }
.Ltmp1:
0x30: {  	_ = 	snop;
	(pc) =	sbr.rel @!p1 .LBB2_19-.Ltmp1, $4  }
0x31: {  	s6 =	simm.s32 @!p0 $0x5  }
0x32: {  	_ =	swait.ge @!p0 [sflag:s6], $0xF00  }
0x33: {  	[sflag:s6] =	ssyncset.done @!p0 $0x0  }
0x34: {  	s21 =	simm.s32 $0x7530;
	[sflag:s6] =	ssyncadd.s32 @!p0 $0xFFFFF100  }
.LBB2_1:
0x35: {  	s6 =	rddreg [dreg:$0x5];
	s18 =	simm.s32 $0x4E20  }
0x36: {  	[tilespmem:s18], [sflag:$0x5] =	stream.linear.gather [hbm4b:s6+s3], $0x2710, $0x38;
	[tilespmem:$0x1AA90] =	vst v63  }
0x37: {  	_ =	swait.ge [sflag:s5], $0x2710  }
0x38: {  	[sflag:s5] =	ssyncset.done $0x0  }
0x39: {  	s19 =	rddreg [dreg:$0x6];
	[sflag:s5] =	ssyncadd.s32 $0xFFFFD8F0  }
0x3a: {  	[tilespmem:s21], [sflag:$0x5] =	stream.linear.gather [hbm4b:s19+s3], $0x2710, $0x38;
	[tilespmem:$0x1AA90] =	vst v63  }
0x3b: {  	_ =	swait.ge [sflag:s5], $0x2710  }
0x3c: {  	[sflag:s5] =	ssyncset.done $0x0  }
0x3d: {  	s20 =	rddreg [dreg:$0x4];
	[sflag:s5] =	ssyncadd.s32 $0xFFFFD8F0  }
0x3e: {  	[tilespmem:s3], [sflag:$0x5] =	stream.linear.gather [hbm4b:s20+s3], $0x3E8, $0x38;
	[tilespmem:$0x1AA90] =	vst v63  }
0x3f: {  	_ =	swait.ge [sflag:s5], $0x3E8  }
0x40: {  	[sflag:s5] =	ssyncset.done $0x0  }
0x41: {  	s22 =	rddreg [dreg:$0x7];
	[sflag:s5] =	ssyncadd.s32 $0xFFFFFC18  }
0x42: {  	[tilespmem:s7], [sflag:$0x5] =	stream.linear.gather [hbm4b:s22+s3], $0x3E8, $0x38;
	[tilespmem:$0x1AA90] =	vst v63  }
0x43: {  	_ =	swait.ge [sflag:s5], $0x3E8  }
0x44: {  	[sflag:s5] =	ssyncset.done $0x0  }
0x45: {  	s24 =	simm.s32 $0x3E8;
	s23 =	rddreg [dreg:$0x8];
	[sflag:s5] =	ssyncadd.s32 $0xFFFFFC18  }
0x46: {  	[tilespmem:s24], [sflag:$0x5] =	stream.linear.gather [hbm4b:s23+s3], $0x3E8, $0x38;
	[tilespmem:$0x1AA90] =	vst v63  }
0x47: {  	_ =	swait.ge [sflag:s5], $0x3E8  }
0x48: {  	[sflag:s5] =	ssyncset.done $0x0  }
0x49: {  	s26 =	simm.s32 $0x2AF8;
	s25 =	rddreg [dreg:$0x9];
	[sflag:s5] =	ssyncadd.s32 $0xFFFFFC18  }
0x4a: {  	[tilespmem:s26], [sflag:$0x5] =	stream.linear.gather [hbm4b:s25+s3], $0x3E8, $0x38;
	[tilespmem:$0x1AA90] =	vst v63  }
0x4b: {  	_ =	swait.ge [sflag:s5], $0x3E8  }
0x4c: {  	[sflag:s5] =	ssyncset.done $0x0  }
0x4d: {  	s30 =	simm.s32 $0x7D0;
	s28 =	rddreg [dreg:$0xa];
	[sflag:s5] =	ssyncadd.s32 $0xFFFFFC18  }
0x4e: {  	[tilespmem:s30], [sflag:$0x5] =	stream.linear.gather [hbm4b:s28+s3], $0x3E8, $0x38;
	[tilespmem:$0x1AA90] =	vst v63  }
0x4f: {  	_ =	swait.ge [sflag:s5], $0x3E8  }
0x50: {  	[sflag:s5] =	ssyncset.done $0x0  }
0x51: {  	s19 =	simm.s32 $0x2EE0;
	s18 =	rddreg [dreg:$0xb];
	[sflag:s5] =	ssyncadd.s32 $0xFFFFFC18  }
0x52: {  	[tilespmem:s19], [sflag:$0x5] =	stream.linear.gather [hbm4b:s18+s3], $0x3E8, $0x38;
	[tilespmem:$0x1AA90] =	vst v63  }
0x53: {  	_ =	swait.ge [sflag:s5], $0x3E8  }
0x54: {  	[sflag:s5] =	ssyncset.done $0x0  }
0x55: {  	s22 =	simm.s32 $0xBB8;
	s20 =	rddreg [dreg:$0xc];
	[sflag:s5] =	ssyncadd.s32 $0xFFFFFC18  }
0x56: {  	[tilespmem:s22], [sflag:$0x5] =	stream.linear.gather [hbm4b:s20+s3], $0x3E8, $0x38;
	[tilespmem:$0x1AA90] =	vst v63  }
0x57: {  	_ =	swait.ge [sflag:s5], $0x3E8  }
0x58: {  	[sflag:s5] =	ssyncset.done $0x0  }
0x59: {  	s24 =	simm.s32 $0x32C8;
	s23 =	rddreg [dreg:$0xd];
	[sflag:s5] =	ssyncadd.s32 $0xFFFFFC18  }
0x5a: {  	[tilespmem:s24], [sflag:$0x5] =	stream.linear.gather [hbm4b:s23+s3], $0x3E8, $0x38;
	[tilespmem:$0x1AA90] =	vst v63  }
0x5b: {  	_ =	swait.ge [sflag:s5], $0x3E8  }
0x5c: {  	[sflag:s5] =	ssyncset.done $0x0  }
0x5d: {  	s26 =	simm.s32 $0xFA0;
	s25 =	rddreg [dreg:$0xe];
	[sflag:s5] =	ssyncadd.s32 $0xFFFFFC18  }
0x5e: {  	[tilespmem:s26], [sflag:$0x5] =	stream.linear.gather [hbm4b:s25+s3], $0x3E8, $0x38;
	[tilespmem:$0x1AA90] =	vst v63  }
0x5f: {  	_ =	swait.ge [sflag:s5], $0x3E8  }
0x60: {  	[sflag:s5] =	ssyncset.done $0x0  }
0x61: {  	s30 =	simm.s32 $0x36B0;
	s28 =	rddreg [dreg:$0xf];
	[sflag:s5] =	ssyncadd.s32 $0xFFFFFC18  }
0x62: {  	[tilespmem:s30], [sflag:$0x5] =	stream.linear.gather [hbm4b:s28+s3], $0x3E8, $0x38;
	[tilespmem:$0x1AA90] =	vst v63  }
0x63: {  	_ =	swait.ge [sflag:s5], $0x3E8  }
0x64: {  	[sflag:s5] =	ssyncset.done $0x0  }
0x65: {  	s19 =	simm.s32 $0x1388;
	s18 =	rddreg [dreg:$0x10];
	[sflag:s5] =	ssyncadd.s32 $0xFFFFFC18  }
0x66: {  	[tilespmem:s19], [sflag:$0x5] =	stream.linear.gather [hbm4b:s18+s3], $0x3E8, $0x38;
	[tilespmem:$0x1AA90] =	vst v63  }
0x67: {  	_ =	swait.ge [sflag:s5], $0x3E8  }
0x68: {  	[sflag:s5] =	ssyncset.done $0x0  }
0x69: {  	s22 =	simm.s32 $0x3A98;
	s20 =	rddreg [dreg:$0x11];
	[sflag:s5] =	ssyncadd.s32 $0xFFFFFC18  }
0x6a: {  	[tilespmem:s22], [sflag:$0x5] =	stream.linear.gather [hbm4b:s20+s3], $0x3E8, $0x38;
	[tilespmem:$0x1AA90] =	vst v63  }
0x6b: {  	_ =	swait.ge [sflag:s5], $0x3E8  }
0x6c: {  	[sflag:s5] =	ssyncset.done $0x0  }
0x6d: {  	s24 =	simm.s32 $0x1770;
	s23 =	rddreg [dreg:$0x12];
	[sflag:s5] =	ssyncadd.s32 $0xFFFFFC18  }
0x6e: {  	[tilespmem:s24], [sflag:$0x5] =	stream.linear.gather [hbm4b:s23+s3], $0x3E8, $0x38;
	[tilespmem:$0x1AA90] =	vst v63  }
0x6f: {  	_ =	swait.ge [sflag:s5], $0x3E8  }
0x70: {  	[sflag:s5] =	ssyncset.done $0x0  }
0x71: {  	s26 =	simm.s32 $0x3E80;
	s25 =	rddreg [dreg:$0x13];
	[sflag:s5] =	ssyncadd.s32 $0xFFFFFC18  }
0x72: {  	[tilespmem:s26], [sflag:$0x5] =	stream.linear.gather [hbm4b:s25+s3], $0x3E8, $0x38;
	[tilespmem:$0x1AA90] =	vst v63  }
0x73: {  	_ =	swait.ge [sflag:s5], $0x3E8  }
0x74: {  	[sflag:s5] =	ssyncset.done $0x0  }
0x75: {  	s30 =	simm.s32 $0x1B58;
	s28 =	rddreg [dreg:$0x15];
	[sflag:s5] =	ssyncadd.s32 $0xFFFFFC18  }
0x76: {  	[tilespmem:s30], [sflag:$0x5] =	stream.linear.gather [hbm4b:s28+s3], $0x3E8, $0x38;
	[tilespmem:$0x1AA90] =	vst v63  }
0x77: {  	_ =	swait.ge [sflag:s5], $0x3E8  }
0x78: {  	[sflag:s5] =	ssyncset.done $0x0  }
0x79: {  	s19 =	simm.s32 $0x4268;
	s18 =	rddreg [dreg:$0x16];
	[sflag:s5] =	ssyncadd.s32 $0xFFFFFC18  }
0x7a: {  	[tilespmem:s19], [sflag:$0x5] =	stream.linear.gather [hbm4b:s18+s3], $0x3E8, $0x38;
	[tilespmem:$0x1AA90] =	vst v63  }
0x7b: {  	_ =	swait.ge [sflag:s5], $0x3E8  }
0x7c: {  	[sflag:s5] =	ssyncset.done $0x0  }
0x7d: {  	s22 =	simm.s32 $0x1F40;
	s20 =	rddreg [dreg:$0x17];
	[sflag:s5] =	ssyncadd.s32 $0xFFFFFC18  }
0x7e: {  	[tilespmem:s22], [sflag:$0x5] =	stream.linear.gather [hbm4b:s20+s3], $0x3E8, $0x38;
	[tilespmem:$0x1AA90] =	vst v63  }
0x7f: {  	_ =	swait.ge [sflag:s5], $0x3E8  }
0x80: {  	[sflag:s5] =	ssyncset.done $0x0  }
0x81: {  	s24 =	simm.s32 $0x4650;
	s23 =	rddreg [dreg:$0x18];
	[sflag:s5] =	ssyncadd.s32 $0xFFFFFC18  }
0x82: {  	[tilespmem:s24], [sflag:$0x5] =	stream.linear.gather [hbm4b:s23+s3], $0x3E8, $0x38;
	[tilespmem:$0x1AA90] =	vst v63  }
0x83: {  	_ =	swait.ge [sflag:s5], $0x3E8  }
0x84: {  	[sflag:s5] =	ssyncset.done $0x0  }
0x85: {  	s26 =	simm.s32 $0x2328;
	s25 =	rddreg [dreg:$0x19];
	[sflag:s5] =	ssyncadd.s32 $0xFFFFFC18  }
0x86: {  	[tilespmem:s26], [sflag:$0x5] =	stream.linear.gather [hbm4b:s25+s3], $0x3E8, $0x38;
	[tilespmem:$0x1AA90] =	vst v63  }
0x87: {  	_ =	swait.ge [sflag:s5], $0x3E8  }
0x88: {  	[sflag:s5] =	ssyncset.done $0x0  }
0x89: {  	s30 =	simm.s32 $0x4A38;
	s28 =	rddreg [dreg:$0x1a];
	[sflag:s5] =	ssyncadd.s32 $0xFFFFFC18  }
0x8a: {  	[tilespmem:s30], [sflag:$0x5] =	stream.linear.gather [hbm4b:s28+s3], $0x3E8, $0x38;
	[tilespmem:$0x1AA90] =	vst v63  }
0x8b: {  	_ =	swait.ge [sflag:s5], $0x3E8  }
0x8c: {  	[sflag:s5] =	ssyncset.done $0x0  }
0x8d: {  	s6 =	simm.s32 $0xC0;
	s18 =	simm.s32 $0x0;
	[sflag:s5] =	ssyncadd.s32 $0xFFFFFC18  }
.LBB2_2:
0x8e: {  	p1 =	sne.s32 s6, $0x12B40;
	[tilespmem:s18+$0x9C60] =	vst v0;
	s19 =	smov.u32 s6;
	s6 =	sadd.s32 $0xC0, s6  }
.Ltmp2:
0x8f: {  	[tilespmem:s18+$0x9C40] =	vst v0;
	(pc) =	sbr.rel @p1 .LBB2_2-.Ltmp2, $2  }
0x90: {  	[tilespmem:s18+$0x9C50] =	vst v0;
	_ =	sdelay $0x2  }
0x91: {  	s18 =	sshra.s32 s19, $0x2  }
0x92: {  	[tilespmem:s18+$0x9C60] =	vst v0  }
0x93: {  	[tilespmem:s18+$0x9C40] =	vst v0  }
0x94: {  	[tilespmem:s18+$0x9C50] =	vst v0;
	s6 =	simm.s32 @p0 $0x9C40  }
0x95: {  	[spmem:s2] =	stream.linear.scatter @p0 [tilespmem:s6], [sflag:$0x5], $0x4B00, $0x38;
	[tilespmem:$0x1AA90] =	vst v63  }
0x96: {  	s6 =	simm.s32 @p0 $0x5  }
0x97: {  	_ =	swait.ge @p0 [sflag:s6], $0x4B00  }
0x98: {  	[sflag:s6] =	ssyncset.done @p0 $0x0  }
0x99: {  	s18 =	simm.s32 @!p0 $0x5;
	[sflag:s6] =	ssyncadd.s32 @p0 $0xFFFFB500;
	s6 =	simm.s32 @!p0 $0x9C40  }
0x9a: {  	[spmem:s29] =	stream.linear.scatter @!p0 [tilespmem:s6], [sflag:$0x5], $0x4B00, $0x38;
	[tilespmem:$0x1AA90] =	vst v63  }
0x9b: {  	_ =	swait.ge @!p0 [sflag:s18], $0x4B00  }
0x9c: {  	[sflag:s18] =	ssyncset.done @!p0 $0x0  }
0x9d: {  	[sflag:s18] =	ssyncadd.s32 @!p0 $0xFFFFB500  }
0x9e: {  	[spmem:s0] =	stream.linear.scatter @!p0 [tilespmem:s6], [sflag:$0x5], $0x2D00, $0x38;
	[tilespmem:$0x1AA90] =	vst v63  }
0x9f: {  	_ =	swait.ge @!p0 [sflag:s18], $0x2D00  }
0xa0: {  	[sflag:s18] =	ssyncset.done @!p0 $0x0  }
0xa1: {  	s19 =	simm.s32 $0x7540;
	s20 =	simm.s32 $0x13250;
	[sflag:s18] =	ssyncadd.s32 @!p0 $0xFFFFD300  }
0xa2: {  	s6 =	simm.s32 $0xFFFFFFFE;
	s18 =	simm.s32 $0x4E30;
	[bflag:$0x0] =	sbarrier.arrive $0xFFFF  }
.LBB2_4:
0xa3: {  	v1 =	vld [tilespmem:s18+$0xFFFFFFF0]  }
0xa4: {  	v2 =	vld [tilespmem:s19+$0xFFFFFFF0];
	_ =	sdelay $0x6  }
0xa5: {  	v1 =	vld.idx.msk [tilespmem:v1+s3+$0x0], $0xffff  }
0xa6: {  	v2 =	vld.idx.msk [tilespmem:v2+s7+$0x0], $0xffff;
	_ =	sdelay $0x4  }
0xa7: {  	v1 =	vadd.f32 v2, v1;
	_ =	sdelay $0x1  }
0xa8: {  	v2 =	vsub.f32 $0.0e+00, v1;
	v1 =	vmul.f32 $-2.000000030e-01, v1;
	_ =	sdelay $0x1  }
0xa9: {  	v1 =	vmin.f32 v2, v1  }
0xaa: {  	v1 =	vmul.f32 $1.442695020e+00, v1;
	_ =	sdelay $0x1  }
0xab: {  	(erf) = vpow2.f32 v1;
	_ =	sdelay $0x8  }
0xac: {  	v1 =	vpop (erf)  }
0xad: {  	[tilespmem:s20+$0xFFFFFFF0] =	vst v1  }
0xae: {  	v1 =	vld [tilespmem:s18+$0x0]  }
0xaf: {  	v2 =	vld [tilespmem:s19+$0x0];
	_ =	sdelay $0x6  }
0xb0: {  	v1 =	vld.idx.msk [tilespmem:v1+s3+$0x0], $0xffff  }
0xb1: {  	v2 =	vld.idx.msk [tilespmem:v2+s7+$0x0], $0xffff;
	_ =	sdelay $0x4  }
0xb2: {  	v1 =	vadd.f32 v2, v1;
	_ =	sdelay $0x1  }
0xb3: {  	v2 =	vsub.f32 $0.0e+00, v1;
	v1 =	vmul.f32 $-2.000000030e-01, v1;
	_ =	sdelay $0x1  }
0xb4: {  	v1 =	vmin.f32 v2, v1  }
0xb5: {  	v1 =	vmul.f32 $1.442695020e+00, v1;
	_ =	sdelay $0x1  }
0xb6: {  	(erf) = vpow2.f32 v1;
	_ =	sdelay $0x3  }
0xb7: {  	s6 =	sadd.s32 $0x2, s6  }
0xb8: {  	p1 =	slt.u32 s6, $0x16  }
.Ltmp3:
0xb9: {  	_ = 	snop;
	(pc) =	sbr.rel @p1 .LBB2_4-.Ltmp3, $3  }
0xba: {  	_ =	sdelay $0x1  }
0xbb: {  	v1 =	vpop (erf)  }
0xbc: {  	s18 =	sadd.s32 $0x20, s18;
	s19 =	sadd.s32 $0x20, s19;
	[tilespmem:s20+$0x0] =	vst v1;
	s20 =	sadd.s32 $0x20, s20  }
0xbd: {  	v1 =	vld [tilespmem:$0x4FA0]  }
0xbe: {  	v2 =	vld [tilespmem:$0x76B0];
	_ =	sdelay $0x6  }
0xbf: {  	v1 =	vld.idx.msk [tilespmem:v1+s3+$0x0], $0xffff  }
0xc0: {  	v2 =	vld.idx.msk [tilespmem:v2+s7+$0x0], $0xffff;
	_ =	sdelay $0x4  }
0xc1: {  	v1 =	vadd.f32 v2, v1;
	_ =	sdelay $0x1  }
0xc2: {  	v2 =	vsub.f32 $0.0e+00, v1;
	v1 =	vmul.f32 $-2.000000030e-01, v1;
	_ =	sdelay $0x1  }
0xc3: {  	v1 =	vmin.f32 v2, v1  }
0xc4: {  	v1 =	vmul.f32 $1.442695020e+00, v1;
	_ =	sdelay $0x1  }
0xc5: {  	(erf) = vpow2.f32 v1;
	_ =	sdelay $0x8  }
0xc6: {  	s6 =	simm.s32 $0xFFFFFFFE;
	v1 =	vpop (erf)  }
0xc7: {  	s18 =	simm.s32 $0x4FC0;
	s19 =	simm.s32 $0x76D0;
	s20 =	simm.s32 $0x133E0;
	[tilespmem:$0x133C0] =	vst v1  }
0xc8: {  	[tilespmem:s9], [sflag:$0x1] =	stream.indirect.gather [hbm4b:s4+s8], $0x30, s21, s8, $0xb8;
	[tilespmem:$0x1AA90] =	vst v63  }
.LBB2_6:
0xc9: {  	v1 =	vld [tilespmem:s18+$0xFFFFFFF0]  }
0xca: {  	v2 =	vld [tilespmem:s19+$0xFFFFFFF0];
	_ =	sdelay $0x6  }
0xcb: {  	v1 =	vld.idx.msk [tilespmem:v1+s3+$0x0], $0xffff  }
0xcc: {  	v2 =	vld.idx.msk [tilespmem:v2+s7+$0x0], $0xffff;
	_ =	sdelay $0x4  }
0xcd: {  	v1 =	vadd.f32 v2, v1;
	_ =	sdelay $0x1  }
0xce: {  	v2 =	vsub.f32 $0.0e+00, v1;
	v1 =	vmul.f32 $-2.000000030e-01, v1;
	_ =	sdelay $0x1  }
0xcf: {  	v1 =	vmin.f32 v2, v1  }
0xd0: {  	v1 =	vmul.f32 $1.442695020e+00, v1;
	_ =	sdelay $0x1  }
0xd1: {  	(erf) = vpow2.f32 v1;
	_ =	sdelay $0x8  }
0xd2: {  	v1 =	vpop (erf)  }
0xd3: {  	[tilespmem:s20+$0xFFFFFFF0] =	vst v1  }
0xd4: {  	v1 =	vld [tilespmem:s18+$0x0]  }
0xd5: {  	v2 =	vld [tilespmem:s19+$0x0];
	_ =	sdelay $0x6  }
0xd6: {  	v1 =	vld.idx.msk [tilespmem:v1+s3+$0x0], $0xffff  }
0xd7: {  	v2 =	vld.idx.msk [tilespmem:v2+s7+$0x0], $0xffff;
	_ =	sdelay $0x4  }
0xd8: {  	v1 =	vadd.f32 v2, v1;
	_ =	sdelay $0x1  }
0xd9: {  	v2 =	vsub.f32 $0.0e+00, v1;
	v1 =	vmul.f32 $-2.000000030e-01, v1;
	_ =	sdelay $0x1  }
0xda: {  	v1 =	vmin.f32 v2, v1  }
0xdb: {  	v1 =	vmul.f32 $1.442695020e+00, v1;
	_ =	sdelay $0x1  }
0xdc: {  	(erf) = vpow2.f32 v1;
	_ =	sdelay $0x3  }
0xdd: {  	s6 =	sadd.s32 $0x2, s6  }
0xde: {  	p1 =	slt.u32 s6, $0x16  }
.Ltmp4:
0xdf: {  	_ = 	snop;
	(pc) =	sbr.rel @p1 .LBB2_6-.Ltmp4, $3  }
0xe0: {  	_ =	sdelay $0x1  }
0xe1: {  	v1 =	vpop (erf)  }
0xe2: {  	s18 =	sadd.s32 $0x20, s18;
	s19 =	sadd.s32 $0x20, s19;
	[tilespmem:s20+$0x0] =	vst v1;
	s20 =	sadd.s32 $0x20, s20  }
0xe3: {  	v1 =	vld [tilespmem:$0x5130]  }
0xe4: {  	v2 =	vld [tilespmem:$0x7840];
	_ =	sdelay $0x5  }
0xe5: {  	s18 =	simm.s32 $0x0  }
0xe6: {  	v1 =	vld.idx.msk [tilespmem:v1+s18+$0x0], $0xffff  }
0xe7: {  	v2 =	vld.idx.msk [tilespmem:v2+s7+$0x0], $0xffff;
	_ =	sdelay $0x4  }
0xe8: {  	v1 =	vadd.f32 v2, v1;
	_ =	sdelay $0x1  }
0xe9: {  	v2 =	vsub.f32 $0.0e+00, v1;
	v1 =	vmul.f32 $-2.000000030e-01, v1;
	_ =	sdelay $0x1  }
0xea: {  	v1 =	vmin.f32 v2, v1  }
0xeb: {  	v1 =	vmul.f32 $1.442695020e+00, v1;
	_ =	sdelay $0x1  }
0xec: {  	(erf) = vpow2.f32 v1;
	_ =	sdelay $0x8  }
0xed: {  	s6 =	simm.s32 $0x76C0;
	s19 =	simm.s32 $0x5150;
	s20 =	simm.s32 $0x7860;
	v1 =	vpop (erf)  }
0xee: {  	s30 =	simm.s32 $0x52E0;
	s28 =	simm.s32 $0x79F0;
	s23 =	simm.s32 $0x0;
	[tilespmem:$0x13550] =	vst v1  }
0xef: {  	[tilespmem:s10], [sflag:$0x2] =	stream.indirect.gather [hbm4b:s4+s8], $0x30, s6, s8, $0xb8;
	[tilespmem:$0x1AA90] =	vst v63  }
.LBB2_8:
0xf0: {  	v1 =	vmov s18  }
0xf1: {  	v1 =	vand.u32 $0xFFFFFFFC, v1  }
0xf2: {  	v1 =	vbroadcast v1, $0x0;
	_ =	sdelay $0x1  }
0xf3: {  	_ =	swait.ge [sflag:s11], $0x4B00  }
0xf4: {  	[sflag:s11] =	ssyncset.done $0x0  }
0xf5: {  	s25 =	simm.s32 $0x9CA0;
	[sflag:s11] =	ssyncadd.s32 $0xFFFFB500  }
0xf6: {  	v2 =	vld [tilespmem:s25+$0xFFFFFFA0]  }
0xf7: {  	v1 =	vld.idx.msk [tilespmem:v1+s12+$0x0], $0xffff  }
0xf8: {  	s6 =	simm.s32 $0x1;
	v3 =	vld [tilespmem:s25+$0xFFFFFFB0]  }
0xf9: {  	v5 =	vmov s6;
	v4 =	vld [tilespmem:s25+$0xFFFFFFC0]  }
0xfa: {  	v5 =	vand.u32 $0xFFFFFFFD, v5  }
0xfb: {  	v5 =	vbroadcast v5, $0x0  }
0xfc: {  	v2 =	vmul.f32 v2, v1  }
0xfd: {  	v3 =	vmul.f32 v3, v1  }
0xfe: {  	v1 =	vmul.f32 v4, v1;
	[tilespmem:s25+$0xFFFFFFA0] =	vst v2  }
0xff: {  	[tilespmem:s25+$0xFFFFFFB0] =	vst v3  }
0x100: {  	[tilespmem:s25+$0xFFFFFFC0] =	vst v1;
	v2 =	vld [tilespmem:s25+$0xFFFFFFD0]  }
0x101: {  	v1 =	vld.idx.msk [tilespmem:v5+s12+$0x0], $0xffff  }
0x102: {  	s24 =	simm.s32 $0x2;
	v3 =	vld [tilespmem:s25+$0xFFFFFFE0]  }
0x103: {  	v4 =	vld [tilespmem:s25+$0xFFFFFFF0];
	v5 =	vmov s24  }
0x104: {  	v5 =	vand.u32 $0xFFFFFFFE, v5  }
0x105: {  	v5 =	vbroadcast v5, $0x0  }
0x106: {  	v2 =	vmul.f32 v2, v1  }
0x107: {  	v3 =	vmul.f32 v3, v1  }
0x108: {  	v1 =	vmul.f32 v4, v1;
	[tilespmem:s25+$0xFFFFFFD0] =	vst v2  }
0x109: {  	[tilespmem:s25+$0xFFFFFFE0] =	vst v3  }
0x10a: {  	[tilespmem:s25+$0xFFFFFFF0] =	vst v1;
	v2 =	vld [tilespmem:s25+$0x20]  }
0x10b: {  	v1 =	vld.idx.msk [tilespmem:v5+s12+$0x0], $0xffff  }
0x10c: {  	v3 =	vld [tilespmem:s25+$0x10]  }
0x10d: {  	v4 =	vld [tilespmem:s25+$0x0];
	_ =	sdelay $0x1  }
0x10e: {  	s26 =	simm.s32 $0x3  }
0x10f: {  	v5 =	vmov s26;
	v2 =	vmul.f32 v2, v1  }
0x110: {  	v3 =	vmul.f32 v3, v1  }
0x111: {  	v1 =	vmul.f32 v4, v1;
	[tilespmem:s25+$0x20] =	vst v2  }
0x112: {  	v4 =	vld [tilespmem:s25+$0x30];
	[tilespmem:s25+$0x10] =	vst v3  }
0x113: {  	[tilespmem:s25+$0x0] =	vst v1;
	v2 =	vld [tilespmem:s25+$0x40]  }
0x114: {  	v1 =	vld.idx.msk [tilespmem:v5+s12+$0x0], $0xffff  }
0x115: {  	s6 =	simm.s32 $0x4;
	s24 =	simm.s32 $0x0;
	v3 =	vld [tilespmem:s25+$0x50]  }
.LBB2_9:
0x116: {  	v5 =	vmov s6  }
0x117: {  	v5 =	vand.u32 $0xFFFFFFFC, v5  }
0x118: {  	v5 =	vbroadcast v5, $0x0  }
0x119: {  	v2 =	vmul.f32 v2, v1;
	v4 =	vmul.f32 v4, v1  }
0x11a: {  	s24 =	sadd.s32 $0x2, s24;
	v1 =	vmul.f32 v3, v1  }
0x11b: {  	p1 =	slt.u32 s24, $0xC6;
	[tilespmem:s25+$0x30] =	vst v4  }
0x11c: {  	[tilespmem:s25+$0x40] =	vst v2  }
0x11d: {  	[tilespmem:s25+$0x50] =	vst v1  }
0x11e: {  	s25 =	sadd.s32 $0xC0, s25;
	v1 =	vld.idx.msk [tilespmem:v5+s12+$0x0], $0xffff  }
0x11f: {  	v2 =	vld [tilespmem:s25+$0xFFFFFFA0]  }
0x120: {  	s21 =	sadd.s32 $0x1, s6;
	v3 =	vld [tilespmem:s25+$0xFFFFFFB0]  }
0x121: {  	v5 =	vmov s21;
	v4 =	vld [tilespmem:s25+$0xFFFFFFC0]  }
0x122: {  	v5 =	vand.u32 $0xFFFFFFFD, v5  }
0x123: {  	v5 =	vbroadcast v5, $0x0  }
0x124: {  	v2 =	vmul.f32 v2, v1  }
0x125: {  	v3 =	vmul.f32 v3, v1  }
0x126: {  	[tilespmem:s25+$0xFFFFFFA0] =	vst v2;
	v1 =	vmul.f32 v4, v1  }
0x127: {  	[tilespmem:s25+$0xFFFFFFB0] =	vst v3  }
0x128: {  	[tilespmem:s25+$0xFFFFFFC0] =	vst v1  }
0x129: {  	v1 =	vld.idx.msk [tilespmem:v5+s12+$0x0], $0xffff  }
0x12a: {  	v2 =	vld [tilespmem:s25+$0xFFFFFFD0]  }
0x12b: {  	s21 =	sadd.s32 $0x2, s6;
	v3 =	vld [tilespmem:s25+$0xFFFFFFE0]  }
0x12c: {  	v5 =	vmov s21;
	v4 =	vld [tilespmem:s25+$0xFFFFFFF0]  }
0x12d: {  	v5 =	vand.u32 $0xFFFFFFFE, v5  }
0x12e: {  	v5 =	vbroadcast v5, $0x0  }
0x12f: {  	v2 =	vmul.f32 v2, v1  }
0x130: {  	v3 =	vmul.f32 v3, v1  }
0x131: {  	[tilespmem:s25+$0xFFFFFFD0] =	vst v2;
	v1 =	vmul.f32 v4, v1  }
0x132: {  	[tilespmem:s25+$0xFFFFFFE0] =	vst v3  }
0x133: {  	[tilespmem:s25+$0xFFFFFFF0] =	vst v1;
	v1 =	vld [tilespmem:s25+$0x10]  }
0x134: {  	v2 =	vld.idx.msk [tilespmem:v5+s12+$0x0], $0xffff  }
0x135: {  	v3 =	vld [tilespmem:s25+$0x20]  }
0x136: {  	v4 =	vld [tilespmem:s25+$0x0];
	_ =	sdelay $0x2  }
0x137: {  	s21 =	sadd.s32 $0x3, s6  }
0x138: {  	v5 =	vmov s21;
	v1 =	vmul.f32 v1, v2;
	v3 =	vmul.f32 v3, v2  }
0x139: {  	v2 =	vmul.f32 v4, v2  }
0x13a: {  	[tilespmem:s25+$0x20] =	vst v3  }
.Ltmp5:
0x13b: {  	[tilespmem:s25+$0x10] =	vst v1;
	(pc) =	sbr.rel @p1 .LBB2_9-.Ltmp5, $4  }
0x13c: {  	[tilespmem:s25+$0x0] =	vst v2;
	v2 =	vld [tilespmem:s25+$0x40]  }
0x13d: {  	v1 =	vld.idx.msk [tilespmem:v5+s12+$0x0], $0xffff  }
0x13e: {  	v4 =	vld [tilespmem:s25+$0x30]  }
0x13f: {  	s6 =	sadd.s32 $0x4, s6;
	v3 =	vld [tilespmem:s25+$0x50]  }
0x140: {  	_ =	sdelay $0x1  }
0x141: {  	s6 =	simm.s32 $0x0;
	v2 =	vmul.f32 v2, v1  }
0x142: {  	s21 =	smul.u32 $0xC80, s23;
	v5 =	vmov s6;
	v4 =	vmul.f32 v4, v1  }
0x143: {  	v1 =	vmul.f32 v3, v1;
	v3 =	vand.u32 $0xFFFFFFFC, v5;
	[tilespmem:s25+$0x40] =	vst v2  }
0x144: {  	s24 =	sshra.s32 s21, $0x2;
	[tilespmem:s25+$0x30] =	vst v4;
	v2 =	vbroadcast v3, $0x0  }
0x145: {  	s26 =	sadd.s32 $0x4E20, s24;
	[tilespmem:s25+$0x50] =	vst v1  }
0x146: {  	[spmem:s1] =	stream.indirect.scatter.add.f32 [tilespmem:s9], [sflag:$0x3], $0x30, s26, s8, $0xb8;
	[tilespmem:$0x1AA90] =	vst v63  }
0x147: {  	_ =	swait.ge [sflag:s13], $0x4B00  }
0x148: {  	[sflag:s13] =	ssyncset.done $0x0  }
0x149: {  	[sflag:s13] =	ssyncadd.s32 $0xFFFFB500  }
0x14a: {  	s25 =	simm.s32 $0xE7A0;
	v1 =	vld.idx.msk [tilespmem:v2+s14+$0x0], $0xffff  }
0x14b: {  	v2 =	vld [tilespmem:s25+$0xFFFFFFA0]  }
0x14c: {  	s21 =	simm.s32 $0x1;
	v3 =	vld [tilespmem:s25+$0xFFFFFFB0]  }
0x14d: {  	v5 =	vmov s21;
	v4 =	vld [tilespmem:s25+$0xFFFFFFC0]  }
0x14e: {  	v5 =	vand.u32 $0xFFFFFFFD, v5  }
0x14f: {  	v5 =	vbroadcast v5, $0x0  }
0x150: {  	v2 =	vmul.f32 v2, v1  }
0x151: {  	v3 =	vmul.f32 v3, v1  }
0x152: {  	v1 =	vmul.f32 v4, v1;
	[tilespmem:s25+$0xFFFFFFA0] =	vst v2  }
0x153: {  	[tilespmem:s25+$0xFFFFFFB0] =	vst v3  }
0x154: {  	[tilespmem:s25+$0xFFFFFFC0] =	vst v1;
	v2 =	vld [tilespmem:s25+$0xFFFFFFD0]  }
0x155: {  	v1 =	vld.idx.msk [tilespmem:v5+s14+$0x0], $0xffff  }
0x156: {  	s22 =	simm.s32 $0x2;
	v3 =	vld [tilespmem:s25+$0xFFFFFFE0]  }
0x157: {  	v4 =	vld [tilespmem:s25+$0xFFFFFFF0];
	v5 =	vmov s22  }
0x158: {  	v5 =	vand.u32 $0xFFFFFFFE, v5  }
0x159: {  	v5 =	vbroadcast v5, $0x0  }
0x15a: {  	v2 =	vmul.f32 v2, v1  }
0x15b: {  	v3 =	vmul.f32 v3, v1  }
0x15c: {  	v1 =	vmul.f32 v4, v1;
	[tilespmem:s25+$0xFFFFFFD0] =	vst v2  }
0x15d: {  	[tilespmem:s25+$0xFFFFFFE0] =	vst v3  }
0x15e: {  	[tilespmem:s25+$0xFFFFFFF0] =	vst v1;
	v2 =	vld [tilespmem:s25+$0x20]  }
0x15f: {  	v1 =	vld.idx.msk [tilespmem:v5+s14+$0x0], $0xffff  }
0x160: {  	v3 =	vld [tilespmem:s25+$0x10]  }
0x161: {  	v4 =	vld [tilespmem:s25+$0x0];
	_ =	sdelay $0x1  }
0x162: {  	s26 =	simm.s32 $0x3  }
0x163: {  	v5 =	vmov s26;
	v2 =	vmul.f32 v2, v1  }
0x164: {  	v3 =	vmul.f32 v3, v1  }
0x165: {  	v1 =	vmul.f32 v4, v1;
	[tilespmem:s25+$0x20] =	vst v2  }
0x166: {  	v4 =	vld [tilespmem:s25+$0x30];
	[tilespmem:s25+$0x10] =	vst v3  }
0x167: {  	[tilespmem:s25+$0x0] =	vst v1;
	v2 =	vld [tilespmem:s25+$0x40]  }
0x168: {  	v1 =	vld.idx.msk [tilespmem:v5+s14+$0x0], $0xffff  }
0x169: {  	s6 =	simm.s32 $0x0;
	s26 =	simm.s32 $0x4;
	v3 =	vld [tilespmem:s25+$0x50]  }
.LBB2_11:
0x16a: {  	v5 =	vmov s26  }
0x16b: {  	v5 =	vand.u32 $0xFFFFFFFC, v5  }
0x16c: {  	v5 =	vbroadcast v5, $0x0  }
0x16d: {  	v2 =	vmul.f32 v2, v1;
	v4 =	vmul.f32 v4, v1  }
0x16e: {  	s6 =	sadd.s32 $0x2, s6;
	v1 =	vmul.f32 v3, v1  }
0x16f: {  	p1 =	slt.u32 s6, $0xC6;
	[tilespmem:s25+$0x30] =	vst v4  }
0x170: {  	[tilespmem:s25+$0x40] =	vst v2  }
0x171: {  	[tilespmem:s25+$0x50] =	vst v1  }
0x172: {  	s25 =	sadd.s32 $0xC0, s25;
	v1 =	vld.idx.msk [tilespmem:v5+s14+$0x0], $0xffff  }
0x173: {  	v2 =	vld [tilespmem:s25+$0xFFFFFFA0]  }
0x174: {  	s21 =	sadd.s32 $0x1, s26;
	v3 =	vld [tilespmem:s25+$0xFFFFFFB0]  }
0x175: {  	v5 =	vmov s21;
	v4 =	vld [tilespmem:s25+$0xFFFFFFC0]  }
0x176: {  	v5 =	vand.u32 $0xFFFFFFFD, v5  }
0x177: {  	v5 =	vbroadcast v5, $0x0  }
0x178: {  	v2 =	vmul.f32 v2, v1  }
0x179: {  	v3 =	vmul.f32 v3, v1  }
0x17a: {  	[tilespmem:s25+$0xFFFFFFA0] =	vst v2;
	v1 =	vmul.f32 v4, v1  }
0x17b: {  	[tilespmem:s25+$0xFFFFFFB0] =	vst v3  }
0x17c: {  	[tilespmem:s25+$0xFFFFFFC0] =	vst v1  }
0x17d: {  	v1 =	vld.idx.msk [tilespmem:v5+s14+$0x0], $0xffff  }
0x17e: {  	v2 =	vld [tilespmem:s25+$0xFFFFFFD0]  }
0x17f: {  	s21 =	sadd.s32 $0x2, s26;
	v3 =	vld [tilespmem:s25+$0xFFFFFFE0]  }
0x180: {  	v5 =	vmov s21;
	v4 =	vld [tilespmem:s25+$0xFFFFFFF0]  }
0x181: {  	v5 =	vand.u32 $0xFFFFFFFE, v5  }
0x182: {  	v5 =	vbroadcast v5, $0x0  }
0x183: {  	v2 =	vmul.f32 v2, v1  }
0x184: {  	v3 =	vmul.f32 v3, v1  }
0x185: {  	[tilespmem:s25+$0xFFFFFFD0] =	vst v2;
	v1 =	vmul.f32 v4, v1  }
0x186: {  	[tilespmem:s25+$0xFFFFFFE0] =	vst v3  }
0x187: {  	[tilespmem:s25+$0xFFFFFFF0] =	vst v1;
	v1 =	vld [tilespmem:s25+$0x10]  }
0x188: {  	v2 =	vld.idx.msk [tilespmem:v5+s14+$0x0], $0xffff  }
0x189: {  	v3 =	vld [tilespmem:s25+$0x20]  }
0x18a: {  	v4 =	vld [tilespmem:s25+$0x0];
	_ =	sdelay $0x2  }
0x18b: {  	s21 =	sadd.s32 $0x3, s26  }
0x18c: {  	v5 =	vmov s21;
	v1 =	vmul.f32 v1, v2;
	v3 =	vmul.f32 v3, v2  }
0x18d: {  	v2 =	vmul.f32 v4, v2  }
0x18e: {  	[tilespmem:s25+$0x20] =	vst v3  }
.Ltmp6:
0x18f: {  	[tilespmem:s25+$0x10] =	vst v1;
	(pc) =	sbr.rel @p1 .LBB2_11-.Ltmp6, $4  }
0x190: {  	[tilespmem:s25+$0x0] =	vst v2;
	v2 =	vld [tilespmem:s25+$0x40]  }
0x191: {  	v1 =	vld.idx.msk [tilespmem:v5+s14+$0x0], $0xffff  }
0x192: {  	v4 =	vld [tilespmem:s25+$0x30]  }
0x193: {  	s26 =	sadd.s32 $0x4, s26;
	v3 =	vld [tilespmem:s25+$0x50]  }
0x194: {  	_ =	sdelay $0x1  }
0x195: {  	p1 =	seq.s32 s23, $0xB;
	v2 =	vmul.f32 v2, v1  }
.Ltmp7:
0x196: {  	v4 =	vmul.f32 v4, v1;
	(pc) =	sbr.rel @p1 .LBB2_18-.Ltmp7, $4  }
0x197: {  	v1 =	vmul.f32 v3, v1;
	[tilespmem:s25+$0x40] =	vst v2  }
0x198: {  	[tilespmem:s25+$0x30] =	vst v4  }
0x199: {  	s6 =	sadd.s32 $0x4FB0, s24;
	[tilespmem:s25+$0x50] =	vst v1  }
0x19a: {  	[spmem:s1] =	stream.indirect.scatter.add.f32 [tilespmem:s10], [sflag:$0x4], $0x30, s6, s8, $0xb8;
	[tilespmem:$0x1AA90] =	vst v63  }
0x19b: {  	s23 =	sadd.s32 $0x1, s23;
	s24 =	simm.s32 $0xFFFFFFFE;
	s25 =	simm.s32 $0x13250  }
0x19c: {  	s26 =	smov.u32 s20;
	s22 =	smov.u32 s19;
	s6 =	smul.u32 $0x320, s23  }
.LBB2_14:
0x19d: {  	v1 =	vld [tilespmem:s22+$0xFFFFFFF0]  }
0x19e: {  	v2 =	vld [tilespmem:s26+$0xFFFFFFF0];
	_ =	sdelay $0x6  }
0x19f: {  	v1 =	vld.idx.msk [tilespmem:v1+s3+$0x0], $0xffff  }
0x1a0: {  	v2 =	vld.idx.msk [tilespmem:v2+s7+$0x0], $0xffff;
	_ =	sdelay $0x4  }
0x1a1: {  	v1 =	vadd.f32 v2, v1;
	_ =	sdelay $0x1  }
0x1a2: {  	v2 =	vsub.f32 $0.0e+00, v1;
	v1 =	vmul.f32 $-2.000000030e-01, v1;
	_ =	sdelay $0x1  }
0x1a3: {  	v1 =	vmin.f32 v2, v1  }
0x1a4: {  	v1 =	vmul.f32 $1.442695020e+00, v1;
	_ =	sdelay $0x1  }
0x1a5: {  	(erf) = vpow2.f32 v1;
	_ =	sdelay $0x8  }
0x1a6: {  	v1 =	vpop (erf)  }
0x1a7: {  	[tilespmem:s25+$0xFFFFFFF0] =	vst v1  }
0x1a8: {  	v1 =	vld [tilespmem:s22+$0x0]  }
0x1a9: {  	v2 =	vld [tilespmem:s26+$0x0];
	_ =	sdelay $0x6  }
0x1aa: {  	v1 =	vld.idx.msk [tilespmem:v1+s3+$0x0], $0xffff  }
0x1ab: {  	v2 =	vld.idx.msk [tilespmem:v2+s7+$0x0], $0xffff;
	_ =	sdelay $0x4  }
0x1ac: {  	v1 =	vadd.f32 v2, v1;
	_ =	sdelay $0x1  }
0x1ad: {  	v2 =	vsub.f32 $0.0e+00, v1;
	v1 =	vmul.f32 $-2.000000030e-01, v1;
	_ =	sdelay $0x1  }
0x1ae: {  	v1 =	vmin.f32 v2, v1  }
0x1af: {  	v1 =	vmul.f32 $1.442695020e+00, v1;
	_ =	sdelay $0x1  }
0x1b0: {  	(erf) = vpow2.f32 v1;
	_ =	sdelay $0x3  }
0x1b1: {  	s24 =	sadd.s32 $0x2, s24  }
0x1b2: {  	p1 =	slt.u32 s24, $0x16  }
.Ltmp8:
0x1b3: {  	_ = 	snop;
	(pc) =	sbr.rel @p1 .LBB2_14-.Ltmp8, $3  }
0x1b4: {  	_ =	sdelay $0x1  }
0x1b5: {  	v1 =	vpop (erf)  }
0x1b6: {  	s22 =	sadd.s32 $0x20, s22;
	s26 =	sadd.s32 $0x20, s26;
	[tilespmem:s25+$0x0] =	vst v1;
	s25 =	sadd.s32 $0x20, s25  }
0x1b7: {  	v1 =	vld [tilespmem:s6+$0x4FA0]  }
0x1b8: {  	v2 =	vld [tilespmem:s6+$0x76B0];
	_ =	sdelay $0x6  }
0x1b9: {  	v1 =	vld.idx.msk [tilespmem:v1+s3+$0x0], $0xffff  }
0x1ba: {  	v2 =	vld.idx.msk [tilespmem:v2+s7+$0x0], $0xffff;
	_ =	sdelay $0x4  }
0x1bb: {  	v1 =	vadd.f32 v2, v1;
	_ =	sdelay $0x1  }
0x1bc: {  	v2 =	vsub.f32 $0.0e+00, v1;
	v1 =	vmul.f32 $-2.000000030e-01, v1;
	_ =	sdelay $0x1  }
0x1bd: {  	v1 =	vmin.f32 v2, v1  }
0x1be: {  	v1 =	vmul.f32 $1.442695020e+00, v1;
	_ =	sdelay $0x1  }
0x1bf: {  	(erf) = vpow2.f32 v1;
	_ =	sdelay $0x8  }
0x1c0: {  	v1 =	vpop (erf)  }
0x1c1: {  	[tilespmem:$0x133C0] =	vst v1  }
0x1c2: {  	_ =	swait.ge [sflag:s15], $0x4B00  }
0x1c3: {  	s21 =	sadd.s32 $0x7530, s6;
	[sflag:s15] =	ssyncset.done $0x0  }
0x1c4: {  	s24 =	sadd.s32 $0x190, s6;
	s25 =	simm.s32 $0xFFFFFFFE;
	[sflag:s15] =	ssyncadd.s32 $0xFFFFB500  }
0x1c5: {  	[tilespmem:s9], [sflag:$0x1] =	stream.indirect.gather [hbm4b:s4+s8], $0x30, s21, s8, $0xb8;
	[tilespmem:$0x1AA90] =	vst v63  }
0x1c6: {  	s26 =	simm.s32 $0x133E0;
	s22 =	smov.u32 s28;
	s21 =	smov.u32 s30  }
.LBB2_16:
0x1c7: {  	v1 =	vld [tilespmem:s21+$0xFFFFFFF0]  }
0x1c8: {  	v2 =	vld [tilespmem:s22+$0xFFFFFFF0];
	_ =	sdelay $0x6  }
0x1c9: {  	v1 =	vld.idx.msk [tilespmem:v1+s3+$0x0], $0xffff  }
0x1ca: {  	v2 =	vld.idx.msk [tilespmem:v2+s7+$0x0], $0xffff;
	_ =	sdelay $0x4  }
0x1cb: {  	v1 =	vadd.f32 v2, v1;
	_ =	sdelay $0x1  }
0x1cc: {  	v2 =	vsub.f32 $0.0e+00, v1;
	v1 =	vmul.f32 $-2.000000030e-01, v1;
	_ =	sdelay $0x1  }
0x1cd: {  	v1 =	vmin.f32 v2, v1  }
0x1ce: {  	v1 =	vmul.f32 $1.442695020e+00, v1;
	_ =	sdelay $0x1  }
0x1cf: {  	(erf) = vpow2.f32 v1;
	_ =	sdelay $0x8  }
0x1d0: {  	v1 =	vpop (erf)  }
0x1d1: {  	[tilespmem:s26+$0xFFFFFFF0] =	vst v1  }
0x1d2: {  	v1 =	vld [tilespmem:s21+$0x0]  }
0x1d3: {  	v2 =	vld [tilespmem:s22+$0x0];
	_ =	sdelay $0x6  }
0x1d4: {  	v1 =	vld.idx.msk [tilespmem:v1+s3+$0x0], $0xffff  }
0x1d5: {  	v2 =	vld.idx.msk [tilespmem:v2+s7+$0x0], $0xffff;
	_ =	sdelay $0x4  }
0x1d6: {  	v1 =	vadd.f32 v2, v1;
	_ =	sdelay $0x1  }
0x1d7: {  	v2 =	vsub.f32 $0.0e+00, v1;
	v1 =	vmul.f32 $-2.000000030e-01, v1;
	_ =	sdelay $0x1  }
0x1d8: {  	v1 =	vmin.f32 v2, v1  }
0x1d9: {  	v1 =	vmul.f32 $1.442695020e+00, v1;
	_ =	sdelay $0x1  }
0x1da: {  	(erf) = vpow2.f32 v1;
	_ =	sdelay $0x3  }
0x1db: {  	s25 =	sadd.s32 $0x2, s25  }
0x1dc: {  	p1 =	slt.u32 s25, $0x16  }
.Ltmp9:
0x1dd: {  	_ = 	snop;
	(pc) =	sbr.rel @p1 .LBB2_16-.Ltmp9, $3  }
0x1de: {  	_ =	sdelay $0x1  }
0x1df: {  	v1 =	vpop (erf)  }
0x1e0: {  	s21 =	sadd.s32 $0x20, s21;
	s22 =	sadd.s32 $0x20, s22;
	[tilespmem:s26+$0x0] =	vst v1;
	s26 =	sadd.s32 $0x20, s26  }
0x1e1: {  	v1 =	vld [tilespmem:s6+$0x5130]  }
0x1e2: {  	v2 =	vld [tilespmem:s6+$0x7840];
	_ =	sdelay $0x6  }
0x1e3: {  	v1 =	vld.idx.msk [tilespmem:v1+s3+$0x0], $0xffff  }
0x1e4: {  	v2 =	vld.idx.msk [tilespmem:v2+s7+$0x0], $0xffff;
	_ =	sdelay $0x4  }
0x1e5: {  	v1 =	vadd.f32 v2, v1;
	_ =	sdelay $0x1  }
0x1e6: {  	v2 =	vsub.f32 $0.0e+00, v1;
	v1 =	vmul.f32 $-2.000000030e-01, v1;
	_ =	sdelay $0x1  }
0x1e7: {  	v1 =	vmin.f32 v2, v1  }
0x1e8: {  	v1 =	vmul.f32 $1.442695020e+00, v1;
	_ =	sdelay $0x1  }
0x1e9: {  	(erf) = vpow2.f32 v1;
	_ =	sdelay $0x8  }
0x1ea: {  	p1 =	sne.s32 s23, $0xC;
	v1 =	vpop (erf)  }
.Ltmp10:
0x1eb: {  	[tilespmem:$0x13550] =	vst v1;
	(pc) =	sbr.rel @p1 .LBB2_8-.Ltmp10, $4  }
.Ltmp11:
0x1ec: {  	s26 =	sadd.s32 $0x7530, s24;
	_ =	swait.ge [sflag:s16], $0x4B00;
	(pc) =	sbr.rel @!p1 .LBB2_18-.Ltmp11, $4  }
0x1ed: {  	s19 =	sadd.s32 $0x320, s19;
	s20 =	sadd.s32 $0x320, s20;
	[sflag:s16] =	ssyncset.done $0x0  }
0x1ee: {  	s30 =	sadd.s32 $0x320, s30;
	s28 =	sadd.s32 $0x320, s28;
	[sflag:s16] =	ssyncadd.s32 $0xFFFFB500  }
0x1ef: {  	[tilespmem:s10], [sflag:$0x2] =	stream.indirect.gather [hbm4b:s4+s8], $0x30, s26, s8, $0xb8;
	[tilespmem:$0x1AA90] =	vst v63  }
0x1f0: {  	_ = 	snop  }
.LBB2_19:
0x1f1: {  	_ =	sfence.sel $0x180000  }
0x1f2: {  	[bflag:$0x0] =	sbarrier.arrive $0xFFFF  }
0x1f3: {  	_ =	strace $0x9000004D  }
0x1f4: {  	s0 =	stileid.u32;
	[bflag:$0x2] =	sbarrier.arrive $0xFFFF  }
0x1f5: {  	p0 =	sne.s32 s0, $0x0;
	s0 =	rddreg [dreg:$0x3]  }
0x1f6: {  	s0 =	sadd.s32 @!p0 $0x100000, s0  }
0x1f7: {  	[sflag:s0] =	ssyncadd.tile.s32 @!p0 $0x1;
	_ =	shalt  }
.Lfunc_end2:
_tile_overlayer_lowered:
.L_overlay_start_2:
0x1f8: {  	(tag) =	ssettag $0x2  }
0x1f9: {  	s0 =	rddreg [dreg:$0x0];
	s2 =	stileid.u32  }
0x1fa: {  	s1 =	rddreg [dreg:$0x1];
	p0 =	sne.s32 s2, $0x0  }
0x1fb: {  	s3 =	rddreg [dreg:$0x2];
	[bflag:$0x3] =	sbarrier.arrive $0xFFFF;
	s2 =	simm.s32 @!p0 $0x1C05  }
0x1fc: {  	[timem:s3], [sflag:s2] =	dma.local @!p0 [hbm:s0], s1  }
0x1fd: {  	s0 =	simm.s32 @!p0 $0x5  }
0x1fe: {  	_ =	swait.ge @!p0 [sflag:s0], s1  }
0x1ff: {  	s1 =	ssub.s32 @!p0 $0x0, s1;
	[sflag:s0] =	ssyncset.done @!p0 $0x0  }
0x200: {  	[sflag:s0] =	ssyncadd.s32 @!p0 s1  }
0x201: {  	[bflag:$0x3] =	sbarrier.arrive $0xFFFF  }
0x202: {  	_ =	shalt  }

// kernel: kernel.9.cloned.1.call-start
scs
__scs_entry_jumppad:
0x0: {  	(pc) =	sbr.rel $0x88, $3  }
0x1: {  	(tag) =	ssettag $0x0;
	lr =	simm.s32 $0x1  }
0x2: {  	[smem:$0x3F9B] =	sst lr;
	_ =	strace $0xD0000000  }
0x3: {  	_ = 	snop  }
0x4: {  	_ = 	snop  }
0x5: {  	_ = 	snop  }
0x6: {  	_ = 	snop  }
0x7: {  	_ = 	snop  }
__scs_overlays_trampoline_lowered:
0x8: {  	[smem:$0x3FAA] =	sst s0  }
0x9: {  	[smem:$0x3FAB] =	sst s1  }
0xa: {  	[smem:$0x3FAC] =	sst s2  }
0xb: {  	[smem:$0x3FAD] =	sst s3  }
0xc: {  	[smem:$0x3FAE] =	sst s4  }
0xd: {  	[smem:$0x3FAF] =	sst s5  }
0xe: {  	[smem:$0x3FB0] =	sst s6  }
0xf: {  	[smem:$0x3FB1] =	sst s7  }
0x10: {  	[smem:$0x3FB2] =	sst s8  }
0x11: {  	[smem:$0x3FB3] =	sst s9;
	s0 =	simm.s32 @!p0 $0x0  }
0x12: {  	s1 =	sld [smem:$0x3F99];
	s0 =	simm.s32 @p0 $0x1  }
0x13: {  	[smem:$0x3FB4] =	sst s0;
	s0 =	simm.s32 @!p1 $0x0  }
0x14: {  	s2 =	sld [smem:$0x3F98];
	s0 =	simm.s32 @p1 $0x1  }
0x15: {  	[smem:$0x3FB5] =	sst s0;
	s0 =	simm.s32 @!p2 $0x0  }
0x16: {  	s3 =	sld [smem:$0x3FDB];
	s0 =	simm.s32 @p2 $0x1  }
0x17: {  	s4 =	simm.s32 $0x1BF5;
	[smem:$0x3FB7] =	sst s0  }
0x18: {  	s0 =	sld [smem:$0x3F9A];
	_ =	swait.ge [sflag:s4], $0x0  }
0x19: {  	s7 =	sld [smem:$0x3F9B]  }
0x1a: {  	s8 =	sadd.s32 $0xFFFFE003, lr  }
0x1b: {  	s9 =	sadd.s32 $0xFFFFFEF7, lr;
	s5 =	simm.s32 $0xFFFFFFFF;
	p2 =	slt.u32 s8, $0xFFFFF086  }
0x1c: {  	p1 =	slt.u32 s9, $0xF7A;
	s5 =	simm.s32 @!p2 $0x0  }
0x1d: {  	s5 =	simm.s32 @p1 $0x1;
	p0 =	seq.s32 s7, s2  }
0x1e: {  	s7 =	smul.u32 @!p0 $0xF7A, s2;
	p2 =	seq.s32 @!p0 s5, $0x0  }
0x1f: {  	s9 =	smul.u32 $0xF7A, s1;
	s8 =	simm.s32 @!p0 $0x1BF5;
	p2 =	por !p2, p0  }
0x20: {  	[sflag:s8] =	ssyncset.s32 @!p0 $0xFFFFF086;
	s6 =	sadd.s32 @!p0 s3, s7;
	s7 =	simm.s32 @!p0 $0x108  }
0x21: {  	s3 =	sadd.s32 s3, s9;
	s6 =	sadd.s32 @!p0 $0x88, s6;
	s7 =	simm.s32 @p2 $0x1082  }
0x22: {  	[simem:s7], [sflag:s8] =	dma.local @!p0 [hbm:s6], $0xF7A  }
0x23: {  	s9 =	sor.u32 $0xD0000000, s2;
	s6 =	simm.s32 $0x108;
	_ =	swait.ge @!p0 [sflag:s8], $0x0  }
0x24: {  	s3 =	sadd.s32 $0x88, s3;
	s6 =	simm.s32 @!p1 $0x1082;
	[sflag:s4] =	ssyncset.s32 $0xFFFFF086  }
0x25: {  	[simem:s6], [sflag:s4] =	dma.local [hbm:s3], $0xF7A  }
0x26: {  	[smem:$0x3F9B] =	sst s1;
	(tag) =	ssettag s2;
	_ =	strace s9  }
0x27: {  	s1 =	sld [smem:$0x3FAB]  }
0x28: {  	s2 =	sld [smem:$0x3FAC]  }
0x29: {  	s4 =	sld [smem:$0x3FAE]  }
0x2a: {  	p0 =	seq.s32 s5, $0x0;
	s5 =	sld [smem:$0x3FAF]  }
0x2b: {  	s6 =	sld [smem:$0x3FB0]  }
0x2c: {  	s7 =	sld [smem:$0x3FB1]  }
0x2d: {  	s3 =	simm.s32 $0x108;
	s8 =	sld [smem:$0x3FB2]  }
0x2e: {  	s3 =	simm.s32 @!p0 $0x1082;
	s9 =	sld [smem:$0x3FB3]  }
0x2f: {  	lr =	sadd.s32 s0, s3;
	s0 =	sld [smem:$0x3FAA]  }
0x30: {  	s3 =	sld [smem:$0x3FAD]  }
0x31: {  	[smem:$0x3FB6] =	sst s10  }
0x32: {  	s10 =	sld [smem:$0x3FB4];
	_ =	sdelay $0x3  }
0x33: {  	p0 =	seq.s32 s10, $0x1;
	s10 =	sld [smem:$0x3FB6];
	_ =	sdelay $0x3  }
0x34: {  	[smem:$0x3FB6] =	sst s10  }
0x35: {  	s10 =	sld [smem:$0x3FB5];
	_ =	sdelay $0x3  }
0x36: {  	p1 =	seq.s32 s10, $0x1;
	s10 =	sld [smem:$0x3FB6];
	_ =	sdelay $0x3  }
0x37: {  	[smem:$0x3FB6] =	sst s10  }
0x38: {  	s10 =	sld [smem:$0x3FB7]  }
0x39: {  	_ = 	snop;
	(pc) =	sbr.ind lr, $3  }
0x3a: {  	_ = 	snop  }
0x3b: {  	_ = 	snop  }
0x3c: {  	p2 =	seq.s32 s10, $0x1;
	s10 =	sld [smem:$0x3FB6]  }
0x3d: {  	_ =	shalt  }
0x3e: {  	_ =	shalt  }
0x3f: {  	_ =	shalt  }
0x40: {  	_ =	shalt  }
0x41: {  	_ =	shalt  }
0x42: {  	_ =	shalt  }
0x43: {  	_ =	shalt  }
0x44: {  	_ =	shalt  }
0x45: {  	_ =	shalt  }
0x46: {  	_ =	shalt  }
0x47: {  	_ =	shalt  }
0x48: {  	_ =	shalt  }
0x49: {  	_ =	shalt  }
0x4a: {  	_ =	shalt  }
0x4b: {  	_ =	shalt  }
0x4c: {  	_ =	shalt  }
0x4d: {  	_ =	shalt  }
0x4e: {  	_ =	shalt  }
0x4f: {  	_ =	shalt  }
0x50: {  	_ =	shalt  }
0x51: {  	_ =	shalt  }
0x52: {  	_ =	shalt  }
0x53: {  	_ =	shalt  }
0x54: {  	_ =	shalt  }
0x55: {  	_ =	shalt  }
0x56: {  	_ =	shalt  }
0x57: {  	_ =	shalt  }
0x58: {  	_ =	shalt  }
0x59: {  	_ =	shalt  }
0x5a: {  	_ =	shalt  }
0x5b: {  	_ =	shalt  }
0x5c: {  	_ =	shalt  }
0x5d: {  	_ =	shalt  }
0x5e: {  	_ =	shalt  }
0x5f: {  	_ =	shalt  }
0x60: {  	_ =	shalt  }
0x61: {  	_ =	shalt  }
0x62: {  	_ =	shalt  }
0x63: {  	_ =	shalt  }
0x64: {  	_ =	shalt  }
0x65: {  	_ =	shalt  }
0x66: {  	_ =	shalt  }
0x67: {  	_ =	shalt  }
0x68: {  	_ =	shalt  }
0x69: {  	_ =	shalt  }
0x6a: {  	_ =	shalt  }
0x6b: {  	_ =	shalt  }
0x6c: {  	_ =	shalt  }
0x6d: {  	_ =	shalt  }
0x6e: {  	_ =	shalt  }
0x6f: {  	_ =	shalt  }
0x70: {  	_ =	shalt  }
0x71: {  	_ =	shalt  }
0x72: {  	_ =	shalt  }
0x73: {  	_ =	shalt  }
0x74: {  	_ =	shalt  }
0x75: {  	_ =	shalt  }
0x76: {  	_ =	shalt  }
0x77: {  	_ =	shalt  }
0x78: {  	_ =	shalt  }
0x79: {  	_ =	shalt  }
0x7a: {  	_ =	shalt  }
0x7b: {  	_ =	shalt  }
0x7c: {  	_ =	shalt  }
0x7d: {  	_ =	shalt  }
0x7e: {  	_ =	shalt  }
0x7f: {  	_ =	shalt  }
0x80: {  	_ =	shalt  }
0x81: {  	_ =	shalt  }
0x82: {  	_ =	shalt  }
0x83: {  	_ =	shalt  }
0x84: {  	_ =	shalt  }
0x85: {  	_ =	shalt  }
0x86: {  	_ =	shalt  }
0x87: {  	_ =	shalt  }
.Lfunc_end0:
.L_simem_size_0:
called_computation_lowered:
.L_overlay_start_0:
0x88: {  	s2 =	sld [smem:$0x3FD9]  }
0x89: {  	s3 =	sld [smem:$0x3FFE];
	_ =	sdelay $0x1  }
0x8a: {  	s1 =	srdreg.scid  }
0x8b: {  	s0 =	sand.u32 $0x1, s1  }
0x8c: {  	s17 =	sshll.u32 s0, $0xA;
	s2 =	sadd.s32 s3, s2  }
0x8d: {  	s2 =	sadd.s32 s2, s17  }
0x8e: {  	[smem:$0x3FC2] =	sst s2  }
0x8f: {  	_ = 	snop  }
0x90: {  	s2 =	sld [smem:$0x3FD0];
	(tm) =	ssettm $0x1  }
0x91: {  	s18 =	sld [smem:$0x3FFB];
	_ =	sdelay $0x3  }
0x92: {  	_ =	strace s18  }
0x93: {  	s3 =	sld [smem:$0x3FFC];
	_ =	sdelay $0x3  }
0x94: {  	_ =	strace s3  }
0x95: {  	s3 =	sld [smem:$0x3FFD];
	_ =	sdelay $0x3  }
0x96: {  	_ =	strace s3  }
0x97: {  	_ =	strace $0x8FFFFFFF  }
0x98: {  	s19 =	sld [smem:$0x3FDB];
	_ =	sdelay $0x1  }
0x99: {  	s4 =	simm.s32 $_scs_section_size  }
0x9a: {  	s5 =	simm.s32 $_size__tile_overlayer_lowered;
	s6 =	simm.s32 $_tile_overlayer_lowered  }
0x9b: {  	s22 =	simm.s32 $0x1BFF;
	s21 =	sshll.u32 s6, $0x1;
	s3 =	sadd.s32 s4, s19  }
0x9c: {  	s7 =	simm.s32 $0x0;
	s20 =	sshll.u32 s5, $0x1;
	s5 =	sadd.s32 s21, s3  }
0x9d: {  	[timem:s7], [sflag:s22] =	dma.local [hbm:s5], s20  }
0x9e: {  	_ =	swait.ge [sflag:s22], s20  }
0x9f: {  	s4 =	ssub.s32 $0x0, s20;
	[sflag:s22] =	ssyncset.done $0x0  }
0xa0: {  	[sflag:s22] =	ssyncadd.s32 s4;
	_ =	sdelay $0x1  }
0xa1: {  	s23 =	simm.s32 $0x1B8B  }
0xa2: {  	_ =	swait.ge [sflag:s23], $0x1  }
0xa3: {  	[sflag:s23] =	ssyncset.done $0x0  }
0xa4: {  	s25 =	simm.s32 $0x1B8E;
	s24 =	sld [smem:$0x3FFE];
	[sflag:s23] =	ssyncadd.s32 $0xFFFFFFFF  }
0xa5: {  	s26 =	simm.s32 $execute0_lowered;
	[smem:$0x3FD2] =	sst s25  }
0xa6: {  	s5 =	sshll.u32 s26, $0x1;
	_ =	strace $0x80000046;
	[dreg:$0x1] =	wrdreg $0xFFFFFFFF  }
0xa7: {  	s28 =	simm.s32 $_size_execute0_lowered;
	s3 =	sadd.s32 s3, s5;
	[dreg:$0x0] =	wrdreg $0x0  }
0xa8: {  	s5 =	sshll.u32 s28, $0x1;
	[dreg:$0x2] =	wrdreg s3  }
0xa9: {  	[dreg:$0x3] =	wrdreg s5  }
0xaa: {  	[dreg:$0x4] =	wrdreg $0xC0  }
0xab: {  	_ =	task [dreg:s7], $0x5FFFF  }
0xac: {  	[dreg:$0x1] =	wrdreg $0xFFFFFFFF  }
0xad: {  	[dreg:$0x0] =	wrdreg $0x60  }
0xae: {  	[dreg:$0x2] =	wrdreg s24  }
0xaf: {  	[dreg:$0x3] =	wrdreg s2  }
0xb0: {  	[dreg:$0x4] =	wrdreg $0x9  }
0xb1: {  	_ =	task.clear_ibuf [dreg:s7], $0x5FFFF;
	_ =	strace $0x90000046  }
0xb2: {  	s29 =	simm.s32 $0x9;
	_ =	strace $0x80000048  }
0xb3: {  	_ =	swait.ge [sflag:s29], $0x1  }
0xb4: {  	[sflag:s29] =	ssyncadd.s32 $0xFFFFFFFF  }
0xb5: {  	_ =	strace $0x90000048  }
0xb6: {  	_ =	sfence  }
0xb7: {  	s30 =	sld [smem:$0x0];
	_ =	sdelay $0x2  }
0xb8: {  	s31 =	sshll.u32 s1, $0xD;
	s1 =	sshrl.u32 s1, $0x2  }
0xb9: {  	s3 =	sand.u32 $0x4000, s31;
	s1 =	sadd.s32 s1, s30  }
0xba: {  	s0 =	sor.u32 s3, s0;
	s1 =	sshll.u32 s1, $0x11  }
0xbb: {  	s0 =	sor.u32 s1, s0  }
0xbc: {  	s0 =	sadd.s32 $0x8F2B, s0  }
0xbd: {  	[sflag:s0] =	ssyncadd.remote.s32 $0x1  }
0xbe: {  	_ =	sfence.sel $0xFFFF  }
0xbf: {  	[dreg:$0x0] =	wrdreg $0xFFFFFFFF;
	(pc) =	sbr.abs _section_cstart, $3  }
0xc0: {  	[dreg:$0x1] =	wrdreg $0xFFFFFFFF  }
0xc1: {  	_ =	task.clear_ibuf [dreg:s7], $0x2FFFF;
	_ =	strace $0x9FFFFFFF  }
0xc2: {  	(tm) =	ssettm $0x7FFFFFFF  }
0xc3: {  	_ =	shalt  }
tec
execute0_lowered:
.L_overlay_start_1:
0x0: {  	(tag) =	ssettag $0x1  }
0x1: {  	s0 =	rddreg [dreg:$0x0]  }
0x2: {  	s1 =	rddreg [dreg:$0x1];
	s2 =	simm.s32 $0x0;
	s9 =	stileid.u32  }
0x3: {  	s3 =	srdreg.scid;
	s11 =	simm.s32 $0x3;
	s13 =	simm.s32 $0x2710  }
0x4: {  	s28 =	simm.s32 $0x4268;
	s29 =	simm.s32 $0x1F40;
	s30 =	simm.s32 $0x4650  }
0x5: {  	s31 =	simm.s32 $0x2328;
	s10 =	simm.s32 $0xEBF0;
	s12 =	simm.s32 $0x1  }
0x6: {  	[smem:$0x7FF] =	sst s2;
	s5 =	smul.u32 $0x9C4, s9;
	s6 =	sand.u32 $0x1, s3  }
0x7: {  	s3 =	sadd.s32 $0xE00, s0;
	s4 =	sadd.s32 $0xFC00, s0;
	s7 =	ssub.s32 $0x2, s6  }
0x8: {  	_ =	strace $0x80000047;
	s8 =	sadd.s32 s5, s0;
	s25 =	sshrl.u32 s7, $0x1  }
0x9: {  	s1 =	sadd.s32 s1, s5;
	s5 =	simm.s32 $0x2;
	s0 =	ssub.s32 s7, s25  }
0xa: {  	s26 =	sadd.s32 $0x5E00, s8;
	[dreg:$0x4] =	wrdreg s1;
	s7 =	sshll.u32 s6, $0x2  }
0xb: {  	s8 =	smul.u32 $0x4E20, s9;
	s25 =	simm.s32 $0x3E80;
	s1 =	simm.s32 $0xEA60  }
0xc: {  	s9 =	simm.s32 $0x0;
	[dreg:$0x3] =	wrdreg s26;
	s0 =	smax.u32 s0, $0x1  }
0xd: {  	s26 =	simm.s32 $0x1B58;
	[dreg:$0x5] =	wrdreg s0;
	s0 =	simm.s32 $0x4A38  }
.LBB2_1:
0xe: {  	[dreg:$0x6] =	wrdreg s9  }
0xf: {  	s6 =	rddreg [dreg:$0x3];
	s22 =	simm.s32 $0x4E20  }
0x10: {  	[tilespmem:s22], [sflag:$0x3] =	stream.linear.gather [hbm4b:s6+s2], $0x4E20, $0x38;
	[tilespmem:$0xED80] =	vst v63  }
0x11: {  	_ =	swait.ge [sflag:s11], $0x4E20  }
0x12: {  	[sflag:s11] =	ssyncset.done $0x0  }
0x13: {  	s24 =	simm.s32 $0x9C40;
	s23 =	rddreg [dreg:$0x4];
	[sflag:s11] =	ssyncadd.s32 $0xFFFFB1E0  }
0x14: {  	[tilespmem:s24], [sflag:$0x3] =	stream.linear.gather [hbm4b:s23+s2], $0x4E20, $0x38;
	[tilespmem:$0xED80] =	vst v63  }
0x15: {  	_ =	swait.ge [sflag:s11], $0x4E20  }
0x16: {  	[sflag:s11] =	ssyncset.done $0x0  }
0x17: {  	s9 =	simm.s32 $0x0;
	[sflag:s11] =	ssyncadd.s32 $0xFFFFB1E0  }
.LBB2_2:
0x18: {  	s14 =	sadd.s32 s7, s9  }
0x19: {  	s6 =	smul.u32 $0x7D, s14;
	_ =	sdelay $0x1  }
0x1a: {  	s16 =	smul.u32 $0x3E8, s14;
	s15 =	sadd.s32 s3, s6;
	s6 =	simm.s32 $0x0  }
0x1b: {  	[tilespmem:s6], [sflag:$0x3] =	stream.linear.gather [hbm4b:s15+s6], $0x3E8, $0x38;
	[tilespmem:$0xED80] =	vst v63  }
0x1c: {  	s20 =	sshrl.u32 s16, $0x3;
	_ =	swait.ge [sflag:s11], $0x3E8  }
0x1d: {  	s15 =	sadd.s32 s3, s20;
	[sflag:s11] =	ssyncset.done $0x0  }
0x1e: {  	s21 =	sadd.s32 $0x3E8, s15;
	[sflag:s11] =	ssyncadd.s32 $0xFFFFFC18  }
0x1f: {  	[tilespmem:s13], [sflag:$0x3] =	stream.linear.gather [hbm4b:s21+s6], $0x3E8, $0x38;
	[tilespmem:$0xED80] =	vst v63  }
0x20: {  	_ =	swait.ge [sflag:s11], $0x3E8  }
0x21: {  	[sflag:s11] =	ssyncset.done $0x0  }
0x22: {  	s17 =	simm.s32 $0x3E8;
	s22 =	sadd.s32 $0x7D0, s15;
	[sflag:s11] =	ssyncadd.s32 $0xFFFFFC18  }
0x23: {  	[tilespmem:s17], [sflag:$0x3] =	stream.linear.gather [hbm4b:s22+s6], $0x3E8, $0x38;
	[tilespmem:$0xED80] =	vst v63  }
0x24: {  	_ =	swait.ge [sflag:s11], $0x3E8  }
0x25: {  	[sflag:s11] =	ssyncset.done $0x0  }
0x26: {  	s24 =	simm.s32 $0x2AF8;
	s23 =	sadd.s32 $0xBB8, s15;
	[sflag:s11] =	ssyncadd.s32 $0xFFFFFC18  }
0x27: {  	[tilespmem:s24], [sflag:$0x3] =	stream.linear.gather [hbm4b:s23+s6], $0x3E8, $0x38;
	[tilespmem:$0xED80] =	vst v63  }
0x28: {  	_ =	swait.ge [sflag:s11], $0x3E8  }
0x29: {  	[sflag:s11] =	ssyncset.done $0x0  }
0x2a: {  	s18 =	simm.s32 $0x7D0;
	s17 =	sadd.s32 $0xFA0, s15;
	[sflag:s11] =	ssyncadd.s32 $0xFFFFFC18  }
0x2b: {  	[tilespmem:s18], [sflag:$0x3] =	stream.linear.gather [hbm4b:s17+s6], $0x3E8, $0x38;
	[tilespmem:$0xED80] =	vst v63  }
0x2c: {  	_ =	swait.ge [sflag:s11], $0x3E8  }
0x2d: {  	[sflag:s11] =	ssyncset.done $0x0  }
0x2e: {  	s20 =	simm.s32 $0x2EE0;
	s19 =	sadd.s32 $0x1388, s15;
	[sflag:s11] =	ssyncadd.s32 $0xFFFFFC18  }
0x2f: {  	[tilespmem:s20], [sflag:$0x3] =	stream.linear.gather [hbm4b:s19+s6], $0x3E8, $0x38;
	[tilespmem:$0xED80] =	vst v63  }
0x30: {  	_ =	swait.ge [sflag:s11], $0x3E8  }
0x31: {  	[sflag:s11] =	ssyncset.done $0x0  }
0x32: {  	s21 =	sadd.s32 $0x1770, s15;
	s22 =	simm.s32 $0xBB8;
	[sflag:s11] =	ssyncadd.s32 $0xFFFFFC18  }
0x33: {  	[tilespmem:s22], [sflag:$0x3] =	stream.linear.gather [hbm4b:s21+s6], $0x3E8, $0x38;
	[tilespmem:$0xED80] =	vst v63  }
0x34: {  	_ =	swait.ge [sflag:s11], $0x3E8  }
0x35: {  	[sflag:s11] =	ssyncset.done $0x0  }
0x36: {  	s23 =	sadd.s32 $0x1B58, s15;
	s24 =	simm.s32 $0x32C8;
	[sflag:s11] =	ssyncadd.s32 $0xFFFFFC18  }
0x37: {  	[tilespmem:s24], [sflag:$0x3] =	stream.linear.gather [hbm4b:s23+s6], $0x3E8, $0x38;
	[tilespmem:$0xED80] =	vst v63  }
0x38: {  	_ =	swait.ge [sflag:s11], $0x3E8  }
0x39: {  	[sflag:s11] =	ssyncset.done $0x0  }
0x3a: {  	s17 =	sadd.s32 $0x1F40, s15;
	s18 =	simm.s32 $0xFA0;
	[sflag:s11] =	ssyncadd.s32 $0xFFFFFC18  }
0x3b: {  	[tilespmem:s18], [sflag:$0x3] =	stream.linear.gather [hbm4b:s17+s6], $0x3E8, $0x38;
	[tilespmem:$0xED80] =	vst v63  }
0x3c: {  	_ =	swait.ge [sflag:s11], $0x3E8  }
0x3d: {  	[sflag:s11] =	ssyncset.done $0x0  }
0x3e: {  	s19 =	sadd.s32 $0x2328, s15;
	s20 =	simm.s32 $0x36B0;
	[sflag:s11] =	ssyncadd.s32 $0xFFFFFC18  }
0x3f: {  	[tilespmem:s20], [sflag:$0x3] =	stream.linear.gather [hbm4b:s19+s6], $0x3E8, $0x38;
	[tilespmem:$0xED80] =	vst v63  }
0x40: {  	_ =	swait.ge [sflag:s11], $0x3E8  }
0x41: {  	[sflag:s11] =	ssyncset.done $0x0  }
0x42: {  	s21 =	sadd.s32 $0x2710, s15;
	s22 =	simm.s32 $0x1388;
	[sflag:s11] =	ssyncadd.s32 $0xFFFFFC18  }
0x43: {  	[tilespmem:s22], [sflag:$0x3] =	stream.linear.gather [hbm4b:s21+s6], $0x3E8, $0x38;
	[tilespmem:$0xED80] =	vst v63  }
0x44: {  	_ =	swait.ge [sflag:s11], $0x3E8  }
0x45: {  	[sflag:s11] =	ssyncset.done $0x0  }
0x46: {  	s23 =	sadd.s32 $0x2AF8, s15;
	s24 =	simm.s32 $0x3A98;
	[sflag:s11] =	ssyncadd.s32 $0xFFFFFC18  }
0x47: {  	[tilespmem:s24], [sflag:$0x3] =	stream.linear.gather [hbm4b:s23+s6], $0x3E8, $0x38;
	[tilespmem:$0xED80] =	vst v63  }
0x48: {  	_ =	swait.ge [sflag:s11], $0x3E8  }
0x49: {  	[sflag:s11] =	ssyncset.done $0x0  }
0x4a: {  	s17 =	sadd.s32 $0x2EE0, s15;
	s18 =	simm.s32 $0x1770;
	[sflag:s11] =	ssyncadd.s32 $0xFFFFFC18  }
0x4b: {  	[tilespmem:s18], [sflag:$0x3] =	stream.linear.gather [hbm4b:s17+s6], $0x3E8, $0x38;
	[tilespmem:$0xED80] =	vst v63  }
0x4c: {  	_ =	swait.ge [sflag:s11], $0x3E8  }
0x4d: {  	[sflag:s11] =	ssyncset.done $0x0  }
0x4e: {  	s19 =	sadd.s32 $0x32C8, s15;
	[sflag:s11] =	ssyncadd.s32 $0xFFFFFC18  }
0x4f: {  	[tilespmem:s25], [sflag:$0x3] =	stream.linear.gather [hbm4b:s19+s6], $0x3E8, $0x38;
	[tilespmem:$0xED80] =	vst v63  }
0x50: {  	_ =	swait.ge [sflag:s11], $0x3E8  }
0x51: {  	[sflag:s11] =	ssyncset.done $0x0  }
0x52: {  	s20 =	sadd.s32 $0x36B0, s15;
	[sflag:s11] =	ssyncadd.s32 $0xFFFFFC18  }
0x53: {  	[tilespmem:s26], [sflag:$0x3] =	stream.linear.gather [hbm4b:s20+s6], $0x3E8, $0x38;
	[tilespmem:$0xED80] =	vst v63  }
0x54: {  	_ =	swait.ge [sflag:s11], $0x3E8  }
0x55: {  	[sflag:s11] =	ssyncset.done $0x0  }
0x56: {  	s21 =	sadd.s32 $0x3A98, s15;
	[sflag:s11] =	ssyncadd.s32 $0xFFFFFC18  }
0x57: {  	[tilespmem:s28], [sflag:$0x3] =	stream.linear.gather [hbm4b:s21+s6], $0x3E8, $0x38;
	[tilespmem:$0xED80] =	vst v63  }
0x58: {  	_ =	swait.ge [sflag:s11], $0x3E8  }
0x59: {  	[sflag:s11] =	ssyncset.done $0x0  }
0x5a: {  	s22 =	sadd.s32 $0x3E80, s15;
	[sflag:s11] =	ssyncadd.s32 $0xFFFFFC18  }
0x5b: {  	[tilespmem:s29], [sflag:$0x3] =	stream.linear.gather [hbm4b:s22+s6], $0x3E8, $0x38;
	[tilespmem:$0xED80] =	vst v63  }
0x5c: {  	_ =	swait.ge [sflag:s11], $0x3E8  }
0x5d: {  	[sflag:s11] =	ssyncset.done $0x0  }
0x5e: {  	s23 =	sadd.s32 $0x4268, s15;
	[sflag:s11] =	ssyncadd.s32 $0xFFFFFC18  }
0x5f: {  	[tilespmem:s30], [sflag:$0x3] =	stream.linear.gather [hbm4b:s23+s6], $0x3E8, $0x38;
	[tilespmem:$0xED80] =	vst v63  }
0x60: {  	_ =	swait.ge [sflag:s11], $0x3E8  }
0x61: {  	[sflag:s11] =	ssyncset.done $0x0  }
0x62: {  	s24 =	sadd.s32 $0x4650, s15;
	[sflag:s11] =	ssyncadd.s32 $0xFFFFFC18  }
0x63: {  	[tilespmem:s31], [sflag:$0x3] =	stream.linear.gather [hbm4b:s24+s6], $0x3E8, $0x38;
	[tilespmem:$0xED80] =	vst v63  }
0x64: {  	_ =	swait.ge [sflag:s11], $0x3E8  }
0x65: {  	[sflag:s11] =	ssyncset.done $0x0  }
0x66: {  	s14 =	smul.u32 $0x4E200, s14;
	s15 =	sadd.s32 $0x4A38, s15;
	[sflag:s11] =	ssyncadd.s32 $0xFFFFFC18  }
0x67: {  	[tilespmem:s0], [sflag:$0x3] =	stream.linear.gather [hbm4b:s15+s6], $0x3E8, $0x38;
	[tilespmem:$0xED80] =	vst v63  }
0x68: {  	s14 =	sadd.s32 s8, s14;
	_ =	swait.ge [sflag:s11], $0x3E8  }
0x69: {  	s16 =	simm.s32 $0x9C50;
	s23 =	simm.s32 $0x9DE0;
	[sflag:s11] =	ssyncset.done $0x0  }
0x6a: {  	s24 =	simm.s32 $0x4FC0;
	s15 =	simm.s32 $0x4E30;
	[sflag:s11] =	ssyncadd.s32 $0xFFFFFC18  }
.LBB2_3:
0x6b: {  	p0 =	seq.s32 s6, $0x0  }
0x6c: {  	s17 =	simm.s32 @!p0 $0x1  }
0x6d: {  	s19 =	smul.u32 $0x320, s6;
	_ =	swait.ge @!p0 [sflag:s17], $0x190  }
0x6e: {  	s20 =	simm.s32 $0xFFFFFFFE;
	s21 =	simm.s32 $0xEA70;
	[sflag:s17] =	ssyncset.done @!p0 $0x0  }
0x6f: {  	s22 =	smov.u32 s16;
	s18 =	smov.u32 s15;
	[sflag:s17] =	ssyncadd.s32 @!p0 $0xFFFFFE70  }
.LBB2_4:
0x70: {  	v0 =	vld [tilespmem:s18+$0xFFFFFFF0]  }
0x71: {  	v1 =	vld [tilespmem:s22+$0xFFFFFFF0];
	_ =	sdelay $0x6  }
0x72: {  	v0 =	vld.idx.msk [tilespmem:v0+s2+$0x0], $0xffff  }
0x73: {  	v1 =	vld.idx.msk [tilespmem:v1+s13+$0x0], $0xffff;
	_ =	sdelay $0x4  }
0x74: {  	v0 =	vadd.f32 v1, v0;
	_ =	sdelay $0x1  }
0x75: {  	v1 =	vsub.f32 $0.0e+00, v0;
	v0 =	vmul.f32 $-2.000000030e-01, v0;
	_ =	sdelay $0x1  }
0x76: {  	v0 =	vmin.f32 v1, v0  }
0x77: {  	v0 =	vmul.f32 $1.442695020e+00, v0;
	_ =	sdelay $0x1  }
0x78: {  	(erf) = vpow2.f32 v0;
	_ =	sdelay $0x8  }
0x79: {  	v0 =	vpop (erf)  }
0x7a: {  	[tilespmem:s21+$0xFFFFFFF0] =	vst v0  }
0x7b: {  	v0 =	vld [tilespmem:s18+$0x0]  }
0x7c: {  	v63 =	vld [tilespmem:s22+$0x0];
	_ =	sdelay $0x6  }
0x7d: {  	v0 =	vld.idx.msk [tilespmem:v0+s2+$0x0], $0xffff  }
0x7e: {  	v1 =	vld.idx.msk [tilespmem:v63+s13+$0x0], $0xffff;
	_ =	sdelay $0x4  }
0x7f: {  	v0 =	vadd.f32 v1, v0;
	_ =	sdelay $0x1  }
0x80: {  	v1 =	vsub.f32 $0.0e+00, v0;
	v0 =	vmul.f32 $-2.000000030e-01, v0;
	_ =	sdelay $0x1  }
0x81: {  	v0 =	vmin.f32 v1, v0  }
0x82: {  	v0 =	vmul.f32 $1.442695020e+00, v0;
	_ =	sdelay $0x1  }
0x83: {  	(erf) = vpow2.f32 v0;
	_ =	sdelay $0x3  }
0x84: {  	s20 =	sadd.s32 $0x2, s20  }
0x85: {  	p1 =	slt.u32 s20, $0x16  }
.Ltmp0:
0x86: {  	_ = 	snop;
	(pc) =	sbr.rel @p1 .LBB2_4-.Ltmp0, $3  }
0x87: {  	_ =	sdelay $0x1  }
0x88: {  	v0 =	vpop (erf)  }
0x89: {  	s18 =	sadd.s32 $0x20, s18;
	s22 =	sadd.s32 $0x20, s22;
	[tilespmem:s21+$0x0] =	vst v0;
	s21 =	sadd.s32 $0x20, s21  }
0x8a: {  	v0 =	vld [tilespmem:s19+$0x4FA0]  }
0x8b: {  	v1 =	vld [tilespmem:s19+$0x9DC0];
	_ =	sdelay $0x6  }
0x8c: {  	v0 =	vld.idx.msk [tilespmem:v0+s2+$0x0], $0xffff  }
0x8d: {  	v1 =	vld.idx.msk [tilespmem:v1+s13+$0x0], $0xffff;
	_ =	sdelay $0x4  }
0x8e: {  	v0 =	vadd.f32 v1, v0;
	_ =	sdelay $0x1  }
0x8f: {  	v1 =	vsub.f32 $0.0e+00, v0;
	v0 =	vmul.f32 $-2.000000030e-01, v0;
	_ =	sdelay $0x1  }
0x90: {  	v0 =	vmin.f32 v1, v0  }
0x91: {  	v0 =	vmul.f32 $1.442695020e+00, v0;
	_ =	sdelay $0x1  }
0x92: {  	(erf) = vpow2.f32 v0;
	_ =	sdelay $0x7  }
0x93: {  	s17 =	sadd.s32 s14, s19  }
0x94: {  	s17 =	sshrl.u32 s17, $0x3;
	v0 =	vpop (erf)  }
0x95: {  	s17 =	sadd.s32 s4, s17;
	[tilespmem:$0xEBE0] =	vst v0  }
0x96: {  	[hbm4b:s17+s2] =	stream.linear.scatter [tilespmem:s1], [sflag:$0x1], $0x190, $0x38;
	[tilespmem:$0xED80] =	vst v63  }
0x97: {  	s17 =	simm.s32 @!p0 $0x2  }
0x98: {  	s20 =	sadd.s32 $0x190, s19;
	_ =	swait.ge @!p0 [sflag:s17], $0x190  }
0x99: {  	s21 =	simm.s32 $0xFFFFFFFE;
	s22 =	simm.s32 $0xEC00;
	[sflag:s17] =	ssyncset.done @!p0 $0x0  }
0x9a: {  	s18 =	smov.u32 s23;
	[sflag:s17] =	ssyncadd.s32 @!p0 $0xFFFFFE70;
	s17 =	smov.u32 s24  }
.LBB2_6:
0x9b: {  	v0 =	vld [tilespmem:s17+$0xFFFFFFF0]  }
0x9c: {  	v1 =	vld [tilespmem:s18+$0xFFFFFFF0];
	_ =	sdelay $0x6  }
0x9d: {  	v0 =	vld.idx.msk [tilespmem:v0+s2+$0x0], $0xffff  }
0x9e: {  	v1 =	vld.idx.msk [tilespmem:v1+s13+$0x0], $0xffff;
	_ =	sdelay $0x4  }
0x9f: {  	v0 =	vadd.f32 v1, v0;
	_ =	sdelay $0x1  }
0xa0: {  	v1 =	vsub.f32 $0.0e+00, v0;
	v0 =	vmul.f32 $-2.000000030e-01, v0;
	_ =	sdelay $0x1  }
0xa1: {  	v0 =	vmin.f32 v1, v0  }
0xa2: {  	v0 =	vmul.f32 $1.442695020e+00, v0;
	_ =	sdelay $0x1  }
0xa3: {  	(erf) = vpow2.f32 v0;
	_ =	sdelay $0x8  }
0xa4: {  	v0 =	vpop (erf)  }
0xa5: {  	[tilespmem:s22+$0xFFFFFFF0] =	vst v0  }
0xa6: {  	v0 =	vld [tilespmem:s17+$0x0]  }
0xa7: {  	v63 =	vld [tilespmem:s18+$0x0];
	_ =	sdelay $0x6  }
0xa8: {  	v0 =	vld.idx.msk [tilespmem:v0+s2+$0x0], $0xffff  }
0xa9: {  	v1 =	vld.idx.msk [tilespmem:v63+s13+$0x0], $0xffff;
	_ =	sdelay $0x4  }
0xaa: {  	v0 =	vadd.f32 v1, v0;
	_ =	sdelay $0x1  }
0xab: {  	v1 =	vsub.f32 $0.0e+00, v0;
	v0 =	vmul.f32 $-2.000000030e-01, v0;
	_ =	sdelay $0x1  }
0xac: {  	v0 =	vmin.f32 v1, v0  }
0xad: {  	v0 =	vmul.f32 $1.442695020e+00, v0;
	_ =	sdelay $0x1  }
0xae: {  	(erf) = vpow2.f32 v0;
	_ =	sdelay $0x3  }
0xaf: {  	s21 =	sadd.s32 $0x2, s21  }
0xb0: {  	p0 =	slt.u32 s21, $0x16  }
.Ltmp1:
0xb1: {  	_ = 	snop;
	(pc) =	sbr.rel @p0 .LBB2_6-.Ltmp1, $3  }
0xb2: {  	_ =	sdelay $0x1  }
0xb3: {  	v0 =	vpop (erf)  }
0xb4: {  	s17 =	sadd.s32 $0x20, s17;
	s18 =	sadd.s32 $0x20, s18;
	[tilespmem:s22+$0x0] =	vst v0;
	s22 =	sadd.s32 $0x20, s22  }
0xb5: {  	v0 =	vld [tilespmem:s19+$0x5130]  }
0xb6: {  	v1 =	vld [tilespmem:s19+$0x9F50];
	_ =	sdelay $0x6  }
0xb7: {  	v0 =	vld.idx.msk [tilespmem:v0+s2+$0x0], $0xffff  }
0xb8: {  	v1 =	vld.idx.msk [tilespmem:v1+s13+$0x0], $0xffff;
	_ =	sdelay $0x4  }
0xb9: {  	v0 =	vadd.f32 v1, v0;
	_ =	sdelay $0x1  }
0xba: {  	v1 =	vsub.f32 $0.0e+00, v0;
	v0 =	vmul.f32 $-2.000000030e-01, v0;
	_ =	sdelay $0x1  }
0xbb: {  	v0 =	vmin.f32 v1, v0  }
0xbc: {  	v0 =	vmul.f32 $1.442695020e+00, v0;
	_ =	sdelay $0x1  }
0xbd: {  	(erf) = vpow2.f32 v0;
	_ =	sdelay $0x4  }
0xbe: {  	s6 =	sadd.s32 $0x1, s6  }
0xbf: {  	p0 =	sne.s32 s6, $0x19  }
.Ltmp2:
0xc0: {  	_ = 	snop;
	(pc) =	sbr.rel @p0 .LBB2_3-.Ltmp2, $4  }
0xc1: {  	s17 =	sadd.s32 s14, s20  }
0xc2: {  	s15 =	sadd.s32 $0x320, s15;
	s16 =	sadd.s32 $0x320, s16;
	s17 =	sshrl.u32 s17, $0x3;
	v0 =	vpop (erf)  }
0xc3: {  	s24 =	sadd.s32 $0x320, s24;
	s23 =	sadd.s32 $0x320, s23;
	s17 =	sadd.s32 s4, s17;
	[tilespmem:$0xED70] =	vst v0  }
0xc4: {  	[hbm4b:s17+s2] =	stream.linear.scatter [tilespmem:s10], [sflag:$0x2], $0x190, $0x38;
	[tilespmem:$0xED80] =	vst v63  }
0xc5: {  	s9 =	sadd.s32 $0x1, s9  }
0xc6: {  	_ =	swait.ge [sflag:s12], $0x190;
	p0 =	sne.s32 s9, $0x4  }
.Ltmp3:
0xc7: {  	[sflag:s12] =	ssyncset.done $0x0;
	(pc) =	sbr.rel @p0 .LBB2_2-.Ltmp3, $4  }
0xc8: {  	[sflag:s12] =	ssyncadd.s32 $0xFFFFFE70  }
0xc9: {  	_ =	swait.ge [sflag:s5], $0x190  }
0xca: {  	[sflag:s5] =	ssyncset.done $0x0  }
0xcb: {  	[sflag:s5] =	ssyncadd.s32 $0xFFFFFE70  }
0xcc: {  	s9 =	rddreg [dreg:$0x6]  }
0xcd: {  	s6 =	rddreg [dreg:$0x5];
	s9 =	sadd.s32 $0x1, s9  }
0xce: {  	p0 =	sne.s32 s9, s6  }
.Ltmp4:
0xcf: {  	_ = 	snop;
	(pc) =	sbr.rel @p0 .LBB2_1-.Ltmp4, $1  }
0xd0: {  	_ =	sdelay $0x3  }
0xd1: {  	_ =	sfence.sel $0x180000  }
0xd2: {  	[bflag:$0x0] =	sbarrier.arrive $0xFFFF  }
0xd3: {  	_ =	strace $0x90000047  }
0xd4: {  	s0 =	stileid.u32;
	[bflag:$0x2] =	sbarrier.arrive $0xFFFF  }
0xd5: {  	p0 =	sne.s32 s0, $0x0;
	s0 =	rddreg [dreg:$0x2]  }
0xd6: {  	s0 =	sadd.s32 @!p0 $0x100000, s0  }
0xd7: {  	[sflag:s0] =	ssyncadd.tile.s32 @!p0 $0x1;
	_ =	shalt  }
.Lfunc_end2:
_tile_overlayer_lowered:
.L_overlay_start_2:
0xd8: {  	(tag) =	ssettag $0x2  }
0xd9: {  	s0 =	rddreg [dreg:$0x0];
	s2 =	stileid.u32  }
0xda: {  	s1 =	rddreg [dreg:$0x1];
	p0 =	sne.s32 s2, $0x0  }
0xdb: {  	s3 =	rddreg [dreg:$0x2];
	[bflag:$0x3] =	sbarrier.arrive $0xFFFF;
	s2 =	simm.s32 @!p0 $0x1C03  }
0xdc: {  	[timem:s3], [sflag:s2] =	dma.local @!p0 [hbm:s0], s1  }
0xdd: {  	s0 =	simm.s32 @!p0 $0x3  }
0xde: {  	_ =	swait.ge @!p0 [sflag:s0], s1  }
0xdf: {  	s1 =	ssub.s32 @!p0 $0x0, s1;
	[sflag:s0] =	ssyncset.done @!p0 $0x0  }
0xe0: {  	[sflag:s0] =	ssyncadd.s32 @!p0 s1  }
0xe1: {  	[bflag:$0x3] =	sbarrier.arrive $0xFFFF  }
0xe2: {  	_ =	shalt  }

</sc_bundles>
